<compile_context>
chip_gen: v7x
topology: tpu7x:2x2x1
jax: 0.10.2.dev20260603
libtpu: 0.0.44.dev20260713+nightly
codegen_flags: <defaults>
</compile_context>

<pallas_src>
import functools

import jax
import jax.numpy as jnp
from jax import lax
from jax.experimental import pallas as pl
from jax.experimental.pallas import tpu as pltpu

_N = 10000
_NP = 10240
_K = 5000
_KP = 5120


def _mm_body(a_ref, b_ref, o_ref):
    o_ref[...] = jnp.dot(a_ref[...], b_ref[...],
                         preferred_element_type=jnp.float32)


def _small_mm(a, b, bm):
    m, kk = a.shape
    _, nn = b.shape
    return pl.pallas_call(
        _mm_body,
        grid=(m // bm,),
        in_specs=[pl.BlockSpec((bm, kk), lambda i: (i, 0)),
                  pl.BlockSpec((kk, nn), lambda i: (0, 0))],
        out_specs=pl.BlockSpec((bm, nn), lambda i: (i, 0)),
        out_shape=jax.ShapeDtypeStruct((m, nn), jnp.float32),
    )(a, b)


def _mmacc_body(a_ref, b_ref, o_ref):
    @pl.when(pl.program_id(1) == 0)
    def _init():
        o_ref[...] = jnp.zeros_like(o_ref)

    o_ref[...] += jnp.dot(a_ref[...], b_ref[...],
                          preferred_element_type=jnp.float32)


def _matmul_acc(a, b, bm, bk):
    m, kk = a.shape
    _, nn = b.shape
    return pl.pallas_call(
        _mmacc_body,
        grid=(m // bm, kk // bk),
        in_specs=[pl.BlockSpec((bm, bk), lambda i, k: (i, k)),
                  pl.BlockSpec((bk, nn), lambda i, k: (k, 0))],
        out_specs=pl.BlockSpec((bm, nn), lambda i, k: (i, 0)),
        out_shape=jax.ShapeDtypeStruct((m, nn), jnp.float32),
    )(a, b)


def _mmTacc_body(a_ref, b_ref, o_ref):
    @pl.when(pl.program_id(1) == 0)
    def _init():
        o_ref[...] = jnp.zeros_like(o_ref)

    o_ref[...] += lax.dot_general(a_ref[...], b_ref[...],
                                  (((0,), (0,)), ((), ())),
                                  preferred_element_type=jnp.float32)


def _matmul_T_acc(a, b, bj, bk):
    kk, m = a.shape
    _, nn = b.shape
    return pl.pallas_call(
        _mmTacc_body,
        grid=(m // bj, kk // bk),
        in_specs=[pl.BlockSpec((bk, bj), lambda j, k: (k, j)),
                  pl.BlockSpec((bk, nn), lambda j, k: (k, 0))],
        out_specs=pl.BlockSpec((bj, nn), lambda j, k: (j, 0)),
        out_shape=jax.ShapeDtypeStruct((m, nn), jnp.float32),
    )(a, b)


def _rowdot_body(a_ref, b_ref, o_ref):
    @pl.when(pl.program_id(1) == 0)
    def _init():
        o_ref[...] = jnp.zeros_like(o_ref)

    s = jnp.sum(a_ref[...] * b_ref[...], axis=1, keepdims=True)
    o_ref[...] += jnp.broadcast_to(s, o_ref.shape)


def _rowdot(a, b, bm=512, bk=2048):
    m, kk = a.shape
    return pl.pallas_call(
        _rowdot_body,
        grid=(m // bm, kk // bk),
        in_specs=[pl.BlockSpec((bm, bk), lambda i, k: (i, k)),
                  pl.BlockSpec((bm, bk), lambda i, k: (i, k))],
        out_specs=pl.BlockSpec((bm, 128), lambda i, k: (i, 0)),
        out_shape=jax.ShapeDtypeStruct((m, 128), jnp.float32),
    )(a, b)


def _rank_body(s_smem, sv_ref, out_ref):
    si = sv_ref[...]
    rows = _NP // 128
    ii = (lax.broadcasted_iota(jnp.int32, (rows, 128), 0) * 128
          + lax.broadcasted_iota(jnp.int32, (rows, 128), 1))

    unroll = 16

    def step(jj, r):
        base = jj * unroll
        for t in range(unroll):
            sj = s_smem[base + t]
            hit = (sj > si) | ((sj == si) & (base + t < ii))
            r = r + jnp.where(hit, 1, 0)
        return r

    out_ref[...] = lax.fori_loop(0, _NP // unroll, step,
                                 jnp.zeros((rows, 128), jnp.int32))


def _rank_kernel(s_pad):
    rows = _NP // 128
    return pl.pallas_call(
        _rank_body,
        in_specs=[pl.BlockSpec(memory_space=pltpu.SMEM),
                  pl.BlockSpec((rows, 128), lambda: (0, 0))],
        out_specs=pl.BlockSpec((rows, 128), lambda: (0, 0)),
        out_shape=jax.ShapeDtypeStruct((rows, 128), jnp.int32),
    )(s_pad, s_pad.reshape(rows, 128))


def kernel(x, edge_index, W0, b0, pool_w, W1, b1, Wmu, bmu, Wls, bls):
    n = _N
    hid = W0.shape[1]
    row = edge_index[0]
    col = edge_index[1]
    e = row.shape[0]
    ew0 = jnp.ones((e,), x.dtype)

    x_pad = jnp.pad(x, ((0, _NP - n), (0, 0)))
    h_pad = _small_mm(x_pad, W0, bm=1024)
    h = h_pad[:n]

    onef = jnp.ones((e,), jnp.float32)
    a_all = jnp.zeros((_NP, _NP), jnp.float32).at[row, col].add(onef)
    a_allT = jnp.zeros((_NP, _NP), jnp.float32).at[col, row].add(onef)

    loop = jnp.arange(n, dtype=row.dtype)
    row2 = jnp.concatenate([row, loop])
    col2 = jnp.concatenate([col, loop])
    ew2 = jnp.concatenate([ew0, jnp.full((n,), 2.0, h.dtype)])
    degs = jnp.zeros((n,), h.dtype).at[col2].add(ew2)
    dinv0 = jnp.where(degs > 0, degs ** -0.5, 0.0)
    norms = dinv0[row2] * ew2 * dinv0[col2]
    outs = jnp.zeros((n, hid), h.dtype).at[col2].add(h[row2] * norms[:, None])
    x0s = jax.nn.relu(outs + b0)
    score = jnp.tanh((x0s @ pool_w) / jnp.linalg.norm(pool_w))

    g = dinv0[:, None] * h
    g_pad = jnp.pad(g, ((0, _NP - n), (0, 0)))
    y0 = _matmul_acc(a_allT, g_pad, bm=1024, bk=1024)[:n]
    x0 = jax.nn.relu(dinv0[:, None] * (y0 + 2.0 * g) + b0)

    s_pad = jnp.concatenate([score, jnp.full((_NP - n,), -2.0, score.dtype)])
    rank = _rank_kernel(s_pad).reshape(_NP)[:n]
    idx = jnp.arange(n, dtype=jnp.int32)
    perm = jnp.zeros((_K,), jnp.int32).at[rank].set(idx, mode="drop")
    sp = score[perm]
    xp = x0[perm] * sp[:, None]

    perm_pad = jnp.concatenate([perm, jnp.full((_KP - _K,), n, jnp.int32)])
    col_iota = jnp.arange(_NP, dtype=jnp.int32)
    ap = jnp.where(col_iota[None, :] == perm_pad[:, None],
                   1.0, a_all[perm_pad, :])
    aqt = jnp.where(col_iota[None, :] == perm_pad[:, None],
                    1.0, a_allT[perm_pad, :])
    d = _rowdot(ap, aqt)[:, 0]

    def mt_apply(v):
        t = _matmul_T_acc(ap, v, bj=1024, bk=1024)
        return _matmul_acc(aqt, t, bm=1024, bk=1024) - d[:, None] * v

    ones_k = jnp.pad(jnp.ones((_K, 32), jnp.float32), ((0, _KP - _K), (0, 0)))
    colsum = mt_apply(ones_k)[:, 0]

    deg1 = colsum + 2.0
    dinv1 = jnp.where(deg1 > 0, deg1 ** -0.5, 0.0)
    xp_pad = jnp.pad(xp, ((0, _KP - _K), (0, 0)))
    g1 = dinv1[:, None] * xp_pad
    u1 = mt_apply(g1) + 2.0 * g1
    v1 = _small_mm(u1, W1, bm=1024)
    x1 = jax.nn.relu(dinv1[:, None] * v1 + b1)

    deg2 = colsum + 1.0
    dinv2 = jnp.where(deg2 > 0, deg2 ** -0.5, 0.0)
    g2 = dinv2[:, None] * x1
    q = mt_apply(g2) + g2
    wcat = jnp.concatenate([Wmu, Wls], axis=1)
    qq = _small_mm(q, wcat, bm=1024)
    outc = Wmu.shape[1]
    mu = (dinv2[:, None] * qq[:, :outc] + bmu)[:_K]
    logstd = (dinv2[:, None] * qq[:, outc:] + bls)[:_K]

    return (mu, mu, logstd, x0, edge_index, ew0, perm)

# --- scband reference (transcript-rebuilt; emitter-appended) ---
"""Pipeline reference for scband-variational-graph-encoder-83519934038613 (READ-ONLY COPY).

The authoritative reference and input builder live on the scoring server;
editing this copy changes nothing except your own understanding.
"""

import jax, jax.numpy as jnp
import numpy as np

N = 10000
E = 160000
IN_C = 128
HID = 32
OUT_C = 32
RATIO = 0.5


def _gcn(x, W, b, row, col, ew, n, improved):
    h = x @ W
    fill = 2.0 if improved else 1.0
    loop = jnp.arange(n, dtype=row.dtype)
    row2 = jnp.concatenate([row, loop])
    col2 = jnp.concatenate([col, loop])
    ew2 = jnp.concatenate([ew, jnp.full((n,), fill, h.dtype)])
    deg = jnp.zeros((n,), h.dtype).at[col2].add(ew2)
    dinv = jnp.where(deg > 0, deg ** -0.5, 0.0)
    norm = dinv[row2] * ew2 * dinv[col2]
    out = jnp.zeros((n, h.shape[1]), h.dtype).at[col2].add(h[row2] * norm[:, None])
    return out + b


def _gcn_dense(x, W, b, A, fill):
    h = x @ W
    n = A.shape[0]
    Ah = A + fill * jnp.eye(n, dtype=h.dtype)
    deg = Ah.sum(axis=0)
    dinv = jnp.where(deg > 0, deg ** -0.5, 0.0)
    Ahat = dinv[:, None] * Ah * dinv[None, :]
    return Ahat.T @ h + b


def _spspmm_np(row, col, w, n):
    order = np.argsort(row, kind='stable')
    rs, cs, ws = row[order], col[order], w[order]
    deg = np.bincount(rs, minlength=n).astype(np.int64)
    rowptr = np.concatenate([np.zeros(1, np.int64), np.cumsum(deg)])
    counts = deg[col]
    total = int(counts.sum())
    e_rep = np.repeat(np.arange(row.shape[0], dtype=np.int64), counts)
    starts = np.cumsum(counts) - counts
    offs = np.arange(total, dtype=np.int64) - np.repeat(starts, counts)
    idx2 = rowptr[col[e_rep]] + offs
    oi = row[e_rep]
    ok = cs[idx2]
    ow = w[e_rep].astype(np.float64) * ws[idx2].astype(np.float64)
    key = oi * np.int64(n) + ok
    uk, inv = np.unique(key, return_inverse=True)
    oww = np.bincount(inv, weights=ow).astype(np.float32)
    return (uk // n).astype(np.int64), (uk % n).astype(np.int64), oww


def _augment_adj_np(row, col, n):
    m = row != col
    row, col = row[m], col[m]
    loop = np.arange(n, dtype=np.int64)
    row = np.concatenate([row, loop])
    col = np.concatenate([col, loop])
    w = np.ones(row.shape[0], np.float32)
    r2, c2, w2 = _spspmm_np(row, col, w, n)
    m2 = r2 != c2
    return r2[m2], c2[m2], w2[m2]


def setup_inputs(seed: int = 0):
    key = jax.random.key(seed)
    ks = jax.random.split(key, 10)
    x = jax.random.normal(ks[0], (N, IN_C), jnp.float32)
    edge_index = jax.random.randint(ks[1], (2, E), 0, N, dtype=jnp.int32)
    W0 = jax.random.normal(ks[2], (IN_C, HID), jnp.float32) / np.sqrt(IN_C)
    b0 = jnp.zeros((HID,), jnp.float32)
    pool_w = jax.random.normal(ks[3], (HID,), jnp.float32) / np.sqrt(HID)
    W1 = jax.random.normal(ks[4], (HID, HID), jnp.float32) / np.sqrt(HID)
    b1 = jnp.zeros((HID,), jnp.float32)
    Wmu = jax.random.normal(ks[5], (HID, OUT_C), jnp.float32) / np.sqrt(HID)
    bmu = jnp.zeros((OUT_C,), jnp.float32)
    Wls = jax.random.normal(ks[6], (HID, OUT_C), jnp.float32) / np.sqrt(HID)
    bls = jnp.zeros((OUT_C,), jnp.float32)
    return {'x': x, 'edge_index': edge_index, 'W0': W0, 'b0': b0, 'pool_w': pool_w,
            'W1': W1, 'b1': b1, 'Wmu': Wmu, 'bmu': bmu, 'Wls': Wls, 'bls': bls}


def reference(x, edge_index, W0, b0, pool_w, W1, b1, Wmu, bmu, Wls, bls):
    row = edge_index[0]
    col = edge_index[1]
    ew0 = jnp.ones((row.shape[0],), x.dtype)
    # down_convs[0]: GCNConv improved=True, then relu
    x0 = jax.nn.relu(_gcn(x, W0, b0, row, col, ew0, N, True))
    # augment_adj: remove self loops, add self loops, A @ A, remove self loops
    w_off = jnp.where(row != col, jnp.ones((), x.dtype), jnp.zeros((), x.dtype))
    A = jnp.zeros((N, N), x.dtype).at[row, col].add(w_off)
    A = A + jnp.eye(N, dtype=x.dtype)
    A2 = A @ A
    A2 = A2 * (1.0 - jnp.eye(N, dtype=x.dtype))
    # TopKPooling(ratio=0.5), tanh nonlinearity, multiplier=1
    k = int(np.ceil(RATIO * N))
    score = jnp.tanh((x0 @ pool_w) / jnp.linalg.norm(pool_w))
    _, perm = jax.lax.top_k(score, k)
    xp = x0[perm] * score[perm][:, None]
    # filter_adj: keep edges with both endpoints in perm, remap ids
    Asub = A2[perm][:, perm]
    # down_convs[1]: GCNConv improved=True, relu
    x1 = jax.nn.relu(_gcn_dense(xp, W1, b1, Asub, 2.0))
    mu = _gcn_dense(x1, Wmu, bmu, Asub, 1.0)
    logstd = _gcn_dense(x1, Wls, bls, Asub, 1.0)
    z = mu  # eval mode: reparametrize returns mu
    return (z, mu, logstd, x0, edge_index, ew0, perm)

if __name__ == "__main__":
    import jax
    _d = setup_inputs()
    print(jax.jit(kernel)(*tuple(_d.values())))

</pallas_src>

<mosaic_0001>
module attributes {stable_mosaic.version = 14 : i64} {
  func.func @_mm_body(%arg0: i32, %arg1: memref<1024x128xf32, #tpu.memory_space<vmem>>, %arg2: memref<128x32xf32, #tpu.memory_space<vmem>>, %arg3: memref<1024x32xf32, #tpu.memory_space<vmem>>) attributes {dimension_semantics = [#tpu.dimension_semantics<arbitrary>], iteration_bounds = array<i64: 10>, scalar_prefetch = 0 : i64, scratch_operands = 0 : i64, tpu.core_type = #tpu.core_type<tc>, window_params = [{transform_indices = @transform_0, window_bounds = array<i64: 1024, 128>}, {pipeline_mode = #tpu.pipeline_mode<synchronous>, transform_indices = @transform_1, window_bounds = array<i64: 128, 32>}, {transform_indices = @transform_2, window_bounds = array<i64: 1024, 32>}]} {
    %get3A = arith.constant 0 : index
    %get3A_0 = arith.constant 0 : index
    %get3A_1 = vector.load %arg1[%get3A, %get3A_0] : memref<1024x128xf32, #tpu.memory_space<vmem>>, vector<1024x128xf32>
    %get3A_2 = arith.constant 0 : index
    %get3A_3 = arith.constant 0 : index
    %get3A_4 = vector.load %arg2[%get3A_2, %get3A_3] : memref<128x32xf32, #tpu.memory_space<vmem>>, vector<128x32xf32>
    %dot_general3A = arith.constant dense<0.000000e+00> : vector<1024x32xf32>
    %dot_general3A_5 = tpu.matmul %get3A_1, %get3A_4, %dot_general3A {dimension_numbers = #tpu.dot_dimension_numbers<[1], [0], [0], [1], [0, 0, 1, 1], [], []>, transpose_lhs_hint = false} : vector<1024x128xf32>, vector<128x32xf32>, vector<1024x32xf32> -> vector<1024x32xf32>
    %swap3A = arith.constant 0 : index
    %swap3A_6 = arith.constant 0 : index
    %swap3A_7 = vector.load %arg3[%swap3A, %swap3A_6] : memref<1024x32xf32, #tpu.memory_space<vmem>>, vector<1024x32xf32>
    tpu.vector_store %arg3[%swap3A, %swap3A_6], %dot_general3A_5 {strides = array<i32>} : memref<1024x32xf32, #tpu.memory_space<vmem>>, vector<1024x32xf32>,
    return
  }
  func.func @transform_0(%arg0: i32) -> (i32, i32) {
    %c0_i32 = arith.constant 0 : i32
    %c0_i32_0 = arith.constant 0 : i32
    return %arg0, %c0_i32 : i32, i32
  }
  func.func @transform_1(%arg0: i32) -> (i32, i32) {
    %c0_i32 = arith.constant 0 : i32
    %c0_i32_0 = arith.constant 0 : i32
    %c0_i32_1 = arith.constant 0 : i32
    return %c0_i32, %c0_i32_0 : i32, i32
  }
  func.func @transform_2(%arg0: i32) -> (i32, i32) {
    %c0_i32 = arith.constant 0 : i32
    %c0_i32_0 = arith.constant 0 : i32
    return %arg0, %c0_i32 : i32, i32
  }
}

module attributes {stable_mosaic.version = 14 : i64} {
  func.func @_mmacc_body(%arg0: i32, %arg1: i32, %arg2: memref<1024x1024xf32, #tpu.memory_space<vmem>>, %arg3: memref<1024x32xf32, #tpu.memory_space<vmem>>, %arg4: memref<1024x32xf32, #tpu.memory_space<vmem>>) attributes {dimension_semantics = [#tpu.dimension_semantics<arbitrary>, #tpu.dimension_semantics<arbitrary>], iteration_bounds = array<i64: 10, 10>, scalar_prefetch = 0 : i64, scratch_operands = 0 : i64, tpu.core_type = #tpu.core_type<tc>, window_params = [{transform_indices = @transform_0, window_bounds = array<i64: 1024, 1024>}, {transform_indices = @transform_1, window_bounds = array<i64: 1024, 32>}, {transform_indices = @transform_2, window_bounds = array<i64: 1024, 32>}]} {
    %eq3A = arith.constant 0 : i32
    %eq3A_0 = arith.cmpi eq, %arg1, %eq3A : i32
    %convert_element_type3A = arith.extui %eq3A_0 : i1 to i32
    %cond3A = arith.constant 0 : i32
    %cond3A_1 = arith.cmpi ne, %convert_element_type3A, %cond3A : i32
    scf.if %cond3A_1 {
      %broadcast_in_dim3A = arith.constant 0.000000e+00 : f32
      %broadcast_in_dim3A_13 = vector.broadcast %broadcast_in_dim3A : f32 to vector<1024x32xf32>
      %swap3A_14 = arith.constant 0 : index
      %swap3A_15 = arith.constant 0 : index
      %swap3A_16 = vector.load %arg4[%swap3A_14, %swap3A_15] : memref<1024x32xf32, #tpu.memory_space<vmem>>, vector<1024x32xf32>
      tpu.vector_store %arg4[%swap3A_14, %swap3A_15], %broadcast_in_dim3A_13 {strides = array<i32>} : memref<1024x32xf32, #tpu.memory_space<vmem>>, vector<1024x32xf32>,
    } else {
    }
    %get3A = arith.constant 0 : index
    %get3A_2 = arith.constant 0 : index
    %get3A_3 = vector.load %arg4[%get3A, %get3A_2] : memref<1024x32xf32, #tpu.memory_space<vmem>>, vector<1024x32xf32>
    %get3A_4 = arith.constant 0 : index
    %get3A_5 = arith.constant 0 : index
    %get3A_6 = vector.load %arg2[%get3A_4, %get3A_5] : memref<1024x1024xf32, #tpu.memory_space<vmem>>, vector<1024x1024xf32>
    %get3A_7 = arith.constant 0 : index
    %get3A_8 = arith.constant 0 : index
    %get3A_9 = vector.load %arg3[%get3A_7, %get3A_8] : memref<1024x32xf32, #tpu.memory_space<vmem>>, vector<1024x32xf32>
    %dot_general3A = arith.constant dense<0.000000e+00> : vector<1024x32xf32>
    %dot_general3A_10 = tpu.matmul %get3A_6, %get3A_9, %dot_general3A {dimension_numbers = #tpu.dot_dimension_numbers<[1], [0], [0], [1], [0, 0, 1, 1], [], []>, transpose_lhs_hint = false} : vector<1024x1024xf32>, vector<1024x32xf32>, vector<1024x32xf32> -> vector<1024x32xf32>
    %add3A = arith.addf %get3A_3, %dot_general3A_10 : vector<1024x32xf32>
    %swap3A = arith.constant 0 : index
    %swap3A_11 = arith.constant 0 : index
    %swap3A_12 = vector.load %arg4[%swap3A, %swap3A_11] : memref<1024x32xf32, #tpu.memory_space<vmem>>, vector<1024x32xf32>
    tpu.vector_store %arg4[%swap3A, %swap3A_11], %add3A {strides = array<i32>} : memref<1024x32xf32, #tpu.memory_space<vmem>>, vector<1024x32xf32>,
    return
  }
  func.func @transform_0(%arg0: i32, %arg1: i32) -> (i32, i32) {
    %c0_i32 = arith.constant 0 : i32
    return %arg0, %arg1 : i32, i32
  }
  func.func @transform_1(%arg0: i32, %arg1: i32) -> (i32, i32) {
    %c0_i32 = arith.constant 0 : i32
    %c0_i32_0 = arith.constant 0 : i32
    return %arg1, %c0_i32 : i32, i32
  }
  func.func @transform_2(%arg0: i32, %arg1: i32) -> (i32, i32) {
    %c0_i32 = arith.constant 0 : i32
    %c0_i32_0 = arith.constant 0 : i32
    return %arg0, %c0_i32 : i32, i32
  }
}

module attributes {stable_mosaic.version = 14 : i64} {
  func.func @_rank_body(%arg0: memref<10240xf32, #tpu.memory_space<smem>>, %arg1: memref<80x128xf32, #tpu.memory_space<vmem>>, %arg2: memref<80x128xi32, #tpu.memory_space<vmem>>) attributes {dimension_semantics = [], scalar_prefetch = 0 : i64, scratch_operands = 0 : i64, tpu.core_type = #tpu.core_type<tc>} {
    %get3A = arith.constant 0 : index
    %get3A_0 = arith.constant 0 : index
    %get3A_1 = vector.load %arg1[%get3A, %get3A_0] : memref<80x128xf32, #tpu.memory_space<vmem>>, vector<80x128xf32>
    %iota3A = tpu.iota {dimensions = array<i32: 0>} : vector<80x128xi32>
    %mul3A = arith.constant 128 : i32
    %mul3A_2 = vector.broadcast %mul3A : i32 to vector<80x128xi32>
    %mul3A_3 = arith.muli %iota3A, %mul3A_2 : vector<80x128xi32>
    %iota3A_4 = tpu.iota {dimensions = array<i32: 1>} : vector<80x128xi32>
    %add3A = arith.addi %mul3A_3, %iota3A_4 : vector<80x128xi32>
    %broadcast_in_dim3A = arith.constant 0 : i32
    %broadcast_in_dim3A_5 = vector.broadcast %broadcast_in_dim3A : i32 to vector<80x128xi32>
    %scan3A = arith.constant 0 : i32
    %scan3A_6 = arith.constant 640 : i32
    %scan3A_7 = arith.addi %scan3A, %scan3A_6 : i32
    %scan3A_8 = arith.constant 1 : i32
    %scan3A_9 = scf.for %scan3A_13 = %scan3A to %scan3A_7 step %scan3A_8 iter_args(%scan3A_14 = %broadcast_in_dim3A_5) -> (vector<80x128xi32>)  : i32 {
      %mul3A_15 = arith.constant 16 : i32
      %mul3A_16 = arith.muli %scan3A_13, %mul3A_15 : i32
      %add3A_17 = arith.constant 0 : i32
      %add3A_18 = arith.addi %mul3A_16, %add3A_17 : i32
      %get3A_19 = arith.index_cast %add3A_18 : i32 to index
      %get3A_20 = memref.load %arg0[%get3A_19] : memref<10240xf32, #tpu.memory_space<smem>>
      %gt3A = vector.broadcast %get3A_20 : f32 to vector<80x128xf32>
      %gt3A_21 = arith.cmpf ogt, %gt3A, %get3A_1 : vector<80x128xf32>
      %eq3A = vector.broadcast %get3A_20 : f32 to vector<80x128xf32>
      %eq3A_22 = arith.cmpf oeq, %eq3A, %get3A_1 : vector<80x128xf32>
      %add3A_23 = arith.constant 0 : i32
      %add3A_24 = arith.addi %mul3A_16, %add3A_23 : i32
      %lt3A = vector.broadcast %add3A_24 : i32 to vector<80x128xi32>
      %lt3A_25 = arith.cmpi slt, %lt3A, %add3A : vector<80x128xi32>
      %and3A = arith.andi %eq3A_22, %lt3A_25 : vector<80x128xi1>
      %or3A = arith.ori %gt3A_21, %and3A : vector<80x128xi1>
      %jit3A = arith.constant 1 : i32
      %jit3A_26 = arith.constant 0 : i32
      %broadcast_in_dim3A_27 = vector.broadcast %jit3A : i32 to vector<80x128xi32>
      %broadcast_in_dim3A_28 = vector.broadcast %jit3A_26 : i32 to vector<80x128xi32>
      %select_n3A = arith.select %or3A, %broadcast_in_dim3A_27, %broadcast_in_dim3A_28 : vector<80x128xi1>, vector<80x128xi32>
      %add3A_29 = arith.addi %scan3A_14, %select_n3A : vector<80x128xi32>
      %add3A_30 = arith.constant 1 : i32
      %add3A_31 = arith.addi %mul3A_16, %add3A_30 : i32
      %get3A_32 = arith.index_cast %add3A_31 : i32 to index
      %get3A_33 = memref.load %arg0[%get3A_32] : memref<10240xf32, #tpu.memory_space<smem>>
      %gt3A_34 = vector.broadcast %get3A_33 : f32 to vector<80x128xf32>
      %gt3A_35 = arith.cmpf ogt, %gt3A_34, %get3A_1 : vector<80x128xf32>
      %eq3A_36 = vector.broadcast %get3A_33 : f32 to vector<80x128xf32>
      %eq3A_37 = arith.cmpf oeq, %eq3A_36, %get3A_1 : vector<80x128xf32>
      %add3A_38 = arith.constant 1 : i32
      %add3A_39 = arith.addi %mul3A_16, %add3A_38 : i32
      %lt3A_40 = vector.broadcast %add3A_39 : i32 to vector<80x128xi32>
      %lt3A_41 = arith.cmpi slt, %lt3A_40, %add3A : vector<80x128xi32>
      %and3A_42 = arith.andi %eq3A_37, %lt3A_41 : vector<80x128xi1>
      %or3A_43 = arith.ori %gt3A_35, %and3A_42 : vector<80x128xi1>
      %jit3A_44 = arith.constant 1 : i32
      %jit3A_45 = arith.constant 0 : i32
      %broadcast_in_dim3A_46 = vector.broadcast %jit3A_44 : i32 to vector<80x128xi32>
      %broadcast_in_dim3A_47 = vector.broadcast %jit3A_45 : i32 to vector<80x128xi32>
      %select_n3A_48 = arith.select %or3A_43, %broadcast_in_dim3A_46, %broadcast_in_dim3A_47 : vector<80x128xi1>, vector<80x128xi32>
      %add3A_49 = arith.addi %add3A_29, %select_n3A_48 : vector<80x128xi32>
      %add3A_50 = arith.constant 2 : i32
      %add3A_51 = arith.addi %mul3A_16, %add3A_50 : i32
      %get3A_52 = arith.index_cast %add3A_51 : i32 to index
      %get3A_53 = memref.load %arg0[%get3A_52] : memref<10240xf32, #tpu.memory_space<smem>>
      %gt3A_54 = vector.broadcast %get3A_53 : f32 to vector<80x128xf32>
      %gt3A_55 = arith.cmpf ogt, %gt3A_54, %get3A_1 : vector<80x128xf32>
      %eq3A_56 = vector.broadcast %get3A_53 : f32 to vector<80x128xf32>
      %eq3A_57 = arith.cmpf oeq, %eq3A_56, %get3A_1 : vector<80x128xf32>
      %add3A_58 = arith.constant 2 : i32
      %add3A_59 = arith.addi %mul3A_16, %add3A_58 : i32
      %lt3A_60 = vector.broadcast %add3A_59 : i32 to vector<80x128xi32>
      %lt3A_61 = arith.cmpi slt, %lt3A_60, %add3A : vector<80x128xi32>
      %and3A_62 = arith.andi %eq3A_57, %lt3A_61 : vector<80x128xi1>
      %or3A_63 = arith.ori %gt3A_55, %and3A_62 : vector<80x128xi1>
      %jit3A_64 = arith.constant 1 : i32
      %jit3A_65 = arith.constant 0 : i32
      %broadcast_in_dim3A_66 = vector.broadcast %jit3A_64 : i32 to vector<80x128xi32>
      %broadcast_in_dim3A_67 = vector.broadcast %jit3A_65 : i32 to vector<80x128xi32>
      %select_n3A_68 = arith.select %or3A_63, %broadcast_in_dim3A_66, %broadcast_in_dim3A_67 : vector<80x128xi1>, vector<80x128xi32>
      %add3A_69 = arith.addi %add3A_49, %select_n3A_68 : vector<80x128xi32>
      %add3A_70 = arith.constant 3 : i32
      %add3A_71 = arith.addi %mul3A_16, %add3A_70 : i32
      %get3A_72 = arith.index_cast %add3A_71 : i32 to index
      %get3A_73 = memref.load %arg0[%get3A_72] : memref<10240xf32, #tpu.memory_space<smem>>
      %gt3A_74 = vector.broadcast %get3A_73 : f32 to vector<80x128xf32>
      %gt3A_75 = arith.cmpf ogt, %gt3A_74, %get3A_1 : vector<80x128xf32>
      %eq3A_76 = vector.broadcast %get3A_73 : f32 to vector<80x128xf32>
      %eq3A_77 = arith.cmpf oeq, %eq3A_76, %get3A_1 : vector<80x128xf32>
      %add3A_78 = arith.constant 3 : i32
      %add3A_79 = arith.addi %mul3A_16, %add3A_78 : i32
      %lt3A_80 = vector.broadcast %add3A_79 : i32 to vector<80x128xi32>
      %lt3A_81 = arith.cmpi slt, %lt3A_80, %add3A : vector<80x128xi32>
      %and3A_82 = arith.andi %eq3A_77, %lt3A_81 : vector<80x128xi1>
      %or3A_83 = arith.ori %gt3A_75, %and3A_82 : vector<80x128xi1>
      %jit3A_84 = arith.constant 1 : i32
      %jit3A_85 = arith.constant 0 : i32
      %broadcast_in_dim3A_86 = vector.broadcast %jit3A_84 : i32 to vector<80x128xi32>
      %broadcast_in_dim3A_87 = vector.broadcast %jit3A_85 : i32 to vector<80x128xi32>
      %select_n3A_88 = arith.select %or3A_83, %broadcast_in_dim3A_86, %broadcast_in_dim3A_87 : vector<80x128xi1>, vector<80x128xi32>
      %add3A_89 = arith.addi %add3A_69, %select_n3A_88 : vector<80x128xi32>
      %add3A_90 = arith.constant 4 : i32
      %add3A_91 = arith.addi %mul3A_16, %add3A_90 : i32
      %get3A_92 = arith.index_cast %add3A_91 : i32 to index
      %get3A_93 = memref.load %arg0[%get3A_92] : memref<10240xf32, #tpu.memory_space<smem>>
      %gt3A_94 = vector.broadcast %get3A_93 : f32 to vector<80x128xf32>
      %gt3A_95 = arith.cmpf ogt, %gt3A_94, %get3A_1 : vector<80x128xf32>
      %eq3A_96 = vector.broadcast %get3A_93 : f32 to vector<80x128xf32>
      %eq3A_97 = arith.cmpf oeq, %eq3A_96, %get3A_1 : vector<80x128xf32>
      %add3A_98 = arith.constant 4 : i32
      %add3A_99 = arith.addi %mul3A_16, %add3A_98 : i32
      %lt3A_100 = vector.broadcast %add3A_99 : i32 to vector<80x128xi32>
      %lt3A_101 = arith.cmpi slt, %lt3A_100, %add3A : vector<80x128xi32>
      %and3A_102 = arith.andi %eq3A_97, %lt3A_101 : vector<80x128xi1>
      %or3A_103 = arith.ori %gt3A_95, %and3A_102 : vector<80x128xi1>
      %jit3A_104 = arith.constant 1 : i32
      %jit3A_105 = arith.constant 0 : i32
      %broadcast_in_dim3A_106 = vector.broadcast %jit3A_104 : i32 to vector<80x128xi32>
      %broadcast_in_dim3A_107 = vector.broadcast %jit3A_105 : i32 to vector<80x128xi32>
      %select_n3A_108 = arith.select %or3A_103, %broadcast_in_dim3A_106, %broadcast_in_dim3A_107 : vector<80x128xi1>, vector<80x128xi32>
      %add3A_109 = arith.addi %add3A_89, %select_n3A_108 : vector<80x128xi32>
      %add3A_110 = arith.constant 5 : i32
      %add3A_111 = arith.addi %mul3A_16, %add3A_110 : i32
      %get3A_112 = arith.index_cast %add3A_111 : i32 to index
      %get3A_113 = memref.load %arg0[%get3A_112] : memref<10240xf32, #tpu.memory_space<smem>>
      %gt3A_114 = vector.broadcast %get3A_113 : f32 to vector<80x128xf32>
      %gt3A_115 = arith.cmpf ogt, %gt3A_114, %get3A_1 : vector<80x128xf32>
      %eq3A_116 = vector.broadcast %get3A_113 : f32 to vector<80x128xf32>
      %eq3A_117 = arith.cmpf oeq, %eq3A_116, %get3A_1 : vector<80x128xf32>
      %add3A_118 = arith.constant 5 : i32
      %add3A_119 = arith.addi %mul3A_16, %add3A_118 : i32
      %lt3A_120 = vector.broadcast %add3A_119 : i32 to vector<80x128xi32>
      %lt3A_121 = arith.cmpi slt, %lt3A_120, %add3A : vector<80x128xi32>
      %and3A_122 = arith.andi %eq3A_117, %lt3A_121 : vector<80x128xi1>
      %or3A_123 = arith.ori %gt3A_115, %and3A_122 : vector<80x128xi1>
      %jit3A_124 = arith.constant 1 : i32
      %jit3A_125 = arith.constant 0 : i32
      %broadcast_in_dim3A_126 = vector.broadcast %jit3A_124 : i32 to vector<80x128xi32>
      %broadcast_in_dim3A_127 = vector.broadcast %jit3A_125 : i32 to vector<80x128xi32>
      %select_n3A_128 = arith.select %or3A_123, %broadcast_in_dim3A_126, %broadcast_in_dim3A_127 : vector<80x128xi1>, vector<80x128xi32>
      %add3A_129 = arith.addi %add3A_109, %select_n3A_128 : vector<80x128xi32>
      %add3A_130 = arith.constant 6 : i32
      %add3A_131 = arith.addi %mul3A_16, %add3A_130 : i32
      %get3A_132 = arith.index_cast %add3A_131 : i32 to index
      %get3A_133 = memref.load %arg0[%get3A_132] : memref<10240xf32, #tpu.memory_space<smem>>
      %gt3A_134 = vector.broadcast %get3A_133 : f32 to vector<80x128xf32>
      %gt3A_135 = arith.cmpf ogt, %gt3A_134, %get3A_1 : vector<80x128xf32>
      %eq3A_136 = vector.broadcast %get3A_133 : f32 to vector<80x128xf32>
      %eq3A_137 = arith.cmpf oeq, %eq3A_136, %get3A_1 : vector<80x128xf32>
      %add3A_138 = arith.constant 6 : i32
      %add3A_139 = arith.addi %mul3A_16, %add3A_138 : i32
      %lt3A_140 = vector.broadcast %add3A_139 : i32 to vector<80x128xi32>
      %lt3A_141 = arith.cmpi slt, %lt3A_140, %add3A : vector<80x128xi32>
      %and3A_142 = arith.andi %eq3A_137, %lt3A_141 : vector<80x128xi1>
      %or3A_143 = arith.ori %gt3A_135, %and3A_142 : vector<80x128xi1>
      %jit3A_144 = arith.constant 1 : i32
      %jit3A_145 = arith.constant 0 : i32
      %broadcast_in_dim3A_146 = vector.broadcast %jit3A_144 : i32 to vector<80x128xi32>
      %broadcast_in_dim3A_147 = vector.broadcast %jit3A_145 : i32 to vector<80x128xi32>
      %select_n3A_148 = arith.select %or3A_143, %broadcast_in_dim3A_146, %broadcast_in_dim3A_147 : vector<80x128xi1>, vector<80x128xi32>
      %add3A_149 = arith.addi %add3A_129, %select_n3A_148 : vector<80x128xi32>
      %add3A_150 = arith.constant 7 : i32
      %add3A_151 = arith.addi %mul3A_16, %add3A_150 : i32
      %get3A_152 = arith.index_cast %add3A_151 : i32 to index
      %get3A_153 = memref.load %arg0[%get3A_152] : memref<10240xf32, #tpu.memory_space<smem>>
      %gt3A_154 = vector.broadcast %get3A_153 : f32 to vector<80x128xf32>
      %gt3A_155 = arith.cmpf ogt, %gt3A_154, %get3A_1 : vector<80x128xf32>
      %eq3A_156 = vector.broadcast %get3A_153 : f32 to vector<80x128xf32>
      %eq3A_157 = arith.cmpf oeq, %eq3A_156, %get3A_1 : vector<80x128xf32>
      %add3A_158 = arith.constant 7 : i32
      %add3A_159 = arith.addi %mul3A_16, %add3A_158 : i32
      %lt3A_160 = vector.broadcast %add3A_159 : i32 to vector<80x128xi32>
      %lt3A_161 = arith.cmpi slt, %lt3A_160, %add3A : vector<80x128xi32>
      %and3A_162 = arith.andi %eq3A_157, %lt3A_161 : vector<80x128xi1>
      %or3A_163 = arith.ori %gt3A_155, %and3A_162 : vector<80x128xi1>
      %jit3A_164 = arith.constant 1 : i32
      %jit3A_165 = arith.constant 0 : i32
      %broadcast_in_dim3A_166 = vector.broadcast %jit3A_164 : i32 to vector<80x128xi32>
      %broadcast_in_dim3A_167 = vector.broadcast %jit3A_165 : i32 to vector<80x128xi32>
      %select_n3A_168 = arith.select %or3A_163, %broadcast_in_dim3A_166, %broadcast_in_dim3A_167 : vector<80x128xi1>, vector<80x128xi32>
      %add3A_169 = arith.addi %add3A_149, %select_n3A_168 : vector<80x128xi32>
      %add3A_170 = arith.constant 8 : i32
      %add3A_171 = arith.addi %mul3A_16, %add3A_170 : i32
      %get3A_172 = arith.index_cast %add3A_171 : i32 to index
      %get3A_173 = memref.load %arg0[%get3A_172] : memref<10240xf32, #tpu.memory_space<smem>>
      %gt3A_174 = vector.broadcast %get3A_173 : f32 to vector<80x128xf32>
      %gt3A_175 = arith.cmpf ogt, %gt3A_174, %get3A_1 : vector<80x128xf32>
      %eq3A_176 = vector.broadcast %get3A_173 : f32 to vector<80x128xf32>
      %eq3A_177 = arith.cmpf oeq, %eq3A_176, %get3A_1 : vector<80x128xf32>
      %add3A_178 = arith.constant 8 : i32
      %add3A_179 = arith.addi %mul3A_16, %add3A_178 : i32
      %lt3A_180 = vector.broadcast %add3A_179 : i32 to vector<80x128xi32>
      %lt3A_181 = arith.cmpi slt, %lt3A_180, %add3A : vector<80x128xi32>
      %and3A_182 = arith.andi %eq3A_177, %lt3A_181 : vector<80x128xi1>
      %or3A_183 = arith.ori %gt3A_175, %and3A_182 : vector<80x128xi1>
      %jit3A_184 = arith.constant 1 : i32
      %jit3A_185 = arith.constant 0 : i32
      %broadcast_in_dim3A_186 = vector.broadcast %jit3A_184 : i32 to vector<80x128xi32>
      %broadcast_in_dim3A_187 = vector.broadcast %jit3A_185 : i32 to vector<80x128xi32>
      %select_n3A_188 = arith.select %or3A_183, %broadcast_in_dim3A_186, %broadcast_in_dim3A_187 : vector<80x128xi1>, vector<80x128xi32>
      %add3A_189 = arith.addi %add3A_169, %select_n3A_188 : vector<80x128xi32>
      %add3A_190 = arith.constant 9 : i32
      %add3A_191 = arith.addi %mul3A_16, %add3A_190 : i32
      %get3A_192 = arith.index_cast %add3A_191 : i32 to index
      %get3A_193 = memref.load %arg0[%get3A_192] : memref<10240xf32, #tpu.memory_space<smem>>
      %gt3A_194 = vector.broadcast %get3A_193 : f32 to vector<80x128xf32>
      %gt3A_195 = arith.cmpf ogt, %gt3A_194, %get3A_1 : vector<80x128xf32>
      %eq3A_196 = vector.broadcast %get3A_193 : f32 to vector<80x128xf32>
      %eq3A_197 = arith.cmpf oeq, %eq3A_196, %get3A_1 : vector<80x128xf32>
      %add3A_198 = arith.constant 9 : i32
      %add3A_199 = arith.addi %mul3A_16, %add3A_198 : i32
      %lt3A_200 = vector.broadcast %add3A_199 : i32 to vector<80x128xi32>
      %lt3A_201 = arith.cmpi slt, %lt3A_200, %add3A : vector<80x128xi32>
      %and3A_202 = arith.andi %eq3A_197, %lt3A_201 : vector<80x128xi1>
      %or3A_203 = arith.ori %gt3A_195, %and3A_202 : vector<80x128xi1>
      %jit3A_204 = arith.constant 1 : i32
      %jit3A_205 = arith.constant 0 : i32
      %broadcast_in_dim3A_206 = vector.broadcast %jit3A_204 : i32 to vector<80x128xi32>
      %broadcast_in_dim3A_207 = vector.broadcast %jit3A_205 : i32 to vector<80x128xi32>
      %select_n3A_208 = arith.select %or3A_203, %broadcast_in_dim3A_206, %broadcast_in_dim3A_207 : vector<80x128xi1>, vector<80x128xi32>
      %add3A_209 = arith.addi %add3A_189, %select_n3A_208 : vector<80x128xi32>
      %add3A_210 = arith.constant 10 : i32
      %add3A_211 = arith.addi %mul3A_16, %add3A_210 : i32
      %get3A_212 = arith.index_cast %add3A_211 : i32 to index
      %get3A_213 = memref.load %arg0[%get3A_212] : memref<10240xf32, #tpu.memory_space<smem>>
      %gt3A_214 = vector.broadcast %get3A_213 : f32 to vector<80x128xf32>
      %gt3A_215 = arith.cmpf ogt, %gt3A_214, %get3A_1 : vector<80x128xf32>
      %eq3A_216 = vector.broadcast %get3A_213 : f32 to vector<80x128xf32>
      %eq3A_217 = arith.cmpf oeq, %eq3A_216, %get3A_1 : vector<80x128xf32>
      %add3A_218 = arith.constant 10 : i32
      %add3A_219 = arith.addi %mul3A_16, %add3A_218 : i32
      %lt3A_220 = vector.broadcast %add3A_219 : i32 to vector<80x128xi32>
      %lt3A_221 = arith.cmpi slt, %lt3A_220, %add3A : vector<80x128xi32>
      %and3A_222 = arith.andi %eq3A_217, %lt3A_221 : vector<80x128xi1>
      %or3A_223 = arith.ori %gt3A_215, %and3A_222 : vector<80x128xi1>
      %jit3A_224 = arith.constant 1 : i32
      %jit3A_225 = arith.constant 0 : i32
      %broadcast_in_dim3A_226 = vector.broadcast %jit3A_224 : i32 to vector<80x128xi32>
      %broadcast_in_dim3A_227 = vector.broadcast %jit3A_225 : i32 to vector<80x128xi32>
      %select_n3A_228 = arith.select %or3A_223, %broadcast_in_dim3A_226, %broadcast_in_dim3A_227 : vector<80x128xi1>, vector<80x128xi32>
      %add3A_229 = arith.addi %add3A_209, %select_n3A_228 : vector<80x128xi32>
      %add3A_230 = arith.constant 11 : i32
      %add3A_231 = arith.addi %mul3A_16, %add3A_230 : i32
      %get3A_232 = arith.index_cast %add3A_231 : i32 to index
      %get3A_233 = memref.load %arg0[%get3A_232] : memref<10240xf32, #tpu.memory_space<smem>>
      %gt3A_234 = vector.broadcast %get3A_233 : f32 to vector<80x128xf32>
      %gt3A_235 = arith.cmpf ogt, %gt3A_234, %get3A_1 : vector<80x128xf32>
      %eq3A_236 = vector.broadcast %get3A_233 : f32 to vector<80x128xf32>
      %eq3A_237 = arith.cmpf oeq, %eq3A_236, %get3A_1 : vector<80x128xf32>
      %add3A_238 = arith.constant 11 : i32
      %add3A_239 = arith.addi %mul3A_16, %add3A_238 : i32
      %lt3A_240 = vector.broadcast %add3A_239 : i32 to vector<80x128xi32>
      %lt3A_241 = arith.cmpi slt, %lt3A_240, %add3A : vector<80x128xi32>
      %and3A_242 = arith.andi %eq3A_237, %lt3A_241 : vector<80x128xi1>
      %or3A_243 = arith.ori %gt3A_235, %and3A_242 : vector<80x128xi1>
      %jit3A_244 = arith.constant 1 : i32
      %jit3A_245 = arith.constant 0 : i32
      %broadcast_in_dim3A_246 = vector.broadcast %jit3A_244 : i32 to vector<80x128xi32>
      %broadcast_in_dim3A_247 = vector.broadcast %jit3A_245 : i32 to vector<80x128xi32>
      %select_n3A_248 = arith.select %or3A_243, %broadcast_in_dim3A_246, %broadcast_in_dim3A_247 : vector<80x128xi1>, vector<80x128xi32>
      %add3A_249 = arith.addi %add3A_229, %select_n3A_248 : vector<80x128xi32>
      %add3A_250 = arith.constant 12 : i32
      %add3A_251 = arith.addi %mul3A_16, %add3A_250 : i32
      %get3A_252 = arith.index_cast %add3A_251 : i32 to index
      %get3A_253 = memref.load %arg0[%get3A_252] : memref<10240xf32, #tpu.memory_space<smem>>
      %gt3A_254 = vector.broadcast %get3A_253 : f32 to vector<80x128xf32>
      %gt3A_255 = arith.cmpf ogt, %gt3A_254, %get3A_1 : vector<80x128xf32>
      %eq3A_256 = vector.broadcast %get3A_253 : f32 to vector<80x128xf32>
      %eq3A_257 = arith.cmpf oeq, %eq3A_256, %get3A_1 : vector<80x128xf32>
      %add3A_258 = arith.constant 12 : i32
      %add3A_259 = arith.addi %mul3A_16, %add3A_258 : i32
      %lt3A_260 = vector.broadcast %add3A_259 : i32 to vector<80x128xi32>
      %lt3A_261 = arith.cmpi slt, %lt3A_260, %add3A : vector<80x128xi32>
      %and3A_262 = arith.andi %eq3A_257, %lt3A_261 : vector<80x128xi1>
      %or3A_263 = arith.ori %gt3A_255, %and3A_262 : vector<80x128xi1>
      %jit3A_264 = arith.constant 1 : i32
      %jit3A_265 = arith.constant 0 : i32
      %broadcast_in_dim3A_266 = vector.broadcast %jit3A_264 : i32 to vector<80x128xi32>
      %broadcast_in_dim3A_267 = vector.broadcast %jit3A_265 : i32 to vector<80x128xi32>
      %select_n3A_268 = arith.select %or3A_263, %broadcast_in_dim3A_266, %broadcast_in_dim3A_267 : vector<80x128xi1>, vector<80x128xi32>
      %add3A_269 = arith.addi %add3A_249, %select_n3A_268 : vector<80x128xi32>
      %add3A_270 = arith.constant 13 : i32
      %add3A_271 = arith.addi %mul3A_16, %add3A_270 : i32
      %get3A_272 = arith.index_cast %add3A_271 : i32 to index
      %get3A_273 = memref.load %arg0[%get3A_272] : memref<10240xf32, #tpu.memory_space<smem>>
      %gt3A_274 = vector.broadcast %get3A_273 : f32 to vector<80x128xf32>
      %gt3A_275 = arith.cmpf ogt, %gt3A_274, %get3A_1 : vector<80x128xf32>
      %eq3A_276 = vector.broadcast %get3A_273 : f32 to vector<80x128xf32>
      %eq3A_277 = arith.cmpf oeq, %eq3A_276, %get3A_1 : vector<80x128xf32>
      %add3A_278 = arith.constant 13 : i32
      %add3A_279 = arith.addi %mul3A_16, %add3A_278 : i32
      %lt3A_280 = vector.broadcast %add3A_279 : i32 to vector<80x128xi32>
      %lt3A_281 = arith.cmpi slt, %lt3A_280, %add3A : vector<80x128xi32>
      %and3A_282 = arith.andi %eq3A_277, %lt3A_281 : vector<80x128xi1>
      %or3A_283 = arith.ori %gt3A_275, %and3A_282 : vector<80x128xi1>
      %jit3A_284 = arith.constant 1 : i32
      %jit3A_285 = arith.constant 0 : i32
      %broadcast_in_dim3A_286 = vector.broadcast %jit3A_284 : i32 to vector<80x128xi32>
      %broadcast_in_dim3A_287 = vector.broadcast %jit3A_285 : i32 to vector<80x128xi32>
      %select_n3A_288 = arith.select %or3A_283, %broadcast_in_dim3A_286, %broadcast_in_dim3A_287 : vector<80x128xi1>, vector<80x128xi32>
      %add3A_289 = arith.addi %add3A_269, %select_n3A_288 : vector<80x128xi32>
      %add3A_290 = arith.constant 14 : i32
      %add3A_291 = arith.addi %mul3A_16, %add3A_290 : i32
      %get3A_292 = arith.index_cast %add3A_291 : i32 to index
      %get3A_293 = memref.load %arg0[%get3A_292] : memref<10240xf32, #tpu.memory_space<smem>>
      %gt3A_294 = vector.broadcast %get3A_293 : f32 to vector<80x128xf32>
      %gt3A_295 = arith.cmpf ogt, %gt3A_294, %get3A_1 : vector<80x128xf32>
      %eq3A_296 = vector.broadcast %get3A_293 : f32 to vector<80x128xf32>
      %eq3A_297 = arith.cmpf oeq, %eq3A_296, %get3A_1 : vector<80x128xf32>
      %add3A_298 = arith.constant 14 : i32
      %add3A_299 = arith.addi %mul3A_16, %add3A_298 : i32
      %lt3A_300 = vector.broadcast %add3A_299 : i32 to vector<80x128xi32>
      %lt3A_301 = arith.cmpi slt, %lt3A_300, %add3A : vector<80x128xi32>
      %and3A_302 = arith.andi %eq3A_297, %lt3A_301 : vector<80x128xi1>
      %or3A_303 = arith.ori %gt3A_295, %and3A_302 : vector<80x128xi1>
      %jit3A_304 = arith.constant 1 : i32
      %jit3A_305 = arith.constant 0 : i32
      %broadcast_in_dim3A_306 = vector.broadcast %jit3A_304 : i32 to vector<80x128xi32>
      %broadcast_in_dim3A_307 = vector.broadcast %jit3A_305 : i32 to vector<80x128xi32>
      %select_n3A_308 = arith.select %or3A_303, %broadcast_in_dim3A_306, %broadcast_in_dim3A_307 : vector<80x128xi1>, vector<80x128xi32>
      %add3A_309 = arith.addi %add3A_289, %select_n3A_308 : vector<80x128xi32>
      %add3A_310 = arith.constant 15 : i32
      %add3A_311 = arith.addi %mul3A_16, %add3A_310 : i32
      %get3A_312 = arith.index_cast %add3A_311 : i32 to index
      %get3A_313 = memref.load %arg0[%get3A_312] : memref<10240xf32, #tpu.memory_space<smem>>
      %gt3A_314 = vector.broadcast %get3A_313 : f32 to vector<80x128xf32>
      %gt3A_315 = arith.cmpf ogt, %gt3A_314, %get3A_1 : vector<80x128xf32>
      %eq3A_316 = vector.broadcast %get3A_313 : f32 to vector<80x128xf32>
      %eq3A_317 = arith.cmpf oeq, %eq3A_316, %get3A_1 : vector<80x128xf32>
      %add3A_318 = arith.constant 15 : i32
      %add3A_319 = arith.addi %mul3A_16, %add3A_318 : i32
      %lt3A_320 = vector.broadcast %add3A_319 : i32 to vector<80x128xi32>
      %lt3A_321 = arith.cmpi slt, %lt3A_320, %add3A : vector<80x128xi32>
      %and3A_322 = arith.andi %eq3A_317, %lt3A_321 : vector<80x128xi1>
      %or3A_323 = arith.ori %gt3A_315, %and3A_322 : vector<80x128xi1>
      %jit3A_324 = arith.constant 1 : i32
      %jit3A_325 = arith.constant 0 : i32
      %broadcast_in_dim3A_326 = vector.broadcast %jit3A_324 : i32 to vector<80x128xi32>
      %broadcast_in_dim3A_327 = vector.broadcast %jit3A_325 : i32 to vector<80x128xi32>
      %select_n3A_328 = arith.select %or3A_323, %broadcast_in_dim3A_326, %broadcast_in_dim3A_327 : vector<80x128xi1>, vector<80x128xi32>
      %add3A_329 = arith.addi %add3A_309, %select_n3A_328 : vector<80x128xi32>
      scf.yield %add3A_329 : vector<80x128xi32>
    }
    %scan3A_10 = arith.constant 640 : i32
    %swap3A = arith.constant 0 : index
    %swap3A_11 = arith.constant 0 : index
    %swap3A_12 = vector.load %arg2[%swap3A, %swap3A_11] : memref<80x128xi32, #tpu.memory_space<vmem>>, vector<80x128xi32>
    tpu.vector_store %arg2[%swap3A, %swap3A_11], %scan3A_9 {strides = array<i32>} : memref<80x128xi32, #tpu.memory_space<vmem>>, vector<80x128xi32>,
    return
  }
}

module attributes {stable_mosaic.version = 14 : i64} {
  func.func @_rowdot_body(%arg0: i32, %arg1: i32, %arg2: memref<512x2048xf32, #tpu.memory_space<vmem>>, %arg3: memref<512x2048xf32, #tpu.memory_space<vmem>>, %arg4: memref<512x128xf32, #tpu.memory_space<vmem>>) attributes {dimension_semantics = [#tpu.dimension_semantics<arbitrary>, #tpu.dimension_semantics<arbitrary>], iteration_bounds = array<i64: 10, 5>, scalar_prefetch = 0 : i64, scratch_operands = 0 : i64, tpu.core_type = #tpu.core_type<tc>, window_params = [{transform_indices = @transform_0, window_bounds = array<i64: 512, 2048>}, {transform_indices = @transform_1, window_bounds = array<i64: 512, 2048>}, {transform_indices = @transform_2, window_bounds = array<i64: 512, 128>}]} {
    %eq3A = arith.constant 0 : i32
    %eq3A_0 = arith.cmpi eq, %arg1, %eq3A : i32
    %convert_element_type3A = arith.extui %eq3A_0 : i1 to i32
    %cond3A = arith.constant 0 : i32
    %cond3A_1 = arith.cmpi ne, %convert_element_type3A, %cond3A : i32
    scf.if %cond3A_1 {
      %broadcast_in_dim3A_15 = arith.constant 0.000000e+00 : f32
      %broadcast_in_dim3A_16 = vector.broadcast %broadcast_in_dim3A_15 : f32 to vector<512x128xf32>
      %swap3A_17 = arith.constant 0 : index
      %swap3A_18 = arith.constant 0 : index
      %swap3A_19 = vector.load %arg4[%swap3A_17, %swap3A_18] : memref<512x128xf32, #tpu.memory_space<vmem>>, vector<512x128xf32>
      tpu.vector_store %arg4[%swap3A_17, %swap3A_18], %broadcast_in_dim3A_16 {strides = array<i32>} : memref<512x128xf32, #tpu.memory_space<vmem>>, vector<512x128xf32>,
    } else {
    }
    %get3A = arith.constant 0 : index
    %get3A_2 = arith.constant 0 : index
    %get3A_3 = vector.load %arg2[%get3A, %get3A_2] : memref<512x2048xf32, #tpu.memory_space<vmem>>, vector<512x2048xf32>
    %get3A_4 = arith.constant 0 : index
    %get3A_5 = arith.constant 0 : index
    %get3A_6 = vector.load %arg3[%get3A_4, %get3A_5] : memref<512x2048xf32, #tpu.memory_space<vmem>>, vector<512x2048xf32>
    %mul3A = arith.mulf %get3A_3, %get3A_6 : vector<512x2048xf32>
    %reduce_sum3A = arith.constant dense<0.000000e+00> : vector<512xf32>
    %reduce_sum3A_7 = vector.multi_reduction <add>, %mul3A, %reduce_sum3A [1] : vector<512x2048xf32> to vector<512xf32>
    %broadcast_in_dim3A = vector.shape_cast %reduce_sum3A_7 : vector<512xf32> to vector<512x1xf32>
    %get3A_8 = arith.constant 0 : index
    %get3A_9 = arith.constant 0 : index
    %get3A_10 = vector.load %arg4[%get3A_8, %get3A_9] : memref<512x128xf32, #tpu.memory_space<vmem>>, vector<512x128xf32>
    %broadcast_in_dim3A_11 = vector.shape_cast %broadcast_in_dim3A : vector<512x1xf32> to vector<512x1xf32>
    %broadcast_in_dim3A_12 = vector.broadcast %broadcast_in_dim3A_11 : vector<512x1xf32> to vector<512x128xf32>
    %add3A = arith.addf %get3A_10, %broadcast_in_dim3A_12 : vector<512x128xf32>
    %swap3A = arith.constant 0 : index
    %swap3A_13 = arith.constant 0 : index
    %swap3A_14 = vector.load %arg4[%swap3A, %swap3A_13] : memref<512x128xf32, #tpu.memory_space<vmem>>, vector<512x128xf32>
    tpu.vector_store %arg4[%swap3A, %swap3A_13], %add3A {strides = array<i32>} : memref<512x128xf32, #tpu.memory_space<vmem>>, vector<512x128xf32>,
    return
  }
  func.func @transform_0(%arg0: i32, %arg1: i32) -> (i32, i32) {
    %c0_i32 = arith.constant 0 : i32
    return %arg0, %arg1 : i32, i32
  }
  func.func @transform_1(%arg0: i32, %arg1: i32) -> (i32, i32) {
    %c0_i32 = arith.constant 0 : i32
    return %arg0, %arg1 : i32, i32
  }
  func.func @transform_2(%arg0: i32, %arg1: i32) -> (i32, i32) {
    %c0_i32 = arith.constant 0 : i32
    %c0_i32_0 = arith.constant 0 : i32
    return %arg0, %c0_i32 : i32, i32
  }
}

module attributes {stable_mosaic.version = 14 : i64} {
  func.func @_mmTacc_body(%arg0: i32, %arg1: i32, %arg2: memref<1024x1024xf32, #tpu.memory_space<vmem>>, %arg3: memref<1024x32xf32, #tpu.memory_space<vmem>>, %arg4: memref<1024x32xf32, #tpu.memory_space<vmem>>) attributes {dimension_semantics = [#tpu.dimension_semantics<arbitrary>, #tpu.dimension_semantics<arbitrary>], iteration_bounds = array<i64: 10, 5>, scalar_prefetch = 0 : i64, scratch_operands = 0 : i64, tpu.core_type = #tpu.core_type<tc>, window_params = [{transform_indices = @transform_0, window_bounds = array<i64: 1024, 1024>}, {transform_indices = @transform_1, window_bounds = array<i64: 1024, 32>}, {transform_indices = @transform_2, window_bounds = array<i64: 1024, 32>}]} {
    %eq3A = arith.constant 0 : i32
    %eq3A_0 = arith.cmpi eq, %arg1, %eq3A : i32
    %convert_element_type3A = arith.extui %eq3A_0 : i1 to i32
    %cond3A = arith.constant 0 : i32
    %cond3A_1 = arith.cmpi ne, %convert_element_type3A, %cond3A : i32
    scf.if %cond3A_1 {
      %broadcast_in_dim3A = arith.constant 0.000000e+00 : f32
      %broadcast_in_dim3A_13 = vector.broadcast %broadcast_in_dim3A : f32 to vector<1024x32xf32>
      %swap3A_14 = arith.constant 0 : index
      %swap3A_15 = arith.constant 0 : index
      %swap3A_16 = vector.load %arg4[%swap3A_14, %swap3A_15] : memref<1024x32xf32, #tpu.memory_space<vmem>>, vector<1024x32xf32>
      tpu.vector_store %arg4[%swap3A_14, %swap3A_15], %broadcast_in_dim3A_13 {strides = array<i32>} : memref<1024x32xf32, #tpu.memory_space<vmem>>, vector<1024x32xf32>,
    } else {
    }
    %get3A = arith.constant 0 : index
    %get3A_2 = arith.constant 0 : index
    %get3A_3 = vector.load %arg4[%get3A, %get3A_2] : memref<1024x32xf32, #tpu.memory_space<vmem>>, vector<1024x32xf32>
    %get3A_4 = arith.constant 0 : index
    %get3A_5 = arith.constant 0 : index
    %get3A_6 = vector.load %arg2[%get3A_4, %get3A_5] : memref<1024x1024xf32, #tpu.memory_space<vmem>>, vector<1024x1024xf32>
    %get3A_7 = arith.constant 0 : index
    %get3A_8 = arith.constant 0 : index
    %get3A_9 = vector.load %arg3[%get3A_7, %get3A_8] : memref<1024x32xf32, #tpu.memory_space<vmem>>, vector<1024x32xf32>
    %dot_general3A = arith.constant dense<0.000000e+00> : vector<1024x32xf32>
    %dot_general3A_10 = tpu.matmul %get3A_6, %get3A_9, %dot_general3A {dimension_numbers = #tpu.dot_dimension_numbers<[0], [0], [1], [1], [0, 1, 1, 1], [], []>, transpose_lhs_hint = false} : vector<1024x1024xf32>, vector<1024x32xf32>, vector<1024x32xf32> -> vector<1024x32xf32>
    %add3A = arith.addf %get3A_3, %dot_general3A_10 : vector<1024x32xf32>
    %swap3A = arith.constant 0 : index
    %swap3A_11 = arith.constant 0 : index
    %swap3A_12 = vector.load %arg4[%swap3A, %swap3A_11] : memref<1024x32xf32, #tpu.memory_space<vmem>>, vector<1024x32xf32>
    tpu.vector_store %arg4[%swap3A, %swap3A_11], %add3A {strides = array<i32>} : memref<1024x32xf32, #tpu.memory_space<vmem>>, vector<1024x32xf32>,
    return
  }
  func.func @transform_0(%arg0: i32, %arg1: i32) -> (i32, i32) {
    %c0_i32 = arith.constant 0 : i32
    return %arg1, %arg0 : i32, i32
  }
  func.func @transform_1(%arg0: i32, %arg1: i32) -> (i32, i32) {
    %c0_i32 = arith.constant 0 : i32
    %c0_i32_0 = arith.constant 0 : i32
    return %arg1, %c0_i32 : i32, i32
  }
  func.func @transform_2(%arg0: i32, %arg1: i32) -> (i32, i32) {
    %c0_i32 = arith.constant 0 : i32
    %c0_i32_0 = arith.constant 0 : i32
    return %arg0, %c0_i32 : i32, i32
  }
}

module attributes {stable_mosaic.version = 14 : i64} {
  func.func @_mmacc_body(%arg0: i32, %arg1: i32, %arg2: memref<1024x1024xf32, #tpu.memory_space<vmem>>, %arg3: memref<1024x32xf32, #tpu.memory_space<vmem>>, %arg4: memref<1024x32xf32, #tpu.memory_space<vmem>>) attributes {dimension_semantics = [#tpu.dimension_semantics<arbitrary>, #tpu.dimension_semantics<arbitrary>], iteration_bounds = array<i64: 5, 10>, scalar_prefetch = 0 : i64, scratch_operands = 0 : i64, tpu.core_type = #tpu.core_type<tc>, window_params = [{transform_indices = @transform_0, window_bounds = array<i64: 1024, 1024>}, {transform_indices = @transform_1, window_bounds = array<i64: 1024, 32>}, {transform_indices = @transform_2, window_bounds = array<i64: 1024, 32>}]} {
    %eq3A = arith.constant 0 : i32
    %eq3A_0 = arith.cmpi eq, %arg1, %eq3A : i32
    %convert_element_type3A = arith.extui %eq3A_0 : i1 to i32
    %cond3A = arith.constant 0 : i32
    %cond3A_1 = arith.cmpi ne, %convert_element_type3A, %cond3A : i32
    scf.if %cond3A_1 {
      %broadcast_in_dim3A = arith.constant 0.000000e+00 : f32
      %broadcast_in_dim3A_13 = vector.broadcast %broadcast_in_dim3A : f32 to vector<1024x32xf32>
      %swap3A_14 = arith.constant 0 : index
      %swap3A_15 = arith.constant 0 : index
      %swap3A_16 = vector.load %arg4[%swap3A_14, %swap3A_15] : memref<1024x32xf32, #tpu.memory_space<vmem>>, vector<1024x32xf32>
      tpu.vector_store %arg4[%swap3A_14, %swap3A_15], %broadcast_in_dim3A_13 {strides = array<i32>} : memref<1024x32xf32, #tpu.memory_space<vmem>>, vector<1024x32xf32>,
    } else {
    }
    %get3A = arith.constant 0 : index
    %get3A_2 = arith.constant 0 : index
    %get3A_3 = vector.load %arg4[%get3A, %get3A_2] : memref<1024x32xf32, #tpu.memory_space<vmem>>, vector<1024x32xf32>
    %get3A_4 = arith.constant 0 : index
    %get3A_5 = arith.constant 0 : index
    %get3A_6 = vector.load %arg2[%get3A_4, %get3A_5] : memref<1024x1024xf32, #tpu.memory_space<vmem>>, vector<1024x1024xf32>
    %get3A_7 = arith.constant 0 : index
    %get3A_8 = arith.constant 0 : index
    %get3A_9 = vector.load %arg3[%get3A_7, %get3A_8] : memref<1024x32xf32, #tpu.memory_space<vmem>>, vector<1024x32xf32>
    %dot_general3A = arith.constant dense<0.000000e+00> : vector<1024x32xf32>
    %dot_general3A_10 = tpu.matmul %get3A_6, %get3A_9, %dot_general3A {dimension_numbers = #tpu.dot_dimension_numbers<[1], [0], [0], [1], [0, 0, 1, 1], [], []>, transpose_lhs_hint = false} : vector<1024x1024xf32>, vector<1024x32xf32>, vector<1024x32xf32> -> vector<1024x32xf32>
    %add3A = arith.addf %get3A_3, %dot_general3A_10 : vector<1024x32xf32>
    %swap3A = arith.constant 0 : index
    %swap3A_11 = arith.constant 0 : index
    %swap3A_12 = vector.load %arg4[%swap3A, %swap3A_11] : memref<1024x32xf32, #tpu.memory_space<vmem>>, vector<1024x32xf32>
    tpu.vector_store %arg4[%swap3A, %swap3A_11], %add3A {strides = array<i32>} : memref<1024x32xf32, #tpu.memory_space<vmem>>, vector<1024x32xf32>,
    return
  }
  func.func @transform_0(%arg0: i32, %arg1: i32) -> (i32, i32) {
    %c0_i32 = arith.constant 0 : i32
    return %arg0, %arg1 : i32, i32
  }
  func.func @transform_1(%arg0: i32, %arg1: i32) -> (i32, i32) {
    %c0_i32 = arith.constant 0 : i32
    %c0_i32_0 = arith.constant 0 : i32
    return %arg1, %c0_i32 : i32, i32
  }
  func.func @transform_2(%arg0: i32, %arg1: i32) -> (i32, i32) {
    %c0_i32 = arith.constant 0 : i32
    %c0_i32_0 = arith.constant 0 : i32
    return %arg0, %c0_i32 : i32, i32
  }
}

module attributes {stable_mosaic.version = 14 : i64} {
  func.func @_mm_body(%arg0: i32, %arg1: memref<1024x32xf32, #tpu.memory_space<vmem>>, %arg2: memref<32x32xf32, #tpu.memory_space<vmem>>, %arg3: memref<1024x32xf32, #tpu.memory_space<vmem>>) attributes {dimension_semantics = [#tpu.dimension_semantics<arbitrary>], iteration_bounds = array<i64: 5>, scalar_prefetch = 0 : i64, scratch_operands = 0 : i64, tpu.core_type = #tpu.core_type<tc>, window_params = [{transform_indices = @transform_0, window_bounds = array<i64: 1024, 32>}, {pipeline_mode = #tpu.pipeline_mode<synchronous>, transform_indices = @transform_1, window_bounds = array<i64: 32, 32>}, {transform_indices = @transform_2, window_bounds = array<i64: 1024, 32>}]} {
    %get3A = arith.constant 0 : index
    %get3A_0 = arith.constant 0 : index
    %get3A_1 = vector.load %arg1[%get3A, %get3A_0] : memref<1024x32xf32, #tpu.memory_space<vmem>>, vector<1024x32xf32>
    %get3A_2 = arith.constant 0 : index
    %get3A_3 = arith.constant 0 : index
    %get3A_4 = vector.load %arg2[%get3A_2, %get3A_3] : memref<32x32xf32, #tpu.memory_space<vmem>>, vector<32x32xf32>
    %dot_general3A = arith.constant dense<0.000000e+00> : vector<1024x32xf32>
    %dot_general3A_5 = tpu.matmul %get3A_1, %get3A_4, %dot_general3A {dimension_numbers = #tpu.dot_dimension_numbers<[1], [0], [0], [1], [0, 0, 1, 1], [], []>, transpose_lhs_hint = false} : vector<1024x32xf32>, vector<32x32xf32>, vector<1024x32xf32> -> vector<1024x32xf32>
    %swap3A = arith.constant 0 : index
    %swap3A_6 = arith.constant 0 : index
    %swap3A_7 = vector.load %arg3[%swap3A, %swap3A_6] : memref<1024x32xf32, #tpu.memory_space<vmem>>, vector<1024x32xf32>
    tpu.vector_store %arg3[%swap3A, %swap3A_6], %dot_general3A_5 {strides = array<i32>} : memref<1024x32xf32, #tpu.memory_space<vmem>>, vector<1024x32xf32>,
    return
  }
  func.func @transform_0(%arg0: i32) -> (i32, i32) {
    %c0_i32 = arith.constant 0 : i32
    %c0_i32_0 = arith.constant 0 : i32
    return %arg0, %c0_i32 : i32, i32
  }
  func.func @transform_1(%arg0: i32) -> (i32, i32) {
    %c0_i32 = arith.constant 0 : i32
    %c0_i32_0 = arith.constant 0 : i32
    %c0_i32_1 = arith.constant 0 : i32
    return %c0_i32, %c0_i32_0 : i32, i32
  }
  func.func @transform_2(%arg0: i32) -> (i32, i32) {
    %c0_i32 = arith.constant 0 : i32
    %c0_i32_0 = arith.constant 0 : i32
    return %arg0, %c0_i32 : i32, i32
  }
}

module attributes {stable_mosaic.version = 14 : i64} {
  func.func @_mm_body(%arg0: i32, %arg1: memref<1024x32xf32, #tpu.memory_space<vmem>>, %arg2: memref<32x64xf32, #tpu.memory_space<vmem>>, %arg3: memref<1024x64xf32, #tpu.memory_space<vmem>>) attributes {dimension_semantics = [#tpu.dimension_semantics<arbitrary>], iteration_bounds = array<i64: 5>, scalar_prefetch = 0 : i64, scratch_operands = 0 : i64, tpu.core_type = #tpu.core_type<tc>, window_params = [{transform_indices = @transform_0, window_bounds = array<i64: 1024, 32>}, {pipeline_mode = #tpu.pipeline_mode<synchronous>, transform_indices = @transform_1, window_bounds = array<i64: 32, 64>}, {transform_indices = @transform_2, window_bounds = array<i64: 1024, 64>}]} {
    %get3A = arith.constant 0 : index
    %get3A_0 = arith.constant 0 : index
    %get3A_1 = vector.load %arg1[%get3A, %get3A_0] : memref<1024x32xf32, #tpu.memory_space<vmem>>, vector<1024x32xf32>
    %get3A_2 = arith.constant 0 : index
    %get3A_3 = arith.constant 0 : index
    %get3A_4 = vector.load %arg2[%get3A_2, %get3A_3] : memref<32x64xf32, #tpu.memory_space<vmem>>, vector<32x64xf32>
    %dot_general3A = arith.constant dense<0.000000e+00> : vector<1024x64xf32>
    %dot_general3A_5 = tpu.matmul %get3A_1, %get3A_4, %dot_general3A {dimension_numbers = #tpu.dot_dimension_numbers<[1], [0], [0], [1], [0, 0, 1, 1], [], []>, transpose_lhs_hint = false} : vector<1024x32xf32>, vector<32x64xf32>, vector<1024x64xf32> -> vector<1024x64xf32>
    %swap3A = arith.constant 0 : index
    %swap3A_6 = arith.constant 0 : index
    %swap3A_7 = vector.load %arg3[%swap3A, %swap3A_6] : memref<1024x64xf32, #tpu.memory_space<vmem>>, vector<1024x64xf32>
    tpu.vector_store %arg3[%swap3A, %swap3A_6], %dot_general3A_5 {strides = array<i32>} : memref<1024x64xf32, #tpu.memory_space<vmem>>, vector<1024x64xf32>,
    return
  }
  func.func @transform_0(%arg0: i32) -> (i32, i32) {
    %c0_i32 = arith.constant 0 : i32
    %c0_i32_0 = arith.constant 0 : i32
    return %arg0, %c0_i32 : i32, i32
  }
  func.func @transform_1(%arg0: i32) -> (i32, i32) {
    %c0_i32 = arith.constant 0 : i32
    %c0_i32_0 = arith.constant 0 : i32
    %c0_i32_1 = arith.constant 0 : i32
    return %c0_i32, %c0_i32_0 : i32, i32
  }
  func.func @transform_2(%arg0: i32) -> (i32, i32) {
    %c0_i32 = arith.constant 0 : i32
    %c0_i32_0 = arith.constant 0 : i32
    return %arg0, %c0_i32 : i32, i32
  }
}

</mosaic_0001>

<sc_bundles>
// kernel: gather_offload_async_start.1
scs
__scs_entry_jumppad:
0x0: {  	(pc) =	sbr.rel $0x88, $3  }
0x1: {  	(tag) =	ssettag $0x0;
	lr =	simm.s32 $0x1  }
0x2: {  	[smem:$0x3F96] =	sst lr;
	_ =	strace $0xD0000000  }
0x3: {  	_ = 	snop  }
0x4: {  	_ = 	snop  }
0x5: {  	_ = 	snop  }
0x6: {  	_ = 	snop  }
0x7: {  	_ = 	snop  }
__scs_overlays_trampoline_lowered:
0x8: {  	[smem:$0x3FA5] =	sst s0  }
0x9: {  	[smem:$0x3FA6] =	sst s1  }
0xa: {  	[smem:$0x3FA7] =	sst s2  }
0xb: {  	[smem:$0x3FA8] =	sst s3  }
0xc: {  	[smem:$0x3FA9] =	sst s4  }
0xd: {  	[smem:$0x3FAA] =	sst s5  }
0xe: {  	[smem:$0x3FAB] =	sst s6  }
0xf: {  	[smem:$0x3FAC] =	sst s7  }
0x10: {  	[smem:$0x3FAD] =	sst s8  }
0x11: {  	[smem:$0x3FAE] =	sst s9;
	s0 =	simm.s32 @!p0 $0x0  }
0x12: {  	s1 =	sld [smem:$0x3F94];
	s0 =	simm.s32 @p0 $0x1  }
0x13: {  	[smem:$0x3FAF] =	sst s0;
	s0 =	simm.s32 @!p1 $0x0  }
0x14: {  	s2 =	sld [smem:$0x3F93];
	s0 =	simm.s32 @p1 $0x1  }
0x15: {  	[smem:$0x3FB0] =	sst s0;
	s0 =	simm.s32 @!p2 $0x0  }
0x16: {  	s3 =	sld [smem:$0x3FDB];
	s0 =	simm.s32 @p2 $0x1  }
0x17: {  	s4 =	simm.s32 $0x1BF5;
	[smem:$0x3FB2] =	sst s0  }
0x18: {  	s0 =	sld [smem:$0x3F95];
	_ =	swait.ge [sflag:s4], $0x0  }
0x19: {  	s7 =	sld [smem:$0x3F96]  }
0x1a: {  	s8 =	sadd.s32 $0xFFFFE003, lr  }
0x1b: {  	s9 =	sadd.s32 $0xFFFFFEF7, lr;
	s5 =	simm.s32 $0xFFFFFFFF;
	p2 =	slt.u32 s8, $0xFFFFF086  }
0x1c: {  	p1 =	slt.u32 s9, $0xF7A;
	s5 =	simm.s32 @!p2 $0x0  }
0x1d: {  	s5 =	simm.s32 @p1 $0x1;
	p0 =	seq.s32 s7, s2  }
0x1e: {  	s7 =	smul.u32 @!p0 $0xF7A, s2;
	p2 =	seq.s32 @!p0 s5, $0x0  }
0x1f: {  	s9 =	smul.u32 $0xF7A, s1;
	s8 =	simm.s32 @!p0 $0x1BF5;
	p2 =	por !p2, p0  }
0x20: {  	[sflag:s8] =	ssyncset.s32 @!p0 $0xFFFFF086;
	s6 =	sadd.s32 @!p0 s3, s7;
	s7 =	simm.s32 @!p0 $0x108  }
0x21: {  	s3 =	sadd.s32 s3, s9;
	s6 =	sadd.s32 @!p0 $0x88, s6;
	s7 =	simm.s32 @p2 $0x1082  }
0x22: {  	[simem:s7], [sflag:s8] =	dma.local @!p0 [hbm:s6], $0xF7A  }
0x23: {  	s9 =	sor.u32 $0xD0000000, s2;
	s6 =	simm.s32 $0x108;
	_ =	swait.ge @!p0 [sflag:s8], $0x0  }
0x24: {  	s3 =	sadd.s32 $0x88, s3;
	s6 =	simm.s32 @!p1 $0x1082;
	[sflag:s4] =	ssyncset.s32 $0xFFFFF086  }
0x25: {  	[simem:s6], [sflag:s4] =	dma.local [hbm:s3], $0xF7A  }
0x26: {  	[smem:$0x3F96] =	sst s1;
	(tag) =	ssettag s2;
	_ =	strace s9  }
0x27: {  	s1 =	sld [smem:$0x3FA6]  }
0x28: {  	s2 =	sld [smem:$0x3FA7]  }
0x29: {  	s4 =	sld [smem:$0x3FA9]  }
0x2a: {  	p0 =	seq.s32 s5, $0x0;
	s5 =	sld [smem:$0x3FAA]  }
0x2b: {  	s6 =	sld [smem:$0x3FAB]  }
0x2c: {  	s7 =	sld [smem:$0x3FAC]  }
0x2d: {  	s3 =	simm.s32 $0x108;
	s8 =	sld [smem:$0x3FAD]  }
0x2e: {  	s3 =	simm.s32 @!p0 $0x1082;
	s9 =	sld [smem:$0x3FAE]  }
0x2f: {  	lr =	sadd.s32 s0, s3;
	s0 =	sld [smem:$0x3FA5]  }
0x30: {  	s3 =	sld [smem:$0x3FA8]  }
0x31: {  	[smem:$0x3FB1] =	sst s10  }
0x32: {  	s10 =	sld [smem:$0x3FAF];
	_ =	sdelay $0x3  }
0x33: {  	p0 =	seq.s32 s10, $0x1;
	s10 =	sld [smem:$0x3FB1];
	_ =	sdelay $0x3  }
0x34: {  	[smem:$0x3FB1] =	sst s10  }
0x35: {  	s10 =	sld [smem:$0x3FB0];
	_ =	sdelay $0x3  }
0x36: {  	p1 =	seq.s32 s10, $0x1;
	s10 =	sld [smem:$0x3FB1];
	_ =	sdelay $0x3  }
0x37: {  	[smem:$0x3FB1] =	sst s10  }
0x38: {  	s10 =	sld [smem:$0x3FB2]  }
0x39: {  	_ = 	snop;
	(pc) =	sbr.ind lr, $3  }
0x3a: {  	_ = 	snop  }
0x3b: {  	_ = 	snop  }
0x3c: {  	p2 =	seq.s32 s10, $0x1;
	s10 =	sld [smem:$0x3FB1]  }
0x3d: {  	_ =	shalt  }
0x3e: {  	_ =	shalt  }
0x3f: {  	_ =	shalt  }
0x40: {  	_ =	shalt  }
0x41: {  	_ =	shalt  }
0x42: {  	_ =	shalt  }
0x43: {  	_ =	shalt  }
0x44: {  	_ =	shalt  }
0x45: {  	_ =	shalt  }
0x46: {  	_ =	shalt  }
0x47: {  	_ =	shalt  }
0x48: {  	_ =	shalt  }
0x49: {  	_ =	shalt  }
0x4a: {  	_ =	shalt  }
0x4b: {  	_ =	shalt  }
0x4c: {  	_ =	shalt  }
0x4d: {  	_ =	shalt  }
0x4e: {  	_ =	shalt  }
0x4f: {  	_ =	shalt  }
0x50: {  	_ =	shalt  }
0x51: {  	_ =	shalt  }
0x52: {  	_ =	shalt  }
0x53: {  	_ =	shalt  }
0x54: {  	_ =	shalt  }
0x55: {  	_ =	shalt  }
0x56: {  	_ =	shalt  }
0x57: {  	_ =	shalt  }
0x58: {  	_ =	shalt  }
0x59: {  	_ =	shalt  }
0x5a: {  	_ =	shalt  }
0x5b: {  	_ =	shalt  }
0x5c: {  	_ =	shalt  }
0x5d: {  	_ =	shalt  }
0x5e: {  	_ =	shalt  }
0x5f: {  	_ =	shalt  }
0x60: {  	_ =	shalt  }
0x61: {  	_ =	shalt  }
0x62: {  	_ =	shalt  }
0x63: {  	_ =	shalt  }
0x64: {  	_ =	shalt  }
0x65: {  	_ =	shalt  }
0x66: {  	_ =	shalt  }
0x67: {  	_ =	shalt  }
0x68: {  	_ =	shalt  }
0x69: {  	_ =	shalt  }
0x6a: {  	_ =	shalt  }
0x6b: {  	_ =	shalt  }
0x6c: {  	_ =	shalt  }
0x6d: {  	_ =	shalt  }
0x6e: {  	_ =	shalt  }
0x6f: {  	_ =	shalt  }
0x70: {  	_ =	shalt  }
0x71: {  	_ =	shalt  }
0x72: {  	_ =	shalt  }
0x73: {  	_ =	shalt  }
0x74: {  	_ =	shalt  }
0x75: {  	_ =	shalt  }
0x76: {  	_ =	shalt  }
0x77: {  	_ =	shalt  }
0x78: {  	_ =	shalt  }
0x79: {  	_ =	shalt  }
0x7a: {  	_ =	shalt  }
0x7b: {  	_ =	shalt  }
0x7c: {  	_ =	shalt  }
0x7d: {  	_ =	shalt  }
0x7e: {  	_ =	shalt  }
0x7f: {  	_ =	shalt  }
0x80: {  	_ =	shalt  }
0x81: {  	_ =	shalt  }
0x82: {  	_ =	shalt  }
0x83: {  	_ =	shalt  }
0x84: {  	_ =	shalt  }
0x85: {  	_ =	shalt  }
0x86: {  	_ =	shalt  }
0x87: {  	_ =	shalt  }
.Lfunc_end0:
.L_simem_size_0:
called_computation.5_lowered:
.L_overlay_start_0:
0x88: {  	s0 =	sld [smem:$0x3FD9]  }
0x89: {  	s1 =	sld [smem:$0x3FFE];
	_ =	sdelay $0x3  }
0x8a: {  	s0 =	sadd.s32 s1, s0  }
0x8b: {  	[smem:$0x3FBD] =	sst s0  }
0x8c: {  	_ = 	snop  }
0x8d: {  	(tm) =	ssettm $0x1  }
0x8e: {  	s15 =	sld [smem:$0x3FFB];
	_ =	sdelay $0x3  }
0x8f: {  	_ =	strace s15  }
0x90: {  	s0 =	sld [smem:$0x3FFC];
	_ =	sdelay $0x3  }
0x91: {  	_ =	strace s0  }
0x92: {  	s0 =	sld [smem:$0x3FFD];
	_ =	sdelay $0x3  }
0x93: {  	_ =	strace s0  }
0x94: {  	_ =	strace $0x8FFFFFFF  }
0x95: {  	s16 =	sld [smem:$0x3FDB];
	_ =	sdelay $0x1  }
0x96: {  	s17 =	simm.s32 $_scs_section_size  }
0x97: {  	s2 =	simm.s32 $_size__tile_overlayer_lowered;
	s3 =	simm.s32 $_tile_overlayer_lowered  }
0x98: {  	s20 =	simm.s32 $0x1BFF;
	s19 =	sshll.u32 s3, $0x1;
	s0 =	sadd.s32 s17, s16  }
0x99: {  	s4 =	simm.s32 $0x0;
	s18 =	sshll.u32 s2, $0x1;
	s2 =	sadd.s32 s19, s0  }
0x9a: {  	[timem:s4], [sflag:s20] =	dma.local [hbm:s2], s18  }
0x9b: {  	_ =	swait.ge [sflag:s20], s18  }
0x9c: {  	s1 =	ssub.s32 $0x0, s18;
	[sflag:s20] =	ssyncset.done $0x0  }
0x9d: {  	[sflag:s20] =	ssyncadd.s32 s1;
	_ =	sdelay $0x1  }
0x9e: {  	s21 =	simm.s32 $0x1B8B  }
0x9f: {  	_ =	swait.ge [sflag:s21], $0x1  }
0xa0: {  	[sflag:s21] =	ssyncset.done $0x0  }
0xa1: {  	s23 =	simm.s32 $0x1B8E;
	s22 =	sld [smem:$0x3FFE];
	[sflag:s21] =	ssyncadd.s32 $0xFFFFFFFF  }
0xa2: {  	s24 =	simm.s32 $execute0_lowered;
	[smem:$0x3FD2] =	sst s23  }
0xa3: {  	s2 =	sshll.u32 s24, $0x1;
	_ =	strace $0x80000058;
	[dreg:$0x1] =	wrdreg $0xFFFFFFFF  }
0xa4: {  	s25 =	simm.s32 $_size_execute0_lowered;
	s0 =	sadd.s32 s0, s2;
	[dreg:$0x0] =	wrdreg $0x0  }
0xa5: {  	s2 =	sshll.u32 s25, $0x1;
	[dreg:$0x2] =	wrdreg s0  }
0xa6: {  	[dreg:$0x3] =	wrdreg s2  }
0xa7: {  	[dreg:$0x4] =	wrdreg $0xC0  }
0xa8: {  	_ =	task [dreg:s4], $0x5FFFF  }
0xa9: {  	[dreg:$0x1] =	wrdreg $0xFFFFFFFF  }
0xaa: {  	[dreg:$0x0] =	wrdreg $0x60  }
0xab: {  	[dreg:$0x2] =	wrdreg s22  }
0xac: {  	[dreg:$0x3] =	wrdreg $0xB  }
0xad: {  	_ =	task.clear_ibuf [dreg:s4], $0x4FFFF;
	_ =	strace $0x90000058  }
0xae: {  	s26 =	simm.s32 $0xB;
	_ =	strace $0x8000005A  }
0xaf: {  	_ =	swait.ge [sflag:s26], $0x1  }
0xb0: {  	[sflag:s26] =	ssyncadd.s32 $0xFFFFFFFF  }
0xb1: {  	_ =	strace $0x9000005A  }
0xb2: {  	_ =	sfence  }
0xb3: {  	s28 =	sld [smem:$0x0];
	_ =	sdelay $0x1  }
0xb4: {  	s29 =	srdreg.scid  }
0xb5: {  	s30 =	sshll.u32 s29, $0xD;
	s31 =	sshrl.u32 s29, $0x2  }
0xb6: {  	s1 =	sand.u32 $0x1, s29;
	s2 =	sand.u32 $0x4000, s30;
	s0 =	sadd.s32 s31, s28  }
0xb7: {  	s1 =	sor.u32 s2, s1;
	s0 =	sshll.u32 s0, $0x11  }
0xb8: {  	s0 =	sor.u32 s0, s1  }
0xb9: {  	s0 =	sadd.s32 $0x8F2B, s0  }
0xba: {  	[sflag:s0] =	ssyncadd.remote.s32 $0x1  }
0xbb: {  	_ =	sfence.sel $0xFFFF  }
0xbc: {  	[dreg:$0x0] =	wrdreg $0xFFFFFFFF;
	(pc) =	sbr.abs _section_cstart, $3  }
0xbd: {  	[dreg:$0x1] =	wrdreg $0xFFFFFFFF  }
0xbe: {  	_ =	task.clear_ibuf [dreg:s4], $0x2FFFF;
	_ =	strace $0x9FFFFFFF  }
0xbf: {  	(tm) =	ssettm $0x7FFFFFFF  }
tec
execute0_lowered:
.L_overlay_start_1:
0x0: {  	(tag) =	ssettag $0x1  }
0x1: {  	s0 =	stileid.u32  }
0x2: {  	s1 =	smin.u32 s0, $0x9  }
0x3: {  	s1 =	sadd.s32 s0, s1  }
0x4: {  	s2 =	simm.s32 $0x190;
	p0 =	slt.u32 s0, $0x9;
	s1 =	smul.u32 $0xC8, s1  }
0x5: {  	s2 =	simm.s32 @!p0 $0xC8  }
0x6: {  	s2 =	sadd.s32 s2, s1  }
0x7: {  	s3 =	smin.u32 s2, $0x1388  }
0x8: {  	s7 =	ssub.s32 s3, s1  }
0x9: {  	p0 =	sgt.s32 s7, $0x0  }
0xa: {  	s7 =	simm.s32 @!p0 $0x0  }
0xb: {  	s31 =	sand.u32 $0xFFF8, s7  }
0xc: {  	s2 =	sshrl.u32 s31, $0x3  }
0xd: {  	s4 =	smul.u32 $0x147B, s2  }
0xe: {  	s9 =	rddreg [dreg:$0x0];
	s6 =	simm.s32 $0x1;
	s11 =	simm.s32 $0x3  }
0xf: {  	s13 =	simm.s32 $0x0;
	s12 =	simm.s32 $0x0;
	s8 =	sshrl.u32 s4, $0x11  }
0x10: {  	s2 =	rddreg [dreg:$0x1];
	_ =	strace $0x80000059;
	s10 =	smul.u32 $0xC8, s8  }
.Ltmp0:
0x11: {  	s5 =	sadd.s32 $0x800, s9;
	[sflag:s6] =	ssyncpa.u1 $0x0;
	(pc) =	sbr.rel .LBB2_1-.Ltmp0, $4  }
0x12: {  	s4 =	sadd.s32 $0x1910A00, s9;
	p0 =	sne.s32 s7, s10;
	s10 =	simm.s32 $0x1  }
0x13: {  	s9 =	sadd.s32 $0x1937C00, s9;
	s7 =	simm.s32 $0x2;
	s10 =	simm.s32 @!p0 $0x0  }
0x14: {  	[sflag:s7] =	ssyncpa.u1 $0x0;
	p0 =	por $0x0, $0x0;
	s8 =	sadd.s32 s8, s10  }
0x15: {  	vm0 =	vmmov $0xff;
	vm1 =	vcmask $0x3F20;
	[sflag:s11] =	ssyncpa.u1 $0x0;
	s11 =	smov.u32 s1;
	s10 =	sadd.s32 $0x1, s8  }
.LBB2_6:
0x16: {  	[hbm:s17] =	stream.linear.scatter [tilespmem:s14], [sflag:$0x3], $0x400, $0x38;
	[tilespmem:$0xC990] =	vst v63  }
.LBB2_7:
0x17: {  	s13 =	sadd.s32 $0xC8, s11  }
0x18: {  	s15 =	smov.u32 s1;
	p2 =	slt.s32 s13, s3  }
0x19: {  	s15 =	smov.u32 @p2 s13;
	p2 =	sne.s32 s12, s10  }
.Ltmp1:
0x1a: {  	p1 =	slt.u32 s12, $0x2;
	(pc) =	sbr.rel @!p2 .LBB2_8-.Ltmp1, $4  }
0x1b: {  	s14 =	simm.s32 @!p1 $0x3  }
0x1c: {  	s16 =	sadd.s32 $0x1, s12;
	_ =	swait.ge @!p1 [sflag:s14], $0x6400  }
0x1d: {  	p0 =	por !p0, !p0;
	s13 =	smov.u32 s11;
	[sflag:s14] =	ssyncset.done @!p1 $0x0  }
0x1e: {  	s12 =	smov.u32 s16;
	s11 =	smov.u32 s15;
	[sflag:s14] =	ssyncadd.s32 @!p1 $0xFFFF9C00  }
.LBB2_1:
0x1f: {  	p1 =	sge.u32 s12, s8  }
0x20: {  	s14 =	sxor.u32 @!p1 $0xFFFFFFFF, s12  }
0x21: {  	s14 =	sand.u32 @!p1 $0x1, s14  }
0x22: {  	s14 =	smul.u32 @!p1 $0x320, s14  }
0x23: {  	s31 =	sadd.s32 $0xFFFFFFFF, s12;
	s15 =	sshrl.u32 @!p1 s11, $0x3  }
0x24: {  	s16 =	sand.u32 @!p1 $0x7, s11;
	s15 =	sadd.s32 @!p1 s5, s15;
	s14 =	sshrl.u32 @!p1 s14, $0x2  }
0x25: {  	[tilespmem:s14], [sflag:$0x2] =	stream.linear.gather @!p1 [hbm4b:s15+s16], $0xC8, $0x38;
	[tilespmem:$0xC990] =	vst v63  }
0x26: {  	p1 =	sge.u32 s31, s8  }
.Ltmp2:
0x27: {  	_ = 	snop;
	(pc) =	sbr.rel @p1 .LBB2_7-.Ltmp2, $1  }
0x28: {  	_ =	sdelay $0x3  }
0x29: {  	s14 =	simm.s32 $0x1  }
0x2a: {  	s14 =	simm.s32 @!p0 $0x0  }
0x2b: {  	s15 =	smul.u32 $0x320, s14  }
0x2c: {  	_ =	swait.ge [sflag:s7], $0xC8  }
0x2d: {  	[sflag:s7] =	ssyncset.done $0x0;
	s16 =	sshrl.u32 s15, $0x2  }
0x2e: {  	[sflag:s7] =	ssyncadd.s32 $0xFFFFFF38;
	s15 =	sadd.s32 $0x0, s16  }
0x2f: {  	v0 =	vld.msk [tilespmem:s15+$0x0 ss:$0x1], $0xffff;
	_ =	sdelay $0x4  }
0x30: {  	vm2 =	vgt.s32 v0, $0x0  }
0x31: {  	v0 =	vnsel vm2, $0x0, v0  }
0x32: {  	v0 =	vmin.u32 v0, $0x270F  }
0x33: {  	v0 =	vshll.u32 v0, $0x4  }
0x34: {  	s14 =	smul.u32 $0x19000, s14  }
0x35: {  	s31 =	sand.u32 $0x1, s12  }
0x36: {  	s17 =	smul.u32 $0x320, s31;
	s14 =	sshrl.u32 s14, $0x2  }
0x37: {  	s19 =	smul.u32 $0x19000, s31;
	s14 =	sor.u32 $0x190, s14  }
0x38: {  	[tilespmem:s14], [sflag:$0x1] =	stream.indirect_vreg.gather [hbm:s4], $0x80, v0, vm0, $0x38;
	[tilespmem:$0xC990] =	vst v63  }
0x39: {  	s18 =	sshrl.u32 s17, $0x2;
	s20 =	sadd.s32 $0x10, s16;
	s15 =	sadd.s32 $0x400, s14  }
0x3a: {  	[tilespmem:s15], [sflag:$0x1] =	stream.indirect_vreg.gather [hbm:s4], $0x80, v0, vm1, $0x38;
	[tilespmem:$0xC990] =	vst v63  }
0x3b: {  	s17 =	sshrl.u32 s19, $0x2;
	s19 =	smov.u32 s14;
	v0 =	vld.msk [tilespmem:s20+$0x0 ss:$0x1], $0xffff;
	s20 =	simm.s32 $0x80  }
.LBB2_3:
0x3c: {  	p1 =	sne.s32 s20, $0x2C0;
	_ =	sdelay $0x4  }
0x3d: {  	vm2 =	vgt.s32 v0, $0x0  }
0x3e: {  	v0 =	vnsel vm2, $0x0, v0  }
0x3f: {  	v0 =	vmin.u32 v0, $0x270F  }
0x40: {  	v0 =	vshll.u32 v0, $0x4;
	_ =	sdelay $0x3  }
.Ltmp3:
0x41: {  	s21 =	sshra.s32 s20, $0x2;
	s19 =	sadd.s32 $0x800, s19;
	(pc) =	sbr.rel @p1 .LBB2_3-.Ltmp3, $4  }
0x42: {  	[tilespmem:s19], [sflag:$0x1] =	stream.indirect_vreg.gather [hbm:s4], $0x80, v0, vm0, $0x38;
	[tilespmem:$0xC990] =	vst v63  }
0x43: {  	s21 =	sadd.s32 s21, s16;
	s22 =	sadd.s32 $0x400, s19  }
0x44: {  	[tilespmem:s22], [sflag:$0x1] =	stream.indirect_vreg.gather [hbm:s4], $0x80, v0, vm1, $0x38;
	[tilespmem:$0xC990] =	vst v63  }
0x45: {  	s20 =	sadd.s32 $0x40, s20;
	v0 =	vld.msk [tilespmem:s21+$0x0 ss:$0x1], $0xffff  }
0x46: {  	_ =	sdelay $0x3  }
0x47: {  	vm2 =	vgt.s32 v0, $0x0  }
0x48: {  	v0 =	vnsel vm2, $0x0, v0  }
0x49: {  	v0 =	vmin.u32 v0, $0x270F  }
0x4a: {  	v0 =	vshll.u32 v0, $0x4;
	_ =	sdelay $0x3  }
0x4b: {  	s16 =	sadd.s32 $0x800, s19  }
0x4c: {  	[tilespmem:s16], [sflag:$0x1] =	stream.indirect_vreg.gather [hbm:s4], $0x80, v0, vm0, $0x38;
	[tilespmem:$0xC990] =	vst v63  }
0x4d: {  	s16 =	sadd.s32 $0x400, s16  }
0x4e: {  	[tilespmem:s16], [sflag:$0x1] =	stream.indirect_vreg.gather [hbm:s4], $0x80, v0, vm1, $0x38;
	[tilespmem:$0xC990] =	vst v63  }
0x4f: {  	v0 =	vld.msk [tilespmem:s18+$0xC0 ss:$0x1], $0xff;
	_ =	sdelay $0x4  }
0x50: {  	vm2 =	vgt.s32 v0, $0x0  }
0x51: {  	v0 =	vnsel vm2, $0x0, v0  }
0x52: {  	v0 =	vmin.u32 v0, $0x270F  }
0x53: {  	v0 =	vshll.u32 v0, $0x4;
	_ =	sdelay $0x3  }
0x54: {  	s31 =	sadd.s32 $0x6190, s17  }
0x55: {  	[tilespmem:s31], [sflag:$0x1] =	stream.indirect_vreg.gather [hbm:s4], $0x80, v0, vm0, $0x38;
	[tilespmem:$0xC990] =	vst v63  }
0x56: {  	s13 =	sshll.u32 s13, $0x4;
	_ =	swait.ge [sflag:s6], $0x6400  }
0x57: {  	s13 =	sadd.s32 s13, s9;
	[sflag:s6] =	ssyncset.done $0x0  }
0x58: {  	s17 =	sadd.s32 $0x0, s13;
	s16 =	simm.s32 $0x80;
	[sflag:s6] =	ssyncadd.s32 $0xFFFF9C00  }
.LBB2_5:
0x59: {  	[hbm:s17] =	stream.linear.scatter [tilespmem:s14], [sflag:$0x3], $0x400, $0x38;
	[tilespmem:$0xC990] =	vst v63  }
0x5a: {  	s17 =	smov.u32 s16;
	s14 =	smov.u32 s15;
	p1 =	sne.s32 s16, $0xC00  }
.Ltmp4:
0x5b: {  	s16 =	sadd.s32 $0x80, s16;
	(pc) =	sbr.rel @p1 .LBB2_5-.Ltmp4, $2  }
0x5c: {  	_ =	sdelay $0x2  }
0x5d: {  	s15 =	sadd.s32 $0x400, s15;
	s17 =	sadd.s32 s17, s13  }
.Ltmp5:
0x5e: {  	_ = 	snop;
	(pc) =	sbr.rel .LBB2_6-.Ltmp5, $1  }
0x5f: {  	_ =	sdelay $0x3  }
.LBB2_8:
0x60: {  	_ =	sfence.sel $0x180000  }
0x61: {  	s1 =	simm.s32 $0x2;
	[bflag:$0x0] =	sbarrier.arrive $0xFFFF  }
0x62: {  	s30 =	simm.s32 $0x3;
	[sflag:s1] =	ssyncpa.u1 $0x1  }
0x63: {  	s31 =	simm.s32 $0x1;
	[sflag:s30] =	ssyncpa.u1 $0x1  }
0x64: {  	[sflag:s31] =	ssyncpa.u1 $0x1  }
0x65: {  	p0 =	sne.s32 s0, $0x0;
	_ =	strace $0x90000059  }
0x66: {  	s0 =	sadd.s32 @!p0 $0x100000, s2;
	[bflag:$0x2] =	sbarrier.arrive $0xFFFF  }
0x67: {  	[sflag:s0] =	ssyncadd.tile.s32 @!p0 $0x1;
	_ =	shalt  }
.Lfunc_end2:
_tile_overlayer_lowered:
.L_overlay_start_2:
0x68: {  	(tag) =	ssettag $0x2  }
0x69: {  	s0 =	rddreg [dreg:$0x0];
	s2 =	stileid.u32  }
0x6a: {  	s1 =	rddreg [dreg:$0x1];
	p0 =	sne.s32 s2, $0x0  }
0x6b: {  	s3 =	rddreg [dreg:$0x2];
	[bflag:$0x3] =	sbarrier.arrive $0xFFFF;
	s2 =	simm.s32 @!p0 $0x1C01  }
0x6c: {  	[timem:s3], [sflag:s2] =	dma.local @!p0 [hbm:s0], s1  }
0x6d: {  	s0 =	simm.s32 @!p0 $0x1  }
0x6e: {  	_ =	swait.ge @!p0 [sflag:s0], s1  }
0x6f: {  	s1 =	ssub.s32 @!p0 $0x0, s1;
	[sflag:s0] =	ssyncset.done @!p0 $0x0  }
0x70: {  	[sflag:s0] =	ssyncadd.s32 @!p0 s1  }
0x71: {  	[bflag:$0x3] =	sbarrier.arrive $0xFFFF  }
0x72: {  	_ =	shalt  }

// kernel: gather_offload_async_start.2
scs
__scs_entry_jumppad:
0x0: {  	(pc) =	sbr.rel $0x88, $3  }
0x1: {  	(tag) =	ssettag $0x0;
	lr =	simm.s32 $0x1  }
0x2: {  	[smem:$0x3F96] =	sst lr;
	_ =	strace $0xD0000000  }
0x3: {  	_ = 	snop  }
0x4: {  	_ = 	snop  }
0x5: {  	_ = 	snop  }
0x6: {  	_ = 	snop  }
0x7: {  	_ = 	snop  }
__scs_overlays_trampoline_lowered:
0x8: {  	[smem:$0x3FA5] =	sst s0  }
0x9: {  	[smem:$0x3FA6] =	sst s1  }
0xa: {  	[smem:$0x3FA7] =	sst s2  }
0xb: {  	[smem:$0x3FA8] =	sst s3  }
0xc: {  	[smem:$0x3FA9] =	sst s4  }
0xd: {  	[smem:$0x3FAA] =	sst s5  }
0xe: {  	[smem:$0x3FAB] =	sst s6  }
0xf: {  	[smem:$0x3FAC] =	sst s7  }
0x10: {  	[smem:$0x3FAD] =	sst s8  }
0x11: {  	[smem:$0x3FAE] =	sst s9;
	s0 =	simm.s32 @!p0 $0x0  }
0x12: {  	s1 =	sld [smem:$0x3F94];
	s0 =	simm.s32 @p0 $0x1  }
0x13: {  	[smem:$0x3FAF] =	sst s0;
	s0 =	simm.s32 @!p1 $0x0  }
0x14: {  	s2 =	sld [smem:$0x3F93];
	s0 =	simm.s32 @p1 $0x1  }
0x15: {  	[smem:$0x3FB0] =	sst s0;
	s0 =	simm.s32 @!p2 $0x0  }
0x16: {  	s3 =	sld [smem:$0x3FDB];
	s0 =	simm.s32 @p2 $0x1  }
0x17: {  	s4 =	simm.s32 $0x1BF5;
	[smem:$0x3FB2] =	sst s0  }
0x18: {  	s0 =	sld [smem:$0x3F95];
	_ =	swait.ge [sflag:s4], $0x0  }
0x19: {  	s7 =	sld [smem:$0x3F96]  }
0x1a: {  	s8 =	sadd.s32 $0xFFFFE003, lr  }
0x1b: {  	s9 =	sadd.s32 $0xFFFFFEF7, lr;
	s5 =	simm.s32 $0xFFFFFFFF;
	p2 =	slt.u32 s8, $0xFFFFF086  }
0x1c: {  	p1 =	slt.u32 s9, $0xF7A;
	s5 =	simm.s32 @!p2 $0x0  }
0x1d: {  	s5 =	simm.s32 @p1 $0x1;
	p0 =	seq.s32 s7, s2  }
0x1e: {  	s7 =	smul.u32 @!p0 $0xF7A, s2;
	p2 =	seq.s32 @!p0 s5, $0x0  }
0x1f: {  	s9 =	smul.u32 $0xF7A, s1;
	s8 =	simm.s32 @!p0 $0x1BF5;
	p2 =	por !p2, p0  }
0x20: {  	[sflag:s8] =	ssyncset.s32 @!p0 $0xFFFFF086;
	s6 =	sadd.s32 @!p0 s3, s7;
	s7 =	simm.s32 @!p0 $0x108  }
0x21: {  	s3 =	sadd.s32 s3, s9;
	s6 =	sadd.s32 @!p0 $0x88, s6;
	s7 =	simm.s32 @p2 $0x1082  }
0x22: {  	[simem:s7], [sflag:s8] =	dma.local @!p0 [hbm:s6], $0xF7A  }
0x23: {  	s9 =	sor.u32 $0xD0000000, s2;
	s6 =	simm.s32 $0x108;
	_ =	swait.ge @!p0 [sflag:s8], $0x0  }
0x24: {  	s3 =	sadd.s32 $0x88, s3;
	s6 =	simm.s32 @!p1 $0x1082;
	[sflag:s4] =	ssyncset.s32 $0xFFFFF086  }
0x25: {  	[simem:s6], [sflag:s4] =	dma.local [hbm:s3], $0xF7A  }
0x26: {  	[smem:$0x3F96] =	sst s1;
	(tag) =	ssettag s2;
	_ =	strace s9  }
0x27: {  	s1 =	sld [smem:$0x3FA6]  }
0x28: {  	s2 =	sld [smem:$0x3FA7]  }
0x29: {  	s4 =	sld [smem:$0x3FA9]  }
0x2a: {  	p0 =	seq.s32 s5, $0x0;
	s5 =	sld [smem:$0x3FAA]  }
0x2b: {  	s6 =	sld [smem:$0x3FAB]  }
0x2c: {  	s7 =	sld [smem:$0x3FAC]  }
0x2d: {  	s3 =	simm.s32 $0x108;
	s8 =	sld [smem:$0x3FAD]  }
0x2e: {  	s3 =	simm.s32 @!p0 $0x1082;
	s9 =	sld [smem:$0x3FAE]  }
0x2f: {  	lr =	sadd.s32 s0, s3;
	s0 =	sld [smem:$0x3FA5]  }
0x30: {  	s3 =	sld [smem:$0x3FA8]  }
0x31: {  	[smem:$0x3FB1] =	sst s10  }
0x32: {  	s10 =	sld [smem:$0x3FAF];
	_ =	sdelay $0x3  }
0x33: {  	p0 =	seq.s32 s10, $0x1;
	s10 =	sld [smem:$0x3FB1];
	_ =	sdelay $0x3  }
0x34: {  	[smem:$0x3FB1] =	sst s10  }
0x35: {  	s10 =	sld [smem:$0x3FB0];
	_ =	sdelay $0x3  }
0x36: {  	p1 =	seq.s32 s10, $0x1;
	s10 =	sld [smem:$0x3FB1];
	_ =	sdelay $0x3  }
0x37: {  	[smem:$0x3FB1] =	sst s10  }
0x38: {  	s10 =	sld [smem:$0x3FB2]  }
0x39: {  	_ = 	snop;
	(pc) =	sbr.ind lr, $3  }
0x3a: {  	_ = 	snop  }
0x3b: {  	_ = 	snop  }
0x3c: {  	p2 =	seq.s32 s10, $0x1;
	s10 =	sld [smem:$0x3FB1]  }
0x3d: {  	_ =	shalt  }
0x3e: {  	_ =	shalt  }
0x3f: {  	_ =	shalt  }
0x40: {  	_ =	shalt  }
0x41: {  	_ =	shalt  }
0x42: {  	_ =	shalt  }
0x43: {  	_ =	shalt  }
0x44: {  	_ =	shalt  }
0x45: {  	_ =	shalt  }
0x46: {  	_ =	shalt  }
0x47: {  	_ =	shalt  }
0x48: {  	_ =	shalt  }
0x49: {  	_ =	shalt  }
0x4a: {  	_ =	shalt  }
0x4b: {  	_ =	shalt  }
0x4c: {  	_ =	shalt  }
0x4d: {  	_ =	shalt  }
0x4e: {  	_ =	shalt  }
0x4f: {  	_ =	shalt  }
0x50: {  	_ =	shalt  }
0x51: {  	_ =	shalt  }
0x52: {  	_ =	shalt  }
0x53: {  	_ =	shalt  }
0x54: {  	_ =	shalt  }
0x55: {  	_ =	shalt  }
0x56: {  	_ =	shalt  }
0x57: {  	_ =	shalt  }
0x58: {  	_ =	shalt  }
0x59: {  	_ =	shalt  }
0x5a: {  	_ =	shalt  }
0x5b: {  	_ =	shalt  }
0x5c: {  	_ =	shalt  }
0x5d: {  	_ =	shalt  }
0x5e: {  	_ =	shalt  }
0x5f: {  	_ =	shalt  }
0x60: {  	_ =	shalt  }
0x61: {  	_ =	shalt  }
0x62: {  	_ =	shalt  }
0x63: {  	_ =	shalt  }
0x64: {  	_ =	shalt  }
0x65: {  	_ =	shalt  }
0x66: {  	_ =	shalt  }
0x67: {  	_ =	shalt  }
0x68: {  	_ =	shalt  }
0x69: {  	_ =	shalt  }
0x6a: {  	_ =	shalt  }
0x6b: {  	_ =	shalt  }
0x6c: {  	_ =	shalt  }
0x6d: {  	_ =	shalt  }
0x6e: {  	_ =	shalt  }
0x6f: {  	_ =	shalt  }
0x70: {  	_ =	shalt  }
0x71: {  	_ =	shalt  }
0x72: {  	_ =	shalt  }
0x73: {  	_ =	shalt  }
0x74: {  	_ =	shalt  }
0x75: {  	_ =	shalt  }
0x76: {  	_ =	shalt  }
0x77: {  	_ =	shalt  }
0x78: {  	_ =	shalt  }
0x79: {  	_ =	shalt  }
0x7a: {  	_ =	shalt  }
0x7b: {  	_ =	shalt  }
0x7c: {  	_ =	shalt  }
0x7d: {  	_ =	shalt  }
0x7e: {  	_ =	shalt  }
0x7f: {  	_ =	shalt  }
0x80: {  	_ =	shalt  }
0x81: {  	_ =	shalt  }
0x82: {  	_ =	shalt  }
0x83: {  	_ =	shalt  }
0x84: {  	_ =	shalt  }
0x85: {  	_ =	shalt  }
0x86: {  	_ =	shalt  }
0x87: {  	_ =	shalt  }
.Lfunc_end0:
.L_simem_size_0:
called_computation.6_lowered:
.L_overlay_start_0:
0x88: {  	s2 =	sld [smem:$0x3FD9]  }
0x89: {  	s3 =	sld [smem:$0x3FFE];
	_ =	sdelay $0x1  }
0x8a: {  	s1 =	srdreg.scid  }
0x8b: {  	s0 =	sand.u32 $0x1, s1  }
0x8c: {  	s17 =	sshll.u32 s0, $0xA;
	s2 =	sadd.s32 s3, s2  }
0x8d: {  	s2 =	sadd.s32 s2, s17  }
0x8e: {  	[smem:$0x3FBD] =	sst s2  }
0x8f: {  	_ = 	snop  }
0x90: {  	(tm) =	ssettm $0x1  }
0x91: {  	s18 =	sld [smem:$0x3FFB];
	_ =	sdelay $0x3  }
0x92: {  	_ =	strace s18  }
0x93: {  	s2 =	sld [smem:$0x3FFC];
	_ =	sdelay $0x3  }
0x94: {  	_ =	strace s2  }
0x95: {  	s2 =	sld [smem:$0x3FFD];
	_ =	sdelay $0x3  }
0x96: {  	_ =	strace s2  }
0x97: {  	_ =	strace $0x8FFFFFFF  }
0x98: {  	s19 =	sld [smem:$0x3FDB];
	_ =	sdelay $0x1  }
0x99: {  	s20 =	simm.s32 $_scs_section_size  }
0x9a: {  	s4 =	simm.s32 $_size__tile_overlayer_lowered;
	s5 =	simm.s32 $_tile_overlayer_lowered  }
0x9b: {  	s6 =	simm.s32 $0x1BFF;
	s21 =	sshll.u32 s5, $0x1;
	s3 =	sadd.s32 s20, s19  }
0x9c: {  	s22 =	simm.s32 $0x0;
	s4 =	sshll.u32 s4, $0x1;
	s5 =	sadd.s32 s21, s3  }
0x9d: {  	[timem:s22], [sflag:s6] =	dma.local [hbm:s5], s4  }
0x9e: {  	_ =	swait.ge [sflag:s6], s4  }
0x9f: {  	s4 =	ssub.s32 $0x0, s4;
	[sflag:s6] =	ssyncset.done $0x0  }
0xa0: {  	[sflag:s6] =	ssyncadd.s32 s4;
	_ =	sdelay $0x1  }
0xa1: {  	s23 =	simm.s32 $0x1B8B  }
0xa2: {  	_ =	swait.ge [sflag:s23], $0x1  }
0xa3: {  	[sflag:s23] =	ssyncset.done $0x0  }
0xa4: {  	[sflag:s23] =	ssyncadd.s32 $0xFFFFFFFF  }
0xa5: {  	s4 =	sld [smem:$0x0]  }
0xa6: {  	s5 =	sand.u32 $0xFFFFFFFE, s1  }
0xa7: {  	p0 =	sne.s32 s1, s5  }
0xa8: {  	s5 =	sshll.u32 @p0 s5, $0xE  }
0xa9: {  	s5 =	sadd.s32 @p0 $0x11B8D, s5;
	s6 =	sshll.u32 @p0 s4, $0x11  }
0xaa: {  	s5 =	sor.u32 @p0 s6, s5  }
0xab: {  	[sflag:s5] =	ssyncadd.remote.s32 @p0 $0x1;
	_ =	sdelay $0x1  }
0xac: {  	s5 =	simm.s32 @p0 $0x1B8D  }
0xad: {  	_ =	swait.eq @p0 [sflag:s5], $0x1  }
0xae: {  	[sflag:s5] =	ssyncadd.s32 @p0 $0xFFFFFFFF  }
0xaf: {  	s6 =	sshll.u32 @!p0 s1, $0xE  }
0xb0: {  	s6 =	sor.u32 @!p0 $0x4000, s6;
	s5 =	simm.s32 @!p0 $0x1B8D  }
0xb1: {  	s4 =	sshll.u32 @!p0 s4, $0x11;
	s6 =	sadd.s32 @!p0 $0x11B8D, s6;
	_ =	swait.eq @!p0 [sflag:s5], $0x1  }
0xb2: {  	s4 =	sor.u32 @!p0 s4, s6;
	[sflag:s5] =	ssyncadd.s32 @!p0 $0xFFFFFFFF  }
0xb3: {  	s25 =	simm.s32 $0x1B8E;
	s24 =	sld [smem:$0x3FFE];
	[sflag:s4] =	ssyncadd.remote.s32 @!p0 $0x1  }
0xb4: {  	s26 =	simm.s32 $execute0_lowered;
	[smem:$0x3FD2] =	sst s25  }
0xb5: {  	s5 =	sshll.u32 s26, $0x1;
	_ =	strace $0x8000005E;
	[dreg:$0x1] =	wrdreg $0xFFFFFFFF  }
0xb6: {  	s28 =	simm.s32 $_size_execute0_lowered;
	s3 =	sadd.s32 s3, s5;
	[dreg:$0x0] =	wrdreg $0x0  }
0xb7: {  	s5 =	sshll.u32 s28, $0x1;
	[dreg:$0x2] =	wrdreg s3  }
0xb8: {  	[dreg:$0x3] =	wrdreg s5  }
0xb9: {  	[dreg:$0x4] =	wrdreg $0xC0  }
0xba: {  	_ =	task [dreg:s22], $0x5FFFF  }
0xbb: {  	[dreg:$0x1] =	wrdreg $0xFFFFFFFF  }
0xbc: {  	[dreg:$0x0] =	wrdreg $0x60  }
0xbd: {  	[dreg:$0x2] =	wrdreg s24  }
0xbe: {  	[dreg:$0x3] =	wrdreg $0x9  }
0xbf: {  	_ =	task.clear_ibuf [dreg:s22], $0x4FFFF;
	_ =	strace $0x9000005E  }
0xc0: {  	s29 =	simm.s32 $0x9;
	_ =	strace $0x80000060  }
0xc1: {  	_ =	swait.ge [sflag:s29], $0x1  }
0xc2: {  	[sflag:s29] =	ssyncadd.s32 $0xFFFFFFFF  }
0xc3: {  	_ =	strace $0x90000060  }
0xc4: {  	_ =	sfence  }
0xc5: {  	s30 =	sld [smem:$0x0];
	_ =	sdelay $0x2  }
0xc6: {  	s31 =	sshll.u32 s1, $0xD;
	s1 =	sshrl.u32 s1, $0x2  }
0xc7: {  	s4 =	sand.u32 $0x4000, s31;
	s1 =	sadd.s32 s1, s30  }
0xc8: {  	s0 =	sor.u32 s4, s0;
	s1 =	sshll.u32 s1, $0x11  }
0xc9: {  	s0 =	sor.u32 s1, s0  }
0xca: {  	s0 =	sadd.s32 $0x8F2B, s0  }
0xcb: {  	[sflag:s0] =	ssyncadd.remote.s32 $0x1  }
0xcc: {  	_ =	sfence.sel $0xFFFF  }
0xcd: {  	[dreg:$0x0] =	wrdreg $0xFFFFFFFF;
	(pc) =	sbr.abs _section_cstart, $3  }
0xce: {  	[dreg:$0x1] =	wrdreg $0xFFFFFFFF  }
0xcf: {  	_ =	task.clear_ibuf [dreg:s22], $0x2FFFF;
	_ =	strace $0x9FFFFFFF  }
0xd0: {  	(tm) =	ssettm $0x7FFFFFFF  }
0xd1: {  	_ =	shalt  }
tec
execute0_lowered:
.L_overlay_start_1:
0x0: {  	(tag) =	ssettag $0x1  }
0x1: {  	s7 =	rddreg [dreg:$0x0]  }
0x2: {  	s1 =	srdreg.scid;
	s0 =	rddreg [dreg:$0x1]  }
0x3: {  	_ =	strace $0x8000005F;
	s3 =	simm.s32 $0x1;
	s5 =	simm.s32 $0x2  }
0x4: {  	s9 =	simm.s32 $0x3;
	s11 =	simm.s32 $0x0;
	s2 =	sshll.u32 s1, $0x4  }
.Ltmp0:
0x5: {  	s1 =	stileid.u32;
	s4 =	sand.u32 $0x10, s2;
	(pc) =	sbr.rel .LBB2_1-.Ltmp0, $4  }
0x6: {  	p0 =	por $0x0, $0x0;
	[sflag:s3] =	ssyncpa.u1 $0x0;
	s4 =	sor.u32 s1, s4  }
0x7: {  	s6 =	sadd.s32 $0x1000, s7;
	[sflag:s5] =	ssyncpa.u1 $0x0;
	s4 =	smul.u32 $0xA0, s4  }
0x8: {  	s2 =	sadd.s32 $0x25E5E00, s7;
	s7 =	sadd.s32 $0x12CB600, s7;
	[sflag:s9] =	ssyncpa.u1 $0x0  }
0x9: {  	vm0 =	vmmov $0xf;
	s9 =	simm.s32 $0x0;
	s8 =	sadd.s32 $0xA0, s4;
	s10 =	smov.u32 s4  }
.LBB2_6:
0xa: {  	[hbm:s15] =	stream.linear.scatter [tilespmem:s12], [sflag:$0x3], $0x200, $0x38;
	[tilespmem:$0x14008] =	vst v63  }
.LBB2_7:
0xb: {  	p1 =	slt.u32 s9, $0x2;
	s11 =	sadd.s32 $0x4, s10  }
0xc: {  	s13 =	smov.u32 s4;
	s9 =	sadd.s32 $0x1, s9;
	p2 =	slt.s32 s11, s8  }
0xd: {  	s13 =	smov.u32 @p2 s11;
	p2 =	sne.s32 s9, $0x2A  }
.Ltmp1:
0xe: {  	_ = 	snop;
	(pc) =	sbr.rel @!p2 .LBB2_8-.Ltmp1, $4  }
0xf: {  	s12 =	simm.s32 @!p1 $0x3  }
0x10: {  	_ =	swait.ge @!p1 [sflag:s12], $0xA000  }
0x11: {  	p0 =	por !p0, !p0;
	[sflag:s12] =	ssyncset.done @!p1 $0x0  }
0x12: {  	s11 =	smov.u32 s10;
	s10 =	smov.u32 s13;
	[sflag:s12] =	ssyncadd.s32 @!p1 $0xFFFF6000  }
.LBB2_1:
0x13: {  	p1 =	sgt.u32 s9, $0x27  }
0x14: {  	s12 =	sxor.u32 @!p1 $0xFFFFFFFF, s9  }
0x15: {  	s31 =	sadd.s32 $0xFFFFFFFF, s9;
	s13 =	sshrl.u32 @!p1 s10, $0x3;
	s12 =	sshll.u32 @!p1 s12, $0x2  }
0x16: {  	s14 =	sand.u32 @!p1 $0x7, s10;
	s13 =	sadd.s32 @!p1 s6, s13;
	s12 =	sand.u32 @!p1 $0x4, s12  }
0x17: {  	[tilespmem:s12], [sflag:$0x2] =	stream.linear.gather @!p1 [hbm4b:s13+s14], $0x4, $0x38;
	[tilespmem:$0x14008] =	vst v63  }
0x18: {  	p1 =	sgt.u32 s31, $0x27  }
.Ltmp2:
0x19: {  	_ = 	snop;
	(pc) =	sbr.rel @p1 .LBB2_7-.Ltmp2, $1  }
0x1a: {  	_ =	sdelay $0x3  }
0x1b: {  	_ =	swait.ge [sflag:s5], $0x4  }
0x1c: {  	s12 =	sand.u32 $0x1, s9;
	[sflag:s5] =	ssyncset.done $0x0  }
0x1d: {  	s12 =	sshll.u32 s12, $0x2;
	[sflag:s5] =	ssyncadd.s32 $0xFFFFFFFC  }
0x1e: {  	v0 =	vld.msk [tilespmem:s12+$0x0 ss:$0x1], $0xf;
	_ =	sdelay $0x4  }
0x1f: {  	vm1 =	vgt.s32 v0, $0x0  }
0x20: {  	v0 =	vnsel vm1, $0x0, v0  }
0x21: {  	v0 =	vmin.u32 v0, $0x27FF  }
0x22: {  	v1 =	vshrl.u32 v0, $0x3  }
0x23: {  	v0 =	vshll.u32 v0, $0x7;
	v1 =	vmul.u32 $0x14000, v1  }
0x24: {  	s12 =	simm.s32 $0x1;
	v0 =	vand.u32 $0x380, v0  }
0x25: {  	s12 =	simm.s32 @!p0 $0x0;
	v0 =	vor.u32 v0, v1  }
0x26: {  	s12 =	smul.u32 $0x28000, s12;
	v0 =	vshrl.u32 v0, $0x3;
	_ =	sdelay $0x1  }
0x27: {  	s12 =	sshrl.u32 s12, $0x2  }
0x28: {  	s12 =	sor.u32 $0x8, s12  }
0x29: {  	s13 =	simm.s32 $0x800;
	s14 =	sadd.s32 $0x0, s12  }
.LBB2_3:
0x2a: {  	[tilespmem:s14], [sflag:$0x1] =	stream.indirect_vreg.gather [hbm:s2], $0x80, v0, vm0, $0x38;
	[tilespmem:$0x14008] =	vst v63  }
0x2b: {  	v0 =	vadd.s32 $0x80, v0;
	s14 =	smov.u32 s13;
	p1 =	sne.s32 s13, $0x27800  }
.Ltmp3:
0x2c: {  	s13 =	sadd.s32 $0x800, s13;
	(pc) =	sbr.rel @p1 .LBB2_3-.Ltmp3, $3  }
0x2d: {  	_ =	sdelay $0x1  }
0x2e: {  	s14 =	sshra.s32 s14, $0x2  }
0x2f: {  	s14 =	sadd.s32 s14, s12  }
0x30: {  	_ =	sdelay $0x3  }
0x31: {  	[tilespmem:s14], [sflag:$0x1] =	stream.indirect_vreg.gather [hbm:s2], $0x80, v0, vm0, $0x38;
	[tilespmem:$0x14008] =	vst v63  }
0x32: {  	s13 =	sshrl.u32 s11, $0x3  }
0x33: {  	s13 =	smul.u32 $0x2800, s13  }
0x34: {  	s31 =	sshll.u32 s11, $0x4  }
0x35: {  	_ =	swait.ge [sflag:s3], $0xA000;
	s11 =	sand.u32 $0x70, s31;
	s13 =	sadd.s32 s13, s7  }
0x36: {  	s14 =	sadd.s32 $0x200, s12;
	[sflag:s3] =	ssyncset.done $0x0;
	s11 =	sadd.s32 s11, s13  }
0x37: {  	[sflag:s3] =	ssyncadd.s32 $0xFFFF6000;
	s13 =	simm.s32 $0x80;
	s15 =	sadd.s32 $0x0, s11  }
.LBB2_5:
0x38: {  	[hbm:s15] =	stream.linear.scatter [tilespmem:s12], [sflag:$0x3], $0x200, $0x38;
	[tilespmem:$0x14008] =	vst v63  }
0x39: {  	s15 =	smov.u32 s13;
	s12 =	smov.u32 s14;
	p1 =	sne.s32 s13, $0x2780  }
.Ltmp4:
0x3a: {  	s13 =	sadd.s32 $0x80, s13;
	(pc) =	sbr.rel @p1 .LBB2_5-.Ltmp4, $2  }
0x3b: {  	_ =	sdelay $0x2  }
0x3c: {  	s14 =	sadd.s32 $0x200, s14;
	s15 =	sadd.s32 s15, s11  }
.Ltmp5:
0x3d: {  	_ = 	snop;
	(pc) =	sbr.rel .LBB2_6-.Ltmp5, $1  }
0x3e: {  	_ =	sdelay $0x3  }
.LBB2_8:
0x3f: {  	_ =	sfence.sel $0x180000  }
0x40: {  	s2 =	simm.s32 $0x2;
	[bflag:$0x0] =	sbarrier.arrive $0xFFFF  }
0x41: {  	s30 =	simm.s32 $0x3;
	[sflag:s2] =	ssyncpa.u1 $0x1  }
0x42: {  	s31 =	simm.s32 $0x1;
	[sflag:s30] =	ssyncpa.u1 $0x1  }
0x43: {  	[sflag:s31] =	ssyncpa.u1 $0x1  }
0x44: {  	p0 =	sne.s32 s1, $0x0;
	_ =	strace $0x9000005F  }
0x45: {  	s0 =	sadd.s32 @!p0 $0x100000, s0;
	[bflag:$0x2] =	sbarrier.arrive $0xFFFF  }
0x46: {  	[sflag:s0] =	ssyncadd.tile.s32 @!p0 $0x1;
	_ =	shalt  }
.Lfunc_end2:
_tile_overlayer_lowered:
.L_overlay_start_2:
0x47: {  	(tag) =	ssettag $0x2  }
0x48: {  	s0 =	rddreg [dreg:$0x0];
	s2 =	stileid.u32  }
0x49: {  	s1 =	rddreg [dreg:$0x1];
	p0 =	sne.s32 s2, $0x0  }
0x4a: {  	s3 =	rddreg [dreg:$0x2];
	[bflag:$0x3] =	sbarrier.arrive $0xFFFF;
	s2 =	simm.s32 @!p0 $0x1C01  }
0x4b: {  	[timem:s3], [sflag:s2] =	dma.local @!p0 [hbm:s0], s1  }
0x4c: {  	s0 =	simm.s32 @!p0 $0x1  }
0x4d: {  	_ =	swait.ge @!p0 [sflag:s0], s1  }
0x4e: {  	s1 =	ssub.s32 @!p0 $0x0, s1;
	[sflag:s0] =	ssyncset.done @!p0 $0x0  }
0x4f: {  	[sflag:s0] =	ssyncadd.s32 @!p0 s1  }
0x50: {  	[bflag:$0x3] =	sbarrier.arrive $0xFFFF  }
0x51: {  	_ =	shalt  }

// kernel: gather_offload_async_start.3
scs
__scs_entry_jumppad:
0x0: {  	(pc) =	sbr.rel $0x88, $3  }
0x1: {  	(tag) =	ssettag $0x0;
	lr =	simm.s32 $0x1  }
0x2: {  	[smem:$0x3F96] =	sst lr;
	_ =	strace $0xD0000000  }
0x3: {  	_ = 	snop  }
0x4: {  	_ = 	snop  }
0x5: {  	_ = 	snop  }
0x6: {  	_ = 	snop  }
0x7: {  	_ = 	snop  }
__scs_overlays_trampoline_lowered:
0x8: {  	[smem:$0x3FA5] =	sst s0  }
0x9: {  	[smem:$0x3FA6] =	sst s1  }
0xa: {  	[smem:$0x3FA7] =	sst s2  }
0xb: {  	[smem:$0x3FA8] =	sst s3  }
0xc: {  	[smem:$0x3FA9] =	sst s4  }
0xd: {  	[smem:$0x3FAA] =	sst s5  }
0xe: {  	[smem:$0x3FAB] =	sst s6  }
0xf: {  	[smem:$0x3FAC] =	sst s7  }
0x10: {  	[smem:$0x3FAD] =	sst s8  }
0x11: {  	[smem:$0x3FAE] =	sst s9;
	s0 =	simm.s32 @!p0 $0x0  }
0x12: {  	s1 =	sld [smem:$0x3F94];
	s0 =	simm.s32 @p0 $0x1  }
0x13: {  	[smem:$0x3FAF] =	sst s0;
	s0 =	simm.s32 @!p1 $0x0  }
0x14: {  	s2 =	sld [smem:$0x3F93];
	s0 =	simm.s32 @p1 $0x1  }
0x15: {  	[smem:$0x3FB0] =	sst s0;
	s0 =	simm.s32 @!p2 $0x0  }
0x16: {  	s3 =	sld [smem:$0x3FDB];
	s0 =	simm.s32 @p2 $0x1  }
0x17: {  	s4 =	simm.s32 $0x1BF5;
	[smem:$0x3FB2] =	sst s0  }
0x18: {  	s0 =	sld [smem:$0x3F95];
	_ =	swait.ge [sflag:s4], $0x0  }
0x19: {  	s7 =	sld [smem:$0x3F96]  }
0x1a: {  	s8 =	sadd.s32 $0xFFFFE003, lr  }
0x1b: {  	s9 =	sadd.s32 $0xFFFFFEF7, lr;
	s5 =	simm.s32 $0xFFFFFFFF;
	p2 =	slt.u32 s8, $0xFFFFF086  }
0x1c: {  	p1 =	slt.u32 s9, $0xF7A;
	s5 =	simm.s32 @!p2 $0x0  }
0x1d: {  	s5 =	simm.s32 @p1 $0x1;
	p0 =	seq.s32 s7, s2  }
0x1e: {  	s7 =	smul.u32 @!p0 $0xF7A, s2;
	p2 =	seq.s32 @!p0 s5, $0x0  }
0x1f: {  	s9 =	smul.u32 $0xF7A, s1;
	s8 =	simm.s32 @!p0 $0x1BF5;
	p2 =	por !p2, p0  }
0x20: {  	[sflag:s8] =	ssyncset.s32 @!p0 $0xFFFFF086;
	s6 =	sadd.s32 @!p0 s3, s7;
	s7 =	simm.s32 @!p0 $0x108  }
0x21: {  	s3 =	sadd.s32 s3, s9;
	s6 =	sadd.s32 @!p0 $0x88, s6;
	s7 =	simm.s32 @p2 $0x1082  }
0x22: {  	[simem:s7], [sflag:s8] =	dma.local @!p0 [hbm:s6], $0xF7A  }
0x23: {  	s9 =	sor.u32 $0xD0000000, s2;
	s6 =	simm.s32 $0x108;
	_ =	swait.ge @!p0 [sflag:s8], $0x0  }
0x24: {  	s3 =	sadd.s32 $0x88, s3;
	s6 =	simm.s32 @!p1 $0x1082;
	[sflag:s4] =	ssyncset.s32 $0xFFFFF086  }
0x25: {  	[simem:s6], [sflag:s4] =	dma.local [hbm:s3], $0xF7A  }
0x26: {  	[smem:$0x3F96] =	sst s1;
	(tag) =	ssettag s2;
	_ =	strace s9  }
0x27: {  	s1 =	sld [smem:$0x3FA6]  }
0x28: {  	s2 =	sld [smem:$0x3FA7]  }
0x29: {  	s4 =	sld [smem:$0x3FA9]  }
0x2a: {  	p0 =	seq.s32 s5, $0x0;
	s5 =	sld [smem:$0x3FAA]  }
0x2b: {  	s6 =	sld [smem:$0x3FAB]  }
0x2c: {  	s7 =	sld [smem:$0x3FAC]  }
0x2d: {  	s3 =	simm.s32 $0x108;
	s8 =	sld [smem:$0x3FAD]  }
0x2e: {  	s3 =	simm.s32 @!p0 $0x1082;
	s9 =	sld [smem:$0x3FAE]  }
0x2f: {  	lr =	sadd.s32 s0, s3;
	s0 =	sld [smem:$0x3FA5]  }
0x30: {  	s3 =	sld [smem:$0x3FA8]  }
0x31: {  	[smem:$0x3FB1] =	sst s10  }
0x32: {  	s10 =	sld [smem:$0x3FAF];
	_ =	sdelay $0x3  }
0x33: {  	p0 =	seq.s32 s10, $0x1;
	s10 =	sld [smem:$0x3FB1];
	_ =	sdelay $0x3  }
0x34: {  	[smem:$0x3FB1] =	sst s10  }
0x35: {  	s10 =	sld [smem:$0x3FB0];
	_ =	sdelay $0x3  }
0x36: {  	p1 =	seq.s32 s10, $0x1;
	s10 =	sld [smem:$0x3FB1];
	_ =	sdelay $0x3  }
0x37: {  	[smem:$0x3FB1] =	sst s10  }
0x38: {  	s10 =	sld [smem:$0x3FB2]  }
0x39: {  	_ = 	snop;
	(pc) =	sbr.ind lr, $3  }
0x3a: {  	_ = 	snop  }
0x3b: {  	_ = 	snop  }
0x3c: {  	p2 =	seq.s32 s10, $0x1;
	s10 =	sld [smem:$0x3FB1]  }
0x3d: {  	_ =	shalt  }
0x3e: {  	_ =	shalt  }
0x3f: {  	_ =	shalt  }
0x40: {  	_ =	shalt  }
0x41: {  	_ =	shalt  }
0x42: {  	_ =	shalt  }
0x43: {  	_ =	shalt  }
0x44: {  	_ =	shalt  }
0x45: {  	_ =	shalt  }
0x46: {  	_ =	shalt  }
0x47: {  	_ =	shalt  }
0x48: {  	_ =	shalt  }
0x49: {  	_ =	shalt  }
0x4a: {  	_ =	shalt  }
0x4b: {  	_ =	shalt  }
0x4c: {  	_ =	shalt  }
0x4d: {  	_ =	shalt  }
0x4e: {  	_ =	shalt  }
0x4f: {  	_ =	shalt  }
0x50: {  	_ =	shalt  }
0x51: {  	_ =	shalt  }
0x52: {  	_ =	shalt  }
0x53: {  	_ =	shalt  }
0x54: {  	_ =	shalt  }
0x55: {  	_ =	shalt  }
0x56: {  	_ =	shalt  }
0x57: {  	_ =	shalt  }
0x58: {  	_ =	shalt  }
0x59: {  	_ =	shalt  }
0x5a: {  	_ =	shalt  }
0x5b: {  	_ =	shalt  }
0x5c: {  	_ =	shalt  }
0x5d: {  	_ =	shalt  }
0x5e: {  	_ =	shalt  }
0x5f: {  	_ =	shalt  }
0x60: {  	_ =	shalt  }
0x61: {  	_ =	shalt  }
0x62: {  	_ =	shalt  }
0x63: {  	_ =	shalt  }
0x64: {  	_ =	shalt  }
0x65: {  	_ =	shalt  }
0x66: {  	_ =	shalt  }
0x67: {  	_ =	shalt  }
0x68: {  	_ =	shalt  }
0x69: {  	_ =	shalt  }
0x6a: {  	_ =	shalt  }
0x6b: {  	_ =	shalt  }
0x6c: {  	_ =	shalt  }
0x6d: {  	_ =	shalt  }
0x6e: {  	_ =	shalt  }
0x6f: {  	_ =	shalt  }
0x70: {  	_ =	shalt  }
0x71: {  	_ =	shalt  }
0x72: {  	_ =	shalt  }
0x73: {  	_ =	shalt  }
0x74: {  	_ =	shalt  }
0x75: {  	_ =	shalt  }
0x76: {  	_ =	shalt  }
0x77: {  	_ =	shalt  }
0x78: {  	_ =	shalt  }
0x79: {  	_ =	shalt  }
0x7a: {  	_ =	shalt  }
0x7b: {  	_ =	shalt  }
0x7c: {  	_ =	shalt  }
0x7d: {  	_ =	shalt  }
0x7e: {  	_ =	shalt  }
0x7f: {  	_ =	shalt  }
0x80: {  	_ =	shalt  }
0x81: {  	_ =	shalt  }
0x82: {  	_ =	shalt  }
0x83: {  	_ =	shalt  }
0x84: {  	_ =	shalt  }
0x85: {  	_ =	shalt  }
0x86: {  	_ =	shalt  }
0x87: {  	_ =	shalt  }
.Lfunc_end0:
.L_simem_size_0:
called_computation.7_lowered:
.L_overlay_start_0:
0x88: {  	s2 =	sld [smem:$0x3FD9]  }
0x89: {  	s3 =	sld [smem:$0x3FFE];
	_ =	sdelay $0x1  }
0x8a: {  	s1 =	srdreg.scid  }
0x8b: {  	s0 =	sand.u32 $0x1, s1  }
0x8c: {  	s17 =	sshll.u32 s0, $0xA;
	s2 =	sadd.s32 s3, s2  }
0x8d: {  	s2 =	sadd.s32 s2, s17  }
0x8e: {  	[smem:$0x3FBD] =	sst s2  }
0x8f: {  	_ = 	snop  }
0x90: {  	(tm) =	ssettm $0x1  }
0x91: {  	s18 =	sld [smem:$0x3FFB];
	_ =	sdelay $0x3  }
0x92: {  	_ =	strace s18  }
0x93: {  	s2 =	sld [smem:$0x3FFC];
	_ =	sdelay $0x3  }
0x94: {  	_ =	strace s2  }
0x95: {  	s2 =	sld [smem:$0x3FFD];
	_ =	sdelay $0x3  }
0x96: {  	_ =	strace s2  }
0x97: {  	_ =	strace $0x8FFFFFFF  }
0x98: {  	s19 =	sld [smem:$0x3FDB];
	_ =	sdelay $0x1  }
0x99: {  	s20 =	simm.s32 $_scs_section_size  }
0x9a: {  	s4 =	simm.s32 $_size__tile_overlayer_lowered;
	s5 =	simm.s32 $_tile_overlayer_lowered  }
0x9b: {  	s6 =	simm.s32 $0x1BFF;
	s21 =	sshll.u32 s5, $0x1;
	s3 =	sadd.s32 s20, s19  }
0x9c: {  	s22 =	simm.s32 $0x0;
	s4 =	sshll.u32 s4, $0x1;
	s5 =	sadd.s32 s21, s3  }
0x9d: {  	[timem:s22], [sflag:s6] =	dma.local [hbm:s5], s4  }
0x9e: {  	_ =	swait.ge [sflag:s6], s4  }
0x9f: {  	s4 =	ssub.s32 $0x0, s4;
	[sflag:s6] =	ssyncset.done $0x0  }
0xa0: {  	[sflag:s6] =	ssyncadd.s32 s4;
	_ =	sdelay $0x1  }
0xa1: {  	s23 =	simm.s32 $0x1B8B  }
0xa2: {  	_ =	swait.ge [sflag:s23], $0x1  }
0xa3: {  	[sflag:s23] =	ssyncset.done $0x0  }
0xa4: {  	[sflag:s23] =	ssyncadd.s32 $0xFFFFFFFF  }
0xa5: {  	s4 =	sld [smem:$0x0]  }
0xa6: {  	s5 =	sand.u32 $0xFFFFFFFE, s1  }
0xa7: {  	p0 =	sne.s32 s1, s5  }
0xa8: {  	s5 =	sshll.u32 @p0 s5, $0xE  }
0xa9: {  	s5 =	sadd.s32 @p0 $0x11B8D, s5;
	s6 =	sshll.u32 @p0 s4, $0x11  }
0xaa: {  	s5 =	sor.u32 @p0 s6, s5  }
0xab: {  	[sflag:s5] =	ssyncadd.remote.s32 @p0 $0x1;
	_ =	sdelay $0x1  }
0xac: {  	s5 =	simm.s32 @p0 $0x1B8D  }
0xad: {  	_ =	swait.eq @p0 [sflag:s5], $0x1  }
0xae: {  	[sflag:s5] =	ssyncadd.s32 @p0 $0xFFFFFFFF  }
0xaf: {  	s6 =	sshll.u32 @!p0 s1, $0xE  }
0xb0: {  	s6 =	sor.u32 @!p0 $0x4000, s6;
	s5 =	simm.s32 @!p0 $0x1B8D  }
0xb1: {  	s4 =	sshll.u32 @!p0 s4, $0x11;
	s6 =	sadd.s32 @!p0 $0x11B8D, s6;
	_ =	swait.eq @!p0 [sflag:s5], $0x1  }
0xb2: {  	s4 =	sor.u32 @!p0 s4, s6;
	[sflag:s5] =	ssyncadd.s32 @!p0 $0xFFFFFFFF  }
0xb3: {  	s25 =	simm.s32 $0x1B8E;
	s24 =	sld [smem:$0x3FFE];
	[sflag:s4] =	ssyncadd.remote.s32 @!p0 $0x1  }
0xb4: {  	s26 =	simm.s32 $execute0_lowered;
	[smem:$0x3FD2] =	sst s25  }
0xb5: {  	s5 =	sshll.u32 s26, $0x1;
	_ =	strace $0x8000005B;
	[dreg:$0x1] =	wrdreg $0xFFFFFFFF  }
0xb6: {  	s28 =	simm.s32 $_size_execute0_lowered;
	s3 =	sadd.s32 s3, s5;
	[dreg:$0x0] =	wrdreg $0x0  }
0xb7: {  	s5 =	sshll.u32 s28, $0x1;
	[dreg:$0x2] =	wrdreg s3  }
0xb8: {  	[dreg:$0x3] =	wrdreg s5  }
0xb9: {  	[dreg:$0x4] =	wrdreg $0xC0  }
0xba: {  	_ =	task [dreg:s22], $0x5FFFF  }
0xbb: {  	[dreg:$0x1] =	wrdreg $0xFFFFFFFF  }
0xbc: {  	[dreg:$0x0] =	wrdreg $0x60  }
0xbd: {  	[dreg:$0x2] =	wrdreg s24  }
0xbe: {  	[dreg:$0x3] =	wrdreg $0xC  }
0xbf: {  	_ =	task.clear_ibuf [dreg:s22], $0x4FFFF;
	_ =	strace $0x9000005B  }
0xc0: {  	s29 =	simm.s32 $0xC;
	_ =	strace $0x8000005D  }
0xc1: {  	_ =	swait.ge [sflag:s29], $0x1  }
0xc2: {  	[sflag:s29] =	ssyncadd.s32 $0xFFFFFFFF  }
0xc3: {  	_ =	strace $0x9000005D  }
0xc4: {  	_ =	sfence  }
0xc5: {  	s30 =	sld [smem:$0x0];
	_ =	sdelay $0x2  }
0xc6: {  	s31 =	sshll.u32 s1, $0xD;
	s1 =	sshrl.u32 s1, $0x2  }
0xc7: {  	s4 =	sand.u32 $0x4000, s31;
	s1 =	sadd.s32 s1, s30  }
0xc8: {  	s0 =	sor.u32 s4, s0;
	s1 =	sshll.u32 s1, $0x11  }
0xc9: {  	s0 =	sor.u32 s1, s0  }
0xca: {  	s0 =	sadd.s32 $0x8F2B, s0  }
0xcb: {  	[sflag:s0] =	ssyncadd.remote.s32 $0x1  }
0xcc: {  	_ =	sfence.sel $0xFFFF  }
0xcd: {  	[dreg:$0x0] =	wrdreg $0xFFFFFFFF;
	(pc) =	sbr.abs _section_cstart, $3  }
0xce: {  	[dreg:$0x1] =	wrdreg $0xFFFFFFFF  }
0xcf: {  	_ =	task.clear_ibuf [dreg:s22], $0x2FFFF;
	_ =	strace $0x9FFFFFFF  }
0xd0: {  	(tm) =	ssettm $0x7FFFFFFF  }
0xd1: {  	_ =	shalt  }
tec
execute0_lowered:
.L_overlay_start_1:
0x0: {  	(tag) =	ssettag $0x1  }
0x1: {  	s7 =	rddreg [dreg:$0x0]  }
0x2: {  	s1 =	srdreg.scid;
	s0 =	rddreg [dreg:$0x1]  }
0x3: {  	_ =	strace $0x8000005C;
	s3 =	simm.s32 $0x1;
	s5 =	simm.s32 $0x2  }
0x4: {  	s9 =	simm.s32 $0x3;
	s11 =	simm.s32 $0x0;
	s2 =	sshll.u32 s1, $0x4  }
.Ltmp0:
0x5: {  	s1 =	stileid.u32;
	s4 =	sand.u32 $0x10, s2;
	(pc) =	sbr.rel .LBB2_1-.Ltmp0, $4  }
0x6: {  	p0 =	por $0x0, $0x0;
	[sflag:s3] =	ssyncpa.u1 $0x0;
	s4 =	sor.u32 s1, s4  }
0x7: {  	s6 =	sadd.s32 $0x1000, s7;
	[sflag:s5] =	ssyncpa.u1 $0x0;
	s4 =	smul.u32 $0xA0, s4  }
0x8: {  	s2 =	sadd.s32 $0x1965E00, s7;
	s7 =	sadd.s32 $0xC8B600, s7;
	[sflag:s9] =	ssyncpa.u1 $0x0  }
0x9: {  	vm0 =	vmmov $0xf;
	s9 =	simm.s32 $0x0;
	s8 =	sadd.s32 $0xA0, s4;
	s10 =	smov.u32 s4  }
.LBB2_6:
0xa: {  	[hbm:s15] =	stream.linear.scatter [tilespmem:s12], [sflag:$0x3], $0x200, $0x38;
	[tilespmem:$0x14008] =	vst v63  }
.LBB2_7:
0xb: {  	p1 =	slt.u32 s9, $0x2;
	s11 =	sadd.s32 $0x4, s10  }
0xc: {  	s13 =	smov.u32 s4;
	s9 =	sadd.s32 $0x1, s9;
	p2 =	slt.s32 s11, s8  }
0xd: {  	s13 =	smov.u32 @p2 s11;
	p2 =	sne.s32 s9, $0x2A  }
.Ltmp1:
0xe: {  	_ = 	snop;
	(pc) =	sbr.rel @!p2 .LBB2_8-.Ltmp1, $4  }
0xf: {  	s12 =	simm.s32 @!p1 $0x3  }
0x10: {  	_ =	swait.ge @!p1 [sflag:s12], $0xA000  }
0x11: {  	p0 =	por !p0, !p0;
	[sflag:s12] =	ssyncset.done @!p1 $0x0  }
0x12: {  	s11 =	smov.u32 s10;
	s10 =	smov.u32 s13;
	[sflag:s12] =	ssyncadd.s32 @!p1 $0xFFFF6000  }
.LBB2_1:
0x13: {  	p1 =	sgt.u32 s9, $0x27  }
0x14: {  	s12 =	sxor.u32 @!p1 $0xFFFFFFFF, s9  }
0x15: {  	s31 =	sadd.s32 $0xFFFFFFFF, s9;
	s13 =	sshrl.u32 @!p1 s10, $0x3;
	s12 =	sshll.u32 @!p1 s12, $0x2  }
0x16: {  	s14 =	sand.u32 @!p1 $0x7, s10;
	s13 =	sadd.s32 @!p1 s6, s13;
	s12 =	sand.u32 @!p1 $0x4, s12  }
0x17: {  	[tilespmem:s12], [sflag:$0x2] =	stream.linear.gather @!p1 [hbm4b:s13+s14], $0x4, $0x38;
	[tilespmem:$0x14008] =	vst v63  }
0x18: {  	p1 =	sgt.u32 s31, $0x27  }
.Ltmp2:
0x19: {  	_ = 	snop;
	(pc) =	sbr.rel @p1 .LBB2_7-.Ltmp2, $1  }
0x1a: {  	_ =	sdelay $0x3  }
0x1b: {  	_ =	swait.ge [sflag:s5], $0x4  }
0x1c: {  	s12 =	sand.u32 $0x1, s9;
	[sflag:s5] =	ssyncset.done $0x0  }
0x1d: {  	s12 =	sshll.u32 s12, $0x2;
	[sflag:s5] =	ssyncadd.s32 $0xFFFFFFFC  }
0x1e: {  	v0 =	vld.msk [tilespmem:s12+$0x0 ss:$0x1], $0xf;
	_ =	sdelay $0x4  }
0x1f: {  	vm1 =	vgt.s32 v0, $0x0  }
0x20: {  	v0 =	vnsel vm1, $0x0, v0  }
0x21: {  	v0 =	vmin.u32 v0, $0x27FF  }
0x22: {  	v1 =	vshrl.u32 v0, $0x3  }
0x23: {  	v0 =	vshll.u32 v0, $0x7;
	v1 =	vmul.u32 $0x14000, v1  }
0x24: {  	s12 =	simm.s32 $0x1;
	v0 =	vand.u32 $0x380, v0  }
0x25: {  	s12 =	simm.s32 @!p0 $0x0;
	v0 =	vor.u32 v0, v1  }
0x26: {  	s12 =	smul.u32 $0x28000, s12;
	v0 =	vshrl.u32 v0, $0x3;
	_ =	sdelay $0x1  }
0x27: {  	s12 =	sshrl.u32 s12, $0x2  }
0x28: {  	s12 =	sor.u32 $0x8, s12  }
0x29: {  	s13 =	simm.s32 $0x800;
	s14 =	sadd.s32 $0x0, s12  }
.LBB2_3:
0x2a: {  	[tilespmem:s14], [sflag:$0x1] =	stream.indirect_vreg.gather [hbm:s2], $0x80, v0, vm0, $0x38;
	[tilespmem:$0x14008] =	vst v63  }
0x2b: {  	v0 =	vadd.s32 $0x80, v0;
	s14 =	smov.u32 s13;
	p1 =	sne.s32 s13, $0x27800  }
.Ltmp3:
0x2c: {  	s13 =	sadd.s32 $0x800, s13;
	(pc) =	sbr.rel @p1 .LBB2_3-.Ltmp3, $3  }
0x2d: {  	_ =	sdelay $0x1  }
0x2e: {  	s14 =	sshra.s32 s14, $0x2  }
0x2f: {  	s14 =	sadd.s32 s14, s12  }
0x30: {  	_ =	sdelay $0x3  }
0x31: {  	[tilespmem:s14], [sflag:$0x1] =	stream.indirect_vreg.gather [hbm:s2], $0x80, v0, vm0, $0x38;
	[tilespmem:$0x14008] =	vst v63  }
0x32: {  	s13 =	sshrl.u32 s11, $0x3  }
0x33: {  	s13 =	smul.u32 $0x2800, s13  }
0x34: {  	s31 =	sshll.u32 s11, $0x4  }
0x35: {  	_ =	swait.ge [sflag:s3], $0xA000;
	s11 =	sand.u32 $0x70, s31;
	s13 =	sadd.s32 s13, s7  }
0x36: {  	s14 =	sadd.s32 $0x200, s12;
	[sflag:s3] =	ssyncset.done $0x0;
	s11 =	sadd.s32 s11, s13  }
0x37: {  	[sflag:s3] =	ssyncadd.s32 $0xFFFF6000;
	s13 =	simm.s32 $0x80;
	s15 =	sadd.s32 $0x0, s11  }
.LBB2_5:
0x38: {  	[hbm:s15] =	stream.linear.scatter [tilespmem:s12], [sflag:$0x3], $0x200, $0x38;
	[tilespmem:$0x14008] =	vst v63  }
0x39: {  	s15 =	smov.u32 s13;
	s12 =	smov.u32 s14;
	p1 =	sne.s32 s13, $0x2780  }
.Ltmp4:
0x3a: {  	s13 =	sadd.s32 $0x80, s13;
	(pc) =	sbr.rel @p1 .LBB2_5-.Ltmp4, $2  }
0x3b: {  	_ =	sdelay $0x2  }
0x3c: {  	s14 =	sadd.s32 $0x200, s14;
	s15 =	sadd.s32 s15, s11  }
.Ltmp5:
0x3d: {  	_ = 	snop;
	(pc) =	sbr.rel .LBB2_6-.Ltmp5, $1  }
0x3e: {  	_ =	sdelay $0x3  }
.LBB2_8:
0x3f: {  	_ =	sfence.sel $0x180000  }
0x40: {  	s2 =	simm.s32 $0x2;
	[bflag:$0x0] =	sbarrier.arrive $0xFFFF  }
0x41: {  	s30 =	simm.s32 $0x3;
	[sflag:s2] =	ssyncpa.u1 $0x1  }
0x42: {  	s31 =	simm.s32 $0x1;
	[sflag:s30] =	ssyncpa.u1 $0x1  }
0x43: {  	[sflag:s31] =	ssyncpa.u1 $0x1  }
0x44: {  	p0 =	sne.s32 s1, $0x0;
	_ =	strace $0x9000005C  }
0x45: {  	s0 =	sadd.s32 @!p0 $0x100000, s0;
	[bflag:$0x2] =	sbarrier.arrive $0xFFFF  }
0x46: {  	[sflag:s0] =	ssyncadd.tile.s32 @!p0 $0x1;
	_ =	shalt  }
.Lfunc_end2:
_tile_overlayer_lowered:
.L_overlay_start_2:
0x47: {  	(tag) =	ssettag $0x2  }
0x48: {  	s0 =	rddreg [dreg:$0x0];
	s2 =	stileid.u32  }
0x49: {  	s1 =	rddreg [dreg:$0x1];
	p0 =	sne.s32 s2, $0x0  }
0x4a: {  	s3 =	rddreg [dreg:$0x2];
	[bflag:$0x3] =	sbarrier.arrive $0xFFFF;
	s2 =	simm.s32 @!p0 $0x1C01  }
0x4b: {  	[timem:s3], [sflag:s2] =	dma.local @!p0 [hbm:s0], s1  }
0x4c: {  	s0 =	simm.s32 @!p0 $0x1  }
0x4d: {  	_ =	swait.ge @!p0 [sflag:s0], s1  }
0x4e: {  	s1 =	ssub.s32 @!p0 $0x0, s1;
	[sflag:s0] =	ssyncset.done @!p0 $0x0  }
0x4f: {  	[sflag:s0] =	ssyncadd.s32 @!p0 s1  }
0x50: {  	[bflag:$0x3] =	sbarrier.arrive $0xFFFF  }
0x51: {  	_ =	shalt  }

// kernel: gather_offload_async_start
scs
__scs_entry_jumppad:
0x0: {  	(pc) =	sbr.rel $0x88, $3  }
0x1: {  	(tag) =	ssettag $0x0;
	lr =	simm.s32 $0x1  }
0x2: {  	[smem:$0x3F96] =	sst lr;
	_ =	strace $0xD0000000  }
0x3: {  	_ = 	snop  }
0x4: {  	_ = 	snop  }
0x5: {  	_ = 	snop  }
0x6: {  	_ = 	snop  }
0x7: {  	_ = 	snop  }
__scs_overlays_trampoline_lowered:
0x8: {  	[smem:$0x3FA5] =	sst s0  }
0x9: {  	[smem:$0x3FA6] =	sst s1  }
0xa: {  	[smem:$0x3FA7] =	sst s2  }
0xb: {  	[smem:$0x3FA8] =	sst s3  }
0xc: {  	[smem:$0x3FA9] =	sst s4  }
0xd: {  	[smem:$0x3FAA] =	sst s5  }
0xe: {  	[smem:$0x3FAB] =	sst s6  }
0xf: {  	[smem:$0x3FAC] =	sst s7  }
0x10: {  	[smem:$0x3FAD] =	sst s8  }
0x11: {  	[smem:$0x3FAE] =	sst s9;
	s0 =	simm.s32 @!p0 $0x0  }
0x12: {  	s1 =	sld [smem:$0x3F94];
	s0 =	simm.s32 @p0 $0x1  }
0x13: {  	[smem:$0x3FAF] =	sst s0;
	s0 =	simm.s32 @!p1 $0x0  }
0x14: {  	s2 =	sld [smem:$0x3F93];
	s0 =	simm.s32 @p1 $0x1  }
0x15: {  	[smem:$0x3FB0] =	sst s0;
	s0 =	simm.s32 @!p2 $0x0  }
0x16: {  	s3 =	sld [smem:$0x3FDB];
	s0 =	simm.s32 @p2 $0x1  }
0x17: {  	s4 =	simm.s32 $0x1BF5;
	[smem:$0x3FB2] =	sst s0  }
0x18: {  	s0 =	sld [smem:$0x3F95];
	_ =	swait.ge [sflag:s4], $0x0  }
0x19: {  	s7 =	sld [smem:$0x3F96]  }
0x1a: {  	s8 =	sadd.s32 $0xFFFFE003, lr  }
0x1b: {  	s9 =	sadd.s32 $0xFFFFFEF7, lr;
	s5 =	simm.s32 $0xFFFFFFFF;
	p2 =	slt.u32 s8, $0xFFFFF086  }
0x1c: {  	p1 =	slt.u32 s9, $0xF7A;
	s5 =	simm.s32 @!p2 $0x0  }
0x1d: {  	s5 =	simm.s32 @p1 $0x1;
	p0 =	seq.s32 s7, s2  }
0x1e: {  	s7 =	smul.u32 @!p0 $0xF7A, s2;
	p2 =	seq.s32 @!p0 s5, $0x0  }
0x1f: {  	s9 =	smul.u32 $0xF7A, s1;
	s8 =	simm.s32 @!p0 $0x1BF5;
	p2 =	por !p2, p0  }
0x20: {  	[sflag:s8] =	ssyncset.s32 @!p0 $0xFFFFF086;
	s6 =	sadd.s32 @!p0 s3, s7;
	s7 =	simm.s32 @!p0 $0x108  }
0x21: {  	s3 =	sadd.s32 s3, s9;
	s6 =	sadd.s32 @!p0 $0x88, s6;
	s7 =	simm.s32 @p2 $0x1082  }
0x22: {  	[simem:s7], [sflag:s8] =	dma.local @!p0 [hbm:s6], $0xF7A  }
0x23: {  	s9 =	sor.u32 $0xD0000000, s2;
	s6 =	simm.s32 $0x108;
	_ =	swait.ge @!p0 [sflag:s8], $0x0  }
0x24: {  	s3 =	sadd.s32 $0x88, s3;
	s6 =	simm.s32 @!p1 $0x1082;
	[sflag:s4] =	ssyncset.s32 $0xFFFFF086  }
0x25: {  	[simem:s6], [sflag:s4] =	dma.local [hbm:s3], $0xF7A  }
0x26: {  	[smem:$0x3F96] =	sst s1;
	(tag) =	ssettag s2;
	_ =	strace s9  }
0x27: {  	s1 =	sld [smem:$0x3FA6]  }
0x28: {  	s2 =	sld [smem:$0x3FA7]  }
0x29: {  	s4 =	sld [smem:$0x3FA9]  }
0x2a: {  	p0 =	seq.s32 s5, $0x0;
	s5 =	sld [smem:$0x3FAA]  }
0x2b: {  	s6 =	sld [smem:$0x3FAB]  }
0x2c: {  	s7 =	sld [smem:$0x3FAC]  }
0x2d: {  	s3 =	simm.s32 $0x108;
	s8 =	sld [smem:$0x3FAD]  }
0x2e: {  	s3 =	simm.s32 @!p0 $0x1082;
	s9 =	sld [smem:$0x3FAE]  }
0x2f: {  	lr =	sadd.s32 s0, s3;
	s0 =	sld [smem:$0x3FA5]  }
0x30: {  	s3 =	sld [smem:$0x3FA8]  }
0x31: {  	[smem:$0x3FB1] =	sst s10  }
0x32: {  	s10 =	sld [smem:$0x3FAF];
	_ =	sdelay $0x3  }
0x33: {  	p0 =	seq.s32 s10, $0x1;
	s10 =	sld [smem:$0x3FB1];
	_ =	sdelay $0x3  }
0x34: {  	[smem:$0x3FB1] =	sst s10  }
0x35: {  	s10 =	sld [smem:$0x3FB0];
	_ =	sdelay $0x3  }
0x36: {  	p1 =	seq.s32 s10, $0x1;
	s10 =	sld [smem:$0x3FB1];
	_ =	sdelay $0x3  }
0x37: {  	[smem:$0x3FB1] =	sst s10  }
0x38: {  	s10 =	sld [smem:$0x3FB2]  }
0x39: {  	_ = 	snop;
	(pc) =	sbr.ind lr, $3  }
0x3a: {  	_ = 	snop  }
0x3b: {  	_ = 	snop  }
0x3c: {  	p2 =	seq.s32 s10, $0x1;
	s10 =	sld [smem:$0x3FB1]  }
0x3d: {  	_ =	shalt  }
0x3e: {  	_ =	shalt  }
0x3f: {  	_ =	shalt  }
0x40: {  	_ =	shalt  }
0x41: {  	_ =	shalt  }
0x42: {  	_ =	shalt  }
0x43: {  	_ =	shalt  }
0x44: {  	_ =	shalt  }
0x45: {  	_ =	shalt  }
0x46: {  	_ =	shalt  }
0x47: {  	_ =	shalt  }
0x48: {  	_ =	shalt  }
0x49: {  	_ =	shalt  }
0x4a: {  	_ =	shalt  }
0x4b: {  	_ =	shalt  }
0x4c: {  	_ =	shalt  }
0x4d: {  	_ =	shalt  }
0x4e: {  	_ =	shalt  }
0x4f: {  	_ =	shalt  }
0x50: {  	_ =	shalt  }
0x51: {  	_ =	shalt  }
0x52: {  	_ =	shalt  }
0x53: {  	_ =	shalt  }
0x54: {  	_ =	shalt  }
0x55: {  	_ =	shalt  }
0x56: {  	_ =	shalt  }
0x57: {  	_ =	shalt  }
0x58: {  	_ =	shalt  }
0x59: {  	_ =	shalt  }
0x5a: {  	_ =	shalt  }
0x5b: {  	_ =	shalt  }
0x5c: {  	_ =	shalt  }
0x5d: {  	_ =	shalt  }
0x5e: {  	_ =	shalt  }
0x5f: {  	_ =	shalt  }
0x60: {  	_ =	shalt  }
0x61: {  	_ =	shalt  }
0x62: {  	_ =	shalt  }
0x63: {  	_ =	shalt  }
0x64: {  	_ =	shalt  }
0x65: {  	_ =	shalt  }
0x66: {  	_ =	shalt  }
0x67: {  	_ =	shalt  }
0x68: {  	_ =	shalt  }
0x69: {  	_ =	shalt  }
0x6a: {  	_ =	shalt  }
0x6b: {  	_ =	shalt  }
0x6c: {  	_ =	shalt  }
0x6d: {  	_ =	shalt  }
0x6e: {  	_ =	shalt  }
0x6f: {  	_ =	shalt  }
0x70: {  	_ =	shalt  }
0x71: {  	_ =	shalt  }
0x72: {  	_ =	shalt  }
0x73: {  	_ =	shalt  }
0x74: {  	_ =	shalt  }
0x75: {  	_ =	shalt  }
0x76: {  	_ =	shalt  }
0x77: {  	_ =	shalt  }
0x78: {  	_ =	shalt  }
0x79: {  	_ =	shalt  }
0x7a: {  	_ =	shalt  }
0x7b: {  	_ =	shalt  }
0x7c: {  	_ =	shalt  }
0x7d: {  	_ =	shalt  }
0x7e: {  	_ =	shalt  }
0x7f: {  	_ =	shalt  }
0x80: {  	_ =	shalt  }
0x81: {  	_ =	shalt  }
0x82: {  	_ =	shalt  }
0x83: {  	_ =	shalt  }
0x84: {  	_ =	shalt  }
0x85: {  	_ =	shalt  }
0x86: {  	_ =	shalt  }
0x87: {  	_ =	shalt  }
.Lfunc_end0:
.L_simem_size_0:
called_computation.4_lowered:
.L_overlay_start_0:
0x88: {  	s0 =	sld [smem:$0x3FD9]  }
0x89: {  	s1 =	sld [smem:$0x3FFE];
	_ =	sdelay $0x3  }
0x8a: {  	s0 =	sadd.s32 s1, s0  }
0x8b: {  	[smem:$0x3FBD] =	sst s0  }
0x8c: {  	_ = 	snop  }
0x8d: {  	s0 =	sld [smem:$0x3FD0];
	_ =	sdelay $0x2  }
0x8e: {  	s13 =	simm.s32 $0xD;
	s2 =	simm.s32 $0x10  }
0x8f: {  	[smem:s2], [sflag:s13] =	dma.local [hbm:s0], $0x1  }
0x90: {  	_ =	swait.eq [sflag:s13], $0x1  }
0x91: {  	[sflag:s13] =	ssyncset.done $0x0  }
0x92: {  	[sflag:s13] =	ssyncadd.s32 $0xFFFFFFFF  }
0x93: {  	s14 =	sld [smem:$0x10];
	(tm) =	ssettm $0x1  }
0x94: {  	s15 =	sld [smem:$0x3FFB];
	_ =	sdelay $0x3  }
0x95: {  	_ =	strace s15  }
0x96: {  	s1 =	sld [smem:$0x3FFC];
	_ =	sdelay $0x3  }
0x97: {  	_ =	strace s1  }
0x98: {  	s1 =	sld [smem:$0x3FFD];
	_ =	sdelay $0x3  }
0x99: {  	_ =	strace s1  }
0x9a: {  	_ =	strace $0x8FFFFFFF  }
0x9b: {  	s16 =	sld [smem:$0x3FDB];
	_ =	sdelay $0x1  }
0x9c: {  	s17 =	simm.s32 $_scs_section_size  }
0x9d: {  	s3 =	simm.s32 $_size__tile_overlayer_lowered;
	s4 =	simm.s32 $_tile_overlayer_lowered  }
0x9e: {  	s20 =	simm.s32 $0x1BFF;
	s19 =	sshll.u32 s4, $0x1;
	s1 =	sadd.s32 s17, s16  }
0x9f: {  	s5 =	simm.s32 $0x0;
	s18 =	sshll.u32 s3, $0x1;
	s3 =	sadd.s32 s19, s1  }
0xa0: {  	[timem:s5], [sflag:s20] =	dma.local [hbm:s3], s18  }
0xa1: {  	_ =	swait.ge [sflag:s20], s18  }
0xa2: {  	s2 =	ssub.s32 $0x0, s18;
	[sflag:s20] =	ssyncset.done $0x0  }
0xa3: {  	[sflag:s20] =	ssyncadd.s32 s2;
	_ =	sdelay $0x1  }
0xa4: {  	s21 =	simm.s32 $0x1B8B  }
0xa5: {  	_ =	swait.ge [sflag:s21], $0x1  }
0xa6: {  	[sflag:s21] =	ssyncset.done $0x0  }
0xa7: {  	s23 =	simm.s32 $0x1B8E;
	s22 =	sld [smem:$0x3FFE];
	[sflag:s21] =	ssyncadd.s32 $0xFFFFFFFF  }
0xa8: {  	s24 =	simm.s32 $execute0_lowered;
	[smem:$0x3FD2] =	sst s23  }
0xa9: {  	s3 =	sshll.u32 s24, $0x1;
	_ =	strace $0x80000055;
	[dreg:$0x1] =	wrdreg $0xFFFFFFFF  }
0xaa: {  	s25 =	simm.s32 $_size_execute0_lowered;
	s1 =	sadd.s32 s1, s3;
	[dreg:$0x0] =	wrdreg $0x0  }
0xab: {  	s3 =	sshll.u32 s25, $0x1;
	[dreg:$0x2] =	wrdreg s1  }
0xac: {  	[dreg:$0x3] =	wrdreg s3  }
0xad: {  	[dreg:$0x4] =	wrdreg $0xC0  }
0xae: {  	_ =	task [dreg:s5], $0x5FFFF  }
0xaf: {  	[dreg:$0x1] =	wrdreg $0xFFFFFFFF  }
0xb0: {  	[dreg:$0x0] =	wrdreg $0x60  }
0xb1: {  	[dreg:$0x2] =	wrdreg s14  }
0xb2: {  	[dreg:$0x3] =	wrdreg s22  }
0xb3: {  	[dreg:$0x4] =	wrdreg $0xA  }
0xb4: {  	_ =	task.clear_ibuf [dreg:s5], $0x5FFFF;
	_ =	strace $0x90000055  }
0xb5: {  	s26 =	simm.s32 $0xA;
	_ =	strace $0x80000057  }
0xb6: {  	_ =	swait.ge [sflag:s26], $0x1  }
0xb7: {  	[sflag:s26] =	ssyncadd.s32 $0xFFFFFFFF  }
0xb8: {  	_ =	strace $0x90000057  }
0xb9: {  	_ =	sfence  }
0xba: {  	s28 =	sld [smem:$0x0];
	_ =	sdelay $0x1  }
0xbb: {  	s29 =	srdreg.scid  }
0xbc: {  	s30 =	sshll.u32 s29, $0xD;
	s31 =	sshrl.u32 s29, $0x2  }
0xbd: {  	s2 =	sand.u32 $0x4000, s30;
	s1 =	sand.u32 $0x1, s29;
	s0 =	sadd.s32 s31, s28  }
0xbe: {  	s1 =	sor.u32 s2, s1;
	s0 =	sshll.u32 s0, $0x11  }
0xbf: {  	s0 =	sor.u32 s0, s1  }
0xc0: {  	s0 =	sadd.s32 $0x8F2B, s0  }
0xc1: {  	[sflag:s0] =	ssyncadd.remote.s32 $0x1  }
0xc2: {  	_ =	sfence.sel $0xFFFF  }
0xc3: {  	[dreg:$0x0] =	wrdreg $0xFFFFFFFF;
	(pc) =	sbr.abs _section_cstart, $3  }
0xc4: {  	[dreg:$0x1] =	wrdreg $0xFFFFFFFF  }
0xc5: {  	_ =	task.clear_ibuf [dreg:s5], $0x2FFFF;
	_ =	strace $0x9FFFFFFF  }
0xc6: {  	(tm) =	ssettm $0x7FFFFFFF  }
0xc7: {  	_ =	shalt  }
tec
execute0_lowered:
.L_overlay_start_1:
0x0: {  	(tag) =	ssettag $0x1  }
0x1: {  	s2 =	rddreg [dreg:$0x0]  }
0x2: {  	s5 =	rddreg [dreg:$0x1]  }
0x3: {  	s0 =	rddreg [dreg:$0x2];
	s1 =	stileid.u32;
	_ =	strace $0x80000056  }
0x4: {  	s6 =	simm.s32 $0x1;
	s8 =	simm.s32 $0x2;
	s30 =	simm.s32 $0x3  }
0x5: {  	s12 =	simm.s32 $0x0;
	s9 =	simm.s32 $0x0;
	s4 =	sshll.u32 s1, $0x4  }
0x6: {  	s10 =	simm.s32 $0x0;
	s3 =	sadd.s32 $0x800, s5;
	s7 =	ssub.s32 $0x1380, s4  }
0x7: {  	s5 =	sadd.s32 $0xC00, s5;
	[sflag:s6] =	ssyncpa.u1 $0x0;
	s6 =	sshrl.u32 s7, $0x8  }
0x8: {  	[sflag:s8] =	ssyncpa.u1 $0x0;
	s11 =	smov.u32 s4;
	s31 =	sshll.u32 s6, $0x4  }
0x9: {  	[sflag:s30] =	ssyncpa.u1 $0x0;
	s7 =	sadd.s32 $0x2, s6;
	s8 =	sadd.s32 $0x30, s31  }
.LBB2_1:
0xa: {  	p0 =	sgt.u32 s10, s6  }
0xb: {  	s13 =	sxor.u32 @!p0 $0xFFFFFFFF, s9;
	s14 =	sshrl.u32 @!p0 s11, $0x3  }
0xc: {  	s15 =	sand.u32 @!p0 $0x7, s11;
	s13 =	sand.u32 @!p0 $0x10, s13;
	s14 =	sadd.s32 @!p0 s3, s14  }
0xd: {  	[tilespmem:s13], [sflag:$0x2] =	stream.linear.gather @!p0 [hbm4b:s14+s15], $0x10, $0x38;
	[tilespmem:$0x40] =	vst v63  }
0xe: {  	p0 =	seq.s32 s9, $0x0  }
0xf: {  	p1 =	sge.u32 @!p0 s10, s7  }
0x10: {  	p0 =	por p1, p0  }
0x11: {  	s13 =	simm.s32 @!p0 $0x2  }
0x12: {  	_ =	swait.ge @!p0 [sflag:s13], $0x10  }
0x13: {  	[sflag:s13] =	ssyncset.done @!p0 $0x0  }
0x14: {  	[sflag:s13] =	ssyncadd.s32 @!p0 $0xFFFFFFF0;
	s13 =	sand.u32 @!p0 $0x10, s9  }
0x15: {  	(ifvalue) =	ssetifvalue @!p0 $0x7FFFFFFF;
	v0 =	vld.msk @!p0 [tilespmem:s13+$0x0 ss:$0x1], $0xffff;
	_ =	sdelay $0x4  }
0x16: {  	vm0 =	vgt.s32 @!p0 v0, $0x0  }
0x17: {  	v0 =	vnsel @!p0 vm0, $0x0, v0  }
0x18: {  	v0 =	vmin.u32 @!p0 v0, $0x270F;
	_ =	sdelay $0x3  }
0x19: {  	s14 =	simm.s32 @!p0 $0x0;
	s13 =	sor.u32 @!p0 $0x20, s13;
	(ifvalue) =	ssetifvalue @!p0 $0x7FFFFFFF;
	vm0 =	vmmov @!p0 $0xffff  }
0x1a: {  	[tilespmem:s13], [sflag:$0x1] =	stream.indirect_vreg.gather @!p0 [hbm4b:s2+s14], $0x1, v0, vm0, $0x4038;
	[tilespmem:$0x40] =	vst v63  }
0x1b: {  	s14 =	simm.s32 @!p0 $0x1  }
0x1c: {  	_ =	swait.ge @!p0 [sflag:s14], $0x10  }
0x1d: {  	s15 =	sshrl.u32 @!p0 s12, $0x3;
	[sflag:s14] =	ssyncset.done @!p0 $0x0  }
0x1e: {  	s12 =	sand.u32 @!p0 $0x7, s12;
	[sflag:s14] =	ssyncadd.s32 @!p0 $0xFFFFFFF0;
	s14 =	sadd.s32 @!p0 s5, s15  }
0x1f: {  	[hbm4b:s14+s12] =	stream.linear.scatter @!p0 [tilespmem:s13], [sflag:$0x3], $0x10, $0x38;
	[tilespmem:$0x40] =	vst v63  }
0x20: {  	s14 =	sadd.s32 $0x100, s11  }
0x21: {  	s9 =	sadd.s32 $0x10, s9;
	p1 =	sgt.s32 s14, $0x1387  }
0x22: {  	s14 =	smov.u32 @p1 s4;
	p1 =	sne.s32 s8, s9  }
.Ltmp0:
0x23: {  	p0 =	slt.u32 s10, $0x2;
	(pc) =	sbr.rel @p1 .LBB2_1-.Ltmp0, $4  }
0x24: {  	s13 =	simm.s32 @!p0 $0x3  }
0x25: {  	_ =	swait.ge @!p0 [sflag:s13], $0x10  }
0x26: {  	s12 =	smov.u32 s11;
	[sflag:s13] =	ssyncset.done @!p0 $0x0  }
0x27: {  	s10 =	sadd.s32 $0x1, s10;
	s11 =	smov.u32 s14;
	[sflag:s13] =	ssyncadd.s32 @!p0 $0xFFFFFFF0  }
0x28: {  	_ =	sfence.sel $0x180000  }
0x29: {  	s2 =	simm.s32 $0x2;
	[bflag:$0x0] =	sbarrier.arrive $0xFFFF  }
0x2a: {  	s30 =	simm.s32 $0x3;
	[sflag:s2] =	ssyncpa.u1 $0x1  }
0x2b: {  	s31 =	simm.s32 $0x1;
	[sflag:s30] =	ssyncpa.u1 $0x1  }
0x2c: {  	[sflag:s31] =	ssyncpa.u1 $0x1  }
0x2d: {  	p0 =	sne.s32 s1, $0x0;
	_ =	strace $0x90000056  }
0x2e: {  	s0 =	sadd.s32 @!p0 $0x100000, s0;
	[bflag:$0x2] =	sbarrier.arrive $0xFFFF  }
0x2f: {  	[sflag:s0] =	ssyncadd.tile.s32 @!p0 $0x1;
	_ =	shalt  }
.Lfunc_end2:
_tile_overlayer_lowered:
.L_overlay_start_2:
0x30: {  	(tag) =	ssettag $0x2  }
0x31: {  	s0 =	rddreg [dreg:$0x0];
	s2 =	stileid.u32  }
0x32: {  	s1 =	rddreg [dreg:$0x1];
	p0 =	sne.s32 s2, $0x0  }
0x33: {  	s3 =	rddreg [dreg:$0x2];
	[bflag:$0x3] =	sbarrier.arrive $0xFFFF;
	s2 =	simm.s32 @!p0 $0x1C01  }
0x34: {  	[timem:s3], [sflag:s2] =	dma.local @!p0 [hbm:s0], s1  }
0x35: {  	s0 =	simm.s32 @!p0 $0x1  }
0x36: {  	_ =	swait.ge @!p0 [sflag:s0], s1  }
0x37: {  	s1 =	ssub.s32 @!p0 $0x0, s1;
	[sflag:s0] =	ssyncset.done @!p0 $0x0  }
0x38: {  	[sflag:s0] =	ssyncadd.s32 @!p0 s1  }
0x39: {  	[bflag:$0x3] =	sbarrier.arrive $0xFFFF  }
0x3a: {  	_ =	shalt  }

// kernel: scatter_offload_async_start.1
scs
__scs_entry_jumppad:
0x0: {  	(pc) =	sbr.rel $0x88, $3  }
0x1: {  	(tag) =	ssettag $0x0;
	lr =	simm.s32 $0x1  }
0x2: {  	[smem:$0x3F96] =	sst lr;
	_ =	strace $0xD0000000  }
0x3: {  	_ = 	snop  }
0x4: {  	_ = 	snop  }
0x5: {  	_ = 	snop  }
0x6: {  	_ = 	snop  }
0x7: {  	_ = 	snop  }
__scs_overlays_trampoline_lowered:
0x8: {  	[smem:$0x3FA5] =	sst s0  }
0x9: {  	[smem:$0x3FA6] =	sst s1  }
0xa: {  	[smem:$0x3FA7] =	sst s2  }
0xb: {  	[smem:$0x3FA8] =	sst s3  }
0xc: {  	[smem:$0x3FA9] =	sst s4  }
0xd: {  	[smem:$0x3FAA] =	sst s5  }
0xe: {  	[smem:$0x3FAB] =	sst s6  }
0xf: {  	[smem:$0x3FAC] =	sst s7  }
0x10: {  	[smem:$0x3FAD] =	sst s8  }
0x11: {  	[smem:$0x3FAE] =	sst s9;
	s0 =	simm.s32 @!p0 $0x0  }
0x12: {  	s1 =	sld [smem:$0x3F94];
	s0 =	simm.s32 @p0 $0x1  }
0x13: {  	[smem:$0x3FAF] =	sst s0;
	s0 =	simm.s32 @!p1 $0x0  }
0x14: {  	s2 =	sld [smem:$0x3F93];
	s0 =	simm.s32 @p1 $0x1  }
0x15: {  	[smem:$0x3FB0] =	sst s0;
	s0 =	simm.s32 @!p2 $0x0  }
0x16: {  	s3 =	sld [smem:$0x3FDB];
	s0 =	simm.s32 @p2 $0x1  }
0x17: {  	s4 =	simm.s32 $0x1BF5;
	[smem:$0x3FB2] =	sst s0  }
0x18: {  	s0 =	sld [smem:$0x3F95];
	_ =	swait.ge [sflag:s4], $0x0  }
0x19: {  	s7 =	sld [smem:$0x3F96]  }
0x1a: {  	s8 =	sadd.s32 $0xFFFFE003, lr  }
0x1b: {  	s9 =	sadd.s32 $0xFFFFFEF7, lr;
	s5 =	simm.s32 $0xFFFFFFFF;
	p2 =	slt.u32 s8, $0xFFFFF086  }
0x1c: {  	p1 =	slt.u32 s9, $0xF7A;
	s5 =	simm.s32 @!p2 $0x0  }
0x1d: {  	s5 =	simm.s32 @p1 $0x1;
	p0 =	seq.s32 s7, s2  }
0x1e: {  	s7 =	smul.u32 @!p0 $0xF7A, s2;
	p2 =	seq.s32 @!p0 s5, $0x0  }
0x1f: {  	s9 =	smul.u32 $0xF7A, s1;
	s8 =	simm.s32 @!p0 $0x1BF5;
	p2 =	por !p2, p0  }
0x20: {  	[sflag:s8] =	ssyncset.s32 @!p0 $0xFFFFF086;
	s6 =	sadd.s32 @!p0 s3, s7;
	s7 =	simm.s32 @!p0 $0x108  }
0x21: {  	s3 =	sadd.s32 s3, s9;
	s6 =	sadd.s32 @!p0 $0x88, s6;
	s7 =	simm.s32 @p2 $0x1082  }
0x22: {  	[simem:s7], [sflag:s8] =	dma.local @!p0 [hbm:s6], $0xF7A  }
0x23: {  	s9 =	sor.u32 $0xD0000000, s2;
	s6 =	simm.s32 $0x108;
	_ =	swait.ge @!p0 [sflag:s8], $0x0  }
0x24: {  	s3 =	sadd.s32 $0x88, s3;
	s6 =	simm.s32 @!p1 $0x1082;
	[sflag:s4] =	ssyncset.s32 $0xFFFFF086  }
0x25: {  	[simem:s6], [sflag:s4] =	dma.local [hbm:s3], $0xF7A  }
0x26: {  	[smem:$0x3F96] =	sst s1;
	(tag) =	ssettag s2;
	_ =	strace s9  }
0x27: {  	s1 =	sld [smem:$0x3FA6]  }
0x28: {  	s2 =	sld [smem:$0x3FA7]  }
0x29: {  	s4 =	sld [smem:$0x3FA9]  }
0x2a: {  	p0 =	seq.s32 s5, $0x0;
	s5 =	sld [smem:$0x3FAA]  }
0x2b: {  	s6 =	sld [smem:$0x3FAB]  }
0x2c: {  	s7 =	sld [smem:$0x3FAC]  }
0x2d: {  	s3 =	simm.s32 $0x108;
	s8 =	sld [smem:$0x3FAD]  }
0x2e: {  	s3 =	simm.s32 @!p0 $0x1082;
	s9 =	sld [smem:$0x3FAE]  }
0x2f: {  	lr =	sadd.s32 s0, s3;
	s0 =	sld [smem:$0x3FA5]  }
0x30: {  	s3 =	sld [smem:$0x3FA8]  }
0x31: {  	[smem:$0x3FB1] =	sst s10  }
0x32: {  	s10 =	sld [smem:$0x3FAF];
	_ =	sdelay $0x3  }
0x33: {  	p0 =	seq.s32 s10, $0x1;
	s10 =	sld [smem:$0x3FB1];
	_ =	sdelay $0x3  }
0x34: {  	[smem:$0x3FB1] =	sst s10  }
0x35: {  	s10 =	sld [smem:$0x3FB0];
	_ =	sdelay $0x3  }
0x36: {  	p1 =	seq.s32 s10, $0x1;
	s10 =	sld [smem:$0x3FB1];
	_ =	sdelay $0x3  }
0x37: {  	[smem:$0x3FB1] =	sst s10  }
0x38: {  	s10 =	sld [smem:$0x3FB2]  }
0x39: {  	_ = 	snop;
	(pc) =	sbr.ind lr, $3  }
0x3a: {  	_ = 	snop  }
0x3b: {  	_ = 	snop  }
0x3c: {  	p2 =	seq.s32 s10, $0x1;
	s10 =	sld [smem:$0x3FB1]  }
0x3d: {  	_ =	shalt  }
0x3e: {  	_ =	shalt  }
0x3f: {  	_ =	shalt  }
0x40: {  	_ =	shalt  }
0x41: {  	_ =	shalt  }
0x42: {  	_ =	shalt  }
0x43: {  	_ =	shalt  }
0x44: {  	_ =	shalt  }
0x45: {  	_ =	shalt  }
0x46: {  	_ =	shalt  }
0x47: {  	_ =	shalt  }
0x48: {  	_ =	shalt  }
0x49: {  	_ =	shalt  }
0x4a: {  	_ =	shalt  }
0x4b: {  	_ =	shalt  }
0x4c: {  	_ =	shalt  }
0x4d: {  	_ =	shalt  }
0x4e: {  	_ =	shalt  }
0x4f: {  	_ =	shalt  }
0x50: {  	_ =	shalt  }
0x51: {  	_ =	shalt  }
0x52: {  	_ =	shalt  }
0x53: {  	_ =	shalt  }
0x54: {  	_ =	shalt  }
0x55: {  	_ =	shalt  }
0x56: {  	_ =	shalt  }
0x57: {  	_ =	shalt  }
0x58: {  	_ =	shalt  }
0x59: {  	_ =	shalt  }
0x5a: {  	_ =	shalt  }
0x5b: {  	_ =	shalt  }
0x5c: {  	_ =	shalt  }
0x5d: {  	_ =	shalt  }
0x5e: {  	_ =	shalt  }
0x5f: {  	_ =	shalt  }
0x60: {  	_ =	shalt  }
0x61: {  	_ =	shalt  }
0x62: {  	_ =	shalt  }
0x63: {  	_ =	shalt  }
0x64: {  	_ =	shalt  }
0x65: {  	_ =	shalt  }
0x66: {  	_ =	shalt  }
0x67: {  	_ =	shalt  }
0x68: {  	_ =	shalt  }
0x69: {  	_ =	shalt  }
0x6a: {  	_ =	shalt  }
0x6b: {  	_ =	shalt  }
0x6c: {  	_ =	shalt  }
0x6d: {  	_ =	shalt  }
0x6e: {  	_ =	shalt  }
0x6f: {  	_ =	shalt  }
0x70: {  	_ =	shalt  }
0x71: {  	_ =	shalt  }
0x72: {  	_ =	shalt  }
0x73: {  	_ =	shalt  }
0x74: {  	_ =	shalt  }
0x75: {  	_ =	shalt  }
0x76: {  	_ =	shalt  }
0x77: {  	_ =	shalt  }
0x78: {  	_ =	shalt  }
0x79: {  	_ =	shalt  }
0x7a: {  	_ =	shalt  }
0x7b: {  	_ =	shalt  }
0x7c: {  	_ =	shalt  }
0x7d: {  	_ =	shalt  }
0x7e: {  	_ =	shalt  }
0x7f: {  	_ =	shalt  }
0x80: {  	_ =	shalt  }
0x81: {  	_ =	shalt  }
0x82: {  	_ =	shalt  }
0x83: {  	_ =	shalt  }
0x84: {  	_ =	shalt  }
0x85: {  	_ =	shalt  }
0x86: {  	_ =	shalt  }
0x87: {  	_ =	shalt  }
.Lfunc_end0:
.L_simem_size_0:
called_computation.1_lowered:
.L_overlay_start_0:
0x88: {  	s0 =	sld [smem:$0x3FD9]  }
0x89: {  	s1 =	sld [smem:$0x3FFE];
	_ =	sdelay $0x3  }
0x8a: {  	s0 =	sadd.s32 s1, s0  }
0x8b: {  	[smem:$0x3FBD] =	sst s0  }
0x8c: {  	_ = 	snop  }
0x8d: {  	s0 =	sld [smem:$0x3FD0];
	_ =	sdelay $0x2  }
0x8e: {  	s13 =	simm.s32 $0xD;
	s2 =	simm.s32 $0x10  }
0x8f: {  	[smem:s2], [sflag:s13] =	dma.local [hbm:s0], $0x1  }
0x90: {  	_ =	swait.eq [sflag:s13], $0x1  }
0x91: {  	[sflag:s13] =	ssyncset.done $0x0  }
0x92: {  	[sflag:s13] =	ssyncadd.s32 $0xFFFFFFFF  }
0x93: {  	s14 =	sld [smem:$0x13];
	(tm) =	ssettm $0x1  }
0x94: {  	s15 =	sld [smem:$0x3FFB];
	_ =	sdelay $0x3  }
0x95: {  	_ =	strace s15  }
0x96: {  	s1 =	sld [smem:$0x3FFC];
	_ =	sdelay $0x3  }
0x97: {  	_ =	strace s1  }
0x98: {  	s1 =	sld [smem:$0x3FFD];
	_ =	sdelay $0x3  }
0x99: {  	_ =	strace s1  }
0x9a: {  	_ =	strace $0x8FFFFFFF  }
0x9b: {  	s16 =	sld [smem:$0x3FDB];
	_ =	sdelay $0x1  }
0x9c: {  	s17 =	simm.s32 $_scs_section_size  }
0x9d: {  	s3 =	simm.s32 $_size__tile_overlayer_lowered;
	s4 =	simm.s32 $_tile_overlayer_lowered  }
0x9e: {  	s20 =	simm.s32 $0x1BFF;
	s19 =	sshll.u32 s4, $0x1;
	s1 =	sadd.s32 s17, s16  }
0x9f: {  	s5 =	simm.s32 $0x0;
	s18 =	sshll.u32 s3, $0x1;
	s3 =	sadd.s32 s19, s1  }
0xa0: {  	[timem:s5], [sflag:s20] =	dma.local [hbm:s3], s18  }
0xa1: {  	_ =	swait.ge [sflag:s20], s18  }
0xa2: {  	s2 =	ssub.s32 $0x0, s18;
	[sflag:s20] =	ssyncset.done $0x0  }
0xa3: {  	[sflag:s20] =	ssyncadd.s32 s2;
	_ =	sdelay $0x1  }
0xa4: {  	s21 =	simm.s32 $0x1B8B  }
0xa5: {  	_ =	swait.ge [sflag:s21], $0x1  }
0xa6: {  	[sflag:s21] =	ssyncset.done $0x0  }
0xa7: {  	s23 =	simm.s32 $0x1B8E;
	s22 =	sld [smem:$0x3FFE];
	[sflag:s21] =	ssyncadd.s32 $0xFFFFFFFF  }
0xa8: {  	s24 =	simm.s32 $execute0_lowered;
	[smem:$0x3FD2] =	sst s23  }
0xa9: {  	s3 =	sshll.u32 s24, $0x1;
	_ =	strace $0x8000004F;
	[dreg:$0x1] =	wrdreg $0xFFFFFFFF  }
0xaa: {  	s25 =	simm.s32 $_size_execute0_lowered;
	s1 =	sadd.s32 s1, s3;
	[dreg:$0x0] =	wrdreg $0x0  }
0xab: {  	s3 =	sshll.u32 s25, $0x1;
	[dreg:$0x2] =	wrdreg s1  }
0xac: {  	[dreg:$0x3] =	wrdreg s3  }
0xad: {  	[dreg:$0x4] =	wrdreg $0xC0  }
0xae: {  	_ =	task [dreg:s5], $0x5FFFF  }
0xaf: {  	[dreg:$0x1] =	wrdreg $0xFFFFFFFF  }
0xb0: {  	[dreg:$0x0] =	wrdreg $0x60  }
0xb1: {  	[dreg:$0x2] =	wrdreg s22  }
0xb2: {  	[dreg:$0x3] =	wrdreg s14  }
0xb3: {  	[dreg:$0x4] =	wrdreg $0xA  }
0xb4: {  	_ =	task.clear_ibuf [dreg:s5], $0x5FFFF;
	_ =	strace $0x9000004F  }
0xb5: {  	s26 =	simm.s32 $0xA;
	_ =	strace $0x80000051  }
0xb6: {  	_ =	swait.ge [sflag:s26], $0x1  }
0xb7: {  	[sflag:s26] =	ssyncadd.s32 $0xFFFFFFFF  }
0xb8: {  	_ =	strace $0x90000051  }
0xb9: {  	_ =	sfence  }
0xba: {  	s28 =	sld [smem:$0x0];
	_ =	sdelay $0x1  }
0xbb: {  	s29 =	srdreg.scid  }
0xbc: {  	s30 =	sshll.u32 s29, $0xD;
	s31 =	sshrl.u32 s29, $0x2  }
0xbd: {  	s2 =	sand.u32 $0x4000, s30;
	s1 =	sand.u32 $0x1, s29;
	s0 =	sadd.s32 s31, s28  }
0xbe: {  	s1 =	sor.u32 s2, s1;
	s0 =	sshll.u32 s0, $0x11  }
0xbf: {  	s0 =	sor.u32 s0, s1  }
0xc0: {  	s0 =	sadd.s32 $0x8F2B, s0  }
0xc1: {  	[sflag:s0] =	ssyncadd.remote.s32 $0x1  }
0xc2: {  	_ =	sfence.sel $0xFFFF  }
0xc3: {  	[dreg:$0x0] =	wrdreg $0xFFFFFFFF;
	(pc) =	sbr.abs _section_cstart, $3  }
0xc4: {  	[dreg:$0x1] =	wrdreg $0xFFFFFFFF  }
0xc5: {  	_ =	task.clear_ibuf [dreg:s5], $0x2FFFF;
	_ =	strace $0x9FFFFFFF  }
0xc6: {  	(tm) =	ssettm $0x7FFFFFFF  }
0xc7: {  	_ =	shalt  }
tec
execute0_lowered:
.L_overlay_start_1:
0x0: {  	(tag) =	ssettag $0x1  }
0x1: {  	s3 =	rddreg [dreg:$0x0]  }
0x2: {  	s8 =	rddreg [dreg:$0x1];
	_ =	strace $0x80000050;
	s2 =	simm.s32 $0x1  }
0x3: {  	v0 =	vimm.s32 $0x0;
	[sflag:s2] =	ssyncpa.u1 $0x0  }
0x4: {  	[tilespmem:$0x48] =	vst v0  }
0x5: {  	[tilespmem:$0x58] =	vst v0  }
0x6: {  	[tilespmem:$0x68] =	vst v0  }
0x7: {  	[tilespmem:$0x78] =	vst v0  }
0x8: {  	[tilespmem:$0x88] =	vst v0  }
0x9: {  	[tilespmem:$0x98] =	vst v0  }
0xa: {  	[tilespmem:$0xA8] =	vst v0  }
0xb: {  	[tilespmem:$0xB8] =	vst v0  }
0xc: {  	[tilespmem:$0xC8] =	vst v0  }
0xd: {  	[tilespmem:$0xD8] =	vst v0  }
0xe: {  	[tilespmem:$0xE8] =	vst v0  }
0xf: {  	[tilespmem:$0xF8] =	vst v0  }
0x10: {  	[tilespmem:$0x108] =	vst v0  }
0x11: {  	[tilespmem:$0x118] =	vst v0  }
0x12: {  	[tilespmem:$0x128] =	vst v0  }
0x13: {  	[tilespmem:$0x138] =	vst v0  }
0x14: {  	[tilespmem:$0x148] =	vst v0  }
0x15: {  	[tilespmem:$0x158] =	vst v0  }
0x16: {  	[tilespmem:$0x168] =	vst v0  }
0x17: {  	[tilespmem:$0x178] =	vst v0  }
0x18: {  	[tilespmem:$0x188] =	vst v0  }
0x19: {  	[tilespmem:$0x198] =	vst v0  }
0x1a: {  	[tilespmem:$0x1A8] =	vst v0  }
0x1b: {  	[tilespmem:$0x1B8] =	vst v0  }
0x1c: {  	[tilespmem:$0x1C8] =	vst v0  }
0x1d: {  	[tilespmem:$0x1D8] =	vst v0  }
0x1e: {  	[tilespmem:$0x1E8] =	vst v0  }
0x1f: {  	[tilespmem:$0x1F8] =	vst v0  }
0x20: {  	[tilespmem:$0x208] =	vst v0  }
0x21: {  	[tilespmem:$0x218] =	vst v0  }
0x22: {  	[tilespmem:$0x228] =	vst v0  }
0x23: {  	[tilespmem:$0x238] =	vst v0  }
0x24: {  	[tilespmem:$0x248] =	vst v0  }
0x25: {  	[tilespmem:$0x258] =	vst v0  }
0x26: {  	[tilespmem:$0x268] =	vst v0  }
0x27: {  	[tilespmem:$0x278] =	vst v0  }
0x28: {  	[tilespmem:$0x288] =	vst v0  }
0x29: {  	[tilespmem:$0x298] =	vst v0  }
0x2a: {  	[tilespmem:$0x2A8] =	vst v0  }
0x2b: {  	[tilespmem:$0x2B8] =	vst v0  }
0x2c: {  	[tilespmem:$0x2C8] =	vst v0  }
0x2d: {  	[tilespmem:$0x2D8] =	vst v0  }
0x2e: {  	[tilespmem:$0x2E8] =	vst v0  }
0x2f: {  	[tilespmem:$0x2F8] =	vst v0  }
0x30: {  	[tilespmem:$0x308] =	vst v0  }
0x31: {  	[tilespmem:$0x318] =	vst v0  }
0x32: {  	[tilespmem:$0x328] =	vst v0  }
0x33: {  	[tilespmem:$0x338] =	vst v0  }
0x34: {  	[tilespmem:$0x348] =	vst v0  }
0x35: {  	[tilespmem:$0x358] =	vst v0  }
0x36: {  	[tilespmem:$0x368] =	vst v0  }
0x37: {  	[tilespmem:$0x378] =	vst v0  }
0x38: {  	[tilespmem:$0x388] =	vst v0  }
0x39: {  	[tilespmem:$0x398] =	vst v0  }
0x3a: {  	[tilespmem:$0x3A8] =	vst v0  }
0x3b: {  	[tilespmem:$0x3B8] =	vst v0  }
0x3c: {  	[tilespmem:$0x3C8] =	vst v0  }
0x3d: {  	[tilespmem:$0x3D8] =	vst v0  }
0x3e: {  	[tilespmem:$0x3E8] =	vst v0  }
0x3f: {  	[tilespmem:$0x3F8] =	vst v0  }
0x40: {  	[tilespmem:$0x408] =	vst v0  }
0x41: {  	[tilespmem:$0x418] =	vst v0  }
0x42: {  	[tilespmem:$0x428] =	vst v0  }
0x43: {  	[tilespmem:$0x438] =	vst v0  }
0x44: {  	[tilespmem:$0x448] =	vst v0  }
0x45: {  	[tilespmem:$0x458] =	vst v0  }
0x46: {  	[tilespmem:$0x468] =	vst v0  }
0x47: {  	[tilespmem:$0x478] =	vst v0  }
0x48: {  	[tilespmem:$0x488] =	vst v0  }
0x49: {  	[tilespmem:$0x498] =	vst v0  }
0x4a: {  	[tilespmem:$0x4A8] =	vst v0  }
0x4b: {  	[tilespmem:$0x4B8] =	vst v0  }
0x4c: {  	[tilespmem:$0x4C8] =	vst v0  }
0x4d: {  	[tilespmem:$0x4D8] =	vst v0  }
0x4e: {  	[tilespmem:$0x4E8] =	vst v0  }
0x4f: {  	[tilespmem:$0x4F8] =	vst v0  }
0x50: {  	[tilespmem:$0x508] =	vst v0  }
0x51: {  	[tilespmem:$0x518] =	vst v0  }
0x52: {  	[tilespmem:$0x528] =	vst v0  }
0x53: {  	[tilespmem:$0x538] =	vst v0  }
0x54: {  	[tilespmem:$0x548] =	vst v0  }
0x55: {  	[tilespmem:$0x558] =	vst v0  }
0x56: {  	[tilespmem:$0x568] =	vst v0  }
0x57: {  	[tilespmem:$0x578] =	vst v0  }
0x58: {  	[tilespmem:$0x588] =	vst v0  }
0x59: {  	[tilespmem:$0x598] =	vst v0  }
0x5a: {  	[tilespmem:$0x5A8] =	vst v0  }
0x5b: {  	[tilespmem:$0x5B8] =	vst v0  }
0x5c: {  	[tilespmem:$0x5C8] =	vst v0  }
0x5d: {  	[tilespmem:$0x5D8] =	vst v0  }
0x5e: {  	[tilespmem:$0x5E8] =	vst v0  }
0x5f: {  	[tilespmem:$0x5F8] =	vst v0  }
0x60: {  	[tilespmem:$0x608] =	vst v0  }
0x61: {  	[tilespmem:$0x618] =	vst v0  }
0x62: {  	[tilespmem:$0x628] =	vst v0  }
0x63: {  	[tilespmem:$0x638] =	vst v0  }
0x64: {  	[tilespmem:$0x648] =	vst v0  }
0x65: {  	[tilespmem:$0x658] =	vst v0  }
0x66: {  	[tilespmem:$0x668] =	vst v0  }
0x67: {  	[tilespmem:$0x678] =	vst v0  }
0x68: {  	[tilespmem:$0x688] =	vst v0  }
0x69: {  	[tilespmem:$0x698] =	vst v0  }
0x6a: {  	[tilespmem:$0x6A8] =	vst v0  }
0x6b: {  	[tilespmem:$0x6B8] =	vst v0  }
0x6c: {  	[tilespmem:$0x6C8] =	vst v0  }
0x6d: {  	[tilespmem:$0x6D8] =	vst v0  }
0x6e: {  	[tilespmem:$0x6E8] =	vst v0  }
0x6f: {  	[tilespmem:$0x6F8] =	vst v0  }
0x70: {  	[tilespmem:$0x708] =	vst v0  }
0x71: {  	[tilespmem:$0x718] =	vst v0  }
0x72: {  	[tilespmem:$0x728] =	vst v0  }
0x73: {  	[tilespmem:$0x738] =	vst v0  }
0x74: {  	[tilespmem:$0x748] =	vst v0  }
0x75: {  	[tilespmem:$0x758] =	vst v0  }
0x76: {  	[tilespmem:$0x768] =	vst v0  }
0x77: {  	[tilespmem:$0x778] =	vst v0  }
0x78: {  	[tilespmem:$0x788] =	vst v0  }
0x79: {  	[tilespmem:$0x798] =	vst v0  }
0x7a: {  	[tilespmem:$0x7A8] =	vst v0  }
0x7b: {  	[tilespmem:$0x7B8] =	vst v0  }
0x7c: {  	[tilespmem:$0x7C8] =	vst v0  }
0x7d: {  	[tilespmem:$0x7D8] =	vst v0  }
0x7e: {  	[tilespmem:$0x7E8] =	vst v0  }
0x7f: {  	[tilespmem:$0x7F8] =	vst v0  }
0x80: {  	[tilespmem:$0x808] =	vst v0  }
0x81: {  	[tilespmem:$0x818] =	vst v0  }
0x82: {  	[tilespmem:$0x828] =	vst v0  }
0x83: {  	[tilespmem:$0x838] =	vst v0  }
0x84: {  	[tilespmem:$0x848] =	vst v0  }
0x85: {  	[tilespmem:$0x858] =	vst v0  }
0x86: {  	[tilespmem:$0x868] =	vst v0  }
0x87: {  	[tilespmem:$0x878] =	vst v0  }
0x88: {  	[tilespmem:$0x888] =	vst v0  }
0x89: {  	[tilespmem:$0x898] =	vst v0  }
0x8a: {  	[tilespmem:$0x8A8] =	vst v0  }
0x8b: {  	[tilespmem:$0x8B8] =	vst v0  }
0x8c: {  	[tilespmem:$0x8C8] =	vst v0  }
0x8d: {  	[tilespmem:$0x8D8] =	vst v0  }
0x8e: {  	[tilespmem:$0x8E8] =	vst v0  }
0x8f: {  	[tilespmem:$0x8F8] =	vst v0  }
0x90: {  	[tilespmem:$0x908] =	vst v0  }
0x91: {  	[tilespmem:$0x918] =	vst v0  }
0x92: {  	[tilespmem:$0x928] =	vst v0  }
0x93: {  	[tilespmem:$0x938] =	vst v0  }
0x94: {  	[tilespmem:$0x948] =	vst v0  }
0x95: {  	[tilespmem:$0x958] =	vst v0  }
0x96: {  	[tilespmem:$0x968] =	vst v0  }
0x97: {  	[tilespmem:$0x978] =	vst v0  }
0x98: {  	[tilespmem:$0x988] =	vst v0  }
0x99: {  	[tilespmem:$0x998] =	vst v0  }
0x9a: {  	[tilespmem:$0x9A8] =	vst v0  }
0x9b: {  	[tilespmem:$0x9B8] =	vst v0  }
0x9c: {  	[tilespmem:$0x9C8] =	vst v0  }
0x9d: {  	[tilespmem:$0x9D8] =	vst v0  }
0x9e: {  	[tilespmem:$0x9E8] =	vst v0  }
0x9f: {  	[tilespmem:$0x9F8] =	vst v0  }
0xa0: {  	[tilespmem:$0xA08] =	vst v0  }
0xa1: {  	[tilespmem:$0xA18] =	vst v0  }
0xa2: {  	[tilespmem:$0xA28] =	vst v0  }
0xa3: {  	[tilespmem:$0xA38] =	vst v0  }
0xa4: {  	[tilespmem:$0xA48] =	vst v0  }
0xa5: {  	[tilespmem:$0xA58] =	vst v0  }
0xa6: {  	[tilespmem:$0xA68] =	vst v0  }
0xa7: {  	[tilespmem:$0xA78] =	vst v0  }
0xa8: {  	[tilespmem:$0xA88] =	vst v0  }
0xa9: {  	[tilespmem:$0xA98] =	vst v0  }
0xaa: {  	[tilespmem:$0xAA8] =	vst v0  }
0xab: {  	[tilespmem:$0xAB8] =	vst v0  }
0xac: {  	[tilespmem:$0xAC8] =	vst v0  }
0xad: {  	[tilespmem:$0xAD8] =	vst v0  }
0xae: {  	[tilespmem:$0xAE8] =	vst v0  }
0xaf: {  	[tilespmem:$0xAF8] =	vst v0  }
0xb0: {  	[tilespmem:$0xB08] =	vst v0  }
0xb1: {  	[tilespmem:$0xB18] =	vst v0  }
0xb2: {  	[tilespmem:$0xB28] =	vst v0  }
0xb3: {  	[tilespmem:$0xB38] =	vst v0  }
0xb4: {  	[tilespmem:$0xB48] =	vst v0  }
0xb5: {  	[tilespmem:$0xB58] =	vst v0  }
0xb6: {  	[tilespmem:$0xB68] =	vst v0  }
0xb7: {  	[tilespmem:$0xB78] =	vst v0  }
0xb8: {  	[tilespmem:$0xB88] =	vst v0  }
0xb9: {  	[tilespmem:$0xB98] =	vst v0  }
0xba: {  	[tilespmem:$0xBA8] =	vst v0  }
0xbb: {  	[tilespmem:$0xBB8] =	vst v0  }
0xbc: {  	[tilespmem:$0xBC8] =	vst v0  }
0xbd: {  	[tilespmem:$0xBD8] =	vst v0  }
0xbe: {  	[tilespmem:$0xBE8] =	vst v0  }
0xbf: {  	[tilespmem:$0xBF8] =	vst v0  }
0xc0: {  	[tilespmem:$0xC08] =	vst v0  }
0xc1: {  	[tilespmem:$0xC18] =	vst v0  }
0xc2: {  	[tilespmem:$0xC28] =	vst v0  }
0xc3: {  	[tilespmem:$0xC38] =	vst v0  }
0xc4: {  	[tilespmem:$0xC48] =	vst v0  }
0xc5: {  	[tilespmem:$0xC58] =	vst v0  }
0xc6: {  	[tilespmem:$0xC68] =	vst v0  }
0xc7: {  	[tilespmem:$0xC78] =	vst v0  }
0xc8: {  	[tilespmem:$0xC88] =	vst v0  }
0xc9: {  	[tilespmem:$0xC98] =	vst v0  }
0xca: {  	[tilespmem:$0xCA8] =	vst v0  }
0xcb: {  	[tilespmem:$0xCB8] =	vst v0  }
0xcc: {  	[tilespmem:$0xCC8] =	vst v0  }
0xcd: {  	[tilespmem:$0xCD8] =	vst v0  }
0xce: {  	[tilespmem:$0xCE8] =	vst v0  }
0xcf: {  	[tilespmem:$0xCF8] =	vst v0  }
0xd0: {  	[tilespmem:$0xD08] =	vst v0  }
0xd1: {  	[tilespmem:$0xD18] =	vst v0  }
0xd2: {  	[tilespmem:$0xD28] =	vst v0  }
0xd3: {  	[tilespmem:$0xD38] =	vst v0  }
0xd4: {  	[tilespmem:$0xD48] =	vst v0  }
0xd5: {  	[tilespmem:$0xD58] =	vst v0  }
0xd6: {  	[tilespmem:$0xD68] =	vst v0  }
0xd7: {  	[tilespmem:$0xD78] =	vst v0  }
0xd8: {  	[tilespmem:$0xD88] =	vst v0  }
0xd9: {  	[tilespmem:$0xD98] =	vst v0  }
0xda: {  	[tilespmem:$0xDA8] =	vst v0  }
0xdb: {  	[tilespmem:$0xDB8] =	vst v0  }
0xdc: {  	[tilespmem:$0xDC8] =	vst v0  }
0xdd: {  	[tilespmem:$0xDD8] =	vst v0  }
0xde: {  	[tilespmem:$0xDE8] =	vst v0  }
0xdf: {  	[tilespmem:$0xDF8] =	vst v0  }
0xe0: {  	[tilespmem:$0xE08] =	vst v0  }
0xe1: {  	[tilespmem:$0xE18] =	vst v0  }
0xe2: {  	[tilespmem:$0xE28] =	vst v0  }
0xe3: {  	[tilespmem:$0xE38] =	vst v0  }
0xe4: {  	[tilespmem:$0xE48] =	vst v0  }
0xe5: {  	[tilespmem:$0xE58] =	vst v0  }
0xe6: {  	[tilespmem:$0xE68] =	vst v0  }
0xe7: {  	[tilespmem:$0xE78] =	vst v0  }
0xe8: {  	[tilespmem:$0xE88] =	vst v0  }
0xe9: {  	[tilespmem:$0xE98] =	vst v0  }
0xea: {  	[tilespmem:$0xEA8] =	vst v0  }
0xeb: {  	[tilespmem:$0xEB8] =	vst v0  }
0xec: {  	[tilespmem:$0xEC8] =	vst v0  }
0xed: {  	[tilespmem:$0xED8] =	vst v0  }
0xee: {  	[tilespmem:$0xEE8] =	vst v0  }
0xef: {  	[tilespmem:$0xEF8] =	vst v0  }
0xf0: {  	[tilespmem:$0xF08] =	vst v0  }
0xf1: {  	[tilespmem:$0xF18] =	vst v0  }
0xf2: {  	[tilespmem:$0xF28] =	vst v0  }
0xf3: {  	[tilespmem:$0xF38] =	vst v0  }
0xf4: {  	[tilespmem:$0xF48] =	vst v0  }
0xf5: {  	[tilespmem:$0xF58] =	vst v0  }
0xf6: {  	[tilespmem:$0xF68] =	vst v0  }
0xf7: {  	[tilespmem:$0xF78] =	vst v0  }
0xf8: {  	[tilespmem:$0xF88] =	vst v0  }
0xf9: {  	[tilespmem:$0xF98] =	vst v0  }
0xfa: {  	[tilespmem:$0xFA8] =	vst v0  }
0xfb: {  	[tilespmem:$0xFB8] =	vst v0  }
0xfc: {  	[tilespmem:$0xFC8] =	vst v0  }
0xfd: {  	[tilespmem:$0xFD8] =	vst v0  }
0xfe: {  	[tilespmem:$0xFE8] =	vst v0  }
0xff: {  	[tilespmem:$0xFF8] =	vst v0  }
0x100: {  	[tilespmem:$0x1008] =	vst v0  }
0x101: {  	[tilespmem:$0x1018] =	vst v0  }
0x102: {  	[tilespmem:$0x1028] =	vst v0  }
0x103: {  	[tilespmem:$0x1038] =	vst v0  }
0x104: {  	[tilespmem:$0x1048] =	vst v0  }
0x105: {  	[tilespmem:$0x1058] =	vst v0  }
0x106: {  	[tilespmem:$0x1068] =	vst v0  }
0x107: {  	[tilespmem:$0x1078] =	vst v0  }
0x108: {  	[tilespmem:$0x1088] =	vst v0  }
0x109: {  	[tilespmem:$0x1098] =	vst v0  }
0x10a: {  	[tilespmem:$0x10A8] =	vst v0  }
0x10b: {  	[tilespmem:$0x10B8] =	vst v0  }
0x10c: {  	[tilespmem:$0x10C8] =	vst v0  }
0x10d: {  	[tilespmem:$0x10D8] =	vst v0  }
0x10e: {  	[tilespmem:$0x10E8] =	vst v0  }
0x10f: {  	[tilespmem:$0x10F8] =	vst v0  }
0x110: {  	[tilespmem:$0x1108] =	vst v0  }
0x111: {  	[tilespmem:$0x1118] =	vst v0  }
0x112: {  	[tilespmem:$0x1128] =	vst v0  }
0x113: {  	[tilespmem:$0x1138] =	vst v0  }
0x114: {  	[tilespmem:$0x1148] =	vst v0  }
0x115: {  	[tilespmem:$0x1158] =	vst v0  }
0x116: {  	[tilespmem:$0x1168] =	vst v0  }
0x117: {  	[tilespmem:$0x1178] =	vst v0  }
0x118: {  	[tilespmem:$0x1188] =	vst v0  }
0x119: {  	[tilespmem:$0x1198] =	vst v0  }
0x11a: {  	[tilespmem:$0x11A8] =	vst v0  }
0x11b: {  	[tilespmem:$0x11B8] =	vst v0  }
0x11c: {  	[tilespmem:$0x11C8] =	vst v0  }
0x11d: {  	[tilespmem:$0x11D8] =	vst v0  }
0x11e: {  	[tilespmem:$0x11E8] =	vst v0  }
0x11f: {  	[tilespmem:$0x11F8] =	vst v0  }
0x120: {  	[tilespmem:$0x1208] =	vst v0  }
0x121: {  	[tilespmem:$0x1218] =	vst v0  }
0x122: {  	[tilespmem:$0x1228] =	vst v0  }
0x123: {  	[tilespmem:$0x1238] =	vst v0  }
0x124: {  	[tilespmem:$0x1248] =	vst v0  }
0x125: {  	[tilespmem:$0x1258] =	vst v0  }
0x126: {  	[tilespmem:$0x1268] =	vst v0  }
0x127: {  	[tilespmem:$0x1278] =	vst v0  }
0x128: {  	[tilespmem:$0x1288] =	vst v0  }
0x129: {  	[tilespmem:$0x1298] =	vst v0  }
0x12a: {  	[tilespmem:$0x12A8] =	vst v0  }
0x12b: {  	[tilespmem:$0x12B8] =	vst v0  }
0x12c: {  	[tilespmem:$0x12C8] =	vst v0  }
0x12d: {  	[tilespmem:$0x12D8] =	vst v0  }
0x12e: {  	[tilespmem:$0x12E8] =	vst v0  }
0x12f: {  	[tilespmem:$0x12F8] =	vst v0  }
0x130: {  	[tilespmem:$0x1308] =	vst v0  }
0x131: {  	[tilespmem:$0x1318] =	vst v0  }
0x132: {  	[tilespmem:$0x1328] =	vst v0  }
0x133: {  	[tilespmem:$0x1338] =	vst v0  }
0x134: {  	[tilespmem:$0x1348] =	vst v0  }
0x135: {  	[tilespmem:$0x1358] =	vst v0  }
0x136: {  	[tilespmem:$0x1368] =	vst v0  }
0x137: {  	[tilespmem:$0x1378] =	vst v0  }
0x138: {  	[tilespmem:$0x1388] =	vst v0  }
0x139: {  	[tilespmem:$0x1398] =	vst v0  }
0x13a: {  	[tilespmem:$0x13A8] =	vst v0  }
0x13b: {  	[tilespmem:$0x13B8] =	vst v0  }
0x13c: {  	[tilespmem:$0x13C8] =	vst v0  }
0x13d: {  	[tilespmem:$0x13D8] =	vst v0  }
0x13e: {  	[tilespmem:$0x13E8] =	vst v0  }
0x13f: {  	[tilespmem:$0x13F8] =	vst v0  }
0x140: {  	[tilespmem:$0x1408] =	vst v0  }
0x141: {  	[tilespmem:$0x1418] =	vst v0  }
0x142: {  	[tilespmem:$0x1428] =	vst v0  }
0x143: {  	[tilespmem:$0x1438] =	vst v0  }
0x144: {  	[tilespmem:$0x1448] =	vst v0  }
0x145: {  	[tilespmem:$0x1458] =	vst v0  }
0x146: {  	[tilespmem:$0x1468] =	vst v0  }
0x147: {  	[tilespmem:$0x1478] =	vst v0  }
0x148: {  	[tilespmem:$0x1488] =	vst v0  }
0x149: {  	[tilespmem:$0x1498] =	vst v0  }
0x14a: {  	[tilespmem:$0x14A8] =	vst v0  }
0x14b: {  	[tilespmem:$0x14B8] =	vst v0  }
0x14c: {  	[tilespmem:$0x14C8] =	vst v0  }
0x14d: {  	[tilespmem:$0x14D8] =	vst v0  }
0x14e: {  	[tilespmem:$0x14E8] =	vst v0  }
0x14f: {  	[tilespmem:$0x14F8] =	vst v0  }
0x150: {  	[tilespmem:$0x1508] =	vst v0  }
0x151: {  	[tilespmem:$0x1518] =	vst v0  }
0x152: {  	[tilespmem:$0x1528] =	vst v0  }
0x153: {  	[tilespmem:$0x1538] =	vst v0  }
0x154: {  	[tilespmem:$0x1548] =	vst v0  }
0x155: {  	[tilespmem:$0x1558] =	vst v0  }
0x156: {  	[tilespmem:$0x1568] =	vst v0  }
0x157: {  	[tilespmem:$0x1578] =	vst v0  }
0x158: {  	[tilespmem:$0x1588] =	vst v0  }
0x159: {  	[tilespmem:$0x1598] =	vst v0  }
0x15a: {  	[tilespmem:$0x15A8] =	vst v0  }
0x15b: {  	[tilespmem:$0x15B8] =	vst v0  }
0x15c: {  	[tilespmem:$0x15C8] =	vst v0  }
0x15d: {  	[tilespmem:$0x15D8] =	vst v0  }
0x15e: {  	[tilespmem:$0x15E8] =	vst v0  }
0x15f: {  	[tilespmem:$0x15F8] =	vst v0  }
0x160: {  	[tilespmem:$0x1608] =	vst v0  }
0x161: {  	[tilespmem:$0x1618] =	vst v0  }
0x162: {  	[tilespmem:$0x1628] =	vst v0  }
0x163: {  	[tilespmem:$0x1638] =	vst v0  }
0x164: {  	[tilespmem:$0x1648] =	vst v0  }
0x165: {  	[tilespmem:$0x1658] =	vst v0  }
0x166: {  	[tilespmem:$0x1668] =	vst v0  }
0x167: {  	[tilespmem:$0x1678] =	vst v0  }
0x168: {  	[tilespmem:$0x1688] =	vst v0  }
0x169: {  	[tilespmem:$0x1698] =	vst v0  }
0x16a: {  	[tilespmem:$0x16A8] =	vst v0  }
0x16b: {  	[tilespmem:$0x16B8] =	vst v0  }
0x16c: {  	[tilespmem:$0x16C8] =	vst v0  }
0x16d: {  	[tilespmem:$0x16D8] =	vst v0  }
0x16e: {  	[tilespmem:$0x16E8] =	vst v0  }
0x16f: {  	[tilespmem:$0x16F8] =	vst v0  }
0x170: {  	[tilespmem:$0x1708] =	vst v0  }
0x171: {  	[tilespmem:$0x1718] =	vst v0  }
0x172: {  	[tilespmem:$0x1728] =	vst v0  }
0x173: {  	[tilespmem:$0x1738] =	vst v0  }
0x174: {  	[tilespmem:$0x1748] =	vst v0  }
0x175: {  	[tilespmem:$0x1758] =	vst v0  }
0x176: {  	[tilespmem:$0x1768] =	vst v0  }
0x177: {  	[tilespmem:$0x1778] =	vst v0  }
0x178: {  	[tilespmem:$0x1788] =	vst v0  }
0x179: {  	[tilespmem:$0x1798] =	vst v0  }
0x17a: {  	[tilespmem:$0x17A8] =	vst v0  }
0x17b: {  	[tilespmem:$0x17B8] =	vst v0  }
0x17c: {  	[tilespmem:$0x17C8] =	vst v0  }
0x17d: {  	[tilespmem:$0x17D8] =	vst v0  }
0x17e: {  	[tilespmem:$0x17E8] =	vst v0  }
0x17f: {  	[tilespmem:$0x17F8] =	vst v0  }
0x180: {  	[tilespmem:$0x1808] =	vst v0  }
0x181: {  	[tilespmem:$0x1818] =	vst v0  }
0x182: {  	[tilespmem:$0x1828] =	vst v0  }
0x183: {  	[tilespmem:$0x1838] =	vst v0  }
0x184: {  	[tilespmem:$0x1848] =	vst v0  }
0x185: {  	[tilespmem:$0x1858] =	vst v0  }
0x186: {  	[tilespmem:$0x1868] =	vst v0  }
0x187: {  	[tilespmem:$0x1878] =	vst v0  }
0x188: {  	[tilespmem:$0x1888] =	vst v0  }
0x189: {  	[tilespmem:$0x1898] =	vst v0  }
0x18a: {  	[tilespmem:$0x18A8] =	vst v0  }
0x18b: {  	[tilespmem:$0x18B8] =	vst v0  }
0x18c: {  	[tilespmem:$0x18C8] =	vst v0  }
0x18d: {  	[tilespmem:$0x18D8] =	vst v0  }
0x18e: {  	[tilespmem:$0x18E8] =	vst v0  }
0x18f: {  	[tilespmem:$0x18F8] =	vst v0  }
0x190: {  	[tilespmem:$0x1908] =	vst v0  }
0x191: {  	[tilespmem:$0x1918] =	vst v0  }
0x192: {  	[tilespmem:$0x1928] =	vst v0  }
0x193: {  	[tilespmem:$0x1938] =	vst v0  }
0x194: {  	[tilespmem:$0x1948] =	vst v0  }
0x195: {  	[tilespmem:$0x1958] =	vst v0  }
0x196: {  	[tilespmem:$0x1968] =	vst v0  }
0x197: {  	[tilespmem:$0x1978] =	vst v0  }
0x198: {  	[tilespmem:$0x1988] =	vst v0  }
0x199: {  	[tilespmem:$0x1998] =	vst v0  }
0x19a: {  	[tilespmem:$0x19A8] =	vst v0  }
0x19b: {  	[tilespmem:$0x19B8] =	vst v0  }
0x19c: {  	[tilespmem:$0x19C8] =	vst v0  }
0x19d: {  	[tilespmem:$0x19D8] =	vst v0  }
0x19e: {  	[tilespmem:$0x19E8] =	vst v0  }
0x19f: {  	[tilespmem:$0x19F8] =	vst v0  }
0x1a0: {  	[tilespmem:$0x1A08] =	vst v0  }
0x1a1: {  	[tilespmem:$0x1A18] =	vst v0  }
0x1a2: {  	[tilespmem:$0x1A28] =	vst v0  }
0x1a3: {  	[tilespmem:$0x1A38] =	vst v0  }
0x1a4: {  	[tilespmem:$0x1A48] =	vst v0  }
0x1a5: {  	[tilespmem:$0x1A58] =	vst v0  }
0x1a6: {  	[tilespmem:$0x1A68] =	vst v0  }
0x1a7: {  	[tilespmem:$0x1A78] =	vst v0  }
0x1a8: {  	[tilespmem:$0x1A88] =	vst v0  }
0x1a9: {  	[tilespmem:$0x1A98] =	vst v0  }
0x1aa: {  	[tilespmem:$0x1AA8] =	vst v0  }
0x1ab: {  	[tilespmem:$0x1AB8] =	vst v0  }
0x1ac: {  	[tilespmem:$0x1AC8] =	vst v0  }
0x1ad: {  	[tilespmem:$0x1AD8] =	vst v0  }
0x1ae: {  	[tilespmem:$0x1AE8] =	vst v0  }
0x1af: {  	[tilespmem:$0x1AF8] =	vst v0  }
0x1b0: {  	[tilespmem:$0x1B08] =	vst v0  }
0x1b1: {  	[tilespmem:$0x1B18] =	vst v0  }
0x1b2: {  	[tilespmem:$0x1B28] =	vst v0  }
0x1b3: {  	[tilespmem:$0x1B38] =	vst v0  }
0x1b4: {  	[tilespmem:$0x1B48] =	vst v0  }
0x1b5: {  	[tilespmem:$0x1B58] =	vst v0  }
0x1b6: {  	[tilespmem:$0x1B68] =	vst v0  }
0x1b7: {  	[tilespmem:$0x1B78] =	vst v0  }
0x1b8: {  	[tilespmem:$0x1B88] =	vst v0  }
0x1b9: {  	[tilespmem:$0x1B98] =	vst v0  }
0x1ba: {  	[tilespmem:$0x1BA8] =	vst v0  }
0x1bb: {  	[tilespmem:$0x1BB8] =	vst v0  }
0x1bc: {  	[tilespmem:$0x1BC8] =	vst v0  }
0x1bd: {  	[tilespmem:$0x1BD8] =	vst v0  }
0x1be: {  	[tilespmem:$0x1BE8] =	vst v0  }
0x1bf: {  	[tilespmem:$0x1BF8] =	vst v0  }
0x1c0: {  	[tilespmem:$0x1C08] =	vst v0  }
0x1c1: {  	[tilespmem:$0x1C18] =	vst v0  }
0x1c2: {  	[tilespmem:$0x1C28] =	vst v0  }
0x1c3: {  	[tilespmem:$0x1C38] =	vst v0  }
0x1c4: {  	[tilespmem:$0x1C48] =	vst v0  }
0x1c5: {  	[tilespmem:$0x1C58] =	vst v0  }
0x1c6: {  	[tilespmem:$0x1C68] =	vst v0  }
0x1c7: {  	[tilespmem:$0x1C78] =	vst v0  }
0x1c8: {  	[tilespmem:$0x1C88] =	vst v0  }
0x1c9: {  	[tilespmem:$0x1C98] =	vst v0  }
0x1ca: {  	[tilespmem:$0x1CA8] =	vst v0  }
0x1cb: {  	[tilespmem:$0x1CB8] =	vst v0  }
0x1cc: {  	[tilespmem:$0x1CC8] =	vst v0  }
0x1cd: {  	[tilespmem:$0x1CD8] =	vst v0  }
0x1ce: {  	[tilespmem:$0x1CE8] =	vst v0  }
0x1cf: {  	[tilespmem:$0x1CF8] =	vst v0  }
0x1d0: {  	[tilespmem:$0x1D08] =	vst v0  }
0x1d1: {  	[tilespmem:$0x1D18] =	vst v0  }
0x1d2: {  	[tilespmem:$0x1D28] =	vst v0  }
0x1d3: {  	[tilespmem:$0x1D38] =	vst v0  }
0x1d4: {  	[tilespmem:$0x1D48] =	vst v0  }
0x1d5: {  	[tilespmem:$0x1D58] =	vst v0  }
0x1d6: {  	[tilespmem:$0x1D68] =	vst v0  }
0x1d7: {  	[tilespmem:$0x1D78] =	vst v0  }
0x1d8: {  	[tilespmem:$0x1D88] =	vst v0  }
0x1d9: {  	[tilespmem:$0x1D98] =	vst v0  }
0x1da: {  	[tilespmem:$0x1DA8] =	vst v0  }
0x1db: {  	[tilespmem:$0x1DB8] =	vst v0  }
0x1dc: {  	[tilespmem:$0x1DC8] =	vst v0  }
0x1dd: {  	[tilespmem:$0x1DD8] =	vst v0  }
0x1de: {  	[tilespmem:$0x1DE8] =	vst v0  }
0x1df: {  	[tilespmem:$0x1DF8] =	vst v0  }
0x1e0: {  	[tilespmem:$0x1E08] =	vst v0  }
0x1e1: {  	[tilespmem:$0x1E18] =	vst v0  }
0x1e2: {  	[tilespmem:$0x1E28] =	vst v0  }
0x1e3: {  	[tilespmem:$0x1E38] =	vst v0  }
0x1e4: {  	[tilespmem:$0x1E48] =	vst v0  }
0x1e5: {  	[tilespmem:$0x1E58] =	vst v0  }
0x1e6: {  	[tilespmem:$0x1E68] =	vst v0  }
0x1e7: {  	[tilespmem:$0x1E78] =	vst v0  }
0x1e8: {  	[tilespmem:$0x1E88] =	vst v0  }
0x1e9: {  	[tilespmem:$0x1E98] =	vst v0  }
0x1ea: {  	[tilespmem:$0x1EA8] =	vst v0  }
0x1eb: {  	[tilespmem:$0x1EB8] =	vst v0  }
0x1ec: {  	[tilespmem:$0x1EC8] =	vst v0  }
0x1ed: {  	[tilespmem:$0x1ED8] =	vst v0  }
0x1ee: {  	[tilespmem:$0x1EE8] =	vst v0  }
0x1ef: {  	[tilespmem:$0x1EF8] =	vst v0  }
0x1f0: {  	[tilespmem:$0x1F08] =	vst v0  }
0x1f1: {  	[tilespmem:$0x1F18] =	vst v0  }
0x1f2: {  	[tilespmem:$0x1F28] =	vst v0  }
0x1f3: {  	[tilespmem:$0x1F38] =	vst v0  }
0x1f4: {  	[tilespmem:$0x1F48] =	vst v0  }
0x1f5: {  	[tilespmem:$0x1F58] =	vst v0  }
0x1f6: {  	[tilespmem:$0x1F68] =	vst v0  }
0x1f7: {  	[tilespmem:$0x1F78] =	vst v0  }
0x1f8: {  	[tilespmem:$0x1F88] =	vst v0  }
0x1f9: {  	[tilespmem:$0x1F98] =	vst v0  }
0x1fa: {  	[tilespmem:$0x1FA8] =	vst v0  }
0x1fb: {  	[tilespmem:$0x1FB8] =	vst v0  }
0x1fc: {  	[tilespmem:$0x1FC8] =	vst v0  }
0x1fd: {  	[tilespmem:$0x1FD8] =	vst v0  }
0x1fe: {  	[tilespmem:$0x1FE8] =	vst v0  }
0x1ff: {  	[tilespmem:$0x1FF8] =	vst v0  }
0x200: {  	[tilespmem:$0x2008] =	vst v0  }
0x201: {  	[tilespmem:$0x2018] =	vst v0  }
0x202: {  	[tilespmem:$0x2028] =	vst v0  }
0x203: {  	[tilespmem:$0x2038] =	vst v0  }
0x204: {  	[tilespmem:$0x2048] =	vst v0  }
0x205: {  	[tilespmem:$0x2058] =	vst v0  }
0x206: {  	[tilespmem:$0x2068] =	vst v0  }
0x207: {  	[tilespmem:$0x2078] =	vst v0  }
0x208: {  	[tilespmem:$0x2088] =	vst v0  }
0x209: {  	[tilespmem:$0x2098] =	vst v0  }
0x20a: {  	[tilespmem:$0x20A8] =	vst v0  }
0x20b: {  	[tilespmem:$0x20B8] =	vst v0  }
0x20c: {  	[tilespmem:$0x20C8] =	vst v0  }
0x20d: {  	[tilespmem:$0x20D8] =	vst v0  }
0x20e: {  	[tilespmem:$0x20E8] =	vst v0  }
0x20f: {  	[tilespmem:$0x20F8] =	vst v0  }
0x210: {  	[tilespmem:$0x2108] =	vst v0  }
0x211: {  	[tilespmem:$0x2118] =	vst v0  }
0x212: {  	[tilespmem:$0x2128] =	vst v0  }
0x213: {  	[tilespmem:$0x2138] =	vst v0  }
0x214: {  	[tilespmem:$0x2148] =	vst v0  }
0x215: {  	[tilespmem:$0x2158] =	vst v0  }
0x216: {  	[tilespmem:$0x2168] =	vst v0  }
0x217: {  	[tilespmem:$0x2228] =	vst v0  }
0x218: {  	[tilespmem:$0x21A8] =	vst v0  }
0x219: {  	[tilespmem:$0x3058] =	vst v0  }
0x21a: {  	[tilespmem:$0x3048] =	vst v0  }
0x21b: {  	[tilespmem:$0x3038] =	vst v0  }
0x21c: {  	[tilespmem:$0x3028] =	vst v0  }
0x21d: {  	[tilespmem:$0x3018] =	vst v0  }
0x21e: {  	[tilespmem:$0x3008] =	vst v0  }
0x21f: {  	[tilespmem:$0x2FF8] =	vst v0  }
0x220: {  	[tilespmem:$0x2FE8] =	vst v0  }
0x221: {  	[tilespmem:$0x2FD8] =	vst v0  }
0x222: {  	[tilespmem:$0x2FC8] =	vst v0  }
0x223: {  	[tilespmem:$0x2FB8] =	vst v0  }
0x224: {  	[tilespmem:$0x2FA8] =	vst v0  }
0x225: {  	[tilespmem:$0x2F98] =	vst v0  }
0x226: {  	[tilespmem:$0x2F88] =	vst v0  }
0x227: {  	[tilespmem:$0x2F78] =	vst v0  }
0x228: {  	[tilespmem:$0x2F68] =	vst v0  }
0x229: {  	[tilespmem:$0x2F58] =	vst v0  }
0x22a: {  	[tilespmem:$0x2F48] =	vst v0  }
0x22b: {  	[tilespmem:$0x2F38] =	vst v0  }
0x22c: {  	[tilespmem:$0x2F28] =	vst v0  }
0x22d: {  	[tilespmem:$0x2F18] =	vst v0  }
0x22e: {  	[tilespmem:$0x2F08] =	vst v0  }
0x22f: {  	[tilespmem:$0x2EF8] =	vst v0  }
0x230: {  	[tilespmem:$0x2EE8] =	vst v0  }
0x231: {  	[tilespmem:$0x2ED8] =	vst v0  }
0x232: {  	[tilespmem:$0x2EC8] =	vst v0  }
0x233: {  	[tilespmem:$0x2EB8] =	vst v0  }
0x234: {  	[tilespmem:$0x2EA8] =	vst v0  }
0x235: {  	[tilespmem:$0x2E98] =	vst v0  }
0x236: {  	[tilespmem:$0x2E88] =	vst v0  }
0x237: {  	[tilespmem:$0x2E78] =	vst v0  }
0x238: {  	[tilespmem:$0x2E68] =	vst v0  }
0x239: {  	[tilespmem:$0x2E58] =	vst v0  }
0x23a: {  	[tilespmem:$0x2E48] =	vst v0  }
0x23b: {  	[tilespmem:$0x2E38] =	vst v0  }
0x23c: {  	[tilespmem:$0x2E28] =	vst v0  }
0x23d: {  	[tilespmem:$0x2E18] =	vst v0  }
0x23e: {  	[tilespmem:$0x2E08] =	vst v0  }
0x23f: {  	[tilespmem:$0x2DF8] =	vst v0  }
0x240: {  	[tilespmem:$0x2DE8] =	vst v0  }
0x241: {  	[tilespmem:$0x2DD8] =	vst v0  }
0x242: {  	[tilespmem:$0x2DC8] =	vst v0  }
0x243: {  	[tilespmem:$0x2DB8] =	vst v0  }
0x244: {  	[tilespmem:$0x2DA8] =	vst v0  }
0x245: {  	[tilespmem:$0x2D98] =	vst v0  }
0x246: {  	[tilespmem:$0x2D88] =	vst v0  }
0x247: {  	[tilespmem:$0x2D78] =	vst v0  }
0x248: {  	[tilespmem:$0x2D68] =	vst v0  }
0x249: {  	[tilespmem:$0x2D58] =	vst v0  }
0x24a: {  	[tilespmem:$0x2D48] =	vst v0  }
0x24b: {  	[tilespmem:$0x2D38] =	vst v0  }
0x24c: {  	[tilespmem:$0x2D28] =	vst v0  }
0x24d: {  	[tilespmem:$0x2D18] =	vst v0  }
0x24e: {  	[tilespmem:$0x2D08] =	vst v0  }
0x24f: {  	[tilespmem:$0x2CF8] =	vst v0  }
0x250: {  	[tilespmem:$0x2CE8] =	vst v0  }
0x251: {  	[tilespmem:$0x2CD8] =	vst v0  }
0x252: {  	[tilespmem:$0x2CC8] =	vst v0  }
0x253: {  	[tilespmem:$0x2CB8] =	vst v0  }
0x254: {  	[tilespmem:$0x2CA8] =	vst v0  }
0x255: {  	[tilespmem:$0x2C98] =	vst v0  }
0x256: {  	[tilespmem:$0x2C88] =	vst v0  }
0x257: {  	[tilespmem:$0x2C78] =	vst v0  }
0x258: {  	[tilespmem:$0x2C68] =	vst v0  }
0x259: {  	[tilespmem:$0x2C58] =	vst v0  }
0x25a: {  	[tilespmem:$0x2C48] =	vst v0  }
0x25b: {  	[tilespmem:$0x2C38] =	vst v0  }
0x25c: {  	[tilespmem:$0x2C28] =	vst v0  }
0x25d: {  	[tilespmem:$0x2C18] =	vst v0  }
0x25e: {  	[tilespmem:$0x2C08] =	vst v0  }
0x25f: {  	[tilespmem:$0x2BF8] =	vst v0  }
0x260: {  	[tilespmem:$0x2BE8] =	vst v0  }
0x261: {  	[tilespmem:$0x2BD8] =	vst v0  }
0x262: {  	[tilespmem:$0x2BC8] =	vst v0  }
0x263: {  	[tilespmem:$0x2BB8] =	vst v0  }
0x264: {  	[tilespmem:$0x2BA8] =	vst v0  }
0x265: {  	[tilespmem:$0x2B98] =	vst v0  }
0x266: {  	[tilespmem:$0x2B88] =	vst v0  }
0x267: {  	[tilespmem:$0x2B78] =	vst v0  }
0x268: {  	[tilespmem:$0x2B68] =	vst v0  }
0x269: {  	[tilespmem:$0x2B58] =	vst v0  }
0x26a: {  	[tilespmem:$0x2B48] =	vst v0  }
0x26b: {  	[tilespmem:$0x2B38] =	vst v0  }
0x26c: {  	[tilespmem:$0x2B28] =	vst v0  }
0x26d: {  	[tilespmem:$0x2B18] =	vst v0  }
0x26e: {  	[tilespmem:$0x2B08] =	vst v0  }
0x26f: {  	[tilespmem:$0x2AF8] =	vst v0  }
0x270: {  	[tilespmem:$0x2AE8] =	vst v0  }
0x271: {  	[tilespmem:$0x2AD8] =	vst v0  }
0x272: {  	[tilespmem:$0x2AC8] =	vst v0  }
0x273: {  	[tilespmem:$0x2AB8] =	vst v0  }
0x274: {  	[tilespmem:$0x2AA8] =	vst v0  }
0x275: {  	[tilespmem:$0x2A98] =	vst v0  }
0x276: {  	[tilespmem:$0x2A88] =	vst v0  }
0x277: {  	[tilespmem:$0x2A78] =	vst v0  }
0x278: {  	[tilespmem:$0x2A68] =	vst v0  }
0x279: {  	[tilespmem:$0x2A58] =	vst v0  }
0x27a: {  	[tilespmem:$0x2A48] =	vst v0  }
0x27b: {  	[tilespmem:$0x2A38] =	vst v0  }
0x27c: {  	[tilespmem:$0x2A28] =	vst v0  }
0x27d: {  	[tilespmem:$0x2A18] =	vst v0  }
0x27e: {  	[tilespmem:$0x2A08] =	vst v0  }
0x27f: {  	[tilespmem:$0x29F8] =	vst v0  }
0x280: {  	[tilespmem:$0x29E8] =	vst v0  }
0x281: {  	[tilespmem:$0x29D8] =	vst v0  }
0x282: {  	[tilespmem:$0x29C8] =	vst v0  }
0x283: {  	[tilespmem:$0x29B8] =	vst v0  }
0x284: {  	[tilespmem:$0x29A8] =	vst v0  }
0x285: {  	[tilespmem:$0x2998] =	vst v0  }
0x286: {  	[tilespmem:$0x2988] =	vst v0  }
0x287: {  	[tilespmem:$0x2978] =	vst v0  }
0x288: {  	[tilespmem:$0x2968] =	vst v0  }
0x289: {  	[tilespmem:$0x2958] =	vst v0  }
0x28a: {  	[tilespmem:$0x2948] =	vst v0  }
0x28b: {  	[tilespmem:$0x2938] =	vst v0  }
0x28c: {  	[tilespmem:$0x2928] =	vst v0  }
0x28d: {  	[tilespmem:$0x2918] =	vst v0  }
0x28e: {  	[tilespmem:$0x2908] =	vst v0  }
0x28f: {  	[tilespmem:$0x28F8] =	vst v0  }
0x290: {  	[tilespmem:$0x28E8] =	vst v0  }
0x291: {  	[tilespmem:$0x28D8] =	vst v0  }
0x292: {  	[tilespmem:$0x28C8] =	vst v0  }
0x293: {  	[tilespmem:$0x28B8] =	vst v0  }
0x294: {  	[tilespmem:$0x28A8] =	vst v0  }
0x295: {  	[tilespmem:$0x2898] =	vst v0  }
0x296: {  	[tilespmem:$0x2888] =	vst v0  }
0x297: {  	[tilespmem:$0x2878] =	vst v0  }
0x298: {  	[tilespmem:$0x2868] =	vst v0  }
0x299: {  	[tilespmem:$0x2858] =	vst v0  }
0x29a: {  	[tilespmem:$0x2848] =	vst v0  }
0x29b: {  	[tilespmem:$0x2838] =	vst v0  }
0x29c: {  	[tilespmem:$0x2828] =	vst v0  }
0x29d: {  	[tilespmem:$0x2818] =	vst v0  }
0x29e: {  	[tilespmem:$0x2808] =	vst v0  }
0x29f: {  	[tilespmem:$0x27F8] =	vst v0  }
0x2a0: {  	[tilespmem:$0x27E8] =	vst v0  }
0x2a1: {  	[tilespmem:$0x27D8] =	vst v0  }
0x2a2: {  	[tilespmem:$0x27C8] =	vst v0  }
0x2a3: {  	[tilespmem:$0x27B8] =	vst v0  }
0x2a4: {  	[tilespmem:$0x27A8] =	vst v0  }
0x2a5: {  	[tilespmem:$0x2798] =	vst v0  }
0x2a6: {  	[tilespmem:$0x2788] =	vst v0  }
0x2a7: {  	[tilespmem:$0x2778] =	vst v0  }
0x2a8: {  	[tilespmem:$0x2768] =	vst v0  }
0x2a9: {  	[tilespmem:$0x2758] =	vst v0  }
0x2aa: {  	[tilespmem:$0x2748] =	vst v0  }
0x2ab: {  	[tilespmem:$0x2738] =	vst v0  }
0x2ac: {  	[tilespmem:$0x2728] =	vst v0  }
0x2ad: {  	[tilespmem:$0x2718] =	vst v0  }
0x2ae: {  	[tilespmem:$0x2708] =	vst v0  }
0x2af: {  	[tilespmem:$0x26F8] =	vst v0  }
0x2b0: {  	[tilespmem:$0x26E8] =	vst v0  }
0x2b1: {  	[tilespmem:$0x26D8] =	vst v0  }
0x2b2: {  	[tilespmem:$0x26C8] =	vst v0  }
0x2b3: {  	[tilespmem:$0x26B8] =	vst v0  }
0x2b4: {  	[tilespmem:$0x26A8] =	vst v0  }
0x2b5: {  	[tilespmem:$0x2698] =	vst v0  }
0x2b6: {  	[tilespmem:$0x2688] =	vst v0  }
0x2b7: {  	[tilespmem:$0x2678] =	vst v0  }
0x2b8: {  	[tilespmem:$0x2668] =	vst v0  }
0x2b9: {  	[tilespmem:$0x2658] =	vst v0  }
0x2ba: {  	[tilespmem:$0x2648] =	vst v0  }
0x2bb: {  	[tilespmem:$0x2638] =	vst v0  }
0x2bc: {  	[tilespmem:$0x2628] =	vst v0  }
0x2bd: {  	[tilespmem:$0x2618] =	vst v0  }
0x2be: {  	[tilespmem:$0x2608] =	vst v0  }
0x2bf: {  	[tilespmem:$0x25F8] =	vst v0  }
0x2c0: {  	[tilespmem:$0x25E8] =	vst v0  }
0x2c1: {  	[tilespmem:$0x25D8] =	vst v0  }
0x2c2: {  	[tilespmem:$0x25C8] =	vst v0  }
0x2c3: {  	[tilespmem:$0x25B8] =	vst v0  }
0x2c4: {  	[tilespmem:$0x25A8] =	vst v0  }
0x2c5: {  	[tilespmem:$0x2598] =	vst v0  }
0x2c6: {  	[tilespmem:$0x2588] =	vst v0  }
0x2c7: {  	[tilespmem:$0x2578] =	vst v0  }
0x2c8: {  	[tilespmem:$0x2568] =	vst v0  }
0x2c9: {  	[tilespmem:$0x2558] =	vst v0  }
0x2ca: {  	[tilespmem:$0x2548] =	vst v0  }
0x2cb: {  	[tilespmem:$0x2538] =	vst v0  }
0x2cc: {  	[tilespmem:$0x2528] =	vst v0  }
0x2cd: {  	[tilespmem:$0x2518] =	vst v0  }
0x2ce: {  	[tilespmem:$0x2508] =	vst v0  }
0x2cf: {  	[tilespmem:$0x24F8] =	vst v0  }
0x2d0: {  	[tilespmem:$0x24E8] =	vst v0  }
0x2d1: {  	[tilespmem:$0x24D8] =	vst v0  }
0x2d2: {  	[tilespmem:$0x24C8] =	vst v0  }
0x2d3: {  	[tilespmem:$0x24B8] =	vst v0  }
0x2d4: {  	[tilespmem:$0x24A8] =	vst v0  }
0x2d5: {  	[tilespmem:$0x2498] =	vst v0  }
0x2d6: {  	[tilespmem:$0x2488] =	vst v0  }
0x2d7: {  	[tilespmem:$0x2478] =	vst v0  }
0x2d8: {  	[tilespmem:$0x2468] =	vst v0  }
0x2d9: {  	[tilespmem:$0x2458] =	vst v0  }
0x2da: {  	[tilespmem:$0x2448] =	vst v0  }
0x2db: {  	[tilespmem:$0x2438] =	vst v0  }
0x2dc: {  	[tilespmem:$0x2428] =	vst v0  }
0x2dd: {  	[tilespmem:$0x2418] =	vst v0  }
0x2de: {  	[tilespmem:$0x2408] =	vst v0  }
0x2df: {  	[tilespmem:$0x23F8] =	vst v0  }
0x2e0: {  	[tilespmem:$0x23E8] =	vst v0  }
0x2e1: {  	[tilespmem:$0x23D8] =	vst v0  }
0x2e2: {  	[tilespmem:$0x23C8] =	vst v0  }
0x2e3: {  	[tilespmem:$0x23B8] =	vst v0  }
0x2e4: {  	[tilespmem:$0x23A8] =	vst v0  }
0x2e5: {  	[tilespmem:$0x2398] =	vst v0  }
0x2e6: {  	[tilespmem:$0x2388] =	vst v0  }
0x2e7: {  	[tilespmem:$0x2378] =	vst v0  }
0x2e8: {  	[tilespmem:$0x2368] =	vst v0  }
0x2e9: {  	[tilespmem:$0x2358] =	vst v0  }
0x2ea: {  	[tilespmem:$0x2348] =	vst v0  }
0x2eb: {  	[tilespmem:$0x2338] =	vst v0  }
0x2ec: {  	[tilespmem:$0x2328] =	vst v0  }
0x2ed: {  	[tilespmem:$0x2318] =	vst v0  }
0x2ee: {  	[tilespmem:$0x2308] =	vst v0  }
0x2ef: {  	[tilespmem:$0x22F8] =	vst v0  }
0x2f0: {  	[tilespmem:$0x22E8] =	vst v0  }
0x2f1: {  	[tilespmem:$0x22D8] =	vst v0  }
0x2f2: {  	[tilespmem:$0x22C8] =	vst v0  }
0x2f3: {  	[tilespmem:$0x22B8] =	vst v0  }
0x2f4: {  	[tilespmem:$0x22A8] =	vst v0  }
0x2f5: {  	[tilespmem:$0x2298] =	vst v0  }
0x2f6: {  	s9 =	stileid.u32;
	[tilespmem:$0x2288] =	vst v0  }
0x2f7: {  	s0 =	smul.u32 $0x1B, s9;
	[tilespmem:$0x2278] =	vst v0  }
0x2f8: {  	s1 =	smin.u32 s9, $0xB;
	[tilespmem:$0x2268] =	vst v0  }
0x2f9: {  	[tilespmem:$0x2258] =	vst v0;
	s0 =	sadd.s32 s1, s0  }
0x2fa: {  	p0 =	slt.u32 s9, $0xB;
	[tilespmem:$0x2248] =	vst v0;
	s1 =	simm.s32 $0x2A00;
	s6 =	smul.u32 $0x180, s0  }
0x2fb: {  	s1 =	simm.s32 @!p0 $0x2880;
	[tilespmem:$0x2238] =	vst v0  }
0x2fc: {  	[tilespmem:$0x2208] =	vst v0;
	s0 =	sadd.s32 s1, s6  }
0x2fd: {  	[tilespmem:$0x2218] =	vst v0;
	s7 =	smin.u32 s0, $0x29810  }
0x2fe: {  	[tilespmem:$0x21F8] =	vst v0;
	s0 =	ssub.s32 s7, s6  }
0x2ff: {  	[tilespmem:$0x2188] =	vst v0;
	p0 =	sgt.s32 s0, $0x0  }
0x300: {  	s4 =	simm.s32 $0x2;
	s11 =	simm.s32 $0x7;
	[tilespmem:$0x21E8] =	vst v0;
	s0 =	simm.s32 @!p0 $0x0  }
0x301: {  	s31 =	simm.s32 $0x8;
	s15 =	simm.s32 $0x0;
	[tilespmem:$0x21D8] =	vst v0;
	s30 =	smulhi.u32 $0x2AAAAAAB, s0  }
0x302: {  	p1 =	por $0x0, $0x0;
	s16 =	simm.s32 $0xA;
	s20 =	simm.s32 $0x0;
	[tilespmem:$0x21C8] =	vst v0  }
0x303: {  	s17 =	simm.s32 $0x0;
	s19 =	simm.s32 $0x0;
	[tilespmem:$0x21B8] =	vst v0;
	s1 =	sshrl.u32 s30, $0x6  }
0x304: {  	s10 =	sadd.s32 $0xC8B600, s3;
	s13 =	sshll.u32 s9, $0x6;
	[tilespmem:$0x2198] =	vst v0;
	s5 =	smul.u32 $0x180, s1  }
.Ltmp0:
0x305: {  	[tilespmem:$0x2178] =	vst v0;
	[sflag:s4] =	ssyncpa.u1 $0x0;
	v0 =	vimm.s32 $0xFFFFFFFF;
	s4 =	sadd.s32 $0x1937C00, s3;
	(pc) =	sbr.rel .LBB2_1-.Ltmp0, $4  }
0x306: {  	[tilespmem:$0x6088] =	vst v0;
	[sflag:s11] =	ssyncpa.u1 $0x0;
	p0 =	sne.s32 s0, s5;
	s0 =	simm.s32 $0x1  }
0x307: {  	s11 =	simm.s32 $0x9;
	[sflag:s31] =	ssyncpa.u1 $0x0;
	s0 =	simm.s32 @!p0 $0x0  }
0x308: {  	s3 =	sadd.s32 $0x190B600, s3;
	[sflag:s11] =	ssyncpa.u1 $0x0;
	s12 =	sadd.s32 s0, s1  }
0x309: {  	v0 =	vlaneseq.u32;
	s18 =	smov.u32 s6;
	p0 =	por $0x1, $0x1;
	s14 =	sadd.s32 $0x1, s12  }
.LBB2_22:
0x30a: {  	s0 =	sshrl.u32 s29, $0x2  }
.LBB2_24:
0x30b: {  	_ =	swait.ge [sflag:s16], s0  }
0x30c: {  	s31 =	ssub.s32 $0x0, s0;
	v1 =	vmov s22;
	vm0 =	veq.s32 v0, $0x0;
	[sflag:s16] =	ssyncset.done $0x0  }
0x30d: {  	vm15 =	veq.s32 v0, $0x2;
	v1 =	vsel vm0, s28, v1;
	[sflag:s16] =	ssyncadd.s32 s31  }
0x30e: {  	v1 =	vsel vm15, s20, v1;
	[sflag:s16] =	ssyncpa.u1 $0x1  }
0x30f: {  	[tilespmem:$0x6088] =	vst v1  }
.LBB2_25:
0x310: {  	s0 =	sadd.s32 $0x180, s18  }
0x311: {  	s1 =	smov.u32 s6;
	p2 =	slt.s32 s0, s7  }
0x312: {  	s1 =	smov.u32 @p2 s0;
	p2 =	sne.s32 s19, s14  }
.Ltmp1:
0x313: {  	_ = 	snop;
	(pc) =	sbr.rel @!p2 .LBB2_26-.Ltmp1, $4  }
0x314: {  	_ = 	snop  }
0x315: {  	s20 =	smov.u32 s17  }
0x316: {  	s31 =	sadd.s32 $0x1, s19;
	s17 =	smov.u32 s18;
	p0 =	por !p0, !p0  }
0x317: {  	p1 =	por !p1, !p1;
	s19 =	smov.u32 s31;
	s18 =	smov.u32 s1  }
.LBB2_1:
0x318: {  	p2 =	sge.u32 s19, s12  }
0x319: {  	s0 =	smulhi.u32 @!p2 $0xAAAAAAAB, s19  }
0x31a: {  	s1 =	smov.u32 s18;
	p3 =	sgt.s32 @!p2 s18, $0x29690  }
0x31b: {  	s5 =	sshra.s32 @!p2 s18, $0x1F;
	p3 =	por !p3, p2;
	s0 =	sshrl.u32 @!p2 s0, $0x1  }
0x31c: {  	s5 =	sand.u32 @!p2 s5, s18;
	s1 =	simm.s32 @p3 $0x29690;
	s0 =	smul.u32 @!p2 $0x3, s0  }
0x31d: {  	s1 =	ssub.s32 @!p2 s1, s5  }
0x31e: {  	s22 =	sadd.s32 $0xFFFFFFFF, s19;
	s1 =	sadd.s32 @!p2 $0xFFFD6970, s1;
	s0 =	ssub.s32 @!p2 s19, s0  }
0x31f: {  	s5 =	sshll.u32 @!p2 s1, $0x2;
	p3 =	sgt.s32 @!p2 s1, $0x17F;
	s0 =	smul.u32 @!p2 $0x600, s0  }
0x320: {  	s21 =	sand.u32 @!p2 $0x7, s18;
	s1 =	ssub.s32 @!p2 $0x600, s5;
	p3 =	por !p3, p2  }
0x321: {  	s5 =	sshrl.u32 @!p2 s18, $0x3;
	s1 =	sshrl.u32 @!p2 s1, $0x2;
	s0 =	sshrl.u32 @!p2 s0, $0x2  }
0x322: {  	s5 =	sadd.s32 @!p2 s3, s5;
	s1 =	simm.s32 @!p3 $0x0;
	s0 =	sadd.s32 @!p2 $0x64B8, s0  }
0x323: {  	[tilespmem:s0], [sflag:$0x8] =	stream.linear.gather @!p2 [hbm4b:s5+s21], s1, $0x38;
	[tilespmem:$0x1EC38] =	vst v63  }
0x324: {  	p2 =	sge.u32 s22, s12  }
0x325: {  	p3 =	sgt.s32 @!p2 s17, $0x29690  }
0x326: {  	s0 =	smov.u32 s17;
	s1 =	sshra.s32 @!p2 s17, $0x1F;
	p3 =	por !p3, p2  }
0x327: {  	s1 =	sand.u32 @!p2 s1, s17;
	s0 =	simm.s32 @p3 $0x29690  }
0x328: {  	s0 =	ssub.s32 @!p2 s0, s1  }
0x329: {  	s0 =	sadd.s32 @!p2 $0xFFFD6970, s0  }
0x32a: {  	s1 =	sshll.u32 @!p2 s0, $0x2  }
0x32b: {  	p3 =	sgt.s32 @!p2 s0, $0x17F;
	s0 =	ssub.s32 @!p2 $0x600, s1  }
0x32c: {  	p3 =	por !p3, p2;
	s0 =	sshrl.u32 @!p2 s0, $0x2  }
0x32d: {  	s5 =	simm.s32 @!p2 $0x8;
	s1 =	sand.u32 @!p2 $0x1, s22;
	s0 =	simm.s32 @!p3 $0x0  }
0x32e: {  	s1 =	smul.u32 @!p2 $0x600, s1;
	_ =	swait.ge @!p2 [sflag:s5], s0  }
0x32f: {  	s21 =	ssub.s32 @!p2 $0x0, s0;
	[sflag:s5] =	ssyncset.done @!p2 $0x0  }
0x330: {  	s1 =	sshrl.u32 @!p2 s1, $0x2;
	[sflag:s5] =	ssyncadd.s32 @!p2 s21;
	s5 =	sshrl.u32 @!p2 s17, $0x3  }
0x331: {  	s1 =	sadd.s32 @!p2 $0x6938, s1;
	s21 =	sand.u32 @!p2 $0x7, s17;
	s5 =	sadd.s32 @!p2 s8, s5  }
0x332: {  	[tilespmem:s1], [sflag:$0x9] =	stream.linear.gather @!p2 [hbm4b:s5+s21], s0, $0x38;
	[tilespmem:$0x1EC38] =	vst v63  }
0x333: {  	s21 =	ssub.s32 @!p2 $0x29810, s17  }
0x334: {  	p3 =	slt.s32 @!p2 s21, $0x1  }
0x335: {  	p3 =	por p2, p3  }
.Ltmp2:
0x336: {  	_ = 	snop;
	(pc) =	sbr.rel @p3 .LBB2_7-.Ltmp2, $1  }
0x337: {  	_ =	sdelay $0x3  }
0x338: {  	s0 =	smulhi.u32 $0xAAAAAAAB, s22;
	_ =	sdelay $0x1  }
0x339: {  	s0 =	sshrl.u32 s0, $0x1  }
0x33a: {  	s0 =	smul.u32 $0x3, s0;
	_ =	sdelay $0x1  }
0x33b: {  	s0 =	ssub.s32 s22, s0  }
0x33c: {  	s1 =	simm.s32 $0x1;
	s0 =	smul.u32 $0x600, s0  }
.Ltmp3:
0x33d: {  	s1 =	simm.s32 @!p0 $0x0;
	(pc) =	sbr.rel .LBB2_4-.Ltmp3, $4  }
0x33e: {  	s1 =	smul.u32 $0x30000, s1  }
0x33f: {  	p3 =	slt.s32 @!p2 s21, $0x180;
	s0 =	sshrl.u32 s0, $0x2  }
0x340: {  	p2 =	por !p3, p2;
	s1 =	sshrl.u32 s1, $0x2;
	s0 =	sadd.s32 $0x64B8, s0  }
0x341: {  	s23 =	simm.s32 $0x0;
	s21 =	simm.s32 @p2 $0x180;
	s22 =	sadd.s32 $0x6C38, s1;
	v1 =	vmov s0  }
.LBB2_3:
0x342: {  	p2 =	sge.s32 s23, s21  }
.Ltmp4:
0x343: {  	_ = 	snop;
	(pc) =	sbr.rel @p2 .LBB2_7-.Ltmp4, $2  }
0x344: {  	_ =	sdelay $0x2  }
0x345: {  	s22 =	sadd.s32 $0x800, s22  }
.LBB2_4:
0x346: {  	p2 =	sle.s32 s21, s23  }
.Ltmp5:
0x347: {  	_ = 	snop;
	(pc) =	sbr.rel @p2 .LBB2_3-.Ltmp5, $2  }
0x348: {  	_ =	sdelay $0x2  }
0x349: {  	s24 =	smov.u32 s23;
	s23 =	sadd.s32 $0x10, s23  }
0x34a: {  	s0 =	ssub.s32 s21, s24  }
0x34b: {  	p2 =	slt.s32 s0, $0x10  }
0x34c: {  	s0 =	simm.s32 @!p2 $0x10  }
0x34d: {  	v2 =	vmov s0  }
0x34e: {  	vm0 =	vgt.s32 v2, v0;
	_ =	sdelay $0x5  }
0x34f: {  	v2 =	vld.idx.msk [tilespmem:v1+s24+$0x0 ss:$0x1], vm0;
	_ =	sdelay $0x2  }
0x350: {  	p2 =	slt.s32 s23, s21;
	s0 =	smov.u32 s21  }
0x351: {  	s5 =	smov.u32 s22;
	s25 =	simm.s32 $0x0;
	s0 =	smov.u32 @p2 s23  }
.LBB2_6:
0x352: {  	(v2sf) =	vpush v2, s25;
	_ =	sdelay $0xc  }
0x353: {  	s25 =	sadd.s32 $0x1, s25  }
0x354: {  	s31 =	sadd.s32 s25, s24  }
0x355: {  	p2 =	slt.s32 s31, s0;
	s1 =	spop (v2sf)  }
.Ltmp6:
0x356: {  	s1 =	sshll.u32 s1, $0x4;
	(pc) =	sbr.rel @p2 .LBB2_6-.Ltmp6, $4  }
0x357: {  	s1 =	sand.u32 $0x1FFFFFF0, s1  }
0x358: {  	s1 =	sadd.s32 s10, s1  }
0x359: {  	[tilespmem:s5], [sflag:$0x7] =	stream.linear.gather [hbm4b:s1+s15], $0x20, $0x38;
	[tilespmem:$0x1EC38] =	vst v63  }
0x35a: {  	s5 =	sadd.s32 $0x80, s5  }
.Ltmp7:
0x35b: {  	_ = 	snop;
	(pc) =	sbr.rel .LBB2_3-.Ltmp7, $1  }
0x35c: {  	_ =	sdelay $0x3  }
.LBB2_7:
0x35d: {  	p2 =	slt.u32 s19, $0x2  }
.Ltmp8:
0x35e: {  	_ = 	snop;
	(pc) =	sbr.rel @p2 .LBB2_25-.Ltmp8, $1  }
0x35f: {  	_ =	sdelay $0x3  }
0x360: {  	p2 =	sgt.s32 s20, $0x29690;
	s0 =	smov.u32 s20  }
0x361: {  	s1 =	sshra.s32 s20, $0x1F;
	s5 =	ssub.s32 $0x29810, s20;
	s0 =	simm.s32 @!p2 $0x29690  }
0x362: {  	s1 =	sand.u32 s1, s20;
	p2 =	slt.s32 s5, $0x180;
	s21 =	smov.u32 s5  }
0x363: {  	s0 =	ssub.s32 s0, s1;
	s21 =	simm.s32 @!p2 $0x180  }
0x364: {  	s0 =	sadd.s32 $0xFFFD6970, s0;
	s26 =	sshll.u32 s21, $0x5  }
0x365: {  	s9 =	simm.s32 $0x7;
	s29 =	sshll.u32 s0, $0x2;
	s1 =	sand.u32 $0x3FFFFFE0, s26  }
0x366: {  	p2 =	sgt.s32 s0, $0x17F;
	s30 =	ssub.s32 $0x600, s29;
	_ =	swait.ge [sflag:s9], s1  }
0x367: {  	s1 =	ssub.s32 $0x0, s1;
	[sflag:s9] =	ssyncset.done $0x0;
	s0 =	sshrl.u32 s30, $0x2  }
0x368: {  	[sflag:s9] =	ssyncadd.s32 s1;
	s0 =	simm.s32 @p2 $0x0  }
0x369: {  	_ =	swait.ge [sflag:s11], s0  }
0x36a: {  	s0 =	ssub.s32 $0x0, s0;
	[sflag:s11] =	ssyncset.done $0x0  }
0x36b: {  	[sflag:s11] =	ssyncadd.s32 s0  }
0x36c: {  	v1 =	vld [tilespmem:$0x6088];
	_ =	sdelay $0x4  }
0x36d: {  	(v2sf) =	vpush v1, $0x0  }
0x36e: {  	(v2sf) =	vpush v1, $0x1  }
0x36f: {  	(v2sf) =	vpush v1, $0x2;
	_ =	sdelay $0x3  }
0x370: {  	s0 =	sadd.s32 $0x180, s20  }
0x371: {  	p2 =	slt.s32 s7, s0  }
0x372: {  	s0 =	smov.u32 @p2 s7;
	p2 =	sgt.s32 s5, $0x0  }
0x373: {  	s24 =	ssub.s32 s0, s20;
	s5 =	simm.s32 @!p2 $0x0  }
0x374: {  	p2 =	slt.s32 s5, s24  }
0x375: {  	s24 =	smov.u32 @p2 s5  }
0x376: {  	s23 =	simm.s32 $0x1;
	p2 =	slt.s32 s24, $0x1  }
.Ltmp9:
0x377: {  	s23 =	simm.s32 @!p1 $0x0;
	(pc) =	sbr.rel @p2 .LBB2_12-.Ltmp9, $4  }
0x378: {  	s31 =	smul.u32 $0x600, s23  }
0x379: {  	s25 =	spop (v2sf)  }
0x37a: {  	s0 =	sshrl.u32 s31, $0x2;
	s28 =	spop (v2sf)  }
0x37b: {  	s21 =	sadd.s32 $0x6938, s0;
	s20 =	spop (v2sf)  }
0x37c: {  	s0 =	smin.u32 s24, $0x10  }
0x37d: {  	v1 =	vmov s0  }
0x37e: {  	p3 =	sgt.s32 s24, $0x10;
	vm1 =	vgt.u32 v1, v0  }
.Ltmp10:
0x37f: {  	_ = 	snop;
	(pc) =	sbr.rel @!p3 .LBB2_11-.Ltmp10, $2  }
0x380: {  	_ =	sdelay $0x2  }
0x381: {  	s26 =	simm.s32 $0x10;
	s29 =	sadd.s32 $0xFFFFFFF0, s24;
	s22 =	smov.u32 s21;
	vm0 =	vmmov vm1  }
.LBB2_10:
0x382: {  	s0 =	smin.u32 s29, $0x10;
	s26 =	sadd.s32 $0x10, s26;
	v1 =	vld.msk [tilespmem:s22+$0x0 ss:$0x1], vm1  }
0x383: {  	v2 =	vmov s0;
	p3 =	slt.s32 s26, s24  }
0x384: {  	vm1 =	vgt.u32 v2, v0  }
.Ltmp11:
0x385: {  	(pc) =	sbr.rel @p3 .LBB2_10-.Ltmp11, $3  }
0x386: {  	_ =	sdelay $0x1  }
0x387: {  	v1 =	vshll.u32 v1, $0x4  }
0x388: {  	s29 =	sadd.s32 $0xFFFFFFF0, s29;
	[tilespmem:s22+$0x0] =	vst.msk vm0, v1;
	s22 =	sadd.s32 $0x10, s22;
	vm0 =	vmmov vm1  }
.LBB2_11:
0x389: {  	_ =	sdelay $0x4  }
0x38a: {  	v1 =	vld.msk [tilespmem:s22+$0x0 ss:$0x1], vm1;
	_ =	sdelay $0x4  }
0x38b: {  	v1 =	vshll.u32 v1, $0x4  }
0x38c: {  	[tilespmem:s22+$0x0] =	vst.msk vm0, v1  }
.LBB2_12:
0x38d: {  	s0 =	sand.u32 $0x1, s19  }
0x38e: {  	s0 =	smul.u32 $0x180, s0  }
0x38f: {  	p3 =	sne.s32 s28, $0xFFFFFFFF  }
0x390: {  	v1 =	vld.msk @!p3 [tilespmem:s0+$0x6938], $0x1;
	_ =	sdelay $0x4  }
0x391: {  	(v2sf) =	vpush @!p3 v1, $0x0;
	_ =	sdelay $0xc  }
.Ltmp12:
0x392: {  	_ = 	snop;
	(pc) =	sbr.rel @p2 .LBB2_23-.Ltmp12, $4  }
0x393: {  	_ = 	snop  }
0x394: {  	s26 =	spop @!p3 (v2sf)  }
0x395: {  	s20 =	simm.s32 @!p3 $0x0;
	s22 =	smov.u32 s26  }
0x396: {  	[sflag:s16] =	ssyncpa.u1 $0x0;
	s26 =	smov.u32 @p3 s25;
	s22 =	smov.u32 @p3 s28  }
0x397: {  	v1 =	vld.msk [tilespmem:s21+$0x0], $0x1;
	_ =	sdelay $0x4  }
0x398: {  	(v2sf) =	vpush v1, $0x0;
	_ =	sdelay $0xe  }
0x399: {  	s0 =	smul.u32 $0x30000, s23;
	s30 =	spop (v2sf)  }
0x39a: {  	s24 =	ssub.s32 $0x0, s24;
	p2 =	seq.s32 s26, s30  }
0x39b: {  	s28 =	sadd.s32 $0x1, s24;
	s0 =	sshrl.u32 s0, $0x2;
	p3 =	sgt.s32 @!p2 s26, $0x0  }
0x39c: {  	s23 =	sadd.s32 $0x6C48, s0;
	s0 =	smov.u32 s26;
	p3 =	por !p3, p2  }
0x39d: {  	s0 =	simm.s32 @p3 $0x0;
	p3 =	seq.s32 s28, $0x0  }
.Ltmp13:
0x39e: {  	_ = 	snop;
	(pc) =	sbr.rel @p3 .LBB2_15-.Ltmp13, $4  }
0x39f: {  	s9 =	smov.u32 s8  }
0x3a0: {  	s25 =	simm.s32 $0x0;
	s31 =	simm.s32 @!p2 $0x1;
	s1 =	smin.u32 @!p2 s0, $0x270FC  }
0x3a1: {  	s31 =	smov.u32 @p2 s25;
	s0 =	simm.s32 @!p2 $0x3068;
	s29 =	sand.u32 @!p2 $0x3FFF8, s1  }
0x3a2: {  	s5 =	sand.u32 @!p2 $0x7, s1;
	s1 =	sadd.s32 @!p2 s4, s29;
	s29 =	sadd.s32 $0x1, s21  }
.LBB2_14:
0x3a3: {  	s8 =	smov.u32 s31  }
0x3a4: {  	[tilespmem:s0], [sflag:$0x2] =	stream.linear.gather @!p2 [hbm4b:s1+s5], $0x20, $0x38;
	[tilespmem:$0x1EC38] =	vst v63  }
0x3a5: {  	s28 =	sadd.s32 $0x1, s28;
	s1 =	smov.u32 s30;
	v1 =	vld.msk [tilespmem:s29+$0x0], $0x1  }
0x3a6: {  	p3 =	seq.s32 s28, $0x0;
	_ =	sdelay $0x3  }
0x3a7: {  	(v2sf) =	vpush v1, $0x0;
	_ =	sdelay $0xe  }
0x3a8: {  	s30 =	spop (v2sf)  }
0x3a9: {  	p2 =	seq.s32 s1, s30  }
0x3aa: {  	p4 =	sgt.s32 @!p2 s1, $0x0;
	s0 =	sshll.u32 @!p2 s31, $0x7;
	s31 =	sadd.s32 @!p2 $0x1, s31  }
.Ltmp14:
0x3ab: {  	p4 =	por !p4, p2;
	s0 =	sshra.s32 @!p2 s0, $0x2;
	(pc) =	sbr.rel @!p3 .LBB2_14-.Ltmp14, $4  }
0x3ac: {  	s31 =	smov.u32 @p2 s8;
	s1 =	simm.s32 @p4 $0x0;
	s0 =	sadd.s32 @!p2 $0x3068, s0  }
0x3ad: {  	s1 =	smin.u32 @!p2 s1, $0x270FC  }
0x3ae: {  	s8 =	sand.u32 @!p2 $0x3FFF8, s1;
	s5 =	sand.u32 @!p2 $0x7, s1  }
0x3af: {  	s29 =	sadd.s32 $0x1, s29;
	s1 =	sadd.s32 @!p2 s4, s8  }
.LBB2_15:
0x3b0: {  	[tilespmem:s0], [sflag:$0x2] =	stream.linear.gather @!p2 [hbm4b:s1+s5], $0x20, $0x38;
	[tilespmem:$0x1EC38] =	vst v63  }
.Ltmp15:
0x3b1: {  	s30 =	sshll.u32 s31, $0x5;
	(pc) =	sbr.rel .LBB2_16-.Ltmp15, $4  }
0x3b2: {  	s31 =	simm.s32 $0x2;
	s0 =	sand.u32 $0x3FFFFFE0, s30  }
0x3b3: {  	_ =	swait.ge [sflag:s31], s0  }
0x3b4: {  	s0 =	ssub.s32 $0x0, s0;
	[sflag:s31] =	ssyncset.done $0x0  }
0x3b5: {  	s29 =	simm.s32 $0x0;
	s8 =	smov.u32 s9;
	[sflag:s31] =	ssyncadd.s32 s0  }
.LBB2_17:
0x3b6: {  	v1 =	vld [tilespmem:s23+$0xFFFFFFF0];
	_ =	sdelay $0x4  }
0x3b7: {  	[tilespmem:s0+$0x48] =	vst.add.f32.msk $0xffff, v1  }
0x3b8: {  	v1 =	vld [tilespmem:s23+$0x0];
	_ =	sdelay $0x4  }
0x3b9: {  	[tilespmem:s0+$0x58] =	vst.add.f32.msk $0xffff, v1  }
.LBB2_21:
0x3ba: {  	s24 =	sadd.s32 $0x1, s24  }
0x3bb: {  	p2 =	seq.s32 s24, $0x0  }
.Ltmp16:
0x3bc: {  	_ = 	snop;
	(pc) =	sbr.rel @p2 .LBB2_22-.Ltmp16, $2  }
0x3bd: {  	_ =	sdelay $0x2  }
0x3be: {  	s23 =	sadd.s32 $0x80, s23;
	s21 =	sadd.s32 $0x1, s21;
	s26 =	smov.u32 s28  }
.LBB2_16:
0x3bf: {  	v1 =	vld.msk [tilespmem:s21+$0x0], $0x1;
	_ =	sdelay $0x4  }
0x3c0: {  	(v2sf) =	vpush v1, $0x0;
	_ =	sdelay $0xe  }
0x3c1: {  	s28 =	spop (v2sf)  }
0x3c2: {  	p2 =	sne.s32 s26, s28  }
.Ltmp17:
0x3c3: {  	_ = 	snop;
	(pc) =	sbr.rel @!p2 .LBB2_17-.Ltmp17, $3  }
0x3c4: {  	_ =	sdelay $0x1  }
0x3c5: {  	s0 =	sshll.u32 s20, $0x7  }
0x3c6: {  	s0 =	sshra.s32 s0, $0x2  }
0x3c7: {  	p2 =	seq.s32 s26, s22  }
.Ltmp18:
0x3c8: {  	_ = 	snop;
	(pc) =	sbr.rel @!p2 .LBB2_19-.Ltmp18, $1  }
0x3c9: {  	_ =	sdelay $0x3  }
.Ltmp19:
0x3ca: {  	s0 =	sadd.s32 $0x48, s0;
	(pc) =	sbr.rel .LBB2_20-.Ltmp19, $4  }
0x3cb: {  	[spmem:s13] =	stream.linear.scatter [tilespmem:s0], [sflag:$0x1], $0x20, $0x38;
	[tilespmem:$0x1EC38] =	vst v63  }
0x3cc: {  	_ =	swait.ge [sflag:s2], $0x20  }
0x3cd: {  	[sflag:s2] =	ssyncset.done $0x0  }
0x3ce: {  	[sflag:s2] =	ssyncadd.s32 $0xFFFFFFE0  }
.LBB2_19:
0x3cf: {  	s1 =	sshll.u32 s25, $0x7  }
0x3d0: {  	s1 =	sshra.s32 s1, $0x2  }
0x3d1: {  	v1 =	vld [tilespmem:s1+$0x3068];
	_ =	sdelay $0x4  }
0x3d2: {  	[tilespmem:s0+$0x48] =	vst.add.f32.msk $0xffff, v1  }
0x3d3: {  	v1 =	vld [tilespmem:s1+$0x3078];
	_ =	sdelay $0x2  }
0x3d4: {  	p2 =	sgt.u32 s26, $0x270FC  }
0x3d5: {  	s1 =	sand.u32 @!p2 $0x3FFF8, s26  }
0x3d6: {  	s5 =	sadd.s32 $0x48, s0;
	[tilespmem:s0+$0x58] =	vst.add.f32.msk $0xffff, v1;
	s0 =	sadd.s32 @!p2 s4, s1;
	s1 =	sand.u32 @!p2 $0x7, s26  }
0x3d7: {  	[hbm4b:s0+s1] =	stream.linear.scatter @!p2 [tilespmem:s5], [sflag:$0xA], $0x20, $0x38;
	[tilespmem:$0x1EC38] =	vst v63  }
0x3d8: {  	s0 =	simm.s32 $0x0  }
0x3d9: {  	s0 =	simm.s32 @!p2 $0x80  }
0x3da: {  	s29 =	sadd.s32 s0, s29  }
.LBB2_20:
0x3db: {  	s0 =	sadd.s32 $0x1, s20  }
0x3dc: {  	s1 =	smulhi.u32 $0xAAAAAAAB, s0;
	_ =	sdelay $0x1  }
0x3dd: {  	v1 =	vld [tilespmem:s23+$0xFFFFFFF0];
	s1 =	sshrl.u32 s1, $0x8  }
0x3de: {  	s1 =	smul.u32 $0x180, s1;
	_ =	sdelay $0x1  }
0x3df: {  	s20 =	ssub.s32 s0, s1  }
0x3e0: {  	s0 =	sshll.u32 s20, $0x5  }
0x3e1: {  	[tilespmem:s0+$0x48] =	vst v1  }
0x3e2: {  	v1 =	vld [tilespmem:s23+$0x0]  }
.Ltmp20:
0x3e3: {  	_ = 	snop;
	(pc) =	sbr.rel .LBB2_21-.Ltmp20, $2  }
0x3e4: {  	_ =	sdelay $0x2  }
0x3e5: {  	s25 =	sadd.s32 $0x1, s25;
	[tilespmem:s0+$0x58] =	vst v1  }
.LBB2_23:
.Ltmp21:
0x3e6: {  	(pc) =	sbr.rel .LBB2_24-.Ltmp21, $4  }
0x3e7: {  	_ = 	snop  }
0x3e8: {  	s0 =	simm.s32 $0x2  }
0x3e9: {  	_ =	swait.ge [sflag:s0], $0x0  }
0x3ea: {  	s28 =	smov.u32 s26;
	[sflag:s0] =	ssyncset.done $0x0;
	s0 =	simm.s32 $0x0  }
.LBB2_26:
0x3eb: {  	_ =	sfence.sel $0x180000  }
0x3ec: {  	s0 =	simm.s32 $0x7;
	[bflag:$0x0] =	sbarrier.arrive $0xFFFF  }
0x3ed: {  	s25 =	simm.s32 $0x8;
	[sflag:s0] =	ssyncpa.u1 $0x1  }
0x3ee: {  	s26 =	simm.s32 $0x9;
	[sflag:s25] =	ssyncpa.u1 $0x1  }
0x3ef: {  	s28 =	simm.s32 $0x2;
	[sflag:s26] =	ssyncpa.u1 $0x1  }
0x3f0: {  	[sflag:s28] =	ssyncpa.u1 $0x1  }
0x3f1: {  	v0 =	vld [tilespmem:$0x6088];
	_ =	sdelay $0x4  }
0x3f2: {  	(v2sf) =	vpush v0, $0x0  }
0x3f3: {  	(v2sf) =	vpush v0, $0x1;
	_ =	sdelay $0x1  }
0x3f4: {  	(v2sf) =	vpush v0, $0x2;
	_ =	sdelay $0xb  }
0x3f5: {  	s0 =	spop (v2sf)  }
0x3f6: {  	s1 =	spop (v2sf)  }
0x3f7: {  	s2 =	smov.u32 s0;
	p0 =	sne.s32 s0, s1  }
0x3f8: {  	s3 =	spop (v2sf);
	s2 =	simm.s32 @!p0 $0xFFFFFFFF  }
0x3f9: {  	v2 =	vimm.s32 $0x1;
	v3 =	vlaneseq.u32;
	p0 =	seq.s32 s3, $0xFFFFFFFF;
	v1 =	vmov s2  }
0x3fa: {  	s7 =	stileid.u32;
	v0 =	vperm.xlane v0, v2;
	p1 =	sne.s32 @!p0 s0, s1;
	v1 =	vperm.xlane v1, v3  }
0x3fb: {  	vm0 =	vcmask $0x3F04;
	s6 =	simm.s32 $0x6088;
	s0 =	simm.s32 @!p0 $0x1;
	p1 =	por !p1, p0  }
0x3fc: {  	s2 =	sshll.u32 s7, $0x1;
	s1 =	sshll.u32 @!p0 s3, $0x7;
	s0 =	simm.s32 @p1 $0x0;
	v0 =	vsel vm0, v1, v0  }
0x3fd: {  	s5 =	sor.u32 $0x400, s2;
	s1 =	sshra.s32 @!p0 s1, $0x2;
	s0 =	sor.u32 @!p0 s0, s2;
	[tilespmem:$0x6088] =	vst v0  }
0x3fe: {  	[spmem:s5] =	stream.linear.scatter [tilespmem:s6], [sflag:$0x1], $0x2, $0x38;
	[tilespmem:$0x1EC38] =	vst v63  }
0x3ff: {  	s1 =	sadd.s32 @!p0 $0x48, s1;
	s0 =	sshll.u32 @!p0 s0, $0x5  }
0x400: {  	[spmem:s0] =	stream.linear.scatter @!p0 [tilespmem:s1], [sflag:$0x1], $0x20, $0x38;
	[tilespmem:$0x1EC38] =	vst v63  }
0x401: {  	s1 =	simm.s32 @!p0 $0x22  }
0x402: {  	s0 =	simm.s32 $0x1;
	s1 =	simm.s32 @p0 $0x2  }
0x403: {  	_ =	swait.ge [sflag:s0], s1  }
0x404: {  	s1 =	ssub.s32 $0x0, s1;
	[sflag:s0] =	ssyncset.done $0x0  }
0x405: {  	[sflag:s0] =	ssyncadd.s32 s1  }
0x406: {  	_ =	sfence.stream.spmem  }
0x407: {  	s29 =	simm.s32 $0x3;
	[bflag:$0x0] =	sbarrier.arrive $0xFFFF  }
0x408: {  	s30 =	simm.s32 $0x4;
	[sflag:s29] =	ssyncpa.u1 $0x1  }
0x409: {  	s31 =	simm.s32 $0x3C;
	[sflag:s30] =	ssyncpa.u1 $0x1  }
0x40a: {  	p0 =	sne.s32 s7, $0x0;
	[sflag:s31] =	ssyncpa.u1 $0x1  }
0x40b: {  	_ =	sfence @p0  }
0x40c: {  	[sflag:s0] =	ssyncpa.u1 @p0 $0x1  }
0x40d: {  	_ =	strace @p0 $0x90000050  }
0x40e: {  	[bflag:$0x2] =	sbarrier.arrive @p0 $0xFFFF  }
0x40f: {  	_ =	shalt @p0  }
.LBB2_27:
0x410: {  	_ =	sfence.stream.spmem;
	s0 =	simm.s32 $0x5  }
0x411: {  	s1 =	simm.s32 $0x400;
	s2 =	simm.s32 $0x6098;
	[sflag:s0] =	ssyncpa.u1 $0x0  }
0x412: {  	[tilespmem:s2], [sflag:$0x5] =	stream.linear.gather [spmem:s1], $0x20, $0x38;
	[tilespmem:$0x1EC38] =	vst v63  }
0x413: {  	s30 =	simm.s32 $0x60B8;
	s1 =	simm.s32 $0x0  }
0x414: {  	[tilespmem:s30], [sflag:$0x5] =	stream.linear.gather [spmem:s1], $0x400, $0x38;
	[tilespmem:$0x1EC38] =	vst v63  }
.Ltmp22:
0x415: {  	_ = 	snop;
	(pc) =	sbr.rel .LBB2_28-.Ltmp22, $4  }
0x416: {  	_ =	swait.ge [sflag:s0], $0x420  }
0x417: {  	[sflag:s0] =	ssyncset.done $0x0  }
0x418: {  	s31 =	simm.s32 $0x6;
	[sflag:s0] =	ssyncadd.s32 $0xFFFFFBE0  }
0x419: {  	s2 =	simm.s32 $0x0;
	[sflag:s31] =	ssyncpa.u1 $0x0  }
.LBB2_34:
0x41a: {  	p0 =	slt.u32 s3, $0x270FD  }
0x41b: {  	s0 =	sand.u32 @p0 $0x3FFF8, s3  }
0x41c: {  	s3 =	sand.u32 @p0 $0x7, s3;
	s5 =	simm.s32 @p0 $0x6068;
	s0 =	sadd.s32 @p0 s4, s0  }
0x41d: {  	[tilespmem:s5], [sflag:$0x6] =	stream.linear.gather @p0 [hbm4b:s0+s3], $0x20, $0x38;
	[tilespmem:$0x1EC38] =	vst v63  }
0x41e: {  	s0 =	simm.s32 @p0 $0x6  }
0x41f: {  	_ =	swait.ge @p0 [sflag:s0], $0x20  }
0x420: {  	[sflag:s0] =	ssyncset.done @p0 $0x0  }
0x421: {  	[sflag:s0] =	ssyncadd.s32 @p0 $0xFFFFFFE0  }
0x422: {  	v1 =	vld @p0 [tilespmem:$0x6068];
	_ =	sdelay $0x2  }
0x423: {  	s0 =	sshll.u32 @p0 s2, $0x7  }
0x424: {  	s3 =	sshrl.u32 @p0 s0, $0x2  }
0x425: {  	[tilespmem:s3+$0x60B8] =	vst.add.f32.msk @p0 $0xffff, v1  }
0x426: {  	v1 =	vld @p0 [tilespmem:$0x6078];
	_ =	sdelay $0x3  }
0x427: {  	s5 =	sshll.u32 @!p0 s2, $0x7  }
0x428: {  	s5 =	smov.u32 @p0 s0;
	[tilespmem:s3+$0x60C8] =	vst.add.f32.msk @p0 $0xffff, v1  }
0x429: {  	s0 =	sshrl.u32 s5, $0x2;
	[tilespmem:s1+$0x6098] =	vst.msk $0x1, v0  }
0x42a: {  	v0 =	vld [tilespmem:s0+$0x60B8];
	_ =	sdelay $0x2  }
0x42b: {  	s31 =	sshll.u32 s1, $0x7  }
0x42c: {  	s3 =	sshra.s32 s31, $0x2  }
0x42d: {  	[tilespmem:s3+$0x60B8] =	vst v0  }
0x42e: {  	v0 =	vld [tilespmem:s0+$0x60C8];
	_ =	sdelay $0x4  }
0x42f: {  	s1 =	sadd.s32 $0x1, s1;
	[tilespmem:s3+$0x60C8] =	vst v0  }
.LBB2_35:
0x430: {  	s2 =	sadd.s32 $0x1, s2  }
0x431: {  	p0 =	sne.s32 s2, $0x20  }
.Ltmp23:
0x432: {  	_ = 	snop;
	(pc) =	sbr.rel @!p0 .LBB2_36-.Ltmp23, $1  }
0x433: {  	_ =	sdelay $0x3  }
.LBB2_28:
0x434: {  	v0 =	vld.msk [tilespmem:s2+$0x6098], $0x1;
	_ =	sdelay $0x4  }
0x435: {  	(v2sf) =	vpush v0, $0x0;
	_ =	sdelay $0xe  }
0x436: {  	s3 =	spop (v2sf)  }
0x437: {  	p0 =	seq.s32 s3, $0xFFFFFFFF  }
.Ltmp24:
0x438: {  	_ = 	snop;
	(pc) =	sbr.rel @p0 .LBB2_35-.Ltmp24, $1  }
0x439: {  	_ =	sdelay $0x3  }
0x43a: {  	p0 =	slt.s32 s1, $0x1  }
.Ltmp25:
0x43b: {  	_ = 	snop;
	(pc) =	sbr.rel @p0 .LBB2_34-.Ltmp25, $1  }
0x43c: {  	_ =	sdelay $0x3  }
0x43d: {  	s5 =	simm.s32 $0x6098;
	p0 =	por $0x0, $0x0  }
0x43e: {  	v1 =	vld.msk @!p0 [tilespmem:s5+$0x0], $0x1;
	_ =	sdelay $0x4  }
0x43f: {  	(v2sf) =	vpush @!p0 v1, $0x0;
	_ =	sdelay $0xd  }
0x440: {  	p2 =	sne.s32 s1, $0x1  }
.Ltmp26:
0x441: {  	s0 =	spop @!p0 (v2sf);
	(pc) =	sbr.rel @!p2 .LBB2_32-.Ltmp26, $4  }
0x442: {  	p1 =	seq.s32 @!p0 s3, s0  }
0x443: {  	s6 =	simm.s32 $0x0;
	p1 =	por !p1, p0  }
0x444: {  	s0 =	simm.s32 $0xFFFFFFFF;
	s6 =	simm.s32 @p1 $0xFFFFFFFF  }
0x445: {  	s7 =	simm.s32 $0x1;
	s6 =	smov.u32 @p0 s0  }
.LBB2_31:
0x446: {  	s0 =	smov.u32 s6;
	p0 =	sne.s32 s6, $0xFFFFFFFF  }
0x447: {  	s5 =	sadd.s32 $0x1, s5;
	s6 =	smov.u32 s7;
	s7 =	sadd.s32 $0x1, s7  }
0x448: {  	p1 =	sne.s32 s1, s7;
	v1 =	vld.msk @!p0 [tilespmem:s5+$0x0], $0x1;
	_ =	sdelay $0x4  }
0x449: {  	(v2sf) =	vpush @!p0 v1, $0x0;
	_ =	sdelay $0xe  }
.Ltmp27:
0x44a: {  	s8 =	spop @!p0 (v2sf);
	(pc) =	sbr.rel @p1 .LBB2_31-.Ltmp27, $4  }
0x44b: {  	p2 =	seq.s32 @!p0 s3, s8  }
0x44c: {  	p2 =	por !p2, p0  }
0x44d: {  	s6 =	simm.s32 @p2 $0xFFFFFFFF  }
0x44e: {  	s6 =	smov.u32 @p0 s0  }
.LBB2_32:
0x44f: {  	p0 =	seq.s32 s6, $0xFFFFFFFF  }
.Ltmp28:
0x450: {  	_ = 	snop;
	(pc) =	sbr.rel @p0 .LBB2_34-.Ltmp28, $1  }
0x451: {  	_ =	sdelay $0x3  }
0x452: {  	s0 =	sshll.u32 s2, $0x5  }
0x453: {  	s0 =	sand.u32 $0x3FFFFFE0, s0  }
0x454: {  	v0 =	vld [tilespmem:s0+$0x60B8];
	_ =	sdelay $0x2  }
0x455: {  	s3 =	sshll.u32 s6, $0x7  }
0x456: {  	s3 =	sshra.s32 s3, $0x2  }
0x457: {  	[tilespmem:s3+$0x60B8] =	vst.add.f32.msk $0xffff, v0  }
0x458: {  	v0 =	vld [tilespmem:s0+$0x60C8]  }
.Ltmp29:
0x459: {  	_ = 	snop;
	(pc) =	sbr.rel .LBB2_35-.Ltmp29, $2  }
0x45a: {  	_ =	sdelay $0x2  }
0x45b: {  	[tilespmem:s3+$0x60C8] =	vst.add.f32.msk $0xffff, v0  }
.LBB2_36:
0x45c: {  	p0 =	slt.s32 s1, $0x1  }
.Ltmp30:
0x45d: {  	_ = 	snop;
	(pc) =	sbr.rel @p0 .LBB2_40-.Ltmp30, $3  }
0x45e: {  	_ =	sdelay $0x1  }
0x45f: {  	s0 =	simm.s32 $0x6  }
0x460: {  	s2 =	simm.s32 $0x0;
	[sflag:s0] =	ssyncpa.u1 $0x1  }
0x461: {  	s0 =	simm.s32 $0x6098  }
0x462: {  	v0 =	vld.msk [tilespmem:s0+$0x0], $0x1;
	_ =	sdelay $0x4  }
0x463: {  	(v2sf) =	vpush v0, $0x0;
	_ =	sdelay $0xe  }
0x464: {  	s1 =	sadd.s32 $0xFFFFFFFF, s1;
	s0 =	spop (v2sf)  }
0x465: {  	p1 =	sne.s32 s1, $0x0;
	p0 =	sgt.u32 s0, $0x270FC  }
.Ltmp31:
0x466: {  	s5 =	sand.u32 @!p0 $0x3FFF8, s0;
	(pc) =	sbr.rel @!p1 .LBB2_39-.Ltmp31, $4  }
0x467: {  	s3 =	simm.s32 $0x60B8;
	s0 =	sand.u32 @!p0 $0x7, s0;
	s5 =	sadd.s32 @!p0 s4, s5  }
0x468: {  	[hbm4b:s5+s0] =	stream.linear.scatter @!p0 [tilespmem:s3], [sflag:$0x5], $0x20, $0x38;
	[tilespmem:$0x1EC38] =	vst v63  }
0x469: {  	s0 =	simm.s32 $0x0  }
0x46a: {  	s5 =	simm.s32 $0x6099;
	s0 =	simm.s32 @!p0 $0x80  }
.LBB2_38:
0x46b: {  	v0 =	vld.msk [tilespmem:s5+$0x0], $0x1;
	s1 =	sadd.s32 $0xFFFFFFFF, s1;
	s2 =	sadd.s32 s2, s0  }
0x46c: {  	p0 =	sne.s32 s1, $0x0;
	_ =	sdelay $0x3  }
0x46d: {  	(v2sf) =	vpush v0, $0x0;
	_ =	sdelay $0xe  }
.Ltmp32:
0x46e: {  	s6 =	spop (v2sf);
	(pc) =	sbr.rel @p0 .LBB2_38-.Ltmp32, $4  }
0x46f: {  	s0 =	simm.s32 $0x0;
	p1 =	sgt.u32 s6, $0x270FC  }
0x470: {  	s3 =	sadd.s32 $0x20, s3;
	s0 =	simm.s32 @!p1 $0x80;
	s7 =	sand.u32 @!p1 $0x3FFF8, s6  }
0x471: {  	s5 =	sadd.s32 $0x1, s5;
	s6 =	sand.u32 @!p1 $0x7, s6;
	s7 =	sadd.s32 @!p1 s4, s7  }
0x472: {  	[hbm4b:s7+s6] =	stream.linear.scatter @!p1 [tilespmem:s3], [sflag:$0x5], $0x20, $0x38;
	[tilespmem:$0x1EC38] =	vst v63  }
.LBB2_39:
0x473: {  	s0 =	sadd.s32 s2, s0  }
0x474: {  	s2 =	sshrl.u32 s0, $0x2  }
.LBB2_40:
0x475: {  	s0 =	simm.s32 $0x5  }
0x476: {  	_ =	swait.ge [sflag:s0], s2  }
0x477: {  	s1 =	ssub.s32 $0x0, s2;
	[sflag:s0] =	ssyncset.done $0x0  }
0x478: {  	[sflag:s0] =	ssyncadd.s32 s1  }
0x479: {  	[sflag:s0] =	ssyncpa.u1 $0x1  }
0x47a: {  	s30 =	simm.s32 $0x1;
	_ =	sfence  }
0x47b: {  	[sflag:s30] =	ssyncpa.u1 $0x1  }
0x47c: {  	_ =	strace $0x90000050  }
0x47d: {  	[bflag:$0x2] =	sbarrier.arrive $0xFFFF  }
0x47e: {  	s31 =	rddreg [dreg:$0x2]  }
0x47f: {  	s0 =	sadd.s32 $0x100000, s31  }
0x480: {  	[sflag:s0] =	ssyncadd.tile.s32 $0x1;
	_ =	shalt  }
.Lfunc_end2:
_tile_overlayer_lowered:
.L_overlay_start_2:
0x481: {  	(tag) =	ssettag $0x2  }
0x482: {  	s0 =	rddreg [dreg:$0x0];
	s2 =	stileid.u32  }
0x483: {  	s1 =	rddreg [dreg:$0x1];
	p0 =	sne.s32 s2, $0x0  }
0x484: {  	s3 =	rddreg [dreg:$0x2];
	[bflag:$0x3] =	sbarrier.arrive $0xFFFF;
	s2 =	simm.s32 @!p0 $0x1C01  }
0x485: {  	[timem:s3], [sflag:s2] =	dma.local @!p0 [hbm:s0], s1  }
0x486: {  	s0 =	simm.s32 @!p0 $0x1  }
0x487: {  	_ =	swait.ge @!p0 [sflag:s0], s1  }
0x488: {  	s1 =	ssub.s32 @!p0 $0x0, s1;
	[sflag:s0] =	ssyncset.done @!p0 $0x0  }
0x489: {  	[sflag:s0] =	ssyncadd.s32 @!p0 s1  }
0x48a: {  	[bflag:$0x3] =	sbarrier.arrive $0xFFFF  }
0x48b: {  	_ =	shalt  }

// kernel: scatter_offload_async_start.2
scs
__scs_entry_jumppad:
0x0: {  	(pc) =	sbr.rel $0x88, $3  }
0x1: {  	(tag) =	ssettag $0x0;
	lr =	simm.s32 $0x1  }
0x2: {  	[smem:$0x3F96] =	sst lr;
	_ =	strace $0xD0000000  }
0x3: {  	_ = 	snop  }
0x4: {  	_ = 	snop  }
0x5: {  	_ = 	snop  }
0x6: {  	_ = 	snop  }
0x7: {  	_ = 	snop  }
__scs_overlays_trampoline_lowered:
0x8: {  	[smem:$0x3FA5] =	sst s0  }
0x9: {  	[smem:$0x3FA6] =	sst s1  }
0xa: {  	[smem:$0x3FA7] =	sst s2  }
0xb: {  	[smem:$0x3FA8] =	sst s3  }
0xc: {  	[smem:$0x3FA9] =	sst s4  }
0xd: {  	[smem:$0x3FAA] =	sst s5  }
0xe: {  	[smem:$0x3FAB] =	sst s6  }
0xf: {  	[smem:$0x3FAC] =	sst s7  }
0x10: {  	[smem:$0x3FAD] =	sst s8  }
0x11: {  	[smem:$0x3FAE] =	sst s9;
	s0 =	simm.s32 @!p0 $0x0  }
0x12: {  	s1 =	sld [smem:$0x3F94];
	s0 =	simm.s32 @p0 $0x1  }
0x13: {  	[smem:$0x3FAF] =	sst s0;
	s0 =	simm.s32 @!p1 $0x0  }
0x14: {  	s2 =	sld [smem:$0x3F93];
	s0 =	simm.s32 @p1 $0x1  }
0x15: {  	[smem:$0x3FB0] =	sst s0;
	s0 =	simm.s32 @!p2 $0x0  }
0x16: {  	s3 =	sld [smem:$0x3FDB];
	s0 =	simm.s32 @p2 $0x1  }
0x17: {  	s4 =	simm.s32 $0x1BF5;
	[smem:$0x3FB2] =	sst s0  }
0x18: {  	s0 =	sld [smem:$0x3F95];
	_ =	swait.ge [sflag:s4], $0x0  }
0x19: {  	s7 =	sld [smem:$0x3F96]  }
0x1a: {  	s8 =	sadd.s32 $0xFFFFE003, lr  }
0x1b: {  	s9 =	sadd.s32 $0xFFFFFEF7, lr;
	s5 =	simm.s32 $0xFFFFFFFF;
	p2 =	slt.u32 s8, $0xFFFFF086  }
0x1c: {  	p1 =	slt.u32 s9, $0xF7A;
	s5 =	simm.s32 @!p2 $0x0  }
0x1d: {  	s5 =	simm.s32 @p1 $0x1;
	p0 =	seq.s32 s7, s2  }
0x1e: {  	s7 =	smul.u32 @!p0 $0xF7A, s2;
	p2 =	seq.s32 @!p0 s5, $0x0  }
0x1f: {  	s9 =	smul.u32 $0xF7A, s1;
	s8 =	simm.s32 @!p0 $0x1BF5;
	p2 =	por !p2, p0  }
0x20: {  	[sflag:s8] =	ssyncset.s32 @!p0 $0xFFFFF086;
	s6 =	sadd.s32 @!p0 s3, s7;
	s7 =	simm.s32 @!p0 $0x108  }
0x21: {  	s3 =	sadd.s32 s3, s9;
	s6 =	sadd.s32 @!p0 $0x88, s6;
	s7 =	simm.s32 @p2 $0x1082  }
0x22: {  	[simem:s7], [sflag:s8] =	dma.local @!p0 [hbm:s6], $0xF7A  }
0x23: {  	s9 =	sor.u32 $0xD0000000, s2;
	s6 =	simm.s32 $0x108;
	_ =	swait.ge @!p0 [sflag:s8], $0x0  }
0x24: {  	s3 =	sadd.s32 $0x88, s3;
	s6 =	simm.s32 @!p1 $0x1082;
	[sflag:s4] =	ssyncset.s32 $0xFFFFF086  }
0x25: {  	[simem:s6], [sflag:s4] =	dma.local [hbm:s3], $0xF7A  }
0x26: {  	[smem:$0x3F96] =	sst s1;
	(tag) =	ssettag s2;
	_ =	strace s9  }
0x27: {  	s1 =	sld [smem:$0x3FA6]  }
0x28: {  	s2 =	sld [smem:$0x3FA7]  }
0x29: {  	s4 =	sld [smem:$0x3FA9]  }
0x2a: {  	p0 =	seq.s32 s5, $0x0;
	s5 =	sld [smem:$0x3FAA]  }
0x2b: {  	s6 =	sld [smem:$0x3FAB]  }
0x2c: {  	s7 =	sld [smem:$0x3FAC]  }
0x2d: {  	s3 =	simm.s32 $0x108;
	s8 =	sld [smem:$0x3FAD]  }
0x2e: {  	s3 =	simm.s32 @!p0 $0x1082;
	s9 =	sld [smem:$0x3FAE]  }
0x2f: {  	lr =	sadd.s32 s0, s3;
	s0 =	sld [smem:$0x3FA5]  }
0x30: {  	s3 =	sld [smem:$0x3FA8]  }
0x31: {  	[smem:$0x3FB1] =	sst s10  }
0x32: {  	s10 =	sld [smem:$0x3FAF];
	_ =	sdelay $0x3  }
0x33: {  	p0 =	seq.s32 s10, $0x1;
	s10 =	sld [smem:$0x3FB1];
	_ =	sdelay $0x3  }
0x34: {  	[smem:$0x3FB1] =	sst s10  }
0x35: {  	s10 =	sld [smem:$0x3FB0];
	_ =	sdelay $0x3  }
0x36: {  	p1 =	seq.s32 s10, $0x1;
	s10 =	sld [smem:$0x3FB1];
	_ =	sdelay $0x3  }
0x37: {  	[smem:$0x3FB1] =	sst s10  }
0x38: {  	s10 =	sld [smem:$0x3FB2]  }
0x39: {  	_ = 	snop;
	(pc) =	sbr.ind lr, $3  }
0x3a: {  	_ = 	snop  }
0x3b: {  	_ = 	snop  }
0x3c: {  	p2 =	seq.s32 s10, $0x1;
	s10 =	sld [smem:$0x3FB1]  }
0x3d: {  	_ =	shalt  }
0x3e: {  	_ =	shalt  }
0x3f: {  	_ =	shalt  }
0x40: {  	_ =	shalt  }
0x41: {  	_ =	shalt  }
0x42: {  	_ =	shalt  }
0x43: {  	_ =	shalt  }
0x44: {  	_ =	shalt  }
0x45: {  	_ =	shalt  }
0x46: {  	_ =	shalt  }
0x47: {  	_ =	shalt  }
0x48: {  	_ =	shalt  }
0x49: {  	_ =	shalt  }
0x4a: {  	_ =	shalt  }
0x4b: {  	_ =	shalt  }
0x4c: {  	_ =	shalt  }
0x4d: {  	_ =	shalt  }
0x4e: {  	_ =	shalt  }
0x4f: {  	_ =	shalt  }
0x50: {  	_ =	shalt  }
0x51: {  	_ =	shalt  }
0x52: {  	_ =	shalt  }
0x53: {  	_ =	shalt  }
0x54: {  	_ =	shalt  }
0x55: {  	_ =	shalt  }
0x56: {  	_ =	shalt  }
0x57: {  	_ =	shalt  }
0x58: {  	_ =	shalt  }
0x59: {  	_ =	shalt  }
0x5a: {  	_ =	shalt  }
0x5b: {  	_ =	shalt  }
0x5c: {  	_ =	shalt  }
0x5d: {  	_ =	shalt  }
0x5e: {  	_ =	shalt  }
0x5f: {  	_ =	shalt  }
0x60: {  	_ =	shalt  }
0x61: {  	_ =	shalt  }
0x62: {  	_ =	shalt  }
0x63: {  	_ =	shalt  }
0x64: {  	_ =	shalt  }
0x65: {  	_ =	shalt  }
0x66: {  	_ =	shalt  }
0x67: {  	_ =	shalt  }
0x68: {  	_ =	shalt  }
0x69: {  	_ =	shalt  }
0x6a: {  	_ =	shalt  }
0x6b: {  	_ =	shalt  }
0x6c: {  	_ =	shalt  }
0x6d: {  	_ =	shalt  }
0x6e: {  	_ =	shalt  }
0x6f: {  	_ =	shalt  }
0x70: {  	_ =	shalt  }
0x71: {  	_ =	shalt  }
0x72: {  	_ =	shalt  }
0x73: {  	_ =	shalt  }
0x74: {  	_ =	shalt  }
0x75: {  	_ =	shalt  }
0x76: {  	_ =	shalt  }
0x77: {  	_ =	shalt  }
0x78: {  	_ =	shalt  }
0x79: {  	_ =	shalt  }
0x7a: {  	_ =	shalt  }
0x7b: {  	_ =	shalt  }
0x7c: {  	_ =	shalt  }
0x7d: {  	_ =	shalt  }
0x7e: {  	_ =	shalt  }
0x7f: {  	_ =	shalt  }
0x80: {  	_ =	shalt  }
0x81: {  	_ =	shalt  }
0x82: {  	_ =	shalt  }
0x83: {  	_ =	shalt  }
0x84: {  	_ =	shalt  }
0x85: {  	_ =	shalt  }
0x86: {  	_ =	shalt  }
0x87: {  	_ =	shalt  }
.Lfunc_end0:
.L_simem_size_0:
called_computation.2_lowered:
.L_overlay_start_0:
0x88: {  	s0 =	sld [smem:$0x3FD9]  }
0x89: {  	s1 =	sld [smem:$0x3FFE];
	_ =	sdelay $0x3  }
0x8a: {  	s0 =	sadd.s32 s1, s0  }
0x8b: {  	[smem:$0x3FBD] =	sst s0  }
0x8c: {  	_ = 	snop  }
0x8d: {  	s0 =	sld [smem:$0x3FD0];
	_ =	sdelay $0x2  }
0x8e: {  	s2 =	simm.s32 $0xD;
	s12 =	simm.s32 $0x10  }
0x8f: {  	[smem:s12], [sflag:s2] =	dma.local [hbm:s0], $0x1  }
0x90: {  	_ =	swait.eq [sflag:s2], $0x1  }
0x91: {  	[sflag:s2] =	ssyncset.done $0x0  }
0x92: {  	s13 =	sld [smem:$0x10];
	[sflag:s2] =	ssyncadd.s32 $0xFFFFFFFF  }
0x93: {  	s14 =	sld [smem:$0x11];
	(tm) =	ssettm $0x1  }
0x94: {  	s15 =	sld [smem:$0x3FFB];
	_ =	sdelay $0x3  }
0x95: {  	_ =	strace s15  }
0x96: {  	s0 =	sld [smem:$0x3FFC];
	_ =	sdelay $0x3  }
0x97: {  	_ =	strace s0  }
0x98: {  	s0 =	sld [smem:$0x3FFD];
	_ =	sdelay $0x3  }
0x99: {  	_ =	strace s0  }
0x9a: {  	_ =	strace $0x8FFFFFFF  }
0x9b: {  	s16 =	sld [smem:$0x3FDB];
	_ =	sdelay $0x1  }
0x9c: {  	s3 =	simm.s32 $_scs_section_size  }
0x9d: {  	s4 =	simm.s32 $_size__tile_overlayer_lowered;
	s5 =	simm.s32 $_tile_overlayer_lowered  }
0x9e: {  	s6 =	simm.s32 $0x1BFF;
	s17 =	sshll.u32 s5, $0x1;
	s3 =	sadd.s32 s3, s16  }
0x9f: {  	s18 =	simm.s32 $0x0;
	s4 =	sshll.u32 s4, $0x1;
	s5 =	sadd.s32 s17, s3  }
0xa0: {  	[timem:s18], [sflag:s6] =	dma.local [hbm:s5], s4  }
0xa1: {  	_ =	swait.ge [sflag:s6], s4  }
0xa2: {  	s4 =	ssub.s32 $0x0, s4;
	[sflag:s6] =	ssyncset.done $0x0  }
0xa3: {  	[sflag:s6] =	ssyncadd.s32 s4;
	_ =	sdelay $0x1  }
0xa4: {  	s19 =	simm.s32 $0x1B8B  }
0xa5: {  	_ =	swait.ge [sflag:s19], $0x1  }
0xa6: {  	[sflag:s19] =	ssyncset.done $0x0  }
0xa7: {  	s21 =	simm.s32 $0x1B8E;
	s20 =	sld [smem:$0x3FFE];
	[sflag:s19] =	ssyncadd.s32 $0xFFFFFFFF  }
0xa8: {  	s22 =	simm.s32 $execute0_lowered;
	[smem:$0x3FD2] =	sst s21  }
0xa9: {  	s5 =	sshll.u32 s22, $0x1;
	_ =	strace $0x80000049;
	[dreg:$0x1] =	wrdreg $0xFFFFFFFF  }
0xaa: {  	s23 =	simm.s32 $_size_execute0_lowered;
	s5 =	sadd.s32 s3, s5;
	[dreg:$0x0] =	wrdreg $0x0  }
0xab: {  	s6 =	sshll.u32 s23, $0x1;
	[dreg:$0x2] =	wrdreg s5  }
0xac: {  	[dreg:$0x3] =	wrdreg s6  }
0xad: {  	[dreg:$0x4] =	wrdreg $0xC0  }
0xae: {  	s24 =	simm.s32 $execute1_lowered;
	_ =	task [dreg:s18], $0x5FFFF  }
0xaf: {  	s5 =	sshll.u32 s24, $0x1;
	[dreg:$0x1] =	wrdreg $0xFFFFFFFF  }
0xb0: {  	s3 =	sadd.s32 s3, s5;
	[dreg:$0x0] =	wrdreg $0x60  }
0xb1: {  	[dreg:$0x2] =	wrdreg s3  }
0xb2: {  	[dreg:$0x3] =	wrdreg s20  }
0xb3: {  	[dreg:$0x4] =	wrdreg $0xA  }
0xb4: {  	_ =	task.clear_ibuf [dreg:s18], $0x5FFFF;
	_ =	strace $0x90000049  }
0xb5: {  	s25 =	simm.s32 $0xA;
	_ =	strace $0x8000004B  }
0xb6: {  	_ =	swait.ge [sflag:s25], $0x1  }
0xb7: {  	[sflag:s25] =	ssyncadd.s32 $0xFFFFFFFF  }
0xb8: {  	_ =	strace $0x9000004B  }
0xb9: {  	_ =	strace $0x8000004C;
	[dreg:$0x1] =	wrdreg $0xFFFFFFFF  }
0xba: {  	[dreg:$0x0] =	wrdreg $0x2030  }
0xbb: {  	[dreg:$0x2] =	wrdreg s20  }
0xbc: {  	[dreg:$0x3] =	wrdreg s14  }
0xbd: {  	[dreg:$0x4] =	wrdreg s13  }
0xbe: {  	[dreg:$0x5] =	wrdreg $0xB  }
0xbf: {  	_ =	task.clear_ibuf [dreg:s18], $0x6FFFF;
	_ =	strace $0x9000004C  }
0xc0: {  	s26 =	simm.s32 $0xB;
	_ =	strace $0x8000004E  }
0xc1: {  	_ =	swait.ge [sflag:s26], $0x1  }
0xc2: {  	[sflag:s26] =	ssyncadd.s32 $0xFFFFFFFF  }
0xc3: {  	_ =	strace $0x9000004E  }
0xc4: {  	_ =	sfence  }
0xc5: {  	s28 =	sld [smem:$0x0];
	_ =	sdelay $0x1  }
0xc6: {  	s29 =	srdreg.scid  }
0xc7: {  	s30 =	sshll.u32 s29, $0xD;
	s31 =	sshrl.u32 s29, $0x2  }
0xc8: {  	s2 =	sand.u32 $0x1, s29;
	s3 =	sand.u32 $0x4000, s30;
	s1 =	sadd.s32 s31, s28  }
0xc9: {  	s2 =	sor.u32 s3, s2;
	s1 =	sshll.u32 s1, $0x11  }
0xca: {  	s1 =	sor.u32 s1, s2  }
0xcb: {  	s1 =	sadd.s32 $0x8F2B, s1  }
0xcc: {  	[sflag:s1] =	ssyncadd.remote.s32 $0x1  }
0xcd: {  	_ =	sfence.sel $0xFFFF  }
0xce: {  	[dreg:$0x0] =	wrdreg $0xFFFFFFFF;
	(pc) =	sbr.abs _section_cstart, $3  }
0xcf: {  	[dreg:$0x1] =	wrdreg $0xFFFFFFFF  }
0xd0: {  	_ =	task.clear_ibuf [dreg:s18], $0x2FFFF;
	_ =	strace $0x9FFFFFFF  }
0xd1: {  	(tm) =	ssettm $0x7FFFFFFF  }
tec
execute0_lowered:
.L_overlay_start_1:
0x0: {  	(tag) =	ssettag $0x1  }
0x1: {  	s2 =	rddreg [dreg:$0x0]  }
0x2: {  	s6 =	rddreg [dreg:$0x1]  }
0x3: {  	s0 =	rddreg [dreg:$0x2];
	s3 =	stileid.u32  }
0x4: {  	[bflag:$0x3] =	sbarrier.arrive $0xFFFF;
	s1 =	simm.s32 $_size_execute1_lowered;
	p0 =	sne.s32 s3, $0x0  }
0x5: {  	s1 =	sshll.u32 s1, $0x1;
	s4 =	simm.s32 @!p0 $0x1C3F;
	s5 =	simm.s32 @!p0 $0x4060  }
0x6: {  	[timem:s5], [sflag:s4] =	dma.local @!p0 [hbm:s2], s1  }
0x7: {  	s7 =	simm.s32 $0x1;
	s8 =	simm.s32 $0x2;
	s2 =	sshll.u32 s3, $0xE  }
0x8: {  	s10 =	simm.s32 $0x0;
	s9 =	simm.s32 $0x0;
	s30 =	ssub.s32 $0x6400000, s2  }
.Ltmp0:
0x9: {  	s3 =	sadd.s32 $0xB600, s6;
	s31 =	sand.u32 $0x3C000, s30;
	(pc) =	sbr.rel .LBB2_1-.Ltmp0, $4  }
0xa: {  	s4 =	simm.s32 $0x1;
	_ =	strace $0x8000004A;
	p1 =	sne.s32 s31, $0x0  }
0xb: {  	s5 =	sshrl.u32 s30, $0x12;
	[sflag:s4] =	ssyncpa.u1 $0x0;
	s7 =	simm.s32 @!p1 $0x0  }
0xc: {  	s6 =	sadd.s32 $0xC8B600, s6;
	[sflag:s8] =	ssyncpa.u1 $0x0;
	s5 =	sadd.s32 s7, s5  }
0xd: {  	s8 =	smov.u32 s2;
	p1 =	por $0x0, $0x0;
	s7 =	sadd.s32 $0x1, s5  }
.LBB2_4:
0xe: {  	[tilespmem:s11+$0xB0] =	vst v0  }
0xf: {  	[tilespmem:s11+$0xC0] =	vst v1  }
0x10: {  	[tilespmem:s11+$0xD0] =	vst v2  }
0x11: {  	[tilespmem:s11+$0xE0] =	vst v3;
	s13 =	sshrl.u32 s10, $0x3  }
0x12: {  	[tilespmem:s11+$0xFFFFFF00] =	vst v4;
	s31 =	sand.u32 $0x7, s10;
	s30 =	sadd.s32 s6, s13  }
0x13: {  	[hbm4b:s30+s31] =	stream.linear.scatter [tilespmem:s12], [sflag:$0x2], $0x4000, $0x38;
	[tilespmem:$0x10000] =	vst v63  }
.LBB2_5:
0x14: {  	s12 =	sadd.s32 $0x40000, s8  }
0x15: {  	p3 =	sgt.s32 s12, $0x63FFFFF  }
0x16: {  	s12 =	smov.u32 @p3 s2;
	p3 =	sne.s32 s9, s7  }
.Ltmp1:
0x17: {  	p2 =	slt.u32 s9, $0x2;
	(pc) =	sbr.rel @!p3 .LBB2_6-.Ltmp1, $4  }
0x18: {  	s11 =	simm.s32 @!p2 $0x2  }
0x19: {  	s13 =	sadd.s32 $0x1, s9;
	_ =	swait.ge @!p2 [sflag:s11], $0x4000  }
0x1a: {  	s10 =	smov.u32 s8;
	p1 =	por !p1, !p1;
	[sflag:s11] =	ssyncset.done @!p2 $0x0  }
0x1b: {  	s9 =	smov.u32 s13;
	s8 =	smov.u32 s12;
	[sflag:s11] =	ssyncadd.s32 @!p2 $0xFFFFC000  }
.LBB2_1:
0x1c: {  	p2 =	sge.u32 s9, s5  }
0x1d: {  	s11 =	sxor.u32 @!p2 $0xFFFFFFFF, s9  }
0x1e: {  	s31 =	sadd.s32 $0xFFFFFFFF, s9;
	s12 =	sshrl.u32 @!p2 s8, $0x3;
	s11 =	sshll.u32 @!p2 s11, $0xE  }
0x1f: {  	s13 =	sand.u32 @!p2 $0x7, s8;
	s12 =	sadd.s32 @!p2 s3, s12;
	s11 =	sand.u32 @!p2 $0x4000, s11  }
0x20: {  	[tilespmem:s11], [sflag:$0x1] =	stream.linear.gather @!p2 [hbm4b:s12+s13], $0x4000, $0x38;
	[tilespmem:$0x10000] =	vst v63  }
0x21: {  	p2 =	sge.u32 s31, s5  }
.Ltmp2:
0x22: {  	_ = 	snop;
	(pc) =	sbr.rel @p2 .LBB2_5-.Ltmp2, $1  }
0x23: {  	_ =	sdelay $0x3  }
0x24: {  	s11 =	simm.s32 $0x1  }
0x25: {  	_ =	swait.ge [sflag:s4], $0x4000;
	s11 =	simm.s32 @!p1 $0x0  }
0x26: {  	[sflag:s4] =	ssyncset.done $0x0;
	s11 =	sshll.u32 s11, $0xE  }
0x27: {  	[sflag:s4] =	ssyncadd.s32 $0xFFFFC000;
	s14 =	sor.u32 $0x100, s11  }
0x28: {  	v0 =	vld [tilespmem:s14+$0xF0]  }
0x29: {  	v1 =	vld [tilespmem:s14+$0xFFFFFF10]  }
0x2a: {  	v2 =	vld [tilespmem:s14+$0xFFFFFF20]  }
0x2b: {  	v3 =	vld [tilespmem:s14+$0xFFFFFF30]  }
0x2c: {  	s11 =	sor.u32 $0x8100, s11;
	v4 =	vld [tilespmem:s14+$0xFFFFFF40]  }
0x2d: {  	v5 =	vld [tilespmem:s14+$0xFFFFFF50];
	[tilespmem:s11+$0xF0] =	vst v0  }
0x2e: {  	[tilespmem:s11+$0xFFFFFF10] =	vst v1;
	v0 =	vld [tilespmem:s14+$0xFFFFFF60]  }
0x2f: {  	[tilespmem:s11+$0xFFFFFF20] =	vst v2;
	v1 =	vld [tilespmem:s14+$0xFFFFFF70]  }
0x30: {  	[tilespmem:s11+$0xFFFFFF30] =	vst v3;
	v2 =	vld [tilespmem:s14+$0xFFFFFF80]  }
0x31: {  	[tilespmem:s11+$0xFFFFFF40] =	vst v4;
	v3 =	vld [tilespmem:s14+$0xFFFFFF90]  }
0x32: {  	[tilespmem:s11+$0xFFFFFF50] =	vst v5;
	v4 =	vld [tilespmem:s14+$0xFFFFFFA0]  }
0x33: {  	v5 =	vld [tilespmem:s14+$0xA0];
	[tilespmem:s11+$0xFFFFFF60] =	vst v0  }
0x34: {  	v0 =	vld [tilespmem:s14+$0xFFFFFFB0];
	[tilespmem:s11+$0xFFFFFF70] =	vst v1  }
0x35: {  	v1 =	vld [tilespmem:s14+$0xFFFFFFC0];
	[tilespmem:s11+$0xFFFFFF80] =	vst v2  }
0x36: {  	v2 =	vld [tilespmem:s14+$0xFFFFFFD0];
	[tilespmem:s11+$0xFFFFFF90] =	vst v3  }
0x37: {  	v3 =	vld [tilespmem:s14+$0xFFFFFFE0];
	[tilespmem:s11+$0xFFFFFFA0] =	vst v4  }
0x38: {  	v4 =	vld [tilespmem:s14+$0xFFFFFFF0];
	[tilespmem:s11+$0xA0] =	vst v5  }
0x39: {  	[tilespmem:s11+$0xFFFFFFB0] =	vst v0;
	v0 =	vld [tilespmem:s14+$0x0]  }
0x3a: {  	[tilespmem:s11+$0xFFFFFFC0] =	vst v1;
	v1 =	vld [tilespmem:s14+$0x10]  }
0x3b: {  	[tilespmem:s11+$0xFFFFFFD0] =	vst v2;
	v2 =	vld [tilespmem:s14+$0x20]  }
0x3c: {  	[tilespmem:s11+$0xFFFFFFE0] =	vst v3;
	v3 =	vld [tilespmem:s14+$0x30]  }
0x3d: {  	[tilespmem:s11+$0xFFFFFFF0] =	vst v4;
	v4 =	vld [tilespmem:s14+$0x40]  }
0x3e: {  	[tilespmem:s11+$0x0] =	vst v0;
	v0 =	vld [tilespmem:s14+$0x50]  }
0x3f: {  	[tilespmem:s11+$0x10] =	vst v1;
	v1 =	vld [tilespmem:s14+$0x60]  }
0x40: {  	[tilespmem:s11+$0x20] =	vst v2;
	v2 =	vld [tilespmem:s14+$0x70]  }
0x41: {  	[tilespmem:s11+$0x30] =	vst v3;
	v3 =	vld [tilespmem:s14+$0x80]  }
0x42: {  	[tilespmem:s11+$0x40] =	vst v4;
	v4 =	vld [tilespmem:s14+$0x90]  }
0x43: {  	[tilespmem:s11+$0x50] =	vst v0;
	v0 =	vld [tilespmem:s14+$0xB0]  }
0x44: {  	[tilespmem:s11+$0x60] =	vst v1;
	v1 =	vld [tilespmem:s14+$0xC0]  }
0x45: {  	s12 =	sshll.u32 s9, $0xE;
	[tilespmem:s11+$0x70] =	vst v2;
	v2 =	vld [tilespmem:s14+$0xD0]  }
0x46: {  	s12 =	sand.u32 $0x4000, s12;
	[tilespmem:s11+$0x80] =	vst v3;
	v3 =	vld [tilespmem:s14+$0xE0]  }
0x47: {  	s13 =	simm.s32 $0x0;
	s12 =	sor.u32 $0x8000, s12;
	[tilespmem:s11+$0x90] =	vst v4;
	v4 =	vld [tilespmem:s14+$0xFFFFFF00];
	s14 =	sadd.s32 $0x200, s14  }
.LBB2_3:
0x48: {  	v5 =	vld [tilespmem:s14+$0xF0];
	s13 =	sadd.s32 $0x200, s13;
	[tilespmem:s11+$0xB0] =	vst v0  }
0x49: {  	v0 =	vld [tilespmem:s14+$0xFFFFFF10];
	p2 =	slt.u32 s13, $0x3E00;
	[tilespmem:s11+$0xC0] =	vst v1  }
0x4a: {  	v1 =	vld [tilespmem:s14+$0xFFFFFF20];
	[tilespmem:s11+$0xD0] =	vst v2  }
0x4b: {  	v2 =	vld [tilespmem:s14+$0xFFFFFF30];
	[tilespmem:s11+$0xE0] =	vst v3  }
0x4c: {  	v3 =	vld [tilespmem:s14+$0xFFFFFF40];
	[tilespmem:s11+$0xFFFFFF00] =	vst v4;
	s11 =	sadd.s32 $0x200, s11  }
0x4d: {  	v4 =	vld [tilespmem:s14+$0xFFFFFF50];
	[tilespmem:s11+$0xF0] =	vst v5  }
0x4e: {  	[tilespmem:s11+$0xFFFFFF10] =	vst v0;
	v0 =	vld [tilespmem:s14+$0xFFFFFF60]  }
0x4f: {  	[tilespmem:s11+$0xFFFFFF20] =	vst v1;
	v1 =	vld [tilespmem:s14+$0xFFFFFF70]  }
0x50: {  	[tilespmem:s11+$0xFFFFFF30] =	vst v2;
	v2 =	vld [tilespmem:s14+$0xFFFFFF80]  }
0x51: {  	[tilespmem:s11+$0xFFFFFF40] =	vst v3;
	v3 =	vld [tilespmem:s14+$0xFFFFFF90]  }
0x52: {  	[tilespmem:s11+$0xFFFFFF50] =	vst v4;
	v4 =	vld [tilespmem:s14+$0xFFFFFFA0]  }
0x53: {  	[tilespmem:s11+$0xFFFFFF60] =	vst v0;
	v0 =	vld [tilespmem:s14+$0xFFFFFFB0]  }
0x54: {  	[tilespmem:s11+$0xFFFFFF70] =	vst v1;
	v1 =	vld [tilespmem:s14+$0xFFFFFFC0]  }
0x55: {  	[tilespmem:s11+$0xFFFFFF80] =	vst v2;
	v2 =	vld [tilespmem:s14+$0xFFFFFFD0]  }
0x56: {  	[tilespmem:s11+$0xFFFFFF90] =	vst v3;
	v3 =	vld [tilespmem:s14+$0xFFFFFFE0]  }
0x57: {  	[tilespmem:s11+$0xFFFFFFA0] =	vst v4;
	v4 =	vld [tilespmem:s14+$0xFFFFFFF0]  }
0x58: {  	[tilespmem:s11+$0xFFFFFFB0] =	vst v0;
	v0 =	vld [tilespmem:s14+$0x0]  }
0x59: {  	[tilespmem:s11+$0xFFFFFFC0] =	vst v1;
	v1 =	vld [tilespmem:s14+$0x10]  }
0x5a: {  	[tilespmem:s11+$0xFFFFFFD0] =	vst v2;
	v2 =	vld [tilespmem:s14+$0x20]  }
0x5b: {  	[tilespmem:s11+$0xFFFFFFE0] =	vst v3;
	v3 =	vld [tilespmem:s14+$0x30]  }
0x5c: {  	[tilespmem:s11+$0xFFFFFFF0] =	vst v4;
	v4 =	vld [tilespmem:s14+$0x40]  }
0x5d: {  	[tilespmem:s11+$0x0] =	vst v0;
	v0 =	vld [tilespmem:s14+$0x50]  }
0x5e: {  	[tilespmem:s11+$0x10] =	vst v1;
	v1 =	vld [tilespmem:s14+$0x60]  }
0x5f: {  	[tilespmem:s11+$0x20] =	vst v2;
	v2 =	vld [tilespmem:s14+$0x70]  }
0x60: {  	[tilespmem:s11+$0x30] =	vst v3;
	v3 =	vld [tilespmem:s14+$0x80]  }
0x61: {  	[tilespmem:s11+$0x40] =	vst v4;
	v4 =	vld [tilespmem:s14+$0x90]  }
0x62: {  	[tilespmem:s11+$0x50] =	vst v0;
	v5 =	vld [tilespmem:s14+$0xA0]  }
.Ltmp3:
0x63: {  	[tilespmem:s11+$0x60] =	vst v1;
	v0 =	vld [tilespmem:s14+$0xB0];
	(pc) =	sbr.rel @p2 .LBB2_3-.Ltmp3, $4  }
0x64: {  	[tilespmem:s11+$0x70] =	vst v2;
	v1 =	vld [tilespmem:s14+$0xC0]  }
0x65: {  	[tilespmem:s11+$0x80] =	vst v3;
	v2 =	vld [tilespmem:s14+$0xD0]  }
0x66: {  	[tilespmem:s11+$0x90] =	vst v4;
	v3 =	vld [tilespmem:s14+$0xE0]  }
0x67: {  	v4 =	vld [tilespmem:s14+$0xFFFFFF00];
	[tilespmem:s11+$0xA0] =	vst v5;
	s14 =	sadd.s32 $0x200, s14  }
.Ltmp4:
0x68: {  	_ = 	snop;
	(pc) =	sbr.rel .LBB2_4-.Ltmp4, $1  }
0x69: {  	_ =	sdelay $0x3  }
.LBB2_6:
0x6a: {  	_ =	sfence.sel $0x180000  }
0x6b: {  	s2 =	simm.s32 $0x1;
	[bflag:$0x0] =	sbarrier.arrive $0xFFFF  }
0x6c: {  	s31 =	simm.s32 $0x2;
	[sflag:s2] =	ssyncpa.u1 $0x1  }
0x6d: {  	[sflag:s31] =	ssyncpa.u1 $0x1  }
0x6e: {  	_ =	strace $0x9000004A  }
0x6f: {  	s0 =	sadd.s32 @!p0 $0x100000, s0;
	[bflag:$0x2] =	sbarrier.arrive $0xFFFF  }
0x70: {  	[sflag:s0] =	ssyncadd.tile.s32 @!p0 $0x1;
	s0 =	simm.s32 @!p0 $0x3F  }
0x71: {  	_ =	swait.ge @!p0 [sflag:s0], s1  }
0x72: {  	s1 =	ssub.s32 @!p0 $0x0, s1;
	[sflag:s0] =	ssyncset.done @!p0 $0x0  }
0x73: {  	[sflag:s0] =	ssyncadd.s32 @!p0 s1  }
0x74: {  	[bflag:$0x3] =	sbarrier.arrive $0xFFFF  }
0x75: {  	_ =	shalt  }
.Lfunc_end2:
execute1_lowered:
.L_overlay_start_2:
0x76: {  	(tag) =	ssettag $0x2  }
0x77: {  	s0 =	rddreg [dreg:$0x0]  }
0x78: {  	s3 =	rddreg [dreg:$0x1]  }
0x79: {  	s14 =	stileid.u32;
	_ =	strace $0x8000004D;
	s2 =	simm.s32 $0x1  }
0x7a: {  	v1 =	vimm.s32 $0xFFFFFFFF;
	s1 =	smin.u32 s14, $0x4;
	[sflag:s2] =	ssyncpa.u1 $0x0  }
0x7b: {  	s1 =	sadd.s32 s14, s1;
	[tilespmem:$0x10] =	vst v1  }
0x7c: {  	v0 =	vimm.f32 $0.0e+00;
	p0 =	slt.u32 s14, $0x4;
	[tilespmem:$0x20] =	vst v1;
	s5 =	smul.u32 $0x1F40, s1;
	s1 =	simm.s32 $0x3E80  }
0x7d: {  	[tilespmem:$0x30] =	vst v0;
	s1 =	simm.s32 @!p0 $0x1F40  }
0x7e: {  	[tilespmem:$0x40] =	vst v0;
	s1 =	sadd.s32 s1, s5  }
0x7f: {  	[tilespmem:$0x50] =	vst v0;
	s6 =	smin.u32 s1, $0x27100  }
0x80: {  	s7 =	simm.s32 $0x2;
	s8 =	simm.s32 $0x8;
	[tilespmem:$0x60] =	vst v1;
	s4 =	ssub.s32 s6, s5  }
0x81: {  	s31 =	simm.s32 $0x9;
	s16 =	simm.s32 $0x0;
	[tilespmem:$0x70] =	vst v1;
	p0 =	sgt.s32 s4, $0x0  }
0x82: {  	s17 =	simm.s32 $0xF0;
	s18 =	simm.s32 $0xFFFFFFFF;
	[tilespmem:$0x80] =	vst v1;
	s4 =	simm.s32 @!p0 $0x0  }
0x83: {  	s19 =	simm.s32 $0xFFFFC280;
	s20 =	simm.s32 $0xFFFFFFFE;
	v1 =	vimm.s32 $0x0;
	[tilespmem:$0xB0] =	vst v0;
	s30 =	smulhi.u32 $0x10624DD3, s4  }
0x84: {  	s21 =	simm.s32 $0xF;
	s22 =	simm.s32 $0x30;
	s25 =	simm.s32 $0x0;
	[tilespmem:$0x90] =	vst v1  }
0x85: {  	[tilespmem:$0xA0] =	vst v1;
	[sflag:s7] =	ssyncpa.u1 $0x0;
	s7 =	simm.s32 $0x7;
	s9 =	sshrl.u32 s30, $0x9  }
0x86: {  	s24 =	simm.s32 $0x0;
	[sflag:s7] =	ssyncpa.u1 $0x0;
	s10 =	smul.u32 $0x1F40, s9  }
.Ltmp5:
0x87: {  	[sflag:s8] =	ssyncpa.u1 $0x0;
	s23 =	smov.u32 s5;
	(pc) =	sbr.rel .LBB3_1-.Ltmp5, $4  }
0x88: {  	s1 =	sadd.s32 $0xC8B600, s0;
	[sflag:s31] =	ssyncpa.u1 $0x0;
	p0 =	sne.s32 s4, s10  }
0x89: {  	s10 =	sshll.u32 s14, $0x1;
	s14 =	sshllo.u32 s14, $0x1;
	s2 =	simm.s32 @!p0 $0x0  }
0x8a: {  	vm0 =	vmmov $0xffff;
	v2 =	vlaneseq.u32;
	s13 =	sor.u32 $0x81, s10;
	s15 =	sor.u32 $0x80, s10;
	s9 =	sadd.s32 s2, s9  }
0x8b: {  	vm1 =	vmxor vm1, vm1;
	vm2 =	vmmov $0x1;
	vm3 =	vcmask $0x3F3C;
	p0 =	por $0x0, $0x0;
	s11 =	sadd.s32 $0x1, s9;
	s12 =	sadd.s32 $0x2, s9  }
.LBB3_9:
0x8c: {  	p1 =	slt.u32 s24, $0x3  }
0x8d: {  	s0 =	simm.s32 @!p1 $0x2  }
0x8e: {  	_ =	swait.ge @!p1 [sflag:s0], $0x1F40  }
0x8f: {  	[sflag:s0] =	ssyncset.done @!p1 $0x0  }
0x90: {  	[sflag:s0] =	ssyncadd.s32 @!p1 $0xFFFFE0C0;
	s0 =	simm.s32 @!p1 $0x9  }
0x91: {  	_ =	swait.ge @!p1 [sflag:s0], $0x10  }
0x92: {  	[sflag:s0] =	ssyncset.done @!p1 $0x0  }
0x93: {  	[sflag:s0] =	ssyncadd.s32 @!p1 $0xFFFFFFF0;
	p1 =	sne.s32 s24, s12  }
.Ltmp6:
0x94: {  	s2 =	sadd.s32 $0x1F40, s23;
	(pc) =	sbr.rel @!p1 .LBB3_10-.Ltmp6, $4  }
0x95: {  	s4 =	smov.u32 s5;
	s31 =	sadd.s32 $0x1, s24;
	s17 =	sadd.s32 $0x1F40, s17  }
0x96: {  	s18 =	sadd.s32 $0x1, s18;
	s25 =	smov.u32 s23;
	p2 =	slt.s32 s2, s6  }
0x97: {  	p0 =	por !p0, !p0;
	s19 =	sadd.s32 $0x1F40, s19;
	s4 =	smov.u32 @p2 s2  }
0x98: {  	s20 =	sadd.s32 $0x1, s20;
	s23 =	smov.u32 s4;
	s24 =	smov.u32 s31  }
.LBB3_1:
0x99: {  	p1 =	sge.u32 s24, s9  }
0x9a: {  	s0 =	smulhi.u32 @!p1 $0xAAAAAAAB, s24;
	_ =	sdelay $0x1  }
0x9b: {  	s0 =	sshrl.u32 @!p1 s0, $0x1  }
0x9c: {  	s0 =	smul.u32 @!p1 $0x3, s0;
	_ =	sdelay $0x1  }
0x9d: {  	s0 =	ssub.s32 @!p1 s24, s0  }
0x9e: {  	s0 =	smul.u32 @!p1 $0x7D00, s0;
	_ =	sdelay $0x1  }
0x9f: {  	s2 =	sshrl.u32 @!p1 s23, $0x3;
	s0 =	sshrl.u32 @!p1 s0, $0x2  }
0xa0: {  	s4 =	sand.u32 @!p1 $0x7, s23;
	s2 =	sadd.s32 @!p1 s3, s2;
	s0 =	sadd.s32 @!p1 $0x100, s0  }
0xa1: {  	[tilespmem:s0], [sflag:$0x7] =	stream.linear.gather @!p1 [hbm4b:s2+s4], $0x1F40, $0x38;
	[tilespmem:$0x11A60] =	vst v63  }
0xa2: {  	s0 =	sadd.s32 $0xFFFFFFFF, s24  }
0xa3: {  	p1 =	sge.u32 s0, s9  }
.Ltmp7:
0xa4: {  	_ = 	snop;
	(pc) =	sbr.rel @p1 .LBB3_5-.Ltmp7, $1  }
0xa5: {  	_ =	sdelay $0x3  }
0xa6: {  	s2 =	smulhi.u32 $0xAAAAAAAB, s0;
	_ =	sdelay $0x1  }
0xa7: {  	s2 =	sshrl.u32 s2, $0x1  }
0xa8: {  	s2 =	smul.u32 $0x3, s2;
	_ =	sdelay $0x1  }
0xa9: {  	s2 =	ssub.s32 s0, s2  }
0xaa: {  	s2 =	smul.u32 $0x7D00, s2  }
0xab: {  	_ =	swait.ge [sflag:s7], $0x1F40  }
0xac: {  	[sflag:s7] =	ssyncset.done $0x0;
	s2 =	sshrl.u32 s2, $0x2  }
0xad: {  	[sflag:s7] =	ssyncadd.s32 $0xFFFFE0C0;
	(ifvalue) =	ssetifvalue $0xFFFFFFFF;
	v3 =	vld.msk [tilespmem:s2+$0x100 ss:$0x1], $0xffff;
	_ =	sdelay $0x2  }
0xae: {  	s30 =	smulhi.u32 $0xAAAAAAAB, s18;
	p1 =	sne.s32 s24, $0x1  }
0xaf: {  	v4 =	vimm.s32 @!p1 $0x0  }
0xb0: {  	s2 =	sshrl.u32 s30, $0x1;
	v4 =	vperm.xlane @!p1 v3, v4  }
0xb1: {  	s4 =	sshll.u32 s24, $0x4;
	s2 =	smul.u32 $0xFFFE8900, s2;
	vm4 =	vlt.u32 v3, $0x6400000  }
0xb2: {  	s4 =	sand.u32 $0x10, s4;
	v3 =	vnsel vm4, $0xFFFFFFFE, v3;
	vm4 =	vlt.u32 @!p1 v4, $0x6400000  }
0xb3: {  	s2 =	sshra.s32 s2, $0x2;
	[tilespmem:s4+$0x60] =	vst v3;
	v3 =	vnsel @!p1 vm4, $0xFFFFFFFE, v4  }
0xb4: {  	s28 =	sadd.s32 s2, s17;
	[tilespmem:$0x80] =	vst @!p1 v3  }
0xb5: {  	v3 =	vld.msk [tilespmem:s28+$0x0 ss:$0x1], $0xffff;
	_ =	sdelay $0x4  }
0xb6: {  	(xrf1) =	vunique.msk.u32 $0xffff, v3;
	_ =	sdelay $0xd  }
0xb7: {  	v4 =	vimm.s32 $0xFFFFFFFF;
	v5, _, _ =	vpop (xrf1)  }
0xb8: {  	vm5 =	vne.s32 v3, v4;
	vm4 =	veq.s32 v5, v2  }
0xb9: {  	vm6 =	vlt.u32 v3, $0x6400000;
	vm4 =	vmand vm5, vm4  }
0xba: {  	vm4 =	vmand vm6, vm4  }
0xbb: {  	v4 =	vnsel vm4, $0xFFFFFFFF, v3  }
0xbc: {  	s31 =	sand.u32 $0x1, s0  }
0xbd: {  	s0 =	simm.s32 $0x1F40;
	p1 =	seq.s32 s31, $0x1  }
0xbe: {  	s0 =	simm.s32 @!p1 $0x0  }
0xbf: {  	s26 =	sadd.s32 $0x7DF0, s0;
	(ifvalue) =	ssetifvalue $0xFFFFFFFF  }
0xc0: {  	v3 =	vperm.xlane v3, v1;
	[tilespmem:s26], [sflag:$0x8] =	stream.indirect_vreg.gather [hbm4b:s1+s16], $0x1, v4, vm0, $0x4038;
	v4 =	vnsel vm6, $0xFFFFFFFE, v4;
	[tilespmem:$0x11A60] =	vst v63  }
0xc1: {  	s2 =	simm.s32 $0x0;
	s4 =	sadd.s32 $0xFFFFFFF0, s28;
	[tilespmem:s28+$0x0] =	vst v4  }
.LBB3_3:
0xc2: {  	v4 =	vld.msk [tilespmem:s4+$0x0 ss:$0x1], $0xffff;
	s2 =	sadd.s32 $0x10, s2;
	v5 =	vmov v3;
	s28 =	smov.u32 s4  }
0xc3: {  	p1 =	slt.u32 s2, $0x1F30;
	_ =	sdelay $0x4  }
0xc4: {  	v3 =	vperm.xlane v4, v1;
	(xrf1) =	vunique.msk.u32 $0xffff, v4;
	_ =	sdelay $0xd  }
0xc5: {  	v6, _, _ =	vpop (xrf1)  }
0xc6: {  	vm5 =	vne.s32 v4, v5;
	vm4 =	veq.s32 v6, v2  }
0xc7: {  	vm6 =	vlt.u32 v4, $0x6400000;
	vm4 =	vmand vm5, vm4  }
0xc8: {  	vm4 =	vmand vm6, vm4  }
0xc9: {  	v4 =	vnsel vm4, $0xFFFFFFFF, v4  }
.Ltmp8:
0xca: {  	v5 =	vnsel vm6, $0xFFFFFFFE, v4;
	(pc) =	sbr.rel @p1 .LBB3_3-.Ltmp8, $3  }
0xcb: {  	_ =	sdelay $0x1  }
0xcc: {  	s4 =	sadd.s32 $0xFFFFFFF0, s4;
	s26 =	sadd.s32 $0xFFFFFFF0, s26;
	(ifvalue) =	ssetifvalue $0xFFFFFFFF  }
0xcd: {  	[tilespmem:s26], [sflag:$0x8] =	stream.indirect_vreg.gather [hbm4b:s1+s16], $0x1, v4, vm0, $0x4038;
	[tilespmem:s28+$0x0] =	vst v5  }
0xce: {  	s2 =	sshrl.u32 s25, $0x3;
	s4 =	rddreg [dreg:$0x2]  }
0xcf: {  	s0 =	sadd.s32 $0x9D40, s0;
	s2 =	sadd.s32 s4, s2  }
0xd0: {  	[tilespmem:s0], [sflag:$0x8] =	stream.linear.gather [hbm:s2], $0x1F40, $0x38;
	[tilespmem:$0x11A60] =	vst v63  }
.LBB3_5:
0xd1: {  	p1 =	slt.u32 s24, $0x2  }
0xd2: {  	p2 =	sge.u32 @!p1 s24, s12  }
0xd3: {  	p1 =	por p1, p2  }
.Ltmp9:
0xd4: {  	_ = 	snop;
	(pc) =	sbr.rel @p1 .LBB3_9-.Ltmp9, $1  }
0xd5: {  	_ =	sdelay $0x3  }
0xd6: {  	s0 =	sadd.s32 $0xFFFFFFFE, s24  }
0xd7: {  	s2 =	smulhi.u32 $0xAAAAAAAB, s0;
	_ =	sdelay $0x1  }
0xd8: {  	s2 =	sshrl.u32 s2, $0x1  }
0xd9: {  	s2 =	smul.u32 $0x3, s2;
	_ =	sdelay $0x1  }
0xda: {  	s0 =	ssub.s32 s0, s2  }
0xdb: {  	_ =	swait.ge [sflag:s8], $0x3E80;
	s0 =	smul.u32 $0x1F40, s0  }
0xdc: {  	p1 =	sne.s32 s24, s11;
	[sflag:s8] =	ssyncset.done $0x0  }
0xdd: {  	[sflag:s8] =	ssyncadd.s32 $0xFFFFC180;
	s2 =	sadd.s32 @!p1 $0x203F, s0  }
0xde: {  	[spmem:s13] =	stream.linear.scatter @!p1 [tilespmem:s2], [sflag:$0x1], $0x1, $0x38;
	[tilespmem:$0x11A60] =	vst v63  }
0xdf: {  	s2 =	simm.s32 @!p1 $0x1  }
0xe0: {  	_ =	swait.ge @!p1 [sflag:s2], $0x1  }
0xe1: {  	s4 =	sshll.u32 s24, $0x4;
	[sflag:s2] =	ssyncset.done @!p1 $0x0  }
0xe2: {  	s25 =	sand.u32 $0x10, s4;
	[sflag:s2] =	ssyncadd.s32 @!p1 $0xFFFFFFFF  }
0xe3: {  	s2 =	sxor.u32 $0x10, s25;
	v4 =	vld [tilespmem:s25+$0x10]  }
0xe4: {  	v5 =	vld [tilespmem:s2+$0x60]  }
0xe5: {  	v3 =	vld [tilespmem:$0x80];
	_ =	sdelay $0x2  }
0xe6: {  	(v2sf) =	vpush v4, $0x0  }
0xe7: {  	(v2sf) =	vpush v5, $0x0  }
0xe8: {  	(v2sf) =	vpush v3, $0x0;
	_ =	sdelay $0xc  }
0xe9: {  	s4 =	spop (v2sf)  }
0xea: {  	s26 =	spop (v2sf)  }
0xeb: {  	s28 =	spop (v2sf)  }
0xec: {  	p2 =	seq.s32 s4, s26;
	p3 =	seq.s32 s28, s4  }
0xed: {  	p3 =	por p2, p3  }
0xee: {  	s26 =	sand.u32 $0x1, s24;
	v4 =	vpsel p3, $0xFFFFFFFF, v4  }
0xef: {  	s29 =	smul.u32 $0x1F40, s26;
	[tilespmem:s25+$0x10] =	vst.msk $0x1, v4  }
0xf0: {  	v4 =	vld [tilespmem:$0x30]  }
0xf1: {  	v5 =	vld [tilespmem:s29+$0x9D40]  }
0xf2: {  	v6 =	vld [tilespmem:s25+$0x40];
	_ =	sdelay $0x3  }
0xf3: {  	vm4 =	vmmov vm1;
	v5 =	vadd.f32 v5, v4  }
0xf4: {  	vm5 =	vmmov vm2;
	vm4 =	vmmov @p2 vm2;
	s4 =	sshll.u32 s26, $0x4;
	v4 =	vadd.f32 v6, v4  }
0xf5: {  	s26 =	sor.u32 $0x11A40, s4;
	vm5 =	vmmov @p3 vm1;
	[tilespmem:s29+$0x9D40] =	vst.msk vm4, v5  }
0xf6: {  	[tilespmem:s26+$0x0] =	vst.msk vm5, v4  }
0xf7: {  	v4 =	vld [tilespmem:s29+$0x7DF0];
	_ =	sdelay $0x3  }
0xf8: {  	v5 =	vimm.f32 $0.0e+00  }
0xf9: {  	v4 =	vshift.insert v4, v5, s21  }
0xfa: {  	s4 =	sor.u32 $0x40, s2  }
0xfb: {  	[tilespmem:s4+$0x0] =	vst.msk $0x1, v4  }
0xfc: {  	[tilespmem:s29+$0x7DFF] =	vst.msk $0x1, v5  }
0xfd: {  	v4 =	vld [tilespmem:s0+$0x2030];
	_ =	sdelay $0x1  }
0xfe: {  	s4 =	smulhi.u32 $0xAAAAAAAB, s20;
	s0 =	simm.s32 $0x1  }
0xff: {  	s0 =	simm.s32 @!p0 $0x0  }
0x100: {  	s4 =	sshrl.u32 s4, $0x1;
	s0 =	smul.u32 $0x7D00, s0  }
0x101: {  	s4 =	smul.u32 $0xFFFE8900, s4;
	v4 =	vshift.insert v4, v1, s21  }
0x102: {  	s0 =	sshrl.u32 s0, $0x2  }
0x103: {  	s4 =	sshra.s32 s4, $0x2;
	s30 =	sadd.s32 $0x9D40, s0;
	[tilespmem:s2+$0x10] =	vst.msk $0x1, v4  }
0x104: {  	s4 =	sadd.s32 s4, s19;
	v6 =	vld [tilespmem:s30+$0x0]  }
0x105: {  	v7 =	vld [tilespmem:s4+$0x0];
	_ =	sdelay $0x3  }
0x106: {  	v5 =	vadd.f32 v6, v5  }
0x107: {  	vm4 =	vne.s32 v7, $0xFFFFFFFF  }
0x108: {  	(xrf2) =	vadd.seg.scan.f32 vm4, v5;
	_ =	sdelay $0x3  }
0x109: {  	s31 =	sadd.s32 $0x5EC0, s0;
	v5 =	vperm.xlane v4, v1  }
0x10a: {  	v6 =	vld [tilespmem:s31+$0x0]  }
0x10b: {  	vm5 =	veq.s32 v7, v3;
	vm6 =	veq.s32 v7, v5  }
0x10c: {  	vm7 =	vgt.u32 v7, $0xFFFFFFFD;
	vm6 =	vmor vm6, vm5  }
0x10d: {  	vm6 =	vmor vm6, vm7  }
0x10e: {  	v9 =	vld [tilespmem:$0xA0];
	v7 =	vsel vm6, $0xFFFFFFFF, v7  }
0x10f: {  	v10 =	vld [tilespmem:$0x90];
	v6 =	vsel vm5, $0x0, v6;
	v8, _, _ =	vpop (xrf2)  }
0x110: {  	v6 =	vadd.f32 v8, v6  }
0x111: {  	s0 =	sadd.s32 $0xDBC0, s0  }
0x112: {  	vm4 =	vmand vm4, vm3;
	[tilespmem:s0+$0x0] =	vst v6;
	(ifvalue) =	ssetifvalue $0xFFFFFFFF  }
0x113: {  	vm6 =	veq.s32 v9, $0x1;
	[hbm4b:s1+s16] =	stream.indirect_vreg.scatter [tilespmem:s0], [sflag:$0x2], $0x1, v7, vm0, $0x4038;
	v7 =	vsel vm4, $0x0, v8;
	[tilespmem:$0x11A60] =	vst v63  }
0x114: {  	s2 =	simm.s32 $0x0;
	s4 =	sadd.s32 $0x10, s4;
	vm4 =	vmor vm6, vm5;
	v6 =	vsel vm5, v8, v10;
	v7 =	vshift.insert v7, v0, s21  }
.LBB3_7:
0x115: {  	v8 =	vld [tilespmem:s4+$0x0];
	s30 =	sadd.s32 $0x10, s30  }
0x116: {  	s31 =	sadd.s32 $0x10, s31;
	v9 =	vld [tilespmem:s30+$0x0]  }
0x117: {  	s2 =	sadd.s32 $0x10, s2;
	v10 =	vld [tilespmem:s31+$0x0]  }
0x118: {  	p2 =	slt.u32 s2, $0x1F30;
	_ =	sdelay $0x2  }
0x119: {  	v7 =	vadd.f32 v9, v7  }
0x11a: {  	vm5 =	vne.s32 v8, $0xFFFFFFFF  }
0x11b: {  	vm6 =	vmand vm5, vm3;
	(xrf2) =	vadd.seg.scan.f32 vm5, v7;
	_ =	sdelay $0x5  }
0x11c: {  	vm7 =	veq.s32 v8, v5;
	vm5 =	veq.s32 v8, v3  }
0x11d: {  	vm8 =	vgt.u32 v8, $0xFFFFFFFD;
	vm4 =	vmor vm4, vm5;
	vm7 =	vmor vm7, vm5  }
0x11e: {  	vm7 =	vmor vm7, vm8  }
0x11f: {  	v8 =	vsel vm7, $0xFFFFFFFF, v8  }
.Ltmp10:
0x120: {  	v7 =	vsel vm5, $0x0, v10;
	v9, _, _ =	vpop (xrf2);
	(pc) =	sbr.rel @p2 .LBB3_7-.Ltmp10, $4  }
0x121: {  	v6 =	vsel vm5, v9, v6;
	v10 =	vadd.f32 v9, v7;
	v7 =	vsel vm6, $0x0, v9  }
0x122: {  	s0 =	sadd.s32 $0x10, s0;
	v7 =	vshift.insert v7, v0, s21  }
0x123: {  	s4 =	sadd.s32 $0x10, s4;
	[tilespmem:s0+$0x0] =	vst v10;
	(ifvalue) =	ssetifvalue $0xFFFFFFFF  }
0x124: {  	[hbm4b:s1+s16] =	stream.indirect_vreg.scatter [tilespmem:s0], [sflag:$0x2], $0x1, v8, vm0, $0x4038;
	[tilespmem:$0x11A60] =	vst v63  }
0x125: {  	v3 =	vld [tilespmem:s29+$0xFAF0];
	_ =	sdelay $0x4  }
0x126: {  	v3 =	vshift.insert v3, v0, s21;
	_ =	sdelay $0x1  }
0x127: {  	[tilespmem:s22+$0x0] =	vst.msk $0x1, v3  }
0x128: {  	v3 =	vsel vm4, $0x1, v1;
	[tilespmem:$0x90] =	vst v6  }
0x129: {  	s0 =	sadd.s32 @!p1 $0xFAFF, s29;
	[tilespmem:$0xA0] =	vst v3  }
0x12a: {  	[spmem:s14] =	stream.linear.scatter @!p1 [tilespmem:s0], [sflag:$0x1], $0x1, $0x38;
	[tilespmem:$0x11A60] =	vst v63  }
0x12b: {  	s0 =	simm.s32 @!p1 $0x1  }
0x12c: {  	v3 =	vmctz.xlane @!p1 vm4;
	_ =	swait.ge @!p1 [sflag:s0], $0x1  }
0x12d: {  	(v2sf) =	vpush @!p1 v4, $0x0  }
0x12e: {  	(v2sf) =	vpush @!p1 v3, $0x0;
	_ =	sdelay $0xd  }
0x12f: {  	s2 =	spop @!p1 (v2sf)  }
0x130: {  	s4 =	spop @!p1 (v2sf)  }
0x131: {  	p2 =	sne.s32 @!p1 s28, s2;
	p3 =	slt.s32 @!p1 s4, $0xF  }
0x132: {  	[sflag:s0] =	ssyncset.done @!p1 $0x0;
	p2 =	por p2, p1;
	p3 =	por !p3, p1  }
0x133: {  	[sflag:s0] =	ssyncadd.s32 @!p1 $0xFFFFFFFF;
	v3 =	vimm.s32 @!p2 $0xFFFFFFFF;
	s4 =	simm.s32 @p3 $0xF  }
0x134: {  	[tilespmem:$0x80] =	vst @!p2 v3;
	s2 =	sadd.s32 @!p1 $0x90, s4  }
0x135: {  	[spmem:s10] =	stream.linear.scatter @!p1 [tilespmem:s2], [sflag:$0x1], $0x1, $0x38;
	[tilespmem:$0x11A60] =	vst v63  }
0x136: {  	_ =	swait.ge @!p1 [sflag:s0], $0x1  }
0x137: {  	[sflag:s0] =	ssyncset.done @!p1 $0x0  }
0x138: {  	s2 =	simm.s32 @!p1 $0x80;
	[sflag:s0] =	ssyncadd.s32 @!p1 $0xFFFFFFFF  }
0x139: {  	[spmem:s15] =	stream.linear.scatter @!p1 [tilespmem:s2], [sflag:$0x1], $0x1, $0x38;
	[tilespmem:$0x11A60] =	vst v63  }
0x13a: {  	_ =	swait.ge @!p1 [sflag:s0], $0x1  }
0x13b: {  	[sflag:s0] =	ssyncset.done @!p1 $0x0  }
0x13c: {  	[sflag:s0] =	ssyncadd.s32 @!p1 $0xFFFFFFFF;
	(ifvalue) =	ssetifvalue $0xFFFFFFFF;
	v3 =	vld [tilespmem:s25+$0x10];
	_ =	sdelay $0x3  }
.Ltmp11:
0x13d: {  	_ = 	snop;
	(pc) =	sbr.rel .LBB3_9-.Ltmp11, $3  }
0x13e: {  	_ =	sdelay $0x1  }
0x13f: {  	(ifvalue) =	ssetifvalue $0xFFFFFFFF  }
0x140: {  	[hbm4b:s1+s16] =	stream.indirect_vreg.scatter [tilespmem:s26], [sflag:$0x9], $0x1, v3, vm0, $0x4038;
	[tilespmem:$0x11A60] =	vst v63  }
.LBB3_10:
0x141: {  	_ =	sfence.sel $0x180000  }
0x142: {  	s0 =	simm.s32 $0x7;
	[bflag:$0x0] =	sbarrier.arrive $0xFFFF  }
0x143: {  	s26 =	simm.s32 $0x8;
	[sflag:s0] =	ssyncpa.u1 $0x1  }
0x144: {  	s28 =	simm.s32 $0x9;
	[sflag:s26] =	ssyncpa.u1 $0x1  }
0x145: {  	[sflag:s28] =	ssyncpa.u1 $0x1  }
0x146: {  	_ =	sfence.stream.spmem  }
0x147: {  	s29 =	simm.s32 $0x3;
	[bflag:$0x0] =	sbarrier.arrive $0xFFFF  }
0x148: {  	s30 =	simm.s32 $0x4;
	[sflag:s29] =	ssyncpa.u1 $0x1  }
0x149: {  	s31 =	simm.s32 $0x3C;
	s2 =	stileid.u32;
	[sflag:s30] =	ssyncpa.u1 $0x1  }
0x14a: {  	p0 =	sne.s32 s2, $0x0;
	[sflag:s31] =	ssyncpa.u1 $0x1  }
0x14b: {  	s0 =	simm.s32 @p0 $0x1;
	_ =	sfence @p0  }
0x14c: {  	[sflag:s0] =	ssyncpa.u1 @p0 $0x1;
	s0 =	simm.s32 @p0 $0x2  }
0x14d: {  	[sflag:s0] =	ssyncpa.u1 @p0 $0x1  }
0x14e: {  	_ =	strace @p0 $0x9000004D  }
0x14f: {  	[bflag:$0x2] =	sbarrier.arrive @p0 $0xFFFF  }
0x150: {  	_ =	shalt @p0  }
.LBB3_11:
0x151: {  	_ =	sfence.stream.spmem;
	s0 =	simm.s32 $0x5  }
0x152: {  	s2 =	simm.s32 $0x80;
	s3 =	simm.s32 $0xC0;
	[sflag:s0] =	ssyncpa.u1 $0x0  }
0x153: {  	[tilespmem:s3], [sflag:$0x5] =	stream.linear.gather [spmem:s2], $0x20, $0x38;
	[tilespmem:$0x11A60] =	vst v63  }
0x154: {  	s2 =	simm.s32 $0x0;
	s3 =	simm.s32 $0xE0  }
0x155: {  	[tilespmem:s3], [sflag:$0x5] =	stream.linear.gather [spmem:s2], $0x20, $0x38;
	[tilespmem:$0x11A60] =	vst v63  }
.Ltmp12:
0x156: {  	_ = 	snop;
	(pc) =	sbr.rel .LBB3_12-.Ltmp12, $4  }
0x157: {  	_ =	swait.ge [sflag:s0], $0x40  }
0x158: {  	[sflag:s0] =	ssyncset.done $0x0  }
0x159: {  	s31 =	simm.s32 $0x6;
	[sflag:s0] =	ssyncadd.s32 $0xFFFFFFC0  }
0x15a: {  	s4 =	simm.s32 $0x0;
	[sflag:s31] =	ssyncpa.u1 $0x0  }
.LBB3_17:
0x15b: {  	p0 =	sgt.u32 s5, $0x63FFFFF  }
0x15c: {  	s0 =	sshrl.u32 @!p0 s5, $0x3  }
0x15d: {  	s5 =	sand.u32 @!p0 $0x7, s5;
	s6 =	simm.s32 @!p0 $0xB0;
	s0 =	sadd.s32 @!p0 s1, s0  }
0x15e: {  	[tilespmem:s6], [sflag:$0x6] =	stream.linear.gather @!p0 [hbm4b:s0+s5], $0x1, $0x38;
	[tilespmem:$0x11A60] =	vst v63  }
0x15f: {  	s0 =	simm.s32 @!p0 $0x6  }
0x160: {  	_ =	swait.ge @!p0 [sflag:s0], $0x1  }
0x161: {  	[sflag:s0] =	ssyncset.done @!p0 $0x0  }
0x162: {  	[sflag:s0] =	ssyncadd.s32 @!p0 $0xFFFFFFFF  }
0x163: {  	v2 =	vmov @!p0 s4;
	v1 =	vld.msk @!p0 [tilespmem:$0xB0], $0x1;
	_ =	sdelay $0x3  }
0x164: {  	s0 =	simm.s32 @!p0 $0xE0  }
0x165: {  	[tilespmem:v2+s0+$0x0], v1 =	vst.idx.ret.add.f32.msk @!p0 $0x1, v1  }
0x166: {  	[tilespmem:s2+$0xC0] =	vst.msk $0x1, v0  }
0x167: {  	v0 =	vld.msk [tilespmem:s4+$0xE0], $0x1;
	_ =	sdelay $0x4  }
0x168: {  	[tilespmem:s2+$0xE0] =	vst.msk $0x1, v0;
	s2 =	sadd.s32 $0x1, s2  }
.LBB3_19:
0x169: {  	s4 =	sadd.s32 $0x1, s4  }
0x16a: {  	p0 =	sne.s32 s4, $0x20  }
.Ltmp13:
0x16b: {  	_ = 	snop;
	(pc) =	sbr.rel @!p0 .LBB3_20-.Ltmp13, $1  }
0x16c: {  	_ =	sdelay $0x3  }
.LBB3_12:
0x16d: {  	v0 =	vld.msk [tilespmem:s4+$0xC0], $0x1;
	_ =	sdelay $0x4  }
0x16e: {  	(v2sf) =	vpush v0, $0x0;
	_ =	sdelay $0xe  }
0x16f: {  	s5 =	spop (v2sf)  }
0x170: {  	p0 =	seq.s32 s5, $0xFFFFFFFF  }
.Ltmp14:
0x171: {  	_ = 	snop;
	(pc) =	sbr.rel @p0 .LBB3_19-.Ltmp14, $1  }
0x172: {  	_ =	sdelay $0x3  }
0x173: {  	p0 =	slt.s32 s2, $0x1  }
.Ltmp15:
0x174: {  	_ = 	snop;
	(pc) =	sbr.rel @p0 .LBB3_17-.Ltmp15, $1  }
0x175: {  	_ =	sdelay $0x3  }
0x176: {  	s0 =	simm.s32 $0xC0;
	p0 =	por $0x0, $0x0  }
0x177: {  	v1 =	vld.msk @!p0 [tilespmem:s0+$0x0], $0x1;
	_ =	sdelay $0x4  }
0x178: {  	(v2sf) =	vpush @!p0 v1, $0x0;
	_ =	sdelay $0xd  }
0x179: {  	p2 =	sne.s32 s2, $0x1  }
.Ltmp16:
0x17a: {  	s6 =	spop @!p0 (v2sf);
	(pc) =	sbr.rel @!p2 .LBB3_16-.Ltmp16, $4  }
0x17b: {  	p1 =	seq.s32 @!p0 s5, s6  }
0x17c: {  	s6 =	simm.s32 $0x0;
	p1 =	por !p1, p0  }
0x17d: {  	s8 =	simm.s32 $0xFFFFFFFF;
	s6 =	simm.s32 @p1 $0xFFFFFFFF  }
0x17e: {  	s7 =	simm.s32 $0x1;
	s6 =	smov.u32 @p0 s8  }
.LBB3_15:
0x17f: {  	s8 =	smov.u32 s6;
	p0 =	sne.s32 s6, $0xFFFFFFFF  }
0x180: {  	s0 =	sadd.s32 $0x1, s0;
	s6 =	smov.u32 s7;
	s7 =	sadd.s32 $0x1, s7  }
0x181: {  	p1 =	sne.s32 s2, s7;
	v1 =	vld.msk @!p0 [tilespmem:s0+$0x0], $0x1;
	_ =	sdelay $0x4  }
0x182: {  	(v2sf) =	vpush @!p0 v1, $0x0;
	_ =	sdelay $0xe  }
.Ltmp17:
0x183: {  	s9 =	spop @!p0 (v2sf);
	(pc) =	sbr.rel @p1 .LBB3_15-.Ltmp17, $4  }
0x184: {  	p2 =	seq.s32 @!p0 s5, s9  }
0x185: {  	p2 =	por !p2, p0  }
0x186: {  	s6 =	simm.s32 @p2 $0xFFFFFFFF  }
0x187: {  	s6 =	smov.u32 @p0 s8  }
.LBB3_16:
0x188: {  	p0 =	sne.s32 s6, $0xFFFFFFFF  }
.Ltmp18:
0x189: {  	_ = 	snop;
	(pc) =	sbr.rel @!p0 .LBB3_17-.Ltmp18, $1  }
0x18a: {  	_ =	sdelay $0x3  }
0x18b: {  	v0 =	vld.msk [tilespmem:s4+$0xE0], $0x1;
	v1 =	vmov s6  }
.Ltmp19:
0x18c: {  	_ = 	snop;
	(pc) =	sbr.rel .LBB3_19-.Ltmp19, $2  }
0x18d: {  	_ =	sdelay $0x2  }
0x18e: {  	[tilespmem:v1+s3+$0x0], v0 =	vst.idx.ret.add.f32.msk $0x1, v0  }
.LBB3_20:
0x18f: {  	p0 =	slt.s32 s2, $0x1  }
.Ltmp20:
0x190: {  	_ = 	snop;
	(pc) =	sbr.rel @p0 .LBB3_24-.Ltmp20, $3  }
0x191: {  	_ =	sdelay $0x1  }
0x192: {  	s0 =	simm.s32 $0x6  }
0x193: {  	s3 =	simm.s32 $0x0;
	[sflag:s0] =	ssyncpa.u1 $0x1  }
0x194: {  	s0 =	simm.s32 $0xC0  }
0x195: {  	v0 =	vld.msk [tilespmem:s0+$0x0], $0x1;
	_ =	sdelay $0x4  }
0x196: {  	(v2sf) =	vpush v0, $0x0;
	_ =	sdelay $0xe  }
0x197: {  	s2 =	sadd.s32 $0xFFFFFFFF, s2;
	s4 =	spop (v2sf)  }
0x198: {  	p1 =	sne.s32 s2, $0x0;
	p0 =	sgt.u32 s4, $0x63FFFFF  }
.Ltmp21:
0x199: {  	s5 =	sshrl.u32 @!p0 s4, $0x3;
	(pc) =	sbr.rel @!p1 .LBB3_23-.Ltmp21, $4  }
0x19a: {  	s0 =	simm.s32 $0xE0;
	s4 =	sand.u32 @!p0 $0x7, s4;
	s5 =	sadd.s32 @!p0 s1, s5  }
0x19b: {  	[hbm4b:s5+s4] =	stream.linear.scatter @!p0 [tilespmem:s0], [sflag:$0x5], $0x1, $0x38;
	[tilespmem:$0x11A60] =	vst v63  }
0x19c: {  	s5 =	simm.s32 $0x0  }
0x19d: {  	s4 =	simm.s32 $0xC1;
	s5 =	simm.s32 @!p0 $0x4  }
.LBB3_22:
0x19e: {  	v0 =	vld.msk [tilespmem:s4+$0x0], $0x1;
	s2 =	sadd.s32 $0xFFFFFFFF, s2;
	s3 =	sadd.s32 s3, s5  }
0x19f: {  	p0 =	sne.s32 s2, $0x0;
	_ =	sdelay $0x3  }
0x1a0: {  	(v2sf) =	vpush v0, $0x0;
	_ =	sdelay $0xe  }
.Ltmp22:
0x1a1: {  	s6 =	spop (v2sf);
	(pc) =	sbr.rel @p0 .LBB3_22-.Ltmp22, $4  }
0x1a2: {  	s5 =	simm.s32 $0x0;
	p1 =	sgt.u32 s6, $0x63FFFFF  }
0x1a3: {  	s0 =	sadd.s32 $0x1, s0;
	s5 =	simm.s32 @!p1 $0x4;
	s7 =	sshrl.u32 @!p1 s6, $0x3  }
0x1a4: {  	s4 =	sadd.s32 $0x1, s4;
	s6 =	sand.u32 @!p1 $0x7, s6;
	s7 =	sadd.s32 @!p1 s1, s7  }
0x1a5: {  	[hbm4b:s7+s6] =	stream.linear.scatter @!p1 [tilespmem:s0], [sflag:$0x5], $0x1, $0x38;
	[tilespmem:$0x11A60] =	vst v63  }
.LBB3_23:
0x1a6: {  	s0 =	sadd.s32 s3, s5  }
0x1a7: {  	s3 =	sshrl.u32 s0, $0x2  }
.LBB3_24:
0x1a8: {  	s0 =	simm.s32 $0x5  }
0x1a9: {  	_ =	swait.ge [sflag:s0], s3  }
0x1aa: {  	s1 =	ssub.s32 $0x0, s3;
	[sflag:s0] =	ssyncset.done $0x0  }
0x1ab: {  	[sflag:s0] =	ssyncadd.s32 s1  }
0x1ac: {  	[sflag:s0] =	ssyncpa.u1 $0x1  }
0x1ad: {  	s29 =	simm.s32 $0x1;
	_ =	sfence  }
0x1ae: {  	s30 =	simm.s32 $0x2;
	[sflag:s29] =	ssyncpa.u1 $0x1  }
0x1af: {  	[sflag:s30] =	ssyncpa.u1 $0x1  }
0x1b0: {  	_ =	strace $0x9000004D  }
0x1b1: {  	[bflag:$0x2] =	sbarrier.arrive $0xFFFF  }
0x1b2: {  	s31 =	rddreg [dreg:$0x3]  }
0x1b3: {  	s0 =	sadd.s32 $0x100000, s31  }
0x1b4: {  	[sflag:s0] =	ssyncadd.tile.s32 $0x1;
	_ =	shalt  }
.Lfunc_end3:
_tile_overlayer_lowered:
.L_overlay_start_3:
0x1b5: {  	(tag) =	ssettag $0x3  }
0x1b6: {  	s0 =	rddreg [dreg:$0x0];
	s2 =	stileid.u32  }
0x1b7: {  	s1 =	rddreg [dreg:$0x1];
	p0 =	sne.s32 s2, $0x0  }
0x1b8: {  	s3 =	rddreg [dreg:$0x2];
	[bflag:$0x3] =	sbarrier.arrive $0xFFFF;
	s2 =	simm.s32 @!p0 $0x1C01  }
0x1b9: {  	[timem:s3], [sflag:s2] =	dma.local @!p0 [hbm:s0], s1  }
0x1ba: {  	s0 =	simm.s32 @!p0 $0x1  }
0x1bb: {  	_ =	swait.ge @!p0 [sflag:s0], s1  }
0x1bc: {  	s1 =	ssub.s32 @!p0 $0x0, s1;
	[sflag:s0] =	ssyncset.done @!p0 $0x0  }
0x1bd: {  	[sflag:s0] =	ssyncadd.s32 @!p0 s1  }
0x1be: {  	[bflag:$0x3] =	sbarrier.arrive $0xFFFF  }
0x1bf: {  	_ =	shalt  }

// kernel: scatter_offload_async_start.3
scs
__scs_entry_jumppad:
0x0: {  	(pc) =	sbr.rel $0x88, $3  }
0x1: {  	(tag) =	ssettag $0x0;
	lr =	simm.s32 $0x1  }
0x2: {  	[smem:$0x3F96] =	sst lr;
	_ =	strace $0xD0000000  }
0x3: {  	_ = 	snop  }
0x4: {  	_ = 	snop  }
0x5: {  	_ = 	snop  }
0x6: {  	_ = 	snop  }
0x7: {  	_ = 	snop  }
__scs_overlays_trampoline_lowered:
0x8: {  	[smem:$0x3FA5] =	sst s0  }
0x9: {  	[smem:$0x3FA6] =	sst s1  }
0xa: {  	[smem:$0x3FA7] =	sst s2  }
0xb: {  	[smem:$0x3FA8] =	sst s3  }
0xc: {  	[smem:$0x3FA9] =	sst s4  }
0xd: {  	[smem:$0x3FAA] =	sst s5  }
0xe: {  	[smem:$0x3FAB] =	sst s6  }
0xf: {  	[smem:$0x3FAC] =	sst s7  }
0x10: {  	[smem:$0x3FAD] =	sst s8  }
0x11: {  	[smem:$0x3FAE] =	sst s9;
	s0 =	simm.s32 @!p0 $0x0  }
0x12: {  	s1 =	sld [smem:$0x3F94];
	s0 =	simm.s32 @p0 $0x1  }
0x13: {  	[smem:$0x3FAF] =	sst s0;
	s0 =	simm.s32 @!p1 $0x0  }
0x14: {  	s2 =	sld [smem:$0x3F93];
	s0 =	simm.s32 @p1 $0x1  }
0x15: {  	[smem:$0x3FB0] =	sst s0;
	s0 =	simm.s32 @!p2 $0x0  }
0x16: {  	s3 =	sld [smem:$0x3FDB];
	s0 =	simm.s32 @p2 $0x1  }
0x17: {  	s4 =	simm.s32 $0x1BF5;
	[smem:$0x3FB2] =	sst s0  }
0x18: {  	s0 =	sld [smem:$0x3F95];
	_ =	swait.ge [sflag:s4], $0x0  }
0x19: {  	s7 =	sld [smem:$0x3F96]  }
0x1a: {  	s8 =	sadd.s32 $0xFFFFE003, lr  }
0x1b: {  	s9 =	sadd.s32 $0xFFFFFEF7, lr;
	s5 =	simm.s32 $0xFFFFFFFF;
	p2 =	slt.u32 s8, $0xFFFFF086  }
0x1c: {  	p1 =	slt.u32 s9, $0xF7A;
	s5 =	simm.s32 @!p2 $0x0  }
0x1d: {  	s5 =	simm.s32 @p1 $0x1;
	p0 =	seq.s32 s7, s2  }
0x1e: {  	s7 =	smul.u32 @!p0 $0xF7A, s2;
	p2 =	seq.s32 @!p0 s5, $0x0  }
0x1f: {  	s9 =	smul.u32 $0xF7A, s1;
	s8 =	simm.s32 @!p0 $0x1BF5;
	p2 =	por !p2, p0  }
0x20: {  	[sflag:s8] =	ssyncset.s32 @!p0 $0xFFFFF086;
	s6 =	sadd.s32 @!p0 s3, s7;
	s7 =	simm.s32 @!p0 $0x108  }
0x21: {  	s3 =	sadd.s32 s3, s9;
	s6 =	sadd.s32 @!p0 $0x88, s6;
	s7 =	simm.s32 @p2 $0x1082  }
0x22: {  	[simem:s7], [sflag:s8] =	dma.local @!p0 [hbm:s6], $0xF7A  }
0x23: {  	s9 =	sor.u32 $0xD0000000, s2;
	s6 =	simm.s32 $0x108;
	_ =	swait.ge @!p0 [sflag:s8], $0x0  }
0x24: {  	s3 =	sadd.s32 $0x88, s3;
	s6 =	simm.s32 @!p1 $0x1082;
	[sflag:s4] =	ssyncset.s32 $0xFFFFF086  }
0x25: {  	[simem:s6], [sflag:s4] =	dma.local [hbm:s3], $0xF7A  }
0x26: {  	[smem:$0x3F96] =	sst s1;
	(tag) =	ssettag s2;
	_ =	strace s9  }
0x27: {  	s1 =	sld [smem:$0x3FA6]  }
0x28: {  	s2 =	sld [smem:$0x3FA7]  }
0x29: {  	s4 =	sld [smem:$0x3FA9]  }
0x2a: {  	p0 =	seq.s32 s5, $0x0;
	s5 =	sld [smem:$0x3FAA]  }
0x2b: {  	s6 =	sld [smem:$0x3FAB]  }
0x2c: {  	s7 =	sld [smem:$0x3FAC]  }
0x2d: {  	s3 =	simm.s32 $0x108;
	s8 =	sld [smem:$0x3FAD]  }
0x2e: {  	s3 =	simm.s32 @!p0 $0x1082;
	s9 =	sld [smem:$0x3FAE]  }
0x2f: {  	lr =	sadd.s32 s0, s3;
	s0 =	sld [smem:$0x3FA5]  }
0x30: {  	s3 =	sld [smem:$0x3FA8]  }
0x31: {  	[smem:$0x3FB1] =	sst s10  }
0x32: {  	s10 =	sld [smem:$0x3FAF];
	_ =	sdelay $0x3  }
0x33: {  	p0 =	seq.s32 s10, $0x1;
	s10 =	sld [smem:$0x3FB1];
	_ =	sdelay $0x3  }
0x34: {  	[smem:$0x3FB1] =	sst s10  }
0x35: {  	s10 =	sld [smem:$0x3FB0];
	_ =	sdelay $0x3  }
0x36: {  	p1 =	seq.s32 s10, $0x1;
	s10 =	sld [smem:$0x3FB1];
	_ =	sdelay $0x3  }
0x37: {  	[smem:$0x3FB1] =	sst s10  }
0x38: {  	s10 =	sld [smem:$0x3FB2]  }
0x39: {  	_ = 	snop;
	(pc) =	sbr.ind lr, $3  }
0x3a: {  	_ = 	snop  }
0x3b: {  	_ = 	snop  }
0x3c: {  	p2 =	seq.s32 s10, $0x1;
	s10 =	sld [smem:$0x3FB1]  }
0x3d: {  	_ =	shalt  }
0x3e: {  	_ =	shalt  }
0x3f: {  	_ =	shalt  }
0x40: {  	_ =	shalt  }
0x41: {  	_ =	shalt  }
0x42: {  	_ =	shalt  }
0x43: {  	_ =	shalt  }
0x44: {  	_ =	shalt  }
0x45: {  	_ =	shalt  }
0x46: {  	_ =	shalt  }
0x47: {  	_ =	shalt  }
0x48: {  	_ =	shalt  }
0x49: {  	_ =	shalt  }
0x4a: {  	_ =	shalt  }
0x4b: {  	_ =	shalt  }
0x4c: {  	_ =	shalt  }
0x4d: {  	_ =	shalt  }
0x4e: {  	_ =	shalt  }
0x4f: {  	_ =	shalt  }
0x50: {  	_ =	shalt  }
0x51: {  	_ =	shalt  }
0x52: {  	_ =	shalt  }
0x53: {  	_ =	shalt  }
0x54: {  	_ =	shalt  }
0x55: {  	_ =	shalt  }
0x56: {  	_ =	shalt  }
0x57: {  	_ =	shalt  }
0x58: {  	_ =	shalt  }
0x59: {  	_ =	shalt  }
0x5a: {  	_ =	shalt  }
0x5b: {  	_ =	shalt  }
0x5c: {  	_ =	shalt  }
0x5d: {  	_ =	shalt  }
0x5e: {  	_ =	shalt  }
0x5f: {  	_ =	shalt  }
0x60: {  	_ =	shalt  }
0x61: {  	_ =	shalt  }
0x62: {  	_ =	shalt  }
0x63: {  	_ =	shalt  }
0x64: {  	_ =	shalt  }
0x65: {  	_ =	shalt  }
0x66: {  	_ =	shalt  }
0x67: {  	_ =	shalt  }
0x68: {  	_ =	shalt  }
0x69: {  	_ =	shalt  }
0x6a: {  	_ =	shalt  }
0x6b: {  	_ =	shalt  }
0x6c: {  	_ =	shalt  }
0x6d: {  	_ =	shalt  }
0x6e: {  	_ =	shalt  }
0x6f: {  	_ =	shalt  }
0x70: {  	_ =	shalt  }
0x71: {  	_ =	shalt  }
0x72: {  	_ =	shalt  }
0x73: {  	_ =	shalt  }
0x74: {  	_ =	shalt  }
0x75: {  	_ =	shalt  }
0x76: {  	_ =	shalt  }
0x77: {  	_ =	shalt  }
0x78: {  	_ =	shalt  }
0x79: {  	_ =	shalt  }
0x7a: {  	_ =	shalt  }
0x7b: {  	_ =	shalt  }
0x7c: {  	_ =	shalt  }
0x7d: {  	_ =	shalt  }
0x7e: {  	_ =	shalt  }
0x7f: {  	_ =	shalt  }
0x80: {  	_ =	shalt  }
0x81: {  	_ =	shalt  }
0x82: {  	_ =	shalt  }
0x83: {  	_ =	shalt  }
0x84: {  	_ =	shalt  }
0x85: {  	_ =	shalt  }
0x86: {  	_ =	shalt  }
0x87: {  	_ =	shalt  }
.Lfunc_end0:
.L_simem_size_0:
called_computation.3_lowered:
.L_overlay_start_0:
0x88: {  	s0 =	sld [smem:$0x3FD9]  }
0x89: {  	s1 =	sld [smem:$0x3FFE];
	_ =	sdelay $0x3  }
0x8a: {  	s0 =	sadd.s32 s1, s0  }
0x8b: {  	[smem:$0x3FBD] =	sst s0  }
0x8c: {  	_ = 	snop  }
0x8d: {  	s0 =	sld [smem:$0x3FD0];
	_ =	sdelay $0x2  }
0x8e: {  	s13 =	simm.s32 $0xD;
	s2 =	simm.s32 $0x10  }
0x8f: {  	[smem:s2], [sflag:s13] =	dma.local [hbm:s0], $0x1  }
0x90: {  	_ =	swait.eq [sflag:s13], $0x1  }
0x91: {  	[sflag:s13] =	ssyncset.done $0x0  }
0x92: {  	s14 =	sld [smem:$0x11];
	[sflag:s13] =	ssyncadd.s32 $0xFFFFFFFF  }
0x93: {  	s15 =	sld [smem:$0x12];
	(tm) =	ssettm $0x1  }
0x94: {  	s16 =	sld [smem:$0x3FFB];
	_ =	sdelay $0x3  }
0x95: {  	_ =	strace s16  }
0x96: {  	s2 =	sld [smem:$0x3FFC];
	_ =	sdelay $0x3  }
0x97: {  	_ =	strace s2  }
0x98: {  	s2 =	sld [smem:$0x3FFD];
	_ =	sdelay $0x3  }
0x99: {  	_ =	strace s2  }
0x9a: {  	_ =	strace $0x8FFFFFFF  }
0x9b: {  	s17 =	sld [smem:$0x3FDB];
	_ =	sdelay $0x1  }
0x9c: {  	s3 =	simm.s32 $_scs_section_size  }
0x9d: {  	s4 =	simm.s32 $_size__tile_overlayer_lowered;
	s5 =	simm.s32 $_tile_overlayer_lowered  }
0x9e: {  	s20 =	simm.s32 $0x1BFF;
	s19 =	sshll.u32 s5, $0x1;
	s2 =	sadd.s32 s3, s17  }
0x9f: {  	s6 =	simm.s32 $0x0;
	s18 =	sshll.u32 s4, $0x1;
	s4 =	sadd.s32 s19, s2  }
0xa0: {  	[timem:s6], [sflag:s20] =	dma.local [hbm:s4], s18  }
0xa1: {  	_ =	swait.ge [sflag:s20], s18  }
0xa2: {  	s3 =	ssub.s32 $0x0, s18;
	[sflag:s20] =	ssyncset.done $0x0  }
0xa3: {  	[sflag:s20] =	ssyncadd.s32 s3;
	_ =	sdelay $0x1  }
0xa4: {  	s21 =	simm.s32 $0x1B8B  }
0xa5: {  	_ =	swait.ge [sflag:s21], $0x1  }
0xa6: {  	[sflag:s21] =	ssyncset.done $0x0  }
0xa7: {  	s23 =	simm.s32 $0x1B8E;
	s22 =	sld [smem:$0x3FFE];
	[sflag:s21] =	ssyncadd.s32 $0xFFFFFFFF  }
0xa8: {  	s24 =	simm.s32 $execute0_lowered;
	[smem:$0x3FD2] =	sst s23  }
0xa9: {  	s4 =	sshll.u32 s24, $0x1;
	_ =	strace $0x80000052;
	[dreg:$0x1] =	wrdreg $0xFFFFFFFF  }
0xaa: {  	s25 =	simm.s32 $_size_execute0_lowered;
	s2 =	sadd.s32 s2, s4;
	[dreg:$0x0] =	wrdreg $0x0  }
0xab: {  	s4 =	sshll.u32 s25, $0x1;
	[dreg:$0x2] =	wrdreg s2  }
0xac: {  	[dreg:$0x3] =	wrdreg s4  }
0xad: {  	[dreg:$0x4] =	wrdreg $0xC0  }
0xae: {  	_ =	task [dreg:s6], $0x5FFFF  }
0xaf: {  	[dreg:$0x1] =	wrdreg $0xFFFFFFFF  }
0xb0: {  	[dreg:$0x0] =	wrdreg $0x60  }
0xb1: {  	[dreg:$0x2] =	wrdreg s22  }
0xb2: {  	[dreg:$0x3] =	wrdreg s15  }
0xb3: {  	[dreg:$0x4] =	wrdreg s14  }
0xb4: {  	[dreg:$0x5] =	wrdreg $0x9  }
0xb5: {  	_ =	task.clear_ibuf [dreg:s6], $0x6FFFF;
	_ =	strace $0x90000052  }
0xb6: {  	s26 =	simm.s32 $0x9;
	_ =	strace $0x80000054  }
0xb7: {  	_ =	swait.ge [sflag:s26], $0x1  }
0xb8: {  	[sflag:s26] =	ssyncadd.s32 $0xFFFFFFFF  }
0xb9: {  	_ =	strace $0x90000054  }
0xba: {  	_ =	sfence  }
0xbb: {  	s28 =	sld [smem:$0x0];
	_ =	sdelay $0x1  }
0xbc: {  	s29 =	srdreg.scid  }
0xbd: {  	s30 =	sshll.u32 s29, $0xD;
	s31 =	sshrl.u32 s29, $0x2  }
0xbe: {  	s1 =	sand.u32 $0x1, s29;
	s2 =	sand.u32 $0x4000, s30;
	s0 =	sadd.s32 s31, s28  }
0xbf: {  	s1 =	sor.u32 s2, s1;
	s0 =	sshll.u32 s0, $0x11  }
0xc0: {  	s0 =	sor.u32 s0, s1  }
0xc1: {  	s0 =	sadd.s32 $0x8F2B, s0  }
0xc2: {  	[sflag:s0] =	ssyncadd.remote.s32 $0x1  }
0xc3: {  	_ =	sfence.sel $0xFFFF  }
0xc4: {  	[dreg:$0x0] =	wrdreg $0xFFFFFFFF;
	(pc) =	sbr.abs _section_cstart, $3  }
0xc5: {  	[dreg:$0x1] =	wrdreg $0xFFFFFFFF  }
0xc6: {  	_ =	task.clear_ibuf [dreg:s6], $0x2FFFF;
	_ =	strace $0x9FFFFFFF  }
0xc7: {  	(tm) =	ssettm $0x7FFFFFFF  }
tec
execute0_lowered:
.L_overlay_start_1:
0x0: {  	(tag) =	ssettag $0x1  }
0x1: {  	s0 =	rddreg [dreg:$0x0]  }
0x2: {  	s3 =	rddreg [dreg:$0x1]  }
0x3: {  	s14 =	stileid.u32;
	_ =	strace $0x80000053;
	s2 =	simm.s32 $0x1  }
0x4: {  	v1 =	vimm.s32 $0xFFFFFFFF;
	s1 =	smin.u32 s14, $0x4;
	[sflag:s2] =	ssyncpa.u1 $0x0  }
0x5: {  	s1 =	sadd.s32 s14, s1;
	[tilespmem:$0x10] =	vst v1  }
0x6: {  	v0 =	vimm.f32 $0.0e+00;
	p0 =	slt.u32 s14, $0x4;
	[tilespmem:$0x20] =	vst v1;
	s5 =	smul.u32 $0x1F40, s1;
	s1 =	simm.s32 $0x3E80  }
0x7: {  	[tilespmem:$0x30] =	vst v0;
	s1 =	simm.s32 @!p0 $0x1F40  }
0x8: {  	[tilespmem:$0x40] =	vst v0;
	s1 =	sadd.s32 s1, s5  }
0x9: {  	[tilespmem:$0x50] =	vst v0;
	s6 =	smin.u32 s1, $0x27100  }
0xa: {  	s7 =	simm.s32 $0x2;
	s8 =	simm.s32 $0x8;
	[tilespmem:$0x60] =	vst v1;
	s4 =	ssub.s32 s6, s5  }
0xb: {  	s31 =	simm.s32 $0x9;
	s16 =	simm.s32 $0x0;
	[tilespmem:$0x70] =	vst v1;
	p0 =	sgt.s32 s4, $0x0  }
0xc: {  	s17 =	simm.s32 $0xF0;
	s18 =	simm.s32 $0xFFFFFFFF;
	[tilespmem:$0x80] =	vst v1;
	s4 =	simm.s32 @!p0 $0x0  }
0xd: {  	s19 =	simm.s32 $0xFFFFC280;
	s20 =	simm.s32 $0xFFFFFFFE;
	v1 =	vimm.s32 $0x0;
	[tilespmem:$0xB0] =	vst v0;
	s30 =	smulhi.u32 $0x10624DD3, s4  }
0xe: {  	s21 =	simm.s32 $0xF;
	s22 =	simm.s32 $0x30;
	s25 =	simm.s32 $0x0;
	[tilespmem:$0x90] =	vst v1  }
0xf: {  	[tilespmem:$0xA0] =	vst v1;
	[sflag:s7] =	ssyncpa.u1 $0x0;
	s7 =	simm.s32 $0x7;
	s9 =	sshrl.u32 s30, $0x9  }
0x10: {  	s24 =	simm.s32 $0x0;
	[sflag:s7] =	ssyncpa.u1 $0x0;
	s10 =	smul.u32 $0x1F40, s9  }
.Ltmp0:
0x11: {  	[sflag:s8] =	ssyncpa.u1 $0x0;
	s23 =	smov.u32 s5;
	(pc) =	sbr.rel .LBB2_1-.Ltmp0, $4  }
0x12: {  	s1 =	sadd.s32 $0xB600, s0;
	[sflag:s31] =	ssyncpa.u1 $0x0;
	p0 =	sne.s32 s4, s10  }
0x13: {  	s10 =	sshll.u32 s14, $0x1;
	s14 =	sshllo.u32 s14, $0x1;
	s2 =	simm.s32 @!p0 $0x0  }
0x14: {  	vm0 =	vmmov $0xffff;
	v2 =	vlaneseq.u32;
	s13 =	sor.u32 $0x81, s10;
	s15 =	sor.u32 $0x80, s10;
	s9 =	sadd.s32 s2, s9  }
0x15: {  	vm1 =	vmxor vm1, vm1;
	vm2 =	vmmov $0x1;
	vm3 =	vcmask $0x3F3C;
	p0 =	por $0x0, $0x0;
	s11 =	sadd.s32 $0x1, s9;
	s12 =	sadd.s32 $0x2, s9  }
.LBB2_9:
0x16: {  	p1 =	slt.u32 s24, $0x3  }
0x17: {  	s0 =	simm.s32 @!p1 $0x2  }
0x18: {  	_ =	swait.ge @!p1 [sflag:s0], $0x1F40  }
0x19: {  	[sflag:s0] =	ssyncset.done @!p1 $0x0  }
0x1a: {  	[sflag:s0] =	ssyncadd.s32 @!p1 $0xFFFFE0C0;
	s0 =	simm.s32 @!p1 $0x9  }
0x1b: {  	_ =	swait.ge @!p1 [sflag:s0], $0x10  }
0x1c: {  	[sflag:s0] =	ssyncset.done @!p1 $0x0  }
0x1d: {  	[sflag:s0] =	ssyncadd.s32 @!p1 $0xFFFFFFF0;
	p1 =	sne.s32 s24, s12  }
.Ltmp1:
0x1e: {  	s2 =	sadd.s32 $0x1F40, s23;
	(pc) =	sbr.rel @!p1 .LBB2_10-.Ltmp1, $4  }
0x1f: {  	s4 =	smov.u32 s5;
	s31 =	sadd.s32 $0x1, s24;
	s17 =	sadd.s32 $0x1F40, s17  }
0x20: {  	s18 =	sadd.s32 $0x1, s18;
	s25 =	smov.u32 s23;
	p2 =	slt.s32 s2, s6  }
0x21: {  	p0 =	por !p0, !p0;
	s19 =	sadd.s32 $0x1F40, s19;
	s4 =	smov.u32 @p2 s2  }
0x22: {  	s20 =	sadd.s32 $0x1, s20;
	s23 =	smov.u32 s4;
	s24 =	smov.u32 s31  }
.LBB2_1:
0x23: {  	p1 =	sge.u32 s24, s9  }
0x24: {  	s0 =	smulhi.u32 @!p1 $0xAAAAAAAB, s24;
	_ =	sdelay $0x1  }
0x25: {  	s0 =	sshrl.u32 @!p1 s0, $0x1  }
0x26: {  	s0 =	smul.u32 @!p1 $0x3, s0;
	_ =	sdelay $0x1  }
0x27: {  	s0 =	ssub.s32 @!p1 s24, s0  }
0x28: {  	s0 =	smul.u32 @!p1 $0x7D00, s0;
	_ =	sdelay $0x1  }
0x29: {  	s2 =	sshrl.u32 @!p1 s23, $0x3;
	s0 =	sshrl.u32 @!p1 s0, $0x2  }
0x2a: {  	s4 =	sand.u32 @!p1 $0x7, s23;
	s2 =	sadd.s32 @!p1 s3, s2;
	s0 =	sadd.s32 @!p1 $0x100, s0  }
0x2b: {  	[tilespmem:s0], [sflag:$0x7] =	stream.linear.gather @!p1 [hbm4b:s2+s4], $0x1F40, $0x38;
	[tilespmem:$0x11A60] =	vst v63  }
0x2c: {  	s0 =	sadd.s32 $0xFFFFFFFF, s24  }
0x2d: {  	p1 =	sge.u32 s0, s9  }
.Ltmp2:
0x2e: {  	_ = 	snop;
	(pc) =	sbr.rel @p1 .LBB2_5-.Ltmp2, $1  }
0x2f: {  	_ =	sdelay $0x3  }
0x30: {  	s2 =	smulhi.u32 $0xAAAAAAAB, s0;
	_ =	sdelay $0x1  }
0x31: {  	s2 =	sshrl.u32 s2, $0x1  }
0x32: {  	s2 =	smul.u32 $0x3, s2;
	_ =	sdelay $0x1  }
0x33: {  	s2 =	ssub.s32 s0, s2  }
0x34: {  	s2 =	smul.u32 $0x7D00, s2  }
0x35: {  	_ =	swait.ge [sflag:s7], $0x1F40  }
0x36: {  	[sflag:s7] =	ssyncset.done $0x0;
	s2 =	sshrl.u32 s2, $0x2  }
0x37: {  	[sflag:s7] =	ssyncadd.s32 $0xFFFFE0C0;
	(ifvalue) =	ssetifvalue $0xFFFFFFFF;
	v3 =	vld.msk [tilespmem:s2+$0x100 ss:$0x1], $0xffff;
	_ =	sdelay $0x2  }
0x38: {  	s30 =	smulhi.u32 $0xAAAAAAAB, s18;
	p1 =	sne.s32 s24, $0x1  }
0x39: {  	v4 =	vimm.s32 @!p1 $0x0  }
0x3a: {  	s2 =	sshrl.u32 s30, $0x1;
	v4 =	vperm.xlane @!p1 v3, v4  }
0x3b: {  	s4 =	sshll.u32 s24, $0x4;
	s2 =	smul.u32 $0xFFFE8900, s2;
	vm4 =	vlt.u32 v3, $0x6400000  }
0x3c: {  	s4 =	sand.u32 $0x10, s4;
	v3 =	vnsel vm4, $0xFFFFFFFE, v3;
	vm4 =	vlt.u32 @!p1 v4, $0x6400000  }
0x3d: {  	s2 =	sshra.s32 s2, $0x2;
	[tilespmem:s4+$0x60] =	vst v3;
	v3 =	vnsel @!p1 vm4, $0xFFFFFFFE, v4  }
0x3e: {  	s28 =	sadd.s32 s2, s17;
	[tilespmem:$0x80] =	vst @!p1 v3  }
0x3f: {  	v3 =	vld.msk [tilespmem:s28+$0x0 ss:$0x1], $0xffff;
	_ =	sdelay $0x4  }
0x40: {  	(xrf1) =	vunique.msk.u32 $0xffff, v3;
	_ =	sdelay $0xd  }
0x41: {  	v4 =	vimm.s32 $0xFFFFFFFF;
	v5, _, _ =	vpop (xrf1)  }
0x42: {  	vm5 =	vne.s32 v3, v4;
	vm4 =	veq.s32 v5, v2  }
0x43: {  	vm6 =	vlt.u32 v3, $0x6400000;
	vm4 =	vmand vm5, vm4  }
0x44: {  	vm4 =	vmand vm6, vm4  }
0x45: {  	v4 =	vnsel vm4, $0xFFFFFFFF, v3  }
0x46: {  	s31 =	sand.u32 $0x1, s0  }
0x47: {  	s0 =	simm.s32 $0x1F40;
	p1 =	seq.s32 s31, $0x1  }
0x48: {  	s0 =	simm.s32 @!p1 $0x0  }
0x49: {  	s26 =	sadd.s32 $0x7DF0, s0;
	(ifvalue) =	ssetifvalue $0xFFFFFFFF  }
0x4a: {  	v3 =	vperm.xlane v3, v1;
	[tilespmem:s26], [sflag:$0x8] =	stream.indirect_vreg.gather [hbm4b:s1+s16], $0x1, v4, vm0, $0x4038;
	v4 =	vnsel vm6, $0xFFFFFFFE, v4;
	[tilespmem:$0x11A60] =	vst v63  }
0x4b: {  	s2 =	simm.s32 $0x0;
	s4 =	sadd.s32 $0xFFFFFFF0, s28;
	[tilespmem:s28+$0x0] =	vst v4  }
.LBB2_3:
0x4c: {  	v4 =	vld.msk [tilespmem:s4+$0x0 ss:$0x1], $0xffff;
	s2 =	sadd.s32 $0x10, s2;
	v5 =	vmov v3;
	s28 =	smov.u32 s4  }
0x4d: {  	p1 =	slt.u32 s2, $0x1F30;
	_ =	sdelay $0x4  }
0x4e: {  	v3 =	vperm.xlane v4, v1;
	(xrf1) =	vunique.msk.u32 $0xffff, v4;
	_ =	sdelay $0xd  }
0x4f: {  	v6, _, _ =	vpop (xrf1)  }
0x50: {  	vm5 =	vne.s32 v4, v5;
	vm4 =	veq.s32 v6, v2  }
0x51: {  	vm6 =	vlt.u32 v4, $0x6400000;
	vm4 =	vmand vm5, vm4  }
0x52: {  	vm4 =	vmand vm6, vm4  }
0x53: {  	v4 =	vnsel vm4, $0xFFFFFFFF, v4  }
.Ltmp3:
0x54: {  	v5 =	vnsel vm6, $0xFFFFFFFE, v4;
	(pc) =	sbr.rel @p1 .LBB2_3-.Ltmp3, $3  }
0x55: {  	_ =	sdelay $0x1  }
0x56: {  	s4 =	sadd.s32 $0xFFFFFFF0, s4;
	s26 =	sadd.s32 $0xFFFFFFF0, s26;
	(ifvalue) =	ssetifvalue $0xFFFFFFFF  }
0x57: {  	[tilespmem:s26], [sflag:$0x8] =	stream.indirect_vreg.gather [hbm4b:s1+s16], $0x1, v4, vm0, $0x4038;
	[tilespmem:s28+$0x0] =	vst v5  }
0x58: {  	s2 =	sshrl.u32 s25, $0x3;
	s4 =	rddreg [dreg:$0x2]  }
0x59: {  	s0 =	sadd.s32 $0x9D40, s0;
	s2 =	sadd.s32 s4, s2  }
0x5a: {  	[tilespmem:s0], [sflag:$0x8] =	stream.linear.gather [hbm:s2], $0x1F40, $0x38;
	[tilespmem:$0x11A60] =	vst v63  }
.LBB2_5:
0x5b: {  	p1 =	slt.u32 s24, $0x2  }
0x5c: {  	p2 =	sge.u32 @!p1 s24, s12  }
0x5d: {  	p1 =	por p1, p2  }
.Ltmp4:
0x5e: {  	_ = 	snop;
	(pc) =	sbr.rel @p1 .LBB2_9-.Ltmp4, $1  }
0x5f: {  	_ =	sdelay $0x3  }
0x60: {  	s0 =	sadd.s32 $0xFFFFFFFE, s24  }
0x61: {  	s2 =	smulhi.u32 $0xAAAAAAAB, s0;
	_ =	sdelay $0x1  }
0x62: {  	s2 =	sshrl.u32 s2, $0x1  }
0x63: {  	s2 =	smul.u32 $0x3, s2;
	_ =	sdelay $0x1  }
0x64: {  	s0 =	ssub.s32 s0, s2  }
0x65: {  	_ =	swait.ge [sflag:s8], $0x3E80;
	s0 =	smul.u32 $0x1F40, s0  }
0x66: {  	p1 =	sne.s32 s24, s11;
	[sflag:s8] =	ssyncset.done $0x0  }
0x67: {  	[sflag:s8] =	ssyncadd.s32 $0xFFFFC180;
	s2 =	sadd.s32 @!p1 $0x203F, s0  }
0x68: {  	[spmem:s13] =	stream.linear.scatter @!p1 [tilespmem:s2], [sflag:$0x1], $0x1, $0x38;
	[tilespmem:$0x11A60] =	vst v63  }
0x69: {  	s2 =	simm.s32 @!p1 $0x1  }
0x6a: {  	_ =	swait.ge @!p1 [sflag:s2], $0x1  }
0x6b: {  	s4 =	sshll.u32 s24, $0x4;
	[sflag:s2] =	ssyncset.done @!p1 $0x0  }
0x6c: {  	s25 =	sand.u32 $0x10, s4;
	[sflag:s2] =	ssyncadd.s32 @!p1 $0xFFFFFFFF  }
0x6d: {  	s2 =	sxor.u32 $0x10, s25;
	v4 =	vld [tilespmem:s25+$0x10]  }
0x6e: {  	v5 =	vld [tilespmem:s2+$0x60]  }
0x6f: {  	v3 =	vld [tilespmem:$0x80];
	_ =	sdelay $0x2  }
0x70: {  	(v2sf) =	vpush v4, $0x0  }
0x71: {  	(v2sf) =	vpush v5, $0x0  }
0x72: {  	(v2sf) =	vpush v3, $0x0;
	_ =	sdelay $0xc  }
0x73: {  	s4 =	spop (v2sf)  }
0x74: {  	s26 =	spop (v2sf)  }
0x75: {  	s28 =	spop (v2sf)  }
0x76: {  	p2 =	seq.s32 s4, s26;
	p3 =	seq.s32 s28, s4  }
0x77: {  	p3 =	por p2, p3  }
0x78: {  	s26 =	sand.u32 $0x1, s24;
	v4 =	vpsel p3, $0xFFFFFFFF, v4  }
0x79: {  	s29 =	smul.u32 $0x1F40, s26;
	[tilespmem:s25+$0x10] =	vst.msk $0x1, v4  }
0x7a: {  	v4 =	vld [tilespmem:$0x30]  }
0x7b: {  	v5 =	vld [tilespmem:s29+$0x9D40]  }
0x7c: {  	v6 =	vld [tilespmem:s25+$0x40];
	_ =	sdelay $0x3  }
0x7d: {  	vm4 =	vmmov vm1;
	v5 =	vadd.f32 v5, v4  }
0x7e: {  	vm5 =	vmmov vm2;
	vm4 =	vmmov @p2 vm2;
	s4 =	sshll.u32 s26, $0x4;
	v4 =	vadd.f32 v6, v4  }
0x7f: {  	s26 =	sor.u32 $0x11A40, s4;
	vm5 =	vmmov @p3 vm1;
	[tilespmem:s29+$0x9D40] =	vst.msk vm4, v5  }
0x80: {  	[tilespmem:s26+$0x0] =	vst.msk vm5, v4  }
0x81: {  	v4 =	vld [tilespmem:s29+$0x7DF0];
	_ =	sdelay $0x3  }
0x82: {  	v5 =	vimm.f32 $0.0e+00  }
0x83: {  	v4 =	vshift.insert v4, v5, s21  }
0x84: {  	s4 =	sor.u32 $0x40, s2  }
0x85: {  	[tilespmem:s4+$0x0] =	vst.msk $0x1, v4  }
0x86: {  	[tilespmem:s29+$0x7DFF] =	vst.msk $0x1, v5  }
0x87: {  	v4 =	vld [tilespmem:s0+$0x2030];
	_ =	sdelay $0x1  }
0x88: {  	s4 =	smulhi.u32 $0xAAAAAAAB, s20;
	s0 =	simm.s32 $0x1  }
0x89: {  	s0 =	simm.s32 @!p0 $0x0  }
0x8a: {  	s4 =	sshrl.u32 s4, $0x1;
	s0 =	smul.u32 $0x7D00, s0  }
0x8b: {  	s4 =	smul.u32 $0xFFFE8900, s4;
	v4 =	vshift.insert v4, v1, s21  }
0x8c: {  	s0 =	sshrl.u32 s0, $0x2  }
0x8d: {  	s4 =	sshra.s32 s4, $0x2;
	s30 =	sadd.s32 $0x9D40, s0;
	[tilespmem:s2+$0x10] =	vst.msk $0x1, v4  }
0x8e: {  	s4 =	sadd.s32 s4, s19;
	v6 =	vld [tilespmem:s30+$0x0]  }
0x8f: {  	v7 =	vld [tilespmem:s4+$0x0];
	_ =	sdelay $0x3  }
0x90: {  	v5 =	vadd.f32 v6, v5  }
0x91: {  	vm4 =	vne.s32 v7, $0xFFFFFFFF  }
0x92: {  	(xrf2) =	vadd.seg.scan.f32 vm4, v5;
	_ =	sdelay $0x3  }
0x93: {  	s31 =	sadd.s32 $0x5EC0, s0;
	v5 =	vperm.xlane v4, v1  }
0x94: {  	v6 =	vld [tilespmem:s31+$0x0]  }
0x95: {  	vm5 =	veq.s32 v7, v3;
	vm6 =	veq.s32 v7, v5  }
0x96: {  	vm7 =	vgt.u32 v7, $0xFFFFFFFD;
	vm6 =	vmor vm6, vm5  }
0x97: {  	vm6 =	vmor vm6, vm7  }
0x98: {  	v9 =	vld [tilespmem:$0xA0];
	v7 =	vsel vm6, $0xFFFFFFFF, v7  }
0x99: {  	v10 =	vld [tilespmem:$0x90];
	v6 =	vsel vm5, $0x0, v6;
	v8, _, _ =	vpop (xrf2)  }
0x9a: {  	v6 =	vadd.f32 v8, v6  }
0x9b: {  	s0 =	sadd.s32 $0xDBC0, s0  }
0x9c: {  	vm4 =	vmand vm4, vm3;
	[tilespmem:s0+$0x0] =	vst v6;
	(ifvalue) =	ssetifvalue $0xFFFFFFFF  }
0x9d: {  	vm6 =	veq.s32 v9, $0x1;
	[hbm4b:s1+s16] =	stream.indirect_vreg.scatter [tilespmem:s0], [sflag:$0x2], $0x1, v7, vm0, $0x4038;
	v7 =	vsel vm4, $0x0, v8;
	[tilespmem:$0x11A60] =	vst v63  }
0x9e: {  	s2 =	simm.s32 $0x0;
	s4 =	sadd.s32 $0x10, s4;
	vm4 =	vmor vm6, vm5;
	v6 =	vsel vm5, v8, v10;
	v7 =	vshift.insert v7, v0, s21  }
.LBB2_7:
0x9f: {  	v8 =	vld [tilespmem:s4+$0x0];
	s30 =	sadd.s32 $0x10, s30  }
0xa0: {  	s31 =	sadd.s32 $0x10, s31;
	v9 =	vld [tilespmem:s30+$0x0]  }
0xa1: {  	s2 =	sadd.s32 $0x10, s2;
	v10 =	vld [tilespmem:s31+$0x0]  }
0xa2: {  	p2 =	slt.u32 s2, $0x1F30;
	_ =	sdelay $0x2  }
0xa3: {  	v7 =	vadd.f32 v9, v7  }
0xa4: {  	vm5 =	vne.s32 v8, $0xFFFFFFFF  }
0xa5: {  	vm6 =	vmand vm5, vm3;
	(xrf2) =	vadd.seg.scan.f32 vm5, v7;
	_ =	sdelay $0x5  }
0xa6: {  	vm7 =	veq.s32 v8, v5;
	vm5 =	veq.s32 v8, v3  }
0xa7: {  	vm8 =	vgt.u32 v8, $0xFFFFFFFD;
	vm4 =	vmor vm4, vm5;
	vm7 =	vmor vm7, vm5  }
0xa8: {  	vm7 =	vmor vm7, vm8  }
0xa9: {  	v8 =	vsel vm7, $0xFFFFFFFF, v8  }
.Ltmp5:
0xaa: {  	v7 =	vsel vm5, $0x0, v10;
	v9, _, _ =	vpop (xrf2);
	(pc) =	sbr.rel @p2 .LBB2_7-.Ltmp5, $4  }
0xab: {  	v6 =	vsel vm5, v9, v6;
	v10 =	vadd.f32 v9, v7;
	v7 =	vsel vm6, $0x0, v9  }
0xac: {  	s0 =	sadd.s32 $0x10, s0;
	v7 =	vshift.insert v7, v0, s21  }
0xad: {  	s4 =	sadd.s32 $0x10, s4;
	[tilespmem:s0+$0x0] =	vst v10;
	(ifvalue) =	ssetifvalue $0xFFFFFFFF  }
0xae: {  	[hbm4b:s1+s16] =	stream.indirect_vreg.scatter [tilespmem:s0], [sflag:$0x2], $0x1, v8, vm0, $0x4038;
	[tilespmem:$0x11A60] =	vst v63  }
0xaf: {  	v3 =	vld [tilespmem:s29+$0xFAF0];
	_ =	sdelay $0x4  }
0xb0: {  	v3 =	vshift.insert v3, v0, s21;
	_ =	sdelay $0x1  }
0xb1: {  	[tilespmem:s22+$0x0] =	vst.msk $0x1, v3  }
0xb2: {  	v3 =	vsel vm4, $0x1, v1;
	[tilespmem:$0x90] =	vst v6  }
0xb3: {  	s0 =	sadd.s32 @!p1 $0xFAFF, s29;
	[tilespmem:$0xA0] =	vst v3  }
0xb4: {  	[spmem:s14] =	stream.linear.scatter @!p1 [tilespmem:s0], [sflag:$0x1], $0x1, $0x38;
	[tilespmem:$0x11A60] =	vst v63  }
0xb5: {  	s0 =	simm.s32 @!p1 $0x1  }
0xb6: {  	v3 =	vmctz.xlane @!p1 vm4;
	_ =	swait.ge @!p1 [sflag:s0], $0x1  }
0xb7: {  	(v2sf) =	vpush @!p1 v4, $0x0  }
0xb8: {  	(v2sf) =	vpush @!p1 v3, $0x0;
	_ =	sdelay $0xd  }
0xb9: {  	s2 =	spop @!p1 (v2sf)  }
0xba: {  	s4 =	spop @!p1 (v2sf)  }
0xbb: {  	p2 =	sne.s32 @!p1 s28, s2;
	p3 =	slt.s32 @!p1 s4, $0xF  }
0xbc: {  	[sflag:s0] =	ssyncset.done @!p1 $0x0;
	p2 =	por p2, p1;
	p3 =	por !p3, p1  }
0xbd: {  	[sflag:s0] =	ssyncadd.s32 @!p1 $0xFFFFFFFF;
	v3 =	vimm.s32 @!p2 $0xFFFFFFFF;
	s4 =	simm.s32 @p3 $0xF  }
0xbe: {  	[tilespmem:$0x80] =	vst @!p2 v3;
	s2 =	sadd.s32 @!p1 $0x90, s4  }
0xbf: {  	[spmem:s10] =	stream.linear.scatter @!p1 [tilespmem:s2], [sflag:$0x1], $0x1, $0x38;
	[tilespmem:$0x11A60] =	vst v63  }
0xc0: {  	_ =	swait.ge @!p1 [sflag:s0], $0x1  }
0xc1: {  	[sflag:s0] =	ssyncset.done @!p1 $0x0  }
0xc2: {  	s2 =	simm.s32 @!p1 $0x80;
	[sflag:s0] =	ssyncadd.s32 @!p1 $0xFFFFFFFF  }
0xc3: {  	[spmem:s15] =	stream.linear.scatter @!p1 [tilespmem:s2], [sflag:$0x1], $0x1, $0x38;
	[tilespmem:$0x11A60] =	vst v63  }
0xc4: {  	_ =	swait.ge @!p1 [sflag:s0], $0x1  }
0xc5: {  	[sflag:s0] =	ssyncset.done @!p1 $0x0  }
0xc6: {  	[sflag:s0] =	ssyncadd.s32 @!p1 $0xFFFFFFFF;
	(ifvalue) =	ssetifvalue $0xFFFFFFFF;
	v3 =	vld [tilespmem:s25+$0x10];
	_ =	sdelay $0x3  }
.Ltmp6:
0xc7: {  	_ = 	snop;
	(pc) =	sbr.rel .LBB2_9-.Ltmp6, $3  }
0xc8: {  	_ =	sdelay $0x1  }
0xc9: {  	(ifvalue) =	ssetifvalue $0xFFFFFFFF  }
0xca: {  	[hbm4b:s1+s16] =	stream.indirect_vreg.scatter [tilespmem:s26], [sflag:$0x9], $0x1, v3, vm0, $0x4038;
	[tilespmem:$0x11A60] =	vst v63  }
.LBB2_10:
0xcb: {  	_ =	sfence.sel $0x180000  }
0xcc: {  	s0 =	simm.s32 $0x7;
	[bflag:$0x0] =	sbarrier.arrive $0xFFFF  }
0xcd: {  	s26 =	simm.s32 $0x8;
	[sflag:s0] =	ssyncpa.u1 $0x1  }
0xce: {  	s28 =	simm.s32 $0x9;
	[sflag:s26] =	ssyncpa.u1 $0x1  }
0xcf: {  	[sflag:s28] =	ssyncpa.u1 $0x1  }
0xd0: {  	_ =	sfence.stream.spmem  }
0xd1: {  	s29 =	simm.s32 $0x3;
	[bflag:$0x0] =	sbarrier.arrive $0xFFFF  }
0xd2: {  	s30 =	simm.s32 $0x4;
	[sflag:s29] =	ssyncpa.u1 $0x1  }
0xd3: {  	s31 =	simm.s32 $0x3C;
	s2 =	stileid.u32;
	[sflag:s30] =	ssyncpa.u1 $0x1  }
0xd4: {  	p0 =	sne.s32 s2, $0x0;
	[sflag:s31] =	ssyncpa.u1 $0x1  }
0xd5: {  	s0 =	simm.s32 @p0 $0x1;
	_ =	sfence @p0  }
0xd6: {  	[sflag:s0] =	ssyncpa.u1 @p0 $0x1;
	s0 =	simm.s32 @p0 $0x2  }
0xd7: {  	[sflag:s0] =	ssyncpa.u1 @p0 $0x1  }
0xd8: {  	_ =	strace @p0 $0x90000053  }
0xd9: {  	[bflag:$0x2] =	sbarrier.arrive @p0 $0xFFFF  }
0xda: {  	_ =	shalt @p0  }
.LBB2_11:
0xdb: {  	_ =	sfence.stream.spmem;
	s0 =	simm.s32 $0x5  }
0xdc: {  	s2 =	simm.s32 $0x80;
	s3 =	simm.s32 $0xC0;
	[sflag:s0] =	ssyncpa.u1 $0x0  }
0xdd: {  	[tilespmem:s3], [sflag:$0x5] =	stream.linear.gather [spmem:s2], $0x20, $0x38;
	[tilespmem:$0x11A60] =	vst v63  }
0xde: {  	s2 =	simm.s32 $0x0;
	s3 =	simm.s32 $0xE0  }
0xdf: {  	[tilespmem:s3], [sflag:$0x5] =	stream.linear.gather [spmem:s2], $0x20, $0x38;
	[tilespmem:$0x11A60] =	vst v63  }
.Ltmp7:
0xe0: {  	_ = 	snop;
	(pc) =	sbr.rel .LBB2_12-.Ltmp7, $4  }
0xe1: {  	_ =	swait.ge [sflag:s0], $0x40  }
0xe2: {  	[sflag:s0] =	ssyncset.done $0x0  }
0xe3: {  	s31 =	simm.s32 $0x6;
	[sflag:s0] =	ssyncadd.s32 $0xFFFFFFC0  }
0xe4: {  	s4 =	simm.s32 $0x0;
	[sflag:s31] =	ssyncpa.u1 $0x0  }
.LBB2_17:
0xe5: {  	p0 =	sgt.u32 s5, $0x63FFFFF  }
0xe6: {  	s0 =	sshrl.u32 @!p0 s5, $0x3  }
0xe7: {  	s5 =	sand.u32 @!p0 $0x7, s5;
	s6 =	simm.s32 @!p0 $0xB0;
	s0 =	sadd.s32 @!p0 s1, s0  }
0xe8: {  	[tilespmem:s6], [sflag:$0x6] =	stream.linear.gather @!p0 [hbm4b:s0+s5], $0x1, $0x38;
	[tilespmem:$0x11A60] =	vst v63  }
0xe9: {  	s0 =	simm.s32 @!p0 $0x6  }
0xea: {  	_ =	swait.ge @!p0 [sflag:s0], $0x1  }
0xeb: {  	[sflag:s0] =	ssyncset.done @!p0 $0x0  }
0xec: {  	[sflag:s0] =	ssyncadd.s32 @!p0 $0xFFFFFFFF  }
0xed: {  	v2 =	vmov @!p0 s4;
	v1 =	vld.msk @!p0 [tilespmem:$0xB0], $0x1;
	_ =	sdelay $0x3  }
0xee: {  	s0 =	simm.s32 @!p0 $0xE0  }
0xef: {  	[tilespmem:v2+s0+$0x0], v1 =	vst.idx.ret.add.f32.msk @!p0 $0x1, v1  }
0xf0: {  	[tilespmem:s2+$0xC0] =	vst.msk $0x1, v0  }
0xf1: {  	v0 =	vld.msk [tilespmem:s4+$0xE0], $0x1;
	_ =	sdelay $0x4  }
0xf2: {  	[tilespmem:s2+$0xE0] =	vst.msk $0x1, v0;
	s2 =	sadd.s32 $0x1, s2  }
.LBB2_19:
0xf3: {  	s4 =	sadd.s32 $0x1, s4  }
0xf4: {  	p0 =	sne.s32 s4, $0x20  }
.Ltmp8:
0xf5: {  	_ = 	snop;
	(pc) =	sbr.rel @!p0 .LBB2_20-.Ltmp8, $1  }
0xf6: {  	_ =	sdelay $0x3  }
.LBB2_12:
0xf7: {  	v0 =	vld.msk [tilespmem:s4+$0xC0], $0x1;
	_ =	sdelay $0x4  }
0xf8: {  	(v2sf) =	vpush v0, $0x0;
	_ =	sdelay $0xe  }
0xf9: {  	s5 =	spop (v2sf)  }
0xfa: {  	p0 =	seq.s32 s5, $0xFFFFFFFF  }
.Ltmp9:
0xfb: {  	_ = 	snop;
	(pc) =	sbr.rel @p0 .LBB2_19-.Ltmp9, $1  }
0xfc: {  	_ =	sdelay $0x3  }
0xfd: {  	p0 =	slt.s32 s2, $0x1  }
.Ltmp10:
0xfe: {  	_ = 	snop;
	(pc) =	sbr.rel @p0 .LBB2_17-.Ltmp10, $1  }
0xff: {  	_ =	sdelay $0x3  }
0x100: {  	s0 =	simm.s32 $0xC0;
	p0 =	por $0x0, $0x0  }
0x101: {  	v1 =	vld.msk @!p0 [tilespmem:s0+$0x0], $0x1;
	_ =	sdelay $0x4  }
0x102: {  	(v2sf) =	vpush @!p0 v1, $0x0;
	_ =	sdelay $0xd  }
0x103: {  	p2 =	sne.s32 s2, $0x1  }
.Ltmp11:
0x104: {  	s6 =	spop @!p0 (v2sf);
	(pc) =	sbr.rel @!p2 .LBB2_16-.Ltmp11, $4  }
0x105: {  	p1 =	seq.s32 @!p0 s5, s6  }
0x106: {  	s6 =	simm.s32 $0x0;
	p1 =	por !p1, p0  }
0x107: {  	s8 =	simm.s32 $0xFFFFFFFF;
	s6 =	simm.s32 @p1 $0xFFFFFFFF  }
0x108: {  	s7 =	simm.s32 $0x1;
	s6 =	smov.u32 @p0 s8  }
.LBB2_15:
0x109: {  	s8 =	smov.u32 s6;
	p0 =	sne.s32 s6, $0xFFFFFFFF  }
0x10a: {  	s0 =	sadd.s32 $0x1, s0;
	s6 =	smov.u32 s7;
	s7 =	sadd.s32 $0x1, s7  }
0x10b: {  	p1 =	sne.s32 s2, s7;
	v1 =	vld.msk @!p0 [tilespmem:s0+$0x0], $0x1;
	_ =	sdelay $0x4  }
0x10c: {  	(v2sf) =	vpush @!p0 v1, $0x0;
	_ =	sdelay $0xe  }
.Ltmp12:
0x10d: {  	s9 =	spop @!p0 (v2sf);
	(pc) =	sbr.rel @p1 .LBB2_15-.Ltmp12, $4  }
0x10e: {  	p2 =	seq.s32 @!p0 s5, s9  }
0x10f: {  	p2 =	por !p2, p0  }
0x110: {  	s6 =	simm.s32 @p2 $0xFFFFFFFF  }
0x111: {  	s6 =	smov.u32 @p0 s8  }
.LBB2_16:
0x112: {  	p0 =	sne.s32 s6, $0xFFFFFFFF  }
.Ltmp13:
0x113: {  	_ = 	snop;
	(pc) =	sbr.rel @!p0 .LBB2_17-.Ltmp13, $1  }
0x114: {  	_ =	sdelay $0x3  }
0x115: {  	v0 =	vld.msk [tilespmem:s4+$0xE0], $0x1;
	v1 =	vmov s6  }
.Ltmp14:
0x116: {  	_ = 	snop;
	(pc) =	sbr.rel .LBB2_19-.Ltmp14, $2  }
0x117: {  	_ =	sdelay $0x2  }
0x118: {  	[tilespmem:v1+s3+$0x0], v0 =	vst.idx.ret.add.f32.msk $0x1, v0  }
.LBB2_20:
0x119: {  	p0 =	slt.s32 s2, $0x1  }
.Ltmp15:
0x11a: {  	_ = 	snop;
	(pc) =	sbr.rel @p0 .LBB2_24-.Ltmp15, $3  }
0x11b: {  	_ =	sdelay $0x1  }
0x11c: {  	s0 =	simm.s32 $0x6  }
0x11d: {  	s3 =	simm.s32 $0x0;
	[sflag:s0] =	ssyncpa.u1 $0x1  }
0x11e: {  	s0 =	simm.s32 $0xC0  }
0x11f: {  	v0 =	vld.msk [tilespmem:s0+$0x0], $0x1;
	_ =	sdelay $0x4  }
0x120: {  	(v2sf) =	vpush v0, $0x0;
	_ =	sdelay $0xe  }
0x121: {  	s2 =	sadd.s32 $0xFFFFFFFF, s2;
	s4 =	spop (v2sf)  }
0x122: {  	p1 =	sne.s32 s2, $0x0;
	p0 =	sgt.u32 s4, $0x63FFFFF  }
.Ltmp16:
0x123: {  	s5 =	sshrl.u32 @!p0 s4, $0x3;
	(pc) =	sbr.rel @!p1 .LBB2_23-.Ltmp16, $4  }
0x124: {  	s0 =	simm.s32 $0xE0;
	s4 =	sand.u32 @!p0 $0x7, s4;
	s5 =	sadd.s32 @!p0 s1, s5  }
0x125: {  	[hbm4b:s5+s4] =	stream.linear.scatter @!p0 [tilespmem:s0], [sflag:$0x5], $0x1, $0x38;
	[tilespmem:$0x11A60] =	vst v63  }
0x126: {  	s5 =	simm.s32 $0x0  }
0x127: {  	s4 =	simm.s32 $0xC1;
	s5 =	simm.s32 @!p0 $0x4  }
.LBB2_22:
0x128: {  	v0 =	vld.msk [tilespmem:s4+$0x0], $0x1;
	s2 =	sadd.s32 $0xFFFFFFFF, s2;
	s3 =	sadd.s32 s3, s5  }
0x129: {  	p0 =	sne.s32 s2, $0x0;
	_ =	sdelay $0x3  }
0x12a: {  	(v2sf) =	vpush v0, $0x0;
	_ =	sdelay $0xe  }
.Ltmp17:
0x12b: {  	s6 =	spop (v2sf);
	(pc) =	sbr.rel @p0 .LBB2_22-.Ltmp17, $4  }
0x12c: {  	s5 =	simm.s32 $0x0;
	p1 =	sgt.u32 s6, $0x63FFFFF  }
0x12d: {  	s0 =	sadd.s32 $0x1, s0;
	s5 =	simm.s32 @!p1 $0x4;
	s7 =	sshrl.u32 @!p1 s6, $0x3  }
0x12e: {  	s4 =	sadd.s32 $0x1, s4;
	s6 =	sand.u32 @!p1 $0x7, s6;
	s7 =	sadd.s32 @!p1 s1, s7  }
0x12f: {  	[hbm4b:s7+s6] =	stream.linear.scatter @!p1 [tilespmem:s0], [sflag:$0x5], $0x1, $0x38;
	[tilespmem:$0x11A60] =	vst v63  }
.LBB2_23:
0x130: {  	s0 =	sadd.s32 s3, s5  }
0x131: {  	s3 =	sshrl.u32 s0, $0x2  }
.LBB2_24:
0x132: {  	s0 =	simm.s32 $0x5  }
0x133: {  	_ =	swait.ge [sflag:s0], s3  }
0x134: {  	s1 =	ssub.s32 $0x0, s3;
	[sflag:s0] =	ssyncset.done $0x0  }
0x135: {  	[sflag:s0] =	ssyncadd.s32 s1  }
0x136: {  	[sflag:s0] =	ssyncpa.u1 $0x1  }
0x137: {  	s29 =	simm.s32 $0x1;
	_ =	sfence  }
0x138: {  	s30 =	simm.s32 $0x2;
	[sflag:s29] =	ssyncpa.u1 $0x1  }
0x139: {  	[sflag:s30] =	ssyncpa.u1 $0x1  }
0x13a: {  	_ =	strace $0x90000053  }
0x13b: {  	[bflag:$0x2] =	sbarrier.arrive $0xFFFF  }
0x13c: {  	s31 =	rddreg [dreg:$0x3]  }
0x13d: {  	s0 =	sadd.s32 $0x100000, s31  }
0x13e: {  	[sflag:s0] =	ssyncadd.tile.s32 $0x1;
	_ =	shalt  }
.Lfunc_end2:
_tile_overlayer_lowered:
.L_overlay_start_2:
0x13f: {  	(tag) =	ssettag $0x2  }
0x140: {  	s0 =	rddreg [dreg:$0x0];
	s2 =	stileid.u32  }
0x141: {  	s1 =	rddreg [dreg:$0x1];
	p0 =	sne.s32 s2, $0x0  }
0x142: {  	s3 =	rddreg [dreg:$0x2];
	[bflag:$0x3] =	sbarrier.arrive $0xFFFF;
	s2 =	simm.s32 @!p0 $0x1C01  }
0x143: {  	[timem:s3], [sflag:s2] =	dma.local @!p0 [hbm:s0], s1  }
0x144: {  	s0 =	simm.s32 @!p0 $0x1  }
0x145: {  	_ =	swait.ge @!p0 [sflag:s0], s1  }
0x146: {  	s1 =	ssub.s32 @!p0 $0x0, s1;
	[sflag:s0] =	ssyncset.done @!p0 $0x0  }
0x147: {  	[sflag:s0] =	ssyncadd.s32 @!p0 s1  }
0x148: {  	[bflag:$0x3] =	sbarrier.arrive $0xFFFF  }
0x149: {  	_ =	shalt  }

// kernel: scatter_offload_async_start
scs
__scs_entry_jumppad:
0x0: {  	(pc) =	sbr.rel $0x88, $3  }
0x1: {  	(tag) =	ssettag $0x0;
	lr =	simm.s32 $0x1  }
0x2: {  	[smem:$0x3F96] =	sst lr;
	_ =	strace $0xD0000000  }
0x3: {  	_ = 	snop  }
0x4: {  	_ = 	snop  }
0x5: {  	_ = 	snop  }
0x6: {  	_ = 	snop  }
0x7: {  	_ = 	snop  }
__scs_overlays_trampoline_lowered:
0x8: {  	[smem:$0x3FA5] =	sst s0  }
0x9: {  	[smem:$0x3FA6] =	sst s1  }
0xa: {  	[smem:$0x3FA7] =	sst s2  }
0xb: {  	[smem:$0x3FA8] =	sst s3  }
0xc: {  	[smem:$0x3FA9] =	sst s4  }
0xd: {  	[smem:$0x3FAA] =	sst s5  }
0xe: {  	[smem:$0x3FAB] =	sst s6  }
0xf: {  	[smem:$0x3FAC] =	sst s7  }
0x10: {  	[smem:$0x3FAD] =	sst s8  }
0x11: {  	[smem:$0x3FAE] =	sst s9;
	s0 =	simm.s32 @!p0 $0x0  }
0x12: {  	s1 =	sld [smem:$0x3F94];
	s0 =	simm.s32 @p0 $0x1  }
0x13: {  	[smem:$0x3FAF] =	sst s0;
	s0 =	simm.s32 @!p1 $0x0  }
0x14: {  	s2 =	sld [smem:$0x3F93];
	s0 =	simm.s32 @p1 $0x1  }
0x15: {  	[smem:$0x3FB0] =	sst s0;
	s0 =	simm.s32 @!p2 $0x0  }
0x16: {  	s3 =	sld [smem:$0x3FDB];
	s0 =	simm.s32 @p2 $0x1  }
0x17: {  	s4 =	simm.s32 $0x1BF5;
	[smem:$0x3FB2] =	sst s0  }
0x18: {  	s0 =	sld [smem:$0x3F95];
	_ =	swait.ge [sflag:s4], $0x0  }
0x19: {  	s7 =	sld [smem:$0x3F96]  }
0x1a: {  	s8 =	sadd.s32 $0xFFFFE003, lr  }
0x1b: {  	s9 =	sadd.s32 $0xFFFFFEF7, lr;
	s5 =	simm.s32 $0xFFFFFFFF;
	p2 =	slt.u32 s8, $0xFFFFF086  }
0x1c: {  	p1 =	slt.u32 s9, $0xF7A;
	s5 =	simm.s32 @!p2 $0x0  }
0x1d: {  	s5 =	simm.s32 @p1 $0x1;
	p0 =	seq.s32 s7, s2  }
0x1e: {  	s7 =	smul.u32 @!p0 $0xF7A, s2;
	p2 =	seq.s32 @!p0 s5, $0x0  }
0x1f: {  	s9 =	smul.u32 $0xF7A, s1;
	s8 =	simm.s32 @!p0 $0x1BF5;
	p2 =	por !p2, p0  }
0x20: {  	[sflag:s8] =	ssyncset.s32 @!p0 $0xFFFFF086;
	s6 =	sadd.s32 @!p0 s3, s7;
	s7 =	simm.s32 @!p0 $0x108  }
0x21: {  	s3 =	sadd.s32 s3, s9;
	s6 =	sadd.s32 @!p0 $0x88, s6;
	s7 =	simm.s32 @p2 $0x1082  }
0x22: {  	[simem:s7], [sflag:s8] =	dma.local @!p0 [hbm:s6], $0xF7A  }
0x23: {  	s9 =	sor.u32 $0xD0000000, s2;
	s6 =	simm.s32 $0x108;
	_ =	swait.ge @!p0 [sflag:s8], $0x0  }
0x24: {  	s3 =	sadd.s32 $0x88, s3;
	s6 =	simm.s32 @!p1 $0x1082;
	[sflag:s4] =	ssyncset.s32 $0xFFFFF086  }
0x25: {  	[simem:s6], [sflag:s4] =	dma.local [hbm:s3], $0xF7A  }
0x26: {  	[smem:$0x3F96] =	sst s1;
	(tag) =	ssettag s2;
	_ =	strace s9  }
0x27: {  	s1 =	sld [smem:$0x3FA6]  }
0x28: {  	s2 =	sld [smem:$0x3FA7]  }
0x29: {  	s4 =	sld [smem:$0x3FA9]  }
0x2a: {  	p0 =	seq.s32 s5, $0x0;
	s5 =	sld [smem:$0x3FAA]  }
0x2b: {  	s6 =	sld [smem:$0x3FAB]  }
0x2c: {  	s7 =	sld [smem:$0x3FAC]  }
0x2d: {  	s3 =	simm.s32 $0x108;
	s8 =	sld [smem:$0x3FAD]  }
0x2e: {  	s3 =	simm.s32 @!p0 $0x1082;
	s9 =	sld [smem:$0x3FAE]  }
0x2f: {  	lr =	sadd.s32 s0, s3;
	s0 =	sld [smem:$0x3FA5]  }
0x30: {  	s3 =	sld [smem:$0x3FA8]  }
0x31: {  	[smem:$0x3FB1] =	sst s10  }
0x32: {  	s10 =	sld [smem:$0x3FAF];
	_ =	sdelay $0x3  }
0x33: {  	p0 =	seq.s32 s10, $0x1;
	s10 =	sld [smem:$0x3FB1];
	_ =	sdelay $0x3  }
0x34: {  	[smem:$0x3FB1] =	sst s10  }
0x35: {  	s10 =	sld [smem:$0x3FB0];
	_ =	sdelay $0x3  }
0x36: {  	p1 =	seq.s32 s10, $0x1;
	s10 =	sld [smem:$0x3FB1];
	_ =	sdelay $0x3  }
0x37: {  	[smem:$0x3FB1] =	sst s10  }
0x38: {  	s10 =	sld [smem:$0x3FB2]  }
0x39: {  	_ = 	snop;
	(pc) =	sbr.ind lr, $3  }
0x3a: {  	_ = 	snop  }
0x3b: {  	_ = 	snop  }
0x3c: {  	p2 =	seq.s32 s10, $0x1;
	s10 =	sld [smem:$0x3FB1]  }
0x3d: {  	_ =	shalt  }
0x3e: {  	_ =	shalt  }
0x3f: {  	_ =	shalt  }
0x40: {  	_ =	shalt  }
0x41: {  	_ =	shalt  }
0x42: {  	_ =	shalt  }
0x43: {  	_ =	shalt  }
0x44: {  	_ =	shalt  }
0x45: {  	_ =	shalt  }
0x46: {  	_ =	shalt  }
0x47: {  	_ =	shalt  }
0x48: {  	_ =	shalt  }
0x49: {  	_ =	shalt  }
0x4a: {  	_ =	shalt  }
0x4b: {  	_ =	shalt  }
0x4c: {  	_ =	shalt  }
0x4d: {  	_ =	shalt  }
0x4e: {  	_ =	shalt  }
0x4f: {  	_ =	shalt  }
0x50: {  	_ =	shalt  }
0x51: {  	_ =	shalt  }
0x52: {  	_ =	shalt  }
0x53: {  	_ =	shalt  }
0x54: {  	_ =	shalt  }
0x55: {  	_ =	shalt  }
0x56: {  	_ =	shalt  }
0x57: {  	_ =	shalt  }
0x58: {  	_ =	shalt  }
0x59: {  	_ =	shalt  }
0x5a: {  	_ =	shalt  }
0x5b: {  	_ =	shalt  }
0x5c: {  	_ =	shalt  }
0x5d: {  	_ =	shalt  }
0x5e: {  	_ =	shalt  }
0x5f: {  	_ =	shalt  }
0x60: {  	_ =	shalt  }
0x61: {  	_ =	shalt  }
0x62: {  	_ =	shalt  }
0x63: {  	_ =	shalt  }
0x64: {  	_ =	shalt  }
0x65: {  	_ =	shalt  }
0x66: {  	_ =	shalt  }
0x67: {  	_ =	shalt  }
0x68: {  	_ =	shalt  }
0x69: {  	_ =	shalt  }
0x6a: {  	_ =	shalt  }
0x6b: {  	_ =	shalt  }
0x6c: {  	_ =	shalt  }
0x6d: {  	_ =	shalt  }
0x6e: {  	_ =	shalt  }
0x6f: {  	_ =	shalt  }
0x70: {  	_ =	shalt  }
0x71: {  	_ =	shalt  }
0x72: {  	_ =	shalt  }
0x73: {  	_ =	shalt  }
0x74: {  	_ =	shalt  }
0x75: {  	_ =	shalt  }
0x76: {  	_ =	shalt  }
0x77: {  	_ =	shalt  }
0x78: {  	_ =	shalt  }
0x79: {  	_ =	shalt  }
0x7a: {  	_ =	shalt  }
0x7b: {  	_ =	shalt  }
0x7c: {  	_ =	shalt  }
0x7d: {  	_ =	shalt  }
0x7e: {  	_ =	shalt  }
0x7f: {  	_ =	shalt  }
0x80: {  	_ =	shalt  }
0x81: {  	_ =	shalt  }
0x82: {  	_ =	shalt  }
0x83: {  	_ =	shalt  }
0x84: {  	_ =	shalt  }
0x85: {  	_ =	shalt  }
0x86: {  	_ =	shalt  }
0x87: {  	_ =	shalt  }
.Lfunc_end0:
.L_simem_size_0:
called_computation_lowered:
.L_overlay_start_0:
0x88: {  	s0 =	sld [smem:$0x3FD9]  }
0x89: {  	s1 =	sld [smem:$0x3FFE];
	_ =	sdelay $0x3  }
0x8a: {  	s0 =	sadd.s32 s1, s0  }
0x8b: {  	[smem:$0x3FBD] =	sst s0  }
0x8c: {  	_ = 	snop  }
0x8d: {  	(tm) =	ssettm $0x1  }
0x8e: {  	s15 =	sld [smem:$0x3FFB];
	_ =	sdelay $0x3  }
0x8f: {  	_ =	strace s15  }
0x90: {  	s0 =	sld [smem:$0x3FFC];
	_ =	sdelay $0x3  }
0x91: {  	_ =	strace s0  }
0x92: {  	s0 =	sld [smem:$0x3FFD];
	_ =	sdelay $0x3  }
0x93: {  	_ =	strace s0  }
0x94: {  	_ =	strace $0x8FFFFFFF  }
0x95: {  	s16 =	sld [smem:$0x3FDB];
	_ =	sdelay $0x1  }
0x96: {  	s17 =	simm.s32 $_scs_section_size  }
0x97: {  	s2 =	simm.s32 $_size__tile_overlayer_lowered;
	s3 =	simm.s32 $_tile_overlayer_lowered  }
0x98: {  	s20 =	simm.s32 $0x1BFF;
	s19 =	sshll.u32 s3, $0x1;
	s0 =	sadd.s32 s17, s16  }
0x99: {  	s4 =	simm.s32 $0x0;
	s18 =	sshll.u32 s2, $0x1;
	s2 =	sadd.s32 s19, s0  }
0x9a: {  	[timem:s4], [sflag:s20] =	dma.local [hbm:s2], s18  }
0x9b: {  	_ =	swait.ge [sflag:s20], s18  }
0x9c: {  	s1 =	ssub.s32 $0x0, s18;
	[sflag:s20] =	ssyncset.done $0x0  }
0x9d: {  	[sflag:s20] =	ssyncadd.s32 s1;
	_ =	sdelay $0x1  }
0x9e: {  	s21 =	simm.s32 $0x1B8B  }
0x9f: {  	_ =	swait.ge [sflag:s21], $0x1  }
0xa0: {  	[sflag:s21] =	ssyncset.done $0x0  }
0xa1: {  	s23 =	simm.s32 $0x1B8E;
	s22 =	sld [smem:$0x3FFE];
	[sflag:s21] =	ssyncadd.s32 $0xFFFFFFFF  }
0xa2: {  	s24 =	simm.s32 $execute0_lowered;
	[smem:$0x3FD2] =	sst s23  }
0xa3: {  	s2 =	sshll.u32 s24, $0x1;
	_ =	strace $0x80000046;
	[dreg:$0x1] =	wrdreg $0xFFFFFFFF  }
0xa4: {  	s25 =	simm.s32 $_size_execute0_lowered;
	s0 =	sadd.s32 s0, s2;
	[dreg:$0x0] =	wrdreg $0x0  }
0xa5: {  	s2 =	sshll.u32 s25, $0x1;
	[dreg:$0x2] =	wrdreg s0  }
0xa6: {  	[dreg:$0x3] =	wrdreg s2  }
0xa7: {  	[dreg:$0x4] =	wrdreg $0xC0  }
0xa8: {  	_ =	task [dreg:s4], $0x5FFFF  }
0xa9: {  	[dreg:$0x1] =	wrdreg $0xFFFFFFFF  }
0xaa: {  	[dreg:$0x0] =	wrdreg $0x60  }
0xab: {  	[dreg:$0x2] =	wrdreg s22  }
0xac: {  	[dreg:$0x3] =	wrdreg $0x9  }
0xad: {  	_ =	task.clear_ibuf [dreg:s4], $0x4FFFF;
	_ =	strace $0x90000046  }
0xae: {  	s26 =	simm.s32 $0x9;
	_ =	strace $0x80000048  }
0xaf: {  	_ =	swait.ge [sflag:s26], $0x1  }
0xb0: {  	[sflag:s26] =	ssyncadd.s32 $0xFFFFFFFF  }
0xb1: {  	_ =	strace $0x90000048  }
0xb2: {  	_ =	sfence  }
0xb3: {  	s28 =	sld [smem:$0x0];
	_ =	sdelay $0x1  }
0xb4: {  	s29 =	srdreg.scid  }
0xb5: {  	s30 =	sshll.u32 s29, $0xD;
	s31 =	sshrl.u32 s29, $0x2  }
0xb6: {  	s1 =	sand.u32 $0x1, s29;
	s2 =	sand.u32 $0x4000, s30;
	s0 =	sadd.s32 s31, s28  }
0xb7: {  	s1 =	sor.u32 s2, s1;
	s0 =	sshll.u32 s0, $0x11  }
0xb8: {  	s0 =	sor.u32 s0, s1  }
0xb9: {  	s0 =	sadd.s32 $0x8F2B, s0  }
0xba: {  	[sflag:s0] =	ssyncadd.remote.s32 $0x1  }
0xbb: {  	_ =	sfence.sel $0xFFFF  }
0xbc: {  	[dreg:$0x0] =	wrdreg $0xFFFFFFFF;
	(pc) =	sbr.abs _section_cstart, $3  }
0xbd: {  	[dreg:$0x1] =	wrdreg $0xFFFFFFFF  }
0xbe: {  	_ =	task.clear_ibuf [dreg:s4], $0x2FFFF;
	_ =	strace $0x9FFFFFFF  }
0xbf: {  	(tm) =	ssettm $0x7FFFFFFF  }
tec
execute0_lowered:
.L_overlay_start_1:
0x0: {  	(tag) =	ssettag $0x1  }
0x1: {  	s0 =	rddreg [dreg:$0x0]  }
0x2: {  	s6 =	stileid.u32;
	_ =	strace $0x80000047;
	s2 =	simm.s32 $0x1  }
0x3: {  	v1 =	vimm.s32 $0xFFFFFFFF;
	s1 =	smin.u32 s6, $0x9;
	[sflag:s2] =	ssyncpa.u1 $0x0  }
0x4: {  	s1 =	sadd.s32 s6, s1;
	[tilespmem:$0x10] =	vst v1  }
0x5: {  	v0 =	vimm.f32 $0.0e+00;
	p0 =	slt.u32 s6, $0x9;
	[tilespmem:$0x20] =	vst v1;
	s3 =	smul.u32 $0x1A90, s1;
	s1 =	simm.s32 $0x3520  }
0x6: {  	[tilespmem:$0x30] =	vst v0;
	s1 =	simm.s32 @!p0 $0x1A90  }
0x7: {  	[tilespmem:$0x40] =	vst v0;
	s1 =	sadd.s32 s1, s3  }
0x8: {  	[tilespmem:$0x50] =	vst v0;
	s4 =	smin.u32 s1, $0x29810  }
0x9: {  	s7 =	simm.s32 $0x2;
	[tilespmem:$0x60] =	vst v1;
	s9 =	ssub.s32 s4, s3  }
0xa: {  	s8 =	simm.s32 $0x8;
	s31 =	simm.s32 $0x9;
	[tilespmem:$0x70] =	vst v1;
	p0 =	sgt.s32 s9, $0x0  }
0xb: {  	s16 =	simm.s32 $0x0;
	s17 =	simm.s32 $0xF0;
	[tilespmem:$0x80] =	vst v1;
	s9 =	simm.s32 @!p0 $0x0  }
0xc: {  	s18 =	simm.s32 $0xFFFFFFFF;
	s19 =	simm.s32 $0xFFFFCBE0;
	v1 =	vimm.s32 $0x0;
	[tilespmem:$0xB0] =	vst v0;
	s5 =	smulhi.u32 $0x134679AD, s9  }
0xd: {  	s20 =	simm.s32 $0xFFFFFFFE;
	s21 =	simm.s32 $0xF;
	s25 =	simm.s32 $0x0;
	[tilespmem:$0x90] =	vst v1  }
0xe: {  	[tilespmem:$0xA0] =	vst v1;
	[sflag:s7] =	ssyncpa.u1 $0x0;
	s7 =	simm.s32 $0x7;
	s10 =	sshrl.u32 s5, $0x9  }
0xf: {  	s24 =	simm.s32 $0x0;
	[sflag:s7] =	ssyncpa.u1 $0x0;
	s11 =	smul.u32 $0x1A90, s10  }
0x10: {  	s14 =	sshllo.u32 s6, $0x1;
	[sflag:s8] =	ssyncpa.u1 $0x0;
	s23 =	smov.u32 s3  }
.Ltmp0:
0x11: {  	s1 =	sadd.s32 $0xB000, s0;
	p0 =	sne.s32 s9, s11;
	(pc) =	sbr.rel .LBB2_1-.Ltmp0, $4  }
0x12: {  	s5 =	sadd.s32 $0x800, s0;
	s0 =	sadd.s32 $0x5C00, s0;
	s2 =	simm.s32 @!p0 $0x0  }
0x13: {  	[sflag:s31] =	ssyncpa.u1 $0x0;
	[dreg:$0x2] =	wrdreg s0;
	s9 =	sadd.s32 s2, s10  }
0x14: {  	vm0 =	vmmov $0xffff;
	v2 =	vlaneseq.u32;
	p0 =	por $0x0, $0x0;
	s10 =	sshll.u32 s6, $0x1;
	s11 =	sadd.s32 $0x1, s9  }
0x15: {  	vm1 =	vmxor vm1, vm1;
	vm2 =	vmmov $0x1;
	vm3 =	vcmask $0x3F3C;
	s12 =	sadd.s32 $0x2, s9;
	s13 =	sor.u32 $0x81, s10;
	s15 =	sor.u32 $0x80, s10  }
.LBB2_9:
0x16: {  	p1 =	slt.u32 s24, $0x3  }
0x17: {  	s0 =	simm.s32 @!p1 $0x2  }
0x18: {  	_ =	swait.ge @!p1 [sflag:s0], $0x1A90  }
0x19: {  	[sflag:s0] =	ssyncset.done @!p1 $0x0  }
0x1a: {  	[sflag:s0] =	ssyncadd.s32 @!p1 $0xFFFFE570;
	s0 =	simm.s32 @!p1 $0x9  }
0x1b: {  	_ =	swait.ge @!p1 [sflag:s0], $0x10  }
0x1c: {  	[sflag:s0] =	ssyncset.done @!p1 $0x0  }
0x1d: {  	[sflag:s0] =	ssyncadd.s32 @!p1 $0xFFFFFFF0;
	p1 =	sne.s32 s24, s12  }
.Ltmp1:
0x1e: {  	s2 =	sadd.s32 $0x1A90, s23;
	(pc) =	sbr.rel @!p1 .LBB2_10-.Ltmp1, $4  }
0x1f: {  	s6 =	smov.u32 s3;
	s31 =	sadd.s32 $0x1, s24;
	s17 =	sadd.s32 $0x1A90, s17  }
0x20: {  	s18 =	sadd.s32 $0x1, s18;
	s25 =	smov.u32 s23;
	p2 =	slt.s32 s2, s4  }
0x21: {  	p0 =	por !p0, !p0;
	s19 =	sadd.s32 $0x1A90, s19;
	s6 =	smov.u32 @p2 s2  }
0x22: {  	s20 =	sadd.s32 $0x1, s20;
	s23 =	smov.u32 s6;
	s24 =	smov.u32 s31  }
.LBB2_1:
0x23: {  	p1 =	sge.u32 s24, s9  }
0x24: {  	s0 =	smulhi.u32 @!p1 $0xAAAAAAAB, s24;
	_ =	sdelay $0x1  }
0x25: {  	s0 =	sshrl.u32 @!p1 s0, $0x1  }
0x26: {  	s0 =	smul.u32 @!p1 $0x3, s0;
	_ =	sdelay $0x1  }
0x27: {  	s0 =	ssub.s32 @!p1 s24, s0  }
0x28: {  	s0 =	smul.u32 @!p1 $0x6A40, s0;
	_ =	sdelay $0x1  }
0x29: {  	s2 =	sshrl.u32 @!p1 s23, $0x3;
	s0 =	sshrl.u32 @!p1 s0, $0x2  }
0x2a: {  	s22 =	sand.u32 @!p1 $0x7, s23;
	s2 =	sadd.s32 @!p1 s5, s2;
	s0 =	sadd.s32 @!p1 $0x100, s0  }
0x2b: {  	[tilespmem:s0], [sflag:$0x7] =	stream.linear.gather @!p1 [hbm4b:s2+s22], $0x1A90, $0x38;
	[tilespmem:$0xF030] =	vst v63  }
0x2c: {  	s0 =	sadd.s32 $0xFFFFFFFF, s24  }
0x2d: {  	p1 =	sge.u32 s0, s9  }
.Ltmp2:
0x2e: {  	_ = 	snop;
	(pc) =	sbr.rel @p1 .LBB2_5-.Ltmp2, $1  }
0x2f: {  	_ =	sdelay $0x3  }
0x30: {  	s2 =	smulhi.u32 $0xAAAAAAAB, s0;
	_ =	sdelay $0x1  }
0x31: {  	s2 =	sshrl.u32 s2, $0x1  }
0x32: {  	s2 =	smul.u32 $0x3, s2;
	_ =	sdelay $0x1  }
0x33: {  	s2 =	ssub.s32 s0, s2  }
0x34: {  	s2 =	smul.u32 $0x6A40, s2  }
0x35: {  	_ =	swait.ge [sflag:s7], $0x1A90  }
0x36: {  	[sflag:s7] =	ssyncset.done $0x0;
	s2 =	sshrl.u32 s2, $0x2  }
0x37: {  	[sflag:s7] =	ssyncadd.s32 $0xFFFFE570;
	(ifvalue) =	ssetifvalue $0xFFFFFFFF;
	v3 =	vld.msk [tilespmem:s2+$0x100 ss:$0x1], $0xffff;
	_ =	sdelay $0x2  }
0x38: {  	s30 =	smulhi.u32 $0xAAAAAAAB, s18;
	p1 =	sne.s32 s24, $0x1  }
0x39: {  	v4 =	vimm.s32 @!p1 $0x0  }
0x3a: {  	s2 =	sshrl.u32 s30, $0x1;
	v4 =	vperm.xlane @!p1 v3, v4  }
0x3b: {  	s22 =	sshll.u32 s24, $0x4;
	s2 =	smul.u32 $0xFFFEC140, s2;
	vm4 =	vlt.u32 v3, $0x2800  }
0x3c: {  	s22 =	sand.u32 $0x10, s22;
	v3 =	vnsel vm4, $0xFFFFFFFE, v3;
	vm4 =	vlt.u32 @!p1 v4, $0x2800  }
0x3d: {  	s2 =	sshra.s32 s2, $0x2;
	[tilespmem:s22+$0x60] =	vst v3;
	v3 =	vnsel @!p1 vm4, $0xFFFFFFFE, v4  }
0x3e: {  	s28 =	sadd.s32 s2, s17;
	[tilespmem:$0x80] =	vst @!p1 v3  }
0x3f: {  	v3 =	vld.msk [tilespmem:s28+$0x0 ss:$0x1], $0xffff;
	_ =	sdelay $0x4  }
0x40: {  	(xrf1) =	vunique.msk.u32 $0xffff, v3;
	_ =	sdelay $0xd  }
0x41: {  	v4 =	vimm.s32 $0xFFFFFFFF;
	v5, _, _ =	vpop (xrf1)  }
0x42: {  	vm5 =	vne.s32 v3, v4;
	vm4 =	veq.s32 v5, v2  }
0x43: {  	vm6 =	vlt.u32 v3, $0x2800;
	vm4 =	vmand vm5, vm4  }
0x44: {  	vm4 =	vmand vm6, vm4  }
0x45: {  	v4 =	vnsel vm4, $0xFFFFFFFF, v3  }
0x46: {  	s31 =	sand.u32 $0x1, s0  }
0x47: {  	s0 =	simm.s32 $0x1A90;
	p1 =	seq.s32 s31, $0x1  }
0x48: {  	s0 =	simm.s32 @!p1 $0x0  }
0x49: {  	s26 =	sadd.s32 $0x6B30, s0;
	(ifvalue) =	ssetifvalue $0xFFFFFFFF  }
0x4a: {  	v3 =	vperm.xlane v3, v1;
	[tilespmem:s26], [sflag:$0x8] =	stream.indirect_vreg.gather [hbm4b:s1+s16], $0x1, v4, vm0, $0x4038;
	v4 =	vnsel vm6, $0xFFFFFFFE, v4;
	[tilespmem:$0xF030] =	vst v63  }
0x4b: {  	s2 =	simm.s32 $0x0;
	s22 =	sadd.s32 $0xFFFFFFF0, s28;
	[tilespmem:s28+$0x0] =	vst v4  }
.LBB2_3:
0x4c: {  	v4 =	vld.msk [tilespmem:s22+$0x0 ss:$0x1], $0xffff;
	s2 =	sadd.s32 $0x10, s2;
	v5 =	vmov v3;
	s28 =	smov.u32 s22  }
0x4d: {  	p1 =	slt.u32 s2, $0x1A80;
	_ =	sdelay $0x4  }
0x4e: {  	v3 =	vperm.xlane v4, v1;
	(xrf1) =	vunique.msk.u32 $0xffff, v4;
	_ =	sdelay $0xd  }
0x4f: {  	v6, _, _ =	vpop (xrf1)  }
0x50: {  	vm5 =	vne.s32 v4, v5;
	vm4 =	veq.s32 v6, v2  }
0x51: {  	vm6 =	vlt.u32 v4, $0x2800;
	vm4 =	vmand vm5, vm4  }
0x52: {  	vm4 =	vmand vm6, vm4  }
0x53: {  	v4 =	vnsel vm4, $0xFFFFFFFF, v4  }
.Ltmp3:
0x54: {  	v5 =	vnsel vm6, $0xFFFFFFFE, v4;
	(pc) =	sbr.rel @p1 .LBB2_3-.Ltmp3, $3  }
0x55: {  	_ =	sdelay $0x1  }
0x56: {  	s22 =	sadd.s32 $0xFFFFFFF0, s22;
	s26 =	sadd.s32 $0xFFFFFFF0, s26;
	(ifvalue) =	ssetifvalue $0xFFFFFFFF  }
0x57: {  	[tilespmem:s26], [sflag:$0x8] =	stream.indirect_vreg.gather [hbm4b:s1+s16], $0x1, v4, vm0, $0x4038;
	[tilespmem:s28+$0x0] =	vst v5  }
0x58: {  	s2 =	sshrl.u32 s25, $0x3;
	s6 =	rddreg [dreg:$0x2]  }
0x59: {  	s0 =	sadd.s32 $0x85D0, s0;
	s2 =	sadd.s32 s6, s2  }
0x5a: {  	[tilespmem:s0], [sflag:$0x8] =	stream.linear.gather [hbm:s2], $0x1A90, $0x38;
	[tilespmem:$0xF030] =	vst v63  }
.LBB2_5:
0x5b: {  	p1 =	slt.u32 s24, $0x2  }
0x5c: {  	p2 =	sge.u32 @!p1 s24, s12  }
0x5d: {  	p1 =	por p1, p2  }
.Ltmp4:
0x5e: {  	_ = 	snop;
	(pc) =	sbr.rel @p1 .LBB2_9-.Ltmp4, $1  }
0x5f: {  	_ =	sdelay $0x3  }
0x60: {  	s0 =	sadd.s32 $0xFFFFFFFE, s24  }
0x61: {  	s2 =	smulhi.u32 $0xAAAAAAAB, s0;
	_ =	sdelay $0x1  }
0x62: {  	s2 =	sshrl.u32 s2, $0x1  }
0x63: {  	s2 =	smul.u32 $0x3, s2;
	_ =	sdelay $0x1  }
0x64: {  	s0 =	ssub.s32 s0, s2  }
0x65: {  	_ =	swait.ge [sflag:s8], $0x3520;
	s0 =	smul.u32 $0x1A90, s0  }
0x66: {  	p1 =	sne.s32 s24, s11;
	[sflag:s8] =	ssyncset.done $0x0  }
0x67: {  	[sflag:s8] =	ssyncadd.s32 $0xFFFFCAE0;
	s2 =	sadd.s32 @!p1 $0x1B8F, s0  }
0x68: {  	[spmem:s13] =	stream.linear.scatter @!p1 [tilespmem:s2], [sflag:$0x1], $0x1, $0x38;
	[tilespmem:$0xF030] =	vst v63  }
0x69: {  	s2 =	simm.s32 @!p1 $0x1  }
0x6a: {  	_ =	swait.ge @!p1 [sflag:s2], $0x1  }
0x6b: {  	s22 =	sshll.u32 s24, $0x4;
	[sflag:s2] =	ssyncset.done @!p1 $0x0  }
0x6c: {  	s25 =	sand.u32 $0x10, s22;
	[sflag:s2] =	ssyncadd.s32 @!p1 $0xFFFFFFFF  }
0x6d: {  	s2 =	sxor.u32 $0x10, s25;
	v4 =	vld [tilespmem:s25+$0x10]  }
0x6e: {  	v5 =	vld [tilespmem:s2+$0x60]  }
0x6f: {  	v3 =	vld [tilespmem:$0x80];
	_ =	sdelay $0x2  }
0x70: {  	(v2sf) =	vpush v4, $0x0  }
0x71: {  	(v2sf) =	vpush v5, $0x0  }
0x72: {  	(v2sf) =	vpush v3, $0x0;
	_ =	sdelay $0xc  }
0x73: {  	s6 =	spop (v2sf)  }
0x74: {  	s28 =	spop (v2sf)  }
0x75: {  	s26 =	spop (v2sf)  }
0x76: {  	p2 =	seq.s32 s6, s28;
	p3 =	seq.s32 s26, s6  }
0x77: {  	p3 =	por p2, p3  }
0x78: {  	s6 =	sand.u32 $0x1, s24;
	v4 =	vpsel p3, $0xFFFFFFFF, v4  }
0x79: {  	s28 =	smul.u32 $0x1A90, s6;
	[tilespmem:s25+$0x10] =	vst.msk $0x1, v4  }
0x7a: {  	v4 =	vld [tilespmem:$0x30]  }
0x7b: {  	v5 =	vld [tilespmem:s28+$0x85D0]  }
0x7c: {  	v6 =	vld [tilespmem:s25+$0x40];
	_ =	sdelay $0x3  }
0x7d: {  	vm4 =	vmmov vm1;
	v5 =	vadd.f32 v5, v4  }
0x7e: {  	vm5 =	vmmov vm2;
	vm4 =	vmmov @p2 vm2;
	v4 =	vadd.f32 v6, v4  }
0x7f: {  	s22 =	sshll.u32 s6, $0x4;
	vm5 =	vmmov @p3 vm1;
	[tilespmem:s28+$0x85D0] =	vst.msk vm4, v5  }
0x80: {  	[tilespmem:s22+$0xF010] =	vst.msk vm5, v4  }
0x81: {  	v4 =	vld [tilespmem:s28+$0x6B30];
	_ =	sdelay $0x3  }
0x82: {  	v5 =	vimm.f32 $0.0e+00  }
0x83: {  	v4 =	vshift.insert v4, v5, s21  }
0x84: {  	s29 =	sor.u32 $0x40, s2  }
0x85: {  	[tilespmem:s29+$0x0] =	vst.msk $0x1, v4  }
0x86: {  	[tilespmem:s28+$0x6B3F] =	vst.msk $0x1, v5  }
0x87: {  	v4 =	vld [tilespmem:s0+$0x1B80];
	_ =	sdelay $0x1  }
0x88: {  	s29 =	smulhi.u32 $0xAAAAAAAB, s20;
	s0 =	simm.s32 $0x1  }
0x89: {  	s0 =	simm.s32 @!p0 $0x0  }
0x8a: {  	s29 =	sshrl.u32 s29, $0x1;
	s0 =	smul.u32 $0x6A40, s0  }
0x8b: {  	s29 =	smul.u32 $0xFFFEC140, s29;
	v4 =	vshift.insert v4, v1, s21  }
0x8c: {  	s0 =	sshrl.u32 s0, $0x2  }
0x8d: {  	s29 =	sshra.s32 s29, $0x2;
	s30 =	sadd.s32 $0x85D0, s0;
	[tilespmem:s2+$0x10] =	vst.msk $0x1, v4  }
0x8e: {  	s6 =	sadd.s32 s29, s19;
	v6 =	vld [tilespmem:s30+$0x0]  }
0x8f: {  	v7 =	vld [tilespmem:s6+$0x0];
	_ =	sdelay $0x3  }
0x90: {  	v5 =	vadd.f32 v6, v5  }
0x91: {  	vm4 =	vne.s32 v7, $0xFFFFFFFF  }
0x92: {  	(xrf2) =	vadd.seg.scan.f32 vm4, v5;
	_ =	sdelay $0x3  }
0x93: {  	s31 =	sadd.s32 $0x50B0, s0;
	v5 =	vperm.xlane v4, v1  }
0x94: {  	v6 =	vld [tilespmem:s31+$0x0]  }
0x95: {  	vm5 =	veq.s32 v7, v3;
	vm6 =	veq.s32 v7, v5  }
0x96: {  	vm7 =	vgt.u32 v7, $0xFFFFFFFD;
	vm6 =	vmor vm6, vm5  }
0x97: {  	vm6 =	vmor vm6, vm7  }
0x98: {  	v9 =	vld [tilespmem:$0xA0];
	v7 =	vsel vm6, $0xFFFFFFFF, v7  }
0x99: {  	v10 =	vld [tilespmem:$0x90];
	v6 =	vsel vm5, $0x0, v6;
	v8, _, _ =	vpop (xrf2)  }
0x9a: {  	v6 =	vadd.f32 v8, v6  }
0x9b: {  	s0 =	sadd.s32 $0xBAF0, s0  }
0x9c: {  	vm4 =	vmand vm4, vm3;
	[tilespmem:s0+$0x0] =	vst v6;
	(ifvalue) =	ssetifvalue $0xFFFFFFFF  }
0x9d: {  	vm6 =	veq.s32 v9, $0x1;
	[hbm4b:s1+s16] =	stream.indirect_vreg.scatter [tilespmem:s0], [sflag:$0x2], $0x1, v7, vm0, $0x4038;
	v7 =	vsel vm4, $0x0, v8;
	[tilespmem:$0xF030] =	vst v63  }
0x9e: {  	s29 =	sadd.s32 $0xF010, s22;
	s22 =	sadd.s32 $0x10, s6;
	s2 =	simm.s32 $0x0;
	vm4 =	vmor vm6, vm5;
	v6 =	vsel vm5, v8, v10;
	v7 =	vshift.insert v7, v0, s21  }
.LBB2_7:
0x9f: {  	v8 =	vld [tilespmem:s22+$0x0];
	s30 =	sadd.s32 $0x10, s30  }
0xa0: {  	s31 =	sadd.s32 $0x10, s31;
	v9 =	vld [tilespmem:s30+$0x0]  }
0xa1: {  	s2 =	sadd.s32 $0x10, s2;
	v10 =	vld [tilespmem:s31+$0x0]  }
0xa2: {  	p2 =	slt.u32 s2, $0x1A80;
	_ =	sdelay $0x2  }
0xa3: {  	v7 =	vadd.f32 v9, v7  }
0xa4: {  	vm5 =	vne.s32 v8, $0xFFFFFFFF  }
0xa5: {  	vm6 =	vmand vm5, vm3;
	(xrf2) =	vadd.seg.scan.f32 vm5, v7;
	_ =	sdelay $0x5  }
0xa6: {  	vm7 =	veq.s32 v8, v5;
	vm5 =	veq.s32 v8, v3  }
0xa7: {  	vm8 =	vgt.u32 v8, $0xFFFFFFFD;
	vm4 =	vmor vm4, vm5;
	vm7 =	vmor vm7, vm5  }
0xa8: {  	vm7 =	vmor vm7, vm8  }
0xa9: {  	v8 =	vsel vm7, $0xFFFFFFFF, v8  }
.Ltmp5:
0xaa: {  	v7 =	vsel vm5, $0x0, v10;
	v9, _, _ =	vpop (xrf2);
	(pc) =	sbr.rel @p2 .LBB2_7-.Ltmp5, $4  }
0xab: {  	v6 =	vsel vm5, v9, v6;
	v10 =	vadd.f32 v9, v7;
	v7 =	vsel vm6, $0x0, v9  }
0xac: {  	s0 =	sadd.s32 $0x10, s0;
	v7 =	vshift.insert v7, v0, s21  }
0xad: {  	s22 =	sadd.s32 $0x10, s22;
	[tilespmem:s0+$0x0] =	vst v10;
	(ifvalue) =	ssetifvalue $0xFFFFFFFF  }
0xae: {  	[hbm4b:s1+s16] =	stream.indirect_vreg.scatter [tilespmem:s0], [sflag:$0x2], $0x1, v8, vm0, $0x4038;
	[tilespmem:$0xF030] =	vst v63  }
0xaf: {  	v3 =	vld [tilespmem:s28+$0xD570];
	_ =	sdelay $0x4  }
0xb0: {  	v3 =	vshift.insert v3, v0, s21  }
0xb1: {  	s0 =	simm.s32 $0x30  }
0xb2: {  	[tilespmem:s0+$0x0] =	vst.msk $0x1, v3  }
0xb3: {  	v3 =	vsel vm4, $0x1, v1;
	[tilespmem:$0x90] =	vst v6  }
0xb4: {  	s0 =	sadd.s32 @!p1 $0xD57F, s28;
	[tilespmem:$0xA0] =	vst v3  }
0xb5: {  	[spmem:s14] =	stream.linear.scatter @!p1 [tilespmem:s0], [sflag:$0x1], $0x1, $0x38;
	[tilespmem:$0xF030] =	vst v63  }
0xb6: {  	s0 =	simm.s32 @!p1 $0x1  }
0xb7: {  	v3 =	vmctz.xlane @!p1 vm4;
	_ =	swait.ge @!p1 [sflag:s0], $0x1  }
0xb8: {  	(v2sf) =	vpush @!p1 v4, $0x0  }
0xb9: {  	(v2sf) =	vpush @!p1 v3, $0x0;
	_ =	sdelay $0xd  }
0xba: {  	s2 =	spop @!p1 (v2sf)  }
0xbb: {  	s6 =	spop @!p1 (v2sf)  }
0xbc: {  	p2 =	sne.s32 @!p1 s26, s2;
	p3 =	slt.s32 @!p1 s6, $0xF  }
0xbd: {  	[sflag:s0] =	ssyncset.done @!p1 $0x0;
	p2 =	por p2, p1;
	p3 =	por !p3, p1  }
0xbe: {  	[sflag:s0] =	ssyncadd.s32 @!p1 $0xFFFFFFFF;
	v3 =	vimm.s32 @!p2 $0xFFFFFFFF;
	s6 =	simm.s32 @p3 $0xF  }
0xbf: {  	[tilespmem:$0x80] =	vst @!p2 v3;
	s2 =	sadd.s32 @!p1 $0x90, s6  }
0xc0: {  	[spmem:s10] =	stream.linear.scatter @!p1 [tilespmem:s2], [sflag:$0x1], $0x1, $0x38;
	[tilespmem:$0xF030] =	vst v63  }
0xc1: {  	_ =	swait.ge @!p1 [sflag:s0], $0x1  }
0xc2: {  	[sflag:s0] =	ssyncset.done @!p1 $0x0  }
0xc3: {  	s2 =	simm.s32 @!p1 $0x80;
	[sflag:s0] =	ssyncadd.s32 @!p1 $0xFFFFFFFF  }
0xc4: {  	[spmem:s15] =	stream.linear.scatter @!p1 [tilespmem:s2], [sflag:$0x1], $0x1, $0x38;
	[tilespmem:$0xF030] =	vst v63  }
0xc5: {  	_ =	swait.ge @!p1 [sflag:s0], $0x1  }
0xc6: {  	[sflag:s0] =	ssyncset.done @!p1 $0x0  }
0xc7: {  	[sflag:s0] =	ssyncadd.s32 @!p1 $0xFFFFFFFF;
	(ifvalue) =	ssetifvalue $0xFFFFFFFF;
	v3 =	vld [tilespmem:s25+$0x10];
	_ =	sdelay $0x3  }
.Ltmp6:
0xc8: {  	_ = 	snop;
	(pc) =	sbr.rel .LBB2_9-.Ltmp6, $3  }
0xc9: {  	_ =	sdelay $0x1  }
0xca: {  	(ifvalue) =	ssetifvalue $0xFFFFFFFF  }
0xcb: {  	[hbm4b:s1+s16] =	stream.indirect_vreg.scatter [tilespmem:s29], [sflag:$0x9], $0x1, v3, vm0, $0x4038;
	[tilespmem:$0xF030] =	vst v63  }
.LBB2_10:
0xcc: {  	_ =	sfence.sel $0x180000  }
0xcd: {  	s0 =	simm.s32 $0x7;
	[bflag:$0x0] =	sbarrier.arrive $0xFFFF  }
0xce: {  	s26 =	simm.s32 $0x8;
	[sflag:s0] =	ssyncpa.u1 $0x1  }
0xcf: {  	s28 =	simm.s32 $0x9;
	[sflag:s26] =	ssyncpa.u1 $0x1  }
0xd0: {  	[sflag:s28] =	ssyncpa.u1 $0x1  }
0xd1: {  	_ =	sfence.stream.spmem  }
0xd2: {  	s29 =	simm.s32 $0x3;
	[bflag:$0x0] =	sbarrier.arrive $0xFFFF  }
0xd3: {  	s30 =	simm.s32 $0x4;
	[sflag:s29] =	ssyncpa.u1 $0x1  }
0xd4: {  	s31 =	simm.s32 $0x3C;
	s2 =	stileid.u32;
	[sflag:s30] =	ssyncpa.u1 $0x1  }
0xd5: {  	p0 =	sne.s32 s2, $0x0;
	[sflag:s31] =	ssyncpa.u1 $0x1  }
0xd6: {  	s0 =	simm.s32 @p0 $0x1;
	_ =	sfence @p0  }
0xd7: {  	[sflag:s0] =	ssyncpa.u1 @p0 $0x1;
	s0 =	simm.s32 @p0 $0x2  }
0xd8: {  	[sflag:s0] =	ssyncpa.u1 @p0 $0x1  }
0xd9: {  	_ =	strace @p0 $0x90000047  }
0xda: {  	[bflag:$0x2] =	sbarrier.arrive @p0 $0xFFFF  }
0xdb: {  	_ =	shalt @p0  }
.LBB2_11:
0xdc: {  	_ =	sfence.stream.spmem;
	s0 =	simm.s32 $0x5  }
0xdd: {  	s2 =	simm.s32 $0x80;
	s3 =	simm.s32 $0xC0;
	[sflag:s0] =	ssyncpa.u1 $0x0  }
0xde: {  	[tilespmem:s3], [sflag:$0x5] =	stream.linear.gather [spmem:s2], $0x20, $0x38;
	[tilespmem:$0xF030] =	vst v63  }
0xdf: {  	s2 =	simm.s32 $0x0;
	s3 =	simm.s32 $0xE0  }
0xe0: {  	[tilespmem:s3], [sflag:$0x5] =	stream.linear.gather [spmem:s2], $0x20, $0x38;
	[tilespmem:$0xF030] =	vst v63  }
.Ltmp7:
0xe1: {  	_ = 	snop;
	(pc) =	sbr.rel .LBB2_12-.Ltmp7, $4  }
0xe2: {  	_ =	swait.ge [sflag:s0], $0x40  }
0xe3: {  	[sflag:s0] =	ssyncset.done $0x0  }
0xe4: {  	s31 =	simm.s32 $0x6;
	[sflag:s0] =	ssyncadd.s32 $0xFFFFFFC0  }
0xe5: {  	s4 =	simm.s32 $0x0;
	[sflag:s31] =	ssyncpa.u1 $0x0  }
.LBB2_17:
0xe6: {  	p0 =	sgt.u32 s5, $0x27FF  }
0xe7: {  	s0 =	sshrl.u32 @!p0 s5, $0x3  }
0xe8: {  	s5 =	sand.u32 @!p0 $0x7, s5;
	s6 =	simm.s32 @!p0 $0xB0;
	s0 =	sadd.s32 @!p0 s1, s0  }
0xe9: {  	[tilespmem:s6], [sflag:$0x6] =	stream.linear.gather @!p0 [hbm4b:s0+s5], $0x1, $0x38;
	[tilespmem:$0xF030] =	vst v63  }
0xea: {  	s0 =	simm.s32 @!p0 $0x6  }
0xeb: {  	_ =	swait.ge @!p0 [sflag:s0], $0x1  }
0xec: {  	[sflag:s0] =	ssyncset.done @!p0 $0x0  }
0xed: {  	[sflag:s0] =	ssyncadd.s32 @!p0 $0xFFFFFFFF  }
0xee: {  	v2 =	vmov @!p0 s4;
	v1 =	vld.msk @!p0 [tilespmem:$0xB0], $0x1;
	_ =	sdelay $0x3  }
0xef: {  	s0 =	simm.s32 @!p0 $0xE0  }
0xf0: {  	[tilespmem:v2+s0+$0x0], v1 =	vst.idx.ret.add.f32.msk @!p0 $0x1, v1  }
0xf1: {  	[tilespmem:s2+$0xC0] =	vst.msk $0x1, v0  }
0xf2: {  	v0 =	vld.msk [tilespmem:s4+$0xE0], $0x1;
	_ =	sdelay $0x4  }
0xf3: {  	[tilespmem:s2+$0xE0] =	vst.msk $0x1, v0;
	s2 =	sadd.s32 $0x1, s2  }
.LBB2_19:
0xf4: {  	s4 =	sadd.s32 $0x1, s4  }
0xf5: {  	p0 =	sne.s32 s4, $0x20  }
.Ltmp8:
0xf6: {  	_ = 	snop;
	(pc) =	sbr.rel @!p0 .LBB2_20-.Ltmp8, $1  }
0xf7: {  	_ =	sdelay $0x3  }
.LBB2_12:
0xf8: {  	v0 =	vld.msk [tilespmem:s4+$0xC0], $0x1;
	_ =	sdelay $0x4  }
0xf9: {  	(v2sf) =	vpush v0, $0x0;
	_ =	sdelay $0xe  }
0xfa: {  	s5 =	spop (v2sf)  }
0xfb: {  	p0 =	seq.s32 s5, $0xFFFFFFFF  }
.Ltmp9:
0xfc: {  	_ = 	snop;
	(pc) =	sbr.rel @p0 .LBB2_19-.Ltmp9, $1  }
0xfd: {  	_ =	sdelay $0x3  }
0xfe: {  	p0 =	slt.s32 s2, $0x1  }
.Ltmp10:
0xff: {  	_ = 	snop;
	(pc) =	sbr.rel @p0 .LBB2_17-.Ltmp10, $1  }
0x100: {  	_ =	sdelay $0x3  }
0x101: {  	s0 =	simm.s32 $0xC0;
	p0 =	por $0x0, $0x0  }
0x102: {  	v1 =	vld.msk @!p0 [tilespmem:s0+$0x0], $0x1;
	_ =	sdelay $0x4  }
0x103: {  	(v2sf) =	vpush @!p0 v1, $0x0;
	_ =	sdelay $0xd  }
0x104: {  	p2 =	sne.s32 s2, $0x1  }
.Ltmp11:
0x105: {  	s6 =	spop @!p0 (v2sf);
	(pc) =	sbr.rel @!p2 .LBB2_16-.Ltmp11, $4  }
0x106: {  	p1 =	seq.s32 @!p0 s5, s6  }
0x107: {  	s6 =	simm.s32 $0x0;
	p1 =	por !p1, p0  }
0x108: {  	s8 =	simm.s32 $0xFFFFFFFF;
	s6 =	simm.s32 @p1 $0xFFFFFFFF  }
0x109: {  	s7 =	simm.s32 $0x1;
	s6 =	smov.u32 @p0 s8  }
.LBB2_15:
0x10a: {  	s8 =	smov.u32 s6;
	p0 =	sne.s32 s6, $0xFFFFFFFF  }
0x10b: {  	s0 =	sadd.s32 $0x1, s0;
	s6 =	smov.u32 s7;
	s7 =	sadd.s32 $0x1, s7  }
0x10c: {  	p1 =	sne.s32 s2, s7;
	v1 =	vld.msk @!p0 [tilespmem:s0+$0x0], $0x1;
	_ =	sdelay $0x4  }
0x10d: {  	(v2sf) =	vpush @!p0 v1, $0x0;
	_ =	sdelay $0xe  }
.Ltmp12:
0x10e: {  	s9 =	spop @!p0 (v2sf);
	(pc) =	sbr.rel @p1 .LBB2_15-.Ltmp12, $4  }
0x10f: {  	p2 =	seq.s32 @!p0 s5, s9  }
0x110: {  	p2 =	por !p2, p0  }
0x111: {  	s6 =	simm.s32 @p2 $0xFFFFFFFF  }
0x112: {  	s6 =	smov.u32 @p0 s8  }
.LBB2_16:
0x113: {  	p0 =	sne.s32 s6, $0xFFFFFFFF  }
.Ltmp13:
0x114: {  	_ = 	snop;
	(pc) =	sbr.rel @!p0 .LBB2_17-.Ltmp13, $1  }
0x115: {  	_ =	sdelay $0x3  }
0x116: {  	v0 =	vld.msk [tilespmem:s4+$0xE0], $0x1;
	v1 =	vmov s6  }
.Ltmp14:
0x117: {  	_ = 	snop;
	(pc) =	sbr.rel .LBB2_19-.Ltmp14, $2  }
0x118: {  	_ =	sdelay $0x2  }
0x119: {  	[tilespmem:v1+s3+$0x0], v0 =	vst.idx.ret.add.f32.msk $0x1, v0  }
.LBB2_20:
0x11a: {  	p0 =	slt.s32 s2, $0x1  }
.Ltmp15:
0x11b: {  	_ = 	snop;
	(pc) =	sbr.rel @p0 .LBB2_24-.Ltmp15, $3  }
0x11c: {  	_ =	sdelay $0x1  }
0x11d: {  	s0 =	simm.s32 $0x6  }
0x11e: {  	s3 =	simm.s32 $0x0;
	[sflag:s0] =	ssyncpa.u1 $0x1  }
0x11f: {  	s0 =	simm.s32 $0xC0  }
0x120: {  	v0 =	vld.msk [tilespmem:s0+$0x0], $0x1;
	_ =	sdelay $0x4  }
0x121: {  	(v2sf) =	vpush v0, $0x0;
	_ =	sdelay $0xe  }
0x122: {  	s2 =	sadd.s32 $0xFFFFFFFF, s2;
	s4 =	spop (v2sf)  }
0x123: {  	p1 =	sne.s32 s2, $0x0;
	p0 =	sgt.u32 s4, $0x27FF  }
.Ltmp16:
0x124: {  	s5 =	sshrl.u32 @!p0 s4, $0x3;
	(pc) =	sbr.rel @!p1 .LBB2_23-.Ltmp16, $4  }
0x125: {  	s0 =	simm.s32 $0xE0;
	s4 =	sand.u32 @!p0 $0x7, s4;
	s5 =	sadd.s32 @!p0 s1, s5  }
0x126: {  	[hbm4b:s5+s4] =	stream.linear.scatter @!p0 [tilespmem:s0], [sflag:$0x5], $0x1, $0x38;
	[tilespmem:$0xF030] =	vst v63  }
0x127: {  	s5 =	simm.s32 $0x0  }
0x128: {  	s4 =	simm.s32 $0xC1;
	s5 =	simm.s32 @!p0 $0x4  }
.LBB2_22:
0x129: {  	v0 =	vld.msk [tilespmem:s4+$0x0], $0x1;
	s2 =	sadd.s32 $0xFFFFFFFF, s2;
	s3 =	sadd.s32 s3, s5  }
0x12a: {  	p0 =	sne.s32 s2, $0x0;
	_ =	sdelay $0x3  }
0x12b: {  	(v2sf) =	vpush v0, $0x0;
	_ =	sdelay $0xe  }
.Ltmp17:
0x12c: {  	s6 =	spop (v2sf);
	(pc) =	sbr.rel @p0 .LBB2_22-.Ltmp17, $4  }
0x12d: {  	s5 =	simm.s32 $0x0;
	p1 =	sgt.u32 s6, $0x27FF  }
0x12e: {  	s0 =	sadd.s32 $0x1, s0;
	s5 =	simm.s32 @!p1 $0x4;
	s7 =	sshrl.u32 @!p1 s6, $0x3  }
0x12f: {  	s4 =	sadd.s32 $0x1, s4;
	s6 =	sand.u32 @!p1 $0x7, s6;
	s7 =	sadd.s32 @!p1 s1, s7  }
0x130: {  	[hbm4b:s7+s6] =	stream.linear.scatter @!p1 [tilespmem:s0], [sflag:$0x5], $0x1, $0x38;
	[tilespmem:$0xF030] =	vst v63  }
.LBB2_23:
0x131: {  	s0 =	sadd.s32 s3, s5  }
0x132: {  	s3 =	sshrl.u32 s0, $0x2  }
.LBB2_24:
0x133: {  	s0 =	simm.s32 $0x5  }
0x134: {  	_ =	swait.ge [sflag:s0], s3  }
0x135: {  	s1 =	ssub.s32 $0x0, s3;
	[sflag:s0] =	ssyncset.done $0x0  }
0x136: {  	[sflag:s0] =	ssyncadd.s32 s1  }
0x137: {  	[sflag:s0] =	ssyncpa.u1 $0x1  }
0x138: {  	s29 =	simm.s32 $0x1;
	_ =	sfence  }
0x139: {  	s30 =	simm.s32 $0x2;
	[sflag:s29] =	ssyncpa.u1 $0x1  }
0x13a: {  	[sflag:s30] =	ssyncpa.u1 $0x1  }
0x13b: {  	_ =	strace $0x90000047  }
0x13c: {  	[bflag:$0x2] =	sbarrier.arrive $0xFFFF  }
0x13d: {  	s31 =	rddreg [dreg:$0x1]  }
0x13e: {  	s0 =	sadd.s32 $0x100000, s31  }
0x13f: {  	[sflag:s0] =	ssyncadd.tile.s32 $0x1;
	_ =	shalt  }
.Lfunc_end2:
_tile_overlayer_lowered:
.L_overlay_start_2:
0x140: {  	(tag) =	ssettag $0x2  }
0x141: {  	s0 =	rddreg [dreg:$0x0];
	s2 =	stileid.u32  }
0x142: {  	s1 =	rddreg [dreg:$0x1];
	p0 =	sne.s32 s2, $0x0  }
0x143: {  	s3 =	rddreg [dreg:$0x2];
	[bflag:$0x3] =	sbarrier.arrive $0xFFFF;
	s2 =	simm.s32 @!p0 $0x1C01  }
0x144: {  	[timem:s3], [sflag:s2] =	dma.local @!p0 [hbm:s0], s1  }
0x145: {  	s0 =	simm.s32 @!p0 $0x1  }
0x146: {  	_ =	swait.ge @!p0 [sflag:s0], s1  }
0x147: {  	s1 =	ssub.s32 @!p0 $0x0, s1;
	[sflag:s0] =	ssyncset.done @!p0 $0x0  }
0x148: {  	[sflag:s0] =	ssyncadd.s32 @!p0 s1  }
0x149: {  	[bflag:$0x3] =	sbarrier.arrive $0xFFFF  }
0x14a: {  	_ =	shalt  }

</sc_bundles>
